<compile_context>
chip_gen: v7x
topology: tpu7x:2x2x1
jax: 0.10.2.dev20260603
libtpu: 0.0.44.dev20260713+nightly
codegen_flags: <defaults>
</compile_context>

<pallas_src>
import functools

import jax
import jax.numpy as jnp
import numpy as np
from jax import lax
from jax.experimental import pallas as pl
from jax.experimental.pallas import tpu as pltpu
from jax.experimental.pallas import tpu_sc as plsc

_N = 10000
_E = 160000
_F_IN = 22
_F_E = 4
_H = 32
_EPS = 1e-5
_D = 32
_NPAD = 10240

_NC = 2
_NS = 16
_NW = _NC * _NS
_CHUNK = 128
_CPW = 40
_EPW = _CHUNK * _CPW
_EP = _EPW * _NW
_EQ = _EP // 4
_QPC = _CHUNK // 4
_RPS = _NPAD // _NS

_NCH = 2
_EH = _EP // _NCH
_CPW2 = _CPW // _NCH
_EQ2 = _EH // 4

_BLKQ = 1024
_NBLK = _EQ2 // _BLKQ


def _expand_mats(in_ch):
    ch = in_ch * _H
    r = np.zeros((128, 4 * ch), np.float32)
    s = np.zeros((4 * ch, 128), np.float32)
    for q in range(4):
        for i in range(in_ch):
            r[q * _D + i, q * ch + i * _H:q * ch + (i + 1) * _H] = 1.0
            s[q * ch + i * _H:q * ch + (i + 1) * _H,
              q * _D:q * _D + _H] = np.eye(_H, dtype=np.float32)
    return r.astype(jnp.bfloat16), s.astype(jnp.bfloat16)


_R1, _S1 = _expand_mats(_F_IN)
_R2, _S2 = _expand_mats(_H)


@functools.cache
def _sc_mesh():
    return plsc.VectorSubcoreMesh(core_axis_name="c", subcore_axis_name="s",
                                  num_cores=_NC, num_subcores=_NS)



@functools.cache
def _gather_kernel(cpw):
    def body(table_hbm, idx_hbm, out_hbm, idx_v, rows0, rows1, sem0, sem1):
        wid = lax.axis_index("s") * _NC + lax.axis_index("c")
        pltpu.sync_copy(idx_hbm.at[wid], idx_v)
        base = wid * cpw * _CHUNK
        bufs = ((rows0, sem0), (rows1, sem1))
        pltpu.async_copy(table_hbm.at[idx_v.at[0]], rows0, sem0)
        pltpu.async_copy(table_hbm.at[idx_v.at[1]], rows1, sem1)

        def pair(k, carry):
            for b in range(2):
                rows, sem = bufs[b]
                g = 2 * k + b
                pltpu.make_async_copy(table_hbm.at[idx_v.at[g]], rows,
                                      sem).wait()
                pltpu.sync_copy(rows,
                                out_hbm.at[pl.ds(base + g * _CHUNK, _CHUNK)])

                @pl.when(g + 2 < cpw)
                def _(rows=rows, sem=sem, g=g):
                    pltpu.async_copy(table_hbm.at[idx_v.at[g + 2]], rows, sem)

            return carry

        lax.fori_loop(0, cpw // 2, pair, 0)

    return pl.kernel(
        body,
        out_type=jax.ShapeDtypeStruct((_NW * cpw * _CHUNK, _D), jnp.float32),
        mesh=_sc_mesh(),
        compiler_params=pltpu.CompilerParams(use_tc_tiling_on_sc=False),
        scratch_types=[
            pltpu.VMEM((cpw, _CHUNK), jnp.int32),
            pltpu.VMEM((_CHUNK, _D), jnp.float32),
            pltpu.VMEM((_CHUNK, _D), jnp.float32),
            pltpu.SemaphoreType.DMA,
            pltpu.SemaphoreType.DMA,
        ],
    )


def _gather(table, idx):
    return _gather_kernel(idx.shape[1])(table, idx)



@functools.cache
def _scatter_kernel(cpw):
    def body(msg_hbm, idx_hbm, zeros_hbm, out_hbm, idx_v, rows0, rows1,
             acc_sh, sem0, sem1):
        cid = lax.axis_index("c")
        sid = lax.axis_index("s")
        wid = sid * _NC + cid
        pltpu.sync_copy(zeros_hbm, acc_sh.at[pl.ds(sid * _RPS, _RPS)])
        plsc.subcore_barrier()
        pltpu.sync_copy(idx_hbm.at[wid], idx_v)
        base = wid * cpw * _CHUNK
        bufs = ((rows0, sem0), (rows1, sem1))
        pltpu.async_copy(msg_hbm.at[pl.ds(base, _CHUNK)], rows0, sem0)
        pltpu.async_copy(msg_hbm.at[pl.ds(base + _CHUNK, _CHUNK)], rows1,
                         sem1)

        def pair(k, carry):
            for b in range(2):
                rows, sem = bufs[b]
                g = 2 * k + b
                pltpu.make_async_copy(
                    msg_hbm.at[pl.ds(base + g * _CHUNK, _CHUNK)], rows,
                    sem).wait()
                pltpu.sync_copy(rows, acc_sh.at[idx_v.at[g]], add=True)

                @pl.when(g + 2 < cpw)
                def _(rows=rows, sem=sem, g=g):
                    pltpu.async_copy(
                        msg_hbm.at[pl.ds(base + (g + 2) * _CHUNK, _CHUNK)],
                        rows, sem)

            return carry

        lax.fori_loop(0, cpw // 2, pair, 0)
        plsc.subcore_barrier()
        pltpu.sync_copy(acc_sh.at[pl.ds(sid * _RPS, _RPS)],
                        out_hbm.at[cid, pl.ds(sid * _RPS, _RPS)])

    return pl.kernel(
        body,
        out_type=jax.ShapeDtypeStruct((_NC, _NPAD, _D), jnp.float32),
        mesh=_sc_mesh(),
        compiler_params=pltpu.CompilerParams(use_tc_tiling_on_sc=False),
        scratch_types=[
            pltpu.VMEM((cpw, _CHUNK), jnp.int32),
            pltpu.VMEM((_CHUNK, _D), jnp.float32),
            pltpu.VMEM((_CHUNK, _D), jnp.float32),
            pltpu.VMEM_SHARED((_NPAD, _D), jnp.float32),
            pltpu.SemaphoreType.DMA,
            pltpu.SemaphoreType.DMA,
        ],
    )


def _scatter(msg, idx, zeros):
    return _scatter_kernel(idx.shape[1])(msg, idx, zeros)



def _fused_body(ea4_ref, xg4_ref, w4_ref, r4_ref, s4_ref, out_ref):
    z = jnp.maximum(
        jnp.dot(ea4_ref[...], w4_ref[...],
                preferred_element_type=jnp.float32), 0.0)
    xr = jnp.dot(xg4_ref[...].astype(jnp.bfloat16), r4_ref[...],
                 preferred_element_type=jnp.float32)
    p = (z * xr).astype(jnp.bfloat16)
    out_ref[...] = jnp.dot(p, s4_ref[...],
                           preferred_element_type=jnp.float32)


def _fused_msgs(ea4, xg4, w4, r4, s4):
    ke, ch4 = w4.shape
    return pl.pallas_call(
        _fused_body,
        grid=(_NBLK,),
        in_specs=[
            pl.BlockSpec((_BLKQ, ke), lambda i: (i, 0)),
            pl.BlockSpec((_BLKQ, 128), lambda i: (i, 0)),
            pl.BlockSpec((ke, ch4), lambda i: (0, 0)),
            pl.BlockSpec((128, ch4), lambda i: (0, 0)),
            pl.BlockSpec((ch4, 128), lambda i: (0, 0)),
        ],
        out_specs=pl.BlockSpec((_BLKQ, 128), lambda i: (i, 0)),
        out_shape=jax.ShapeDtypeStruct((_EQ2, 128), jnp.float32),
    )(ea4, xg4, w4, r4, s4)



def _bn1_body(*refs):
    x_ref, w_ref, b_ref, g_ref, bt_ref, out_ref = refs[_NCH:]
    agg = sum(a[0] + a[1] for a in refs[:_NCH])[:_N]
    pre = (agg + jnp.dot(x_ref[...], w_ref[...],
                         preferred_element_type=jnp.float32) + b_ref[...])
    m = jnp.mean(pre, axis=0, keepdims=True)
    v = jnp.mean((pre - m) * (pre - m), axis=0, keepdims=True)
    h = (pre - m) * lax.rsqrt(v + _EPS) * g_ref[...] + bt_ref[...]
    out_ref[...] = jnp.maximum(h, 0.0)


def _bn2_body(*refs):
    h_ref, w_ref, b_ref, g_ref, bt_ref, fcw_ref, fcb_ref, out_ref = \
        refs[_NCH:]
    agg = sum(a[0] + a[1] for a in refs[:_NCH])[:_N]
    pre = (agg + jnp.dot(h_ref[...], w_ref[...],
                         preferred_element_type=jnp.float32) + b_ref[...])
    m = jnp.mean(pre, axis=0, keepdims=True)
    v = jnp.mean((pre - m) * (pre - m), axis=0, keepdims=True)
    h2 = (pre - m) * lax.rsqrt(v + _EPS) * g_ref[...] + bt_ref[...]
    h2 = jnp.maximum(h2, 0.0)
    logit = jnp.dot(h2, fcw_ref[...],
                    preferred_element_type=jnp.float32) + fcb_ref[...]
    out_ref[...] = 1.0 / (1.0 + jnp.exp(-logit))


def _bn1(aggs, x, w, b, g, bt):
    return pl.pallas_call(
        _bn1_body,
        out_shape=jax.ShapeDtypeStruct((_N, _H), jnp.float32),
    )(*aggs, x, w, b.reshape(1, _H), g.reshape(1, _H), bt.reshape(1, _H))


def _bn2fc(aggs, h, w, b, g, bt, fcw, fcb):
    return pl.pallas_call(
        _bn2_body,
        out_shape=jax.ShapeDtypeStruct((_N, 1), jnp.float32),
    )(*aggs, h, w, b.reshape(1, _H), g.reshape(1, _H), bt.reshape(1, _H),
      fcw, fcb.reshape(1, 1))



def kernel(x, edge_index, edge_attr, en1_W, en1_b, root1_W, bias1, en2_W,
           en2_b, root2_W, bias2, bn1_gamma, bn1_beta, bn2_gamma, bn2_beta,
           fc_W, fc_b):
    eh = _E // _NCH
    pad_h = _EH - eh
    srcs, dsts, eas = [], [], []
    for lo in range(0, _E, eh):
        srcs.append(jnp.pad(lax.dynamic_slice_in_dim(edge_index[0], lo, eh),
                            (0, pad_h)).reshape(_NW, _CPW2, _CHUNK))
        dsts.append(jnp.pad(lax.dynamic_slice_in_dim(edge_index[1], lo, eh),
                            (0, pad_h),
                            constant_values=_N).reshape(_NW, _CPW2, _CHUNK))
        ea_half = jnp.pad(lax.dynamic_slice_in_dim(edge_attr, lo, eh),
                          ((0, pad_h), (0, 0))).reshape(
                              _EQ2, 4 * _F_E).astype(jnp.bfloat16)
        eas.append(jnp.concatenate(
            [ea_half, jnp.ones((_EQ2, 4), jnp.bfloat16)], axis=1))
    xpad = jnp.pad(x, ((0, 0), (0, _D - _F_IN)))
    zeros = jnp.zeros((_RPS, _D), jnp.float32)
    eye4 = jnp.eye(4, dtype=jnp.float32)

    def _w4(nn_w, nn_b):
        w4 = jnp.kron(eye4, nn_w)
        b4 = jnp.kron(eye4, nn_b.reshape(1, -1))
        return jnp.concatenate([w4, b4], axis=0).astype(jnp.bfloat16)

    w4_1 = _w4(en1_W, en1_b)
    w4_2 = _w4(en2_W, en2_b)

    def layer(table, w4, r, s):
        xgs = [_gather(table, srcs[q]) for q in range(_NCH)]
        msgs = [_fused_msgs(eas[q], xgs[q].reshape(_EQ2, 128), w4, r, s)
                for q in range(_NCH)]
        return [_scatter(msgs[q].reshape(_EH, _D), dsts[q], zeros)
                for q in range(_NCH)]

    aggs1 = layer(xpad, w4_1, _R1, _S1)
    h = _bn1(aggs1, x, root1_W, bias1, bn1_gamma, bn1_beta)
    aggs2 = layer(h, w4_2, _R2, _S2)
    return _bn2fc(aggs2, h, root2_W, bias2, bn2_gamma, bn2_beta, fc_W, fc_b)

# --- scband reference (transcript-rebuilt; emitter-appended) ---
"""Pipeline reference for scband-reaction-center-mpnn-62732292326001 (READ-ONLY COPY).

The authoritative reference and input builder live on the scoring server;
editing this copy changes nothing except your own understanding.
"""

import jax, jax.numpy as jnp
import numpy as np

N = 10000
E = 160000
F_IN = 22
F_E = 4
H = 32
EPS = 1e-5


def setup_inputs(seed: int = 0) -> dict:
    key = jax.random.key(seed)
    ks = jax.random.split(key, 12)
    inp = {}
    inp["x"] = jax.random.normal(ks[0], (N, F_IN), dtype=jnp.float32)
    inp["edge_index"] = jax.random.randint(ks[1], (2, E), 0, N, dtype=jnp.int32)
    inp["edge_attr"] = jax.random.normal(ks[2], (E, F_E), dtype=jnp.float32)
    inp["en1_W"] = jax.random.normal(ks[3], (F_E, F_IN * H), dtype=jnp.float32) * 0.5
    inp["en1_b"] = jnp.zeros((F_IN * H,), dtype=jnp.float32)
    inp["root1_W"] = jax.random.normal(ks[4], (F_IN, H), dtype=jnp.float32) * (1.0 / np.sqrt(F_IN))
    inp["bias1"] = jnp.zeros((H,), dtype=jnp.float32)
    inp["en2_W"] = jax.random.normal(ks[5], (F_E, H * H), dtype=jnp.float32) * 0.5
    inp["en2_b"] = jnp.zeros((H * H,), dtype=jnp.float32)
    inp["root2_W"] = jax.random.normal(ks[6], (H, H), dtype=jnp.float32) * (1.0 / np.sqrt(H))
    inp["bias2"] = jnp.zeros((H,), dtype=jnp.float32)
    inp["bn1_gamma"] = jnp.ones((H,), dtype=jnp.float32)
    inp["bn1_beta"] = jnp.zeros((H,), dtype=jnp.float32)
    inp["bn2_gamma"] = jnp.ones((H,), dtype=jnp.float32)
    inp["bn2_beta"] = jnp.zeros((H,), dtype=jnp.float32)
    inp["fc_W"] = jax.random.normal(ks[7], (H, 1), dtype=jnp.float32) * (1.0 / np.sqrt(H))
    inp["fc_b"] = jnp.zeros((1,), dtype=jnp.float32)
    return inp


def _nnconv(x, edge_index, edge_attr, nn_W, nn_b, root_W, bias, in_ch, out_ch):
    # PyG NNConv, aggr='add', root_weight=True, bias=True
    src = edge_index[0]
    dst = edge_index[1]
    w = jax.nn.relu(edge_attr @ nn_W + nn_b)          # edge network (Linear + ReLU)
    w = w.reshape(-1, in_ch, out_ch)                  # per-edge weight matrix
    msg = jnp.einsum('ei,eio->eo', x[src], w)         # gather x_j then per-edge matmul
    agg = jax.ops.segment_sum(msg, dst, num_segments=x.shape[0])  # scatter-add to dst
    return agg + x @ root_W + bias


def _bn(h, gamma, beta):
    # BatchNorm1d in training mode (batch statistics, biased variance)
    m = jnp.mean(h, axis=0)
    v = jnp.var(h, axis=0)
    return (h - m) / jnp.sqrt(v + EPS) * gamma + beta


def reference(x, edge_index, edge_attr, en1_W, en1_b, root1_W, bias1, en2_W, en2_b, root2_W, bias2, bn1_gamma, bn1_beta, bn2_gamma, bn2_beta, fc_W, fc_b):
    h = _nnconv(x, edge_index, edge_attr, en1_W, en1_b, root1_W, bias1, F_IN, H)
    h = jax.nn.relu(_bn(h, bn1_gamma, bn1_beta))
    # dropout p=0.0 -> identity
    h = _nnconv(h, edge_index, edge_attr, en2_W, en2_b, root2_W, bias2, H, H)
    h = jax.nn.relu(_bn(h, bn2_gamma, bn2_beta))
    out = jax.nn.sigmoid(h @ fc_W + fc_b)
    return out

if __name__ == "__main__":
    import jax
    _d = setup_inputs()
    print(jax.jit(kernel)(*tuple(_d.values())))

</pallas_src>

<mosaic_0001>
#map = affine_map<(d0, d1) -> (0, 0)>
#map1 = affine_map<(d0, d1) -> (0, 0, 0)>
module attributes {stable_mosaic.version = 14 : i64} {
  func.func @body(%arg0: i32, %arg1: i32, %arg2: memref<10000x32xf32, #tpu.memory_space<hbm>>, %arg3: memref<32x20x128xi32, #tpu.memory_space<hbm>>, %arg4: memref<81920x32xf32, #tpu.memory_space<hbm>>, %arg5: memref<20x128xi32, #tpu.memory_space<vmem>>, %arg6: memref<128x32xf32, #tpu.memory_space<vmem>>, %arg7: memref<128x32xf32, #tpu.memory_space<vmem>>, %arg8: memref<!tpu.dma_semaphore, #tpu.memory_space<semaphore_mem>>, %arg9: memref<!tpu.dma_semaphore, #tpu.memory_space<semaphore_mem>>) attributes {dimension_semantics = [#tpu.dimension_semantics<core_parallel>, #tpu.dimension_semantics<subcore_parallel>], iteration_bounds = array<i64: 2, 16>, scalar_prefetch = 0 : i64, scratch_operands = 5 : i64, tpu.core_type = #tpu.core_type<sc_vector_subcore>, window_params = [{transform_indices = #map}, {transform_indices = #map1}, {transform_indices = #map}]} {
    %mul3A = arith.constant 2 : i32
    %mul3A_0 = arith.muli %arg1, %mul3A : i32
    %add3A = arith.addi %mul3A_0, %arg0 : i32
    "tpu.region"() ({
      %run_scoped3A = tpu.sem_alloc : memref<!tpu.dma_semaphore, #tpu.memory_space<semaphore_mem>>
      %dma_start3A_23 = arith.constant 0 : i32
      %dma_start3A_24 = arith.constant 0 : i32
      %dma_start3A_25 = tpu.memref_slice %arg3[%add3A, %dma_start3A_23, %dma_start3A_24] : memref<32x20x128xi32, #tpu.memory_space<hbm>> -> memref<1x20x128xi32, #tpu.memory_space<hbm>>
      %dma_start3A_26 = tpu.memref_squeeze %dma_start3A_25 : memref<1x20x128xi32, #tpu.memory_space<hbm>> -> memref<20x128xi32, #tpu.memory_space<hbm>>
      %dma_start3A_27 = arith.constant 0 : i32
      %dma_start3A_28 = arith.constant 0 : i32
      %dma_start3A_29 = tpu.memref_slice %arg3[%add3A, %dma_start3A_27, %dma_start3A_28] : memref<32x20x128xi32, #tpu.memory_space<hbm>> -> memref<1x20x128xi32, #tpu.memory_space<hbm>>
      %dma_start3A_30 = tpu.memref_squeeze %dma_start3A_29 : memref<1x20x128xi32, #tpu.memory_space<hbm>> -> memref<20x128xi32, #tpu.memory_space<hbm>>
      tpu.enqueue_dma source(%dma_start3A_30 : memref<20x128xi32, #tpu.memory_space<hbm>>) target(%arg5 : memref<20x128xi32, #tpu.memory_space<vmem>>) target_semaphore(%run_scoped3A : memref<!tpu.dma_semaphore, #tpu.memory_space<semaphore_mem>>)
      %dma_wait3A = arith.constant 0 : i32
      %dma_wait3A_31 = arith.constant 0 : i32
      %dma_wait3A_32 = tpu.memref_slice %arg3[%add3A, %dma_wait3A, %dma_wait3A_31] : memref<32x20x128xi32, #tpu.memory_space<hbm>> -> memref<1x20x128xi32, #tpu.memory_space<hbm>>
      %dma_wait3A_33 = tpu.memref_squeeze %dma_wait3A_32 : memref<1x20x128xi32, #tpu.memory_space<hbm>> -> memref<20x128xi32, #tpu.memory_space<hbm>>
      %dma_wait3A_34 = arith.constant 0 : i32
      %dma_wait3A_35 = arith.constant 0 : i32
      %dma_wait3A_36 = tpu.memref_slice %arg3[%add3A, %dma_wait3A_34, %dma_wait3A_35] : memref<32x20x128xi32, #tpu.memory_space<hbm>> -> memref<1x20x128xi32, #tpu.memory_space<hbm>>
      %dma_wait3A_37 = tpu.memref_squeeze %dma_wait3A_36 : memref<1x20x128xi32, #tpu.memory_space<hbm>> -> memref<20x128xi32, #tpu.memory_space<hbm>>
      tpu.wait_dma2 semaphore(%run_scoped3A : memref<!tpu.dma_semaphore, #tpu.memory_space<semaphore_mem>>) src(%dma_wait3A_37 : memref<20x128xi32, #tpu.memory_space<hbm>>) dst(%arg5 : memref<20x128xi32, #tpu.memory_space<vmem>>)
      tpu.yield
    }) : () -> ()
    %mul3A_1 = arith.constant 20 : i32
    %mul3A_2 = arith.muli %add3A, %mul3A_1 : i32
    %mul3A_3 = arith.constant 128 : i32
    %mul3A_4 = arith.muli %mul3A_2, %mul3A_3 : i32
    %dma_start3A = arith.constant 0 : i32
    %dma_start3A_5 = arith.constant 0 : i32
    %dma_start3A_6 = tpu.memref_slice %arg5[%dma_start3A, %dma_start3A_5] : memref<20x128xi32, #tpu.memory_space<vmem>> -> memref<1x128xi32, #tpu.memory_space<vmem>>
    %dma_start3A_7 = tpu.memref_squeeze %dma_start3A_6 : memref<1x128xi32, #tpu.memory_space<vmem>> -> memref<128xi32, #tpu.memory_space<vmem>>
    %dma_start3A_8 = arith.constant 0 : i32
    %dma_start3A_9 = arith.constant 0 : i32
    %dma_start3A_10 = tpu.memref_slice %arg2[%dma_start3A_8, %dma_start3A_9] : memref<10000x32xf32, #tpu.memory_space<hbm>> -> memref<10000x32xf32, #tpu.memory_space<hbm>>
    tpu.enqueue_indirect_dma source(%dma_start3A_10 : memref<10000x32xf32, #tpu.memory_space<hbm>>) target(%arg6 : memref<128x32xf32, #tpu.memory_space<vmem>>) offsets(%dma_start3A_7 : memref<128xi32, #tpu.memory_space<vmem>>) semaphore(%arg8 : memref<!tpu.dma_semaphore, #tpu.memory_space<semaphore_mem>>)
    %dma_start3A_11 = arith.constant 1 : i32
    %dma_start3A_12 = arith.constant 0 : i32
    %dma_start3A_13 = tpu.memref_slice %arg5[%dma_start3A_11, %dma_start3A_12] : memref<20x128xi32, #tpu.memory_space<vmem>> -> memref<1x128xi32, #tpu.memory_space<vmem>>
    %dma_start3A_14 = tpu.memref_squeeze %dma_start3A_13 : memref<1x128xi32, #tpu.memory_space<vmem>> -> memref<128xi32, #tpu.memory_space<vmem>>
    %dma_start3A_15 = arith.constant 0 : i32
    %dma_start3A_16 = arith.constant 0 : i32
    %dma_start3A_17 = tpu.memref_slice %arg2[%dma_start3A_15, %dma_start3A_16] : memref<10000x32xf32, #tpu.memory_space<hbm>> -> memref<10000x32xf32, #tpu.memory_space<hbm>>
    tpu.enqueue_indirect_dma source(%dma_start3A_17 : memref<10000x32xf32, #tpu.memory_space<hbm>>) target(%arg7 : memref<128x32xf32, #tpu.memory_space<vmem>>) offsets(%dma_start3A_14 : memref<128xi32, #tpu.memory_space<vmem>>) semaphore(%arg9 : memref<!tpu.dma_semaphore, #tpu.memory_space<semaphore_mem>>)
    %scan3A = arith.constant 0 : i32
    %scan3A_18 = arith.constant 0 : i32
    %scan3A_19 = arith.constant 10 : i32
    %scan3A_20 = arith.addi %scan3A_18, %scan3A_19 : i32
    %scan3A_21 = arith.constant 1 : i32
    scf.for %scan3A_23 = %scan3A_18 to %scan3A_20 step %scan3A_21  : i32 {
      %mul3A_24 = arith.constant 2 : i32
      %mul3A_25 = arith.muli %mul3A_24, %scan3A_23 : i32
      %add3A_26 = arith.constant 0 : i32
      %add3A_27 = arith.addi %mul3A_25, %add3A_26 : i32
      %dma_wait3A = arith.constant 0 : i32
      %dma_wait3A_28 = tpu.memref_slice %arg5[%add3A_27, %dma_wait3A] : memref<20x128xi32, #tpu.memory_space<vmem>> -> memref<1x128xi32, #tpu.memory_space<vmem>>
      %dma_wait3A_29 = tpu.memref_squeeze %dma_wait3A_28 : memref<1x128xi32, #tpu.memory_space<vmem>> -> memref<128xi32, #tpu.memory_space<vmem>>
      %dma_wait3A_30 = arith.constant 0 : i32
      %dma_wait3A_31 = arith.constant 0 : i32
      %dma_wait3A_32 = tpu.memref_slice %arg2[%dma_wait3A_30, %dma_wait3A_31] : memref<10000x32xf32, #tpu.memory_space<hbm>> -> memref<10000x32xf32, #tpu.memory_space<hbm>>
      tpu.wait_indirect_dma semaphore(%arg8 : memref<!tpu.dma_semaphore, #tpu.memory_space<semaphore_mem>>) src(%dma_wait3A_32 : memref<10000x32xf32, #tpu.memory_space<hbm>>) dst(%arg6 : memref<128x32xf32, #tpu.memory_space<vmem>>)
      %mul3A_33 = arith.constant 128 : i32
      %mul3A_34 = arith.muli %add3A_27, %mul3A_33 : i32
      %add3A_35 = arith.addi %mul3A_4, %mul3A_34 : i32
      "tpu.region"() ({
        %run_scoped3A = tpu.sem_alloc : memref<!tpu.dma_semaphore, #tpu.memory_space<semaphore_mem>>
        %dma_start3A_60 = arith.constant 0 : i32
        %dma_start3A_61 = tpu.memref_slice %arg4[%add3A_35, %dma_start3A_60] : memref<81920x32xf32, #tpu.memory_space<hbm>> -> memref<128x32xf32, #tpu.memory_space<hbm>>
        %dma_start3A_62 = arith.constant 0 : i32
        %dma_start3A_63 = tpu.memref_slice %arg4[%add3A_35, %dma_start3A_62] : memref<81920x32xf32, #tpu.memory_space<hbm>> -> memref<128x32xf32, #tpu.memory_space<hbm>>
        tpu.enqueue_dma source(%arg6 : memref<128x32xf32, #tpu.memory_space<vmem>>) target(%dma_start3A_63 : memref<128x32xf32, #tpu.memory_space<hbm>>) target_semaphore(%run_scoped3A : memref<!tpu.dma_semaphore, #tpu.memory_space<semaphore_mem>>)
        %dma_wait3A_64 = arith.constant 0 : i32
        %dma_wait3A_65 = tpu.memref_slice %arg4[%add3A_35, %dma_wait3A_64] : memref<81920x32xf32, #tpu.memory_space<hbm>> -> memref<128x32xf32, #tpu.memory_space<hbm>>
        %dma_wait3A_66 = arith.constant 0 : i32
        %dma_wait3A_67 = tpu.memref_slice %arg4[%add3A_35, %dma_wait3A_66] : memref<81920x32xf32, #tpu.memory_space<hbm>> -> memref<128x32xf32, #tpu.memory_space<hbm>>
        tpu.wait_dma2 semaphore(%run_scoped3A : memref<!tpu.dma_semaphore, #tpu.memory_space<semaphore_mem>>) src(%arg6 : memref<128x32xf32, #tpu.memory_space<vmem>>) dst(%dma_wait3A_67 : memref<128x32xf32, #tpu.memory_space<hbm>>)
        tpu.yield
      }) : () -> ()
      %add3A_36 = arith.constant 2 : i32
      %add3A_37 = arith.addi %add3A_27, %add3A_36 : i32
      %lt3A = arith.constant 20 : i32
      %lt3A_38 = arith.cmpi slt, %add3A_37, %lt3A : i32
      %convert_element_type3A = arith.extui %lt3A_38 : i1 to i32
      %cond3A = arith.constant 0 : i32
      %cond3A_39 = arith.cmpi ne, %convert_element_type3A, %cond3A : i32
      scf.if %cond3A_39 {
        %add3A_60 = arith.constant 2 : i32
        %add3A_61 = arith.addi %add3A_27, %add3A_60 : i32
        %dma_start3A_62 = arith.constant 0 : i32
        %dma_start3A_63 = tpu.memref_slice %arg5[%add3A_61, %dma_start3A_62] : memref<20x128xi32, #tpu.memory_space<vmem>> -> memref<1x128xi32, #tpu.memory_space<vmem>>
        %dma_start3A_64 = tpu.memref_squeeze %dma_start3A_63 : memref<1x128xi32, #tpu.memory_space<vmem>> -> memref<128xi32, #tpu.memory_space<vmem>>
        %dma_start3A_65 = arith.constant 0 : i32
        %dma_start3A_66 = arith.constant 0 : i32
        %dma_start3A_67 = tpu.memref_slice %arg2[%dma_start3A_65, %dma_start3A_66] : memref<10000x32xf32, #tpu.memory_space<hbm>> -> memref<10000x32xf32, #tpu.memory_space<hbm>>
        tpu.enqueue_indirect_dma source(%dma_start3A_67 : memref<10000x32xf32, #tpu.memory_space<hbm>>) target(%arg6 : memref<128x32xf32, #tpu.memory_space<vmem>>) offsets(%dma_start3A_64 : memref<128xi32, #tpu.memory_space<vmem>>) semaphore(%arg8 : memref<!tpu.dma_semaphore, #tpu.memory_space<semaphore_mem>>)
      } else {
      }
      %mul3A_40 = arith.constant 2 : i32
      %mul3A_41 = arith.muli %mul3A_40, %scan3A_23 : i32
      %add3A_42 = arith.constant 1 : i32
      %add3A_43 = arith.addi %mul3A_41, %add3A_42 : i32
      %dma_wait3A_44 = arith.constant 0 : i32
      %dma_wait3A_45 = tpu.memref_slice %arg5[%add3A_43, %dma_wait3A_44] : memref<20x128xi32, #tpu.memory_space<vmem>> -> memref<1x128xi32, #tpu.memory_space<vmem>>
      %dma_wait3A_46 = tpu.memref_squeeze %dma_wait3A_45 : memref<1x128xi32, #tpu.memory_space<vmem>> -> memref<128xi32, #tpu.memory_space<vmem>>
      %dma_wait3A_47 = arith.constant 0 : i32
      %dma_wait3A_48 = arith.constant 0 : i32
      %dma_wait3A_49 = tpu.memref_slice %arg2[%dma_wait3A_47, %dma_wait3A_48] : memref<10000x32xf32, #tpu.memory_space<hbm>> -> memref<10000x32xf32, #tpu.memory_space<hbm>>
      tpu.wait_indirect_dma semaphore(%arg9 : memref<!tpu.dma_semaphore, #tpu.memory_space<semaphore_mem>>) src(%dma_wait3A_49 : memref<10000x32xf32, #tpu.memory_space<hbm>>) dst(%arg7 : memref<128x32xf32, #tpu.memory_space<vmem>>)
      %mul3A_50 = arith.constant 128 : i32
      %mul3A_51 = arith.muli %add3A_43, %mul3A_50 : i32
      %add3A_52 = arith.addi %mul3A_4, %mul3A_51 : i32
      "tpu.region"() ({
        %run_scoped3A = tpu.sem_alloc : memref<!tpu.dma_semaphore, #tpu.memory_space<semaphore_mem>>
        %dma_start3A_60 = arith.constant 0 : i32
        %dma_start3A_61 = tpu.memref_slice %arg4[%add3A_52, %dma_start3A_60] : memref<81920x32xf32, #tpu.memory_space<hbm>> -> memref<128x32xf32, #tpu.memory_space<hbm>>
        %dma_start3A_62 = arith.constant 0 : i32
        %dma_start3A_63 = tpu.memref_slice %arg4[%add3A_52, %dma_start3A_62] : memref<81920x32xf32, #tpu.memory_space<hbm>> -> memref<128x32xf32, #tpu.memory_space<hbm>>
        tpu.enqueue_dma source(%arg7 : memref<128x32xf32, #tpu.memory_space<vmem>>) target(%dma_start3A_63 : memref<128x32xf32, #tpu.memory_space<hbm>>) target_semaphore(%run_scoped3A : memref<!tpu.dma_semaphore, #tpu.memory_space<semaphore_mem>>)
        %dma_wait3A_64 = arith.constant 0 : i32
        %dma_wait3A_65 = tpu.memref_slice %arg4[%add3A_52, %dma_wait3A_64] : memref<81920x32xf32, #tpu.memory_space<hbm>> -> memref<128x32xf32, #tpu.memory_space<hbm>>
        %dma_wait3A_66 = arith.constant 0 : i32
        %dma_wait3A_67 = tpu.memref_slice %arg4[%add3A_52, %dma_wait3A_66] : memref<81920x32xf32, #tpu.memory_space<hbm>> -> memref<128x32xf32, #tpu.memory_space<hbm>>
        tpu.wait_dma2 semaphore(%run_scoped3A : memref<!tpu.dma_semaphore, #tpu.memory_space<semaphore_mem>>) src(%arg7 : memref<128x32xf32, #tpu.memory_space<vmem>>) dst(%dma_wait3A_67 : memref<128x32xf32, #tpu.memory_space<hbm>>)
        tpu.yield
      }) : () -> ()
      %add3A_53 = arith.constant 2 : i32
      %add3A_54 = arith.addi %add3A_43, %add3A_53 : i32
      %lt3A_55 = arith.constant 20 : i32
      %lt3A_56 = arith.cmpi slt, %add3A_54, %lt3A_55 : i32
      %convert_element_type3A_57 = arith.extui %lt3A_56 : i1 to i32
      %cond3A_58 = arith.constant 0 : i32
      %cond3A_59 = arith.cmpi ne, %convert_element_type3A_57, %cond3A_58 : i32
      scf.if %cond3A_59 {
        %add3A_60 = arith.constant 2 : i32
        %add3A_61 = arith.addi %add3A_43, %add3A_60 : i32
        %dma_start3A_62 = arith.constant 0 : i32
        %dma_start3A_63 = tpu.memref_slice %arg5[%add3A_61, %dma_start3A_62] : memref<20x128xi32, #tpu.memory_space<vmem>> -> memref<1x128xi32, #tpu.memory_space<vmem>>
        %dma_start3A_64 = tpu.memref_squeeze %dma_start3A_63 : memref<1x128xi32, #tpu.memory_space<vmem>> -> memref<128xi32, #tpu.memory_space<vmem>>
        %dma_start3A_65 = arith.constant 0 : i32
        %dma_start3A_66 = arith.constant 0 : i32
        %dma_start3A_67 = tpu.memref_slice %arg2[%dma_start3A_65, %dma_start3A_66] : memref<10000x32xf32, #tpu.memory_space<hbm>> -> memref<10000x32xf32, #tpu.memory_space<hbm>>
        tpu.enqueue_indirect_dma source(%dma_start3A_67 : memref<10000x32xf32, #tpu.memory_space<hbm>>) target(%arg7 : memref<128x32xf32, #tpu.memory_space<vmem>>) offsets(%dma_start3A_64 : memref<128xi32, #tpu.memory_space<vmem>>) semaphore(%arg9 : memref<!tpu.dma_semaphore, #tpu.memory_space<semaphore_mem>>)
      } else {
      }
    }
    %scan3A_22 = arith.constant 10 : i32
    return
  }
}

#map = affine_map<(d0, d1) -> (0, 0)>
#map1 = affine_map<(d0, d1) -> (0, 0, 0)>
module attributes {stable_mosaic.version = 14 : i64} {
  func.func @body(%arg0: i32, %arg1: i32, %arg2: memref<10000x32xf32, #tpu.memory_space<hbm>>, %arg3: memref<32x20x128xi32, #tpu.memory_space<hbm>>, %arg4: memref<81920x32xf32, #tpu.memory_space<hbm>>, %arg5: memref<20x128xi32, #tpu.memory_space<vmem>>, %arg6: memref<128x32xf32, #tpu.memory_space<vmem>>, %arg7: memref<128x32xf32, #tpu.memory_space<vmem>>, %arg8: memref<!tpu.dma_semaphore, #tpu.memory_space<semaphore_mem>>, %arg9: memref<!tpu.dma_semaphore, #tpu.memory_space<semaphore_mem>>) attributes {dimension_semantics = [#tpu.dimension_semantics<core_parallel>, #tpu.dimension_semantics<subcore_parallel>], iteration_bounds = array<i64: 2, 16>, scalar_prefetch = 0 : i64, scratch_operands = 5 : i64, tpu.core_type = #tpu.core_type<sc_vector_subcore>, window_params = [{transform_indices = #map}, {transform_indices = #map1}, {transform_indices = #map}]} {
    %mul3A = arith.constant 2 : i32
    %mul3A_0 = arith.muli %arg1, %mul3A : i32
    %add3A = arith.addi %mul3A_0, %arg0 : i32
    "tpu.region"() ({
      %run_scoped3A = tpu.sem_alloc : memref<!tpu.dma_semaphore, #tpu.memory_space<semaphore_mem>>
      %dma_start3A_23 = arith.constant 0 : i32
      %dma_start3A_24 = arith.constant 0 : i32
      %dma_start3A_25 = tpu.memref_slice %arg3[%add3A, %dma_start3A_23, %dma_start3A_24] : memref<32x20x128xi32, #tpu.memory_space<hbm>> -> memref<1x20x128xi32, #tpu.memory_space<hbm>>
      %dma_start3A_26 = tpu.memref_squeeze %dma_start3A_25 : memref<1x20x128xi32, #tpu.memory_space<hbm>> -> memref<20x128xi32, #tpu.memory_space<hbm>>
      %dma_start3A_27 = arith.constant 0 : i32
      %dma_start3A_28 = arith.constant 0 : i32
      %dma_start3A_29 = tpu.memref_slice %arg3[%add3A, %dma_start3A_27, %dma_start3A_28] : memref<32x20x128xi32, #tpu.memory_space<hbm>> -> memref<1x20x128xi32, #tpu.memory_space<hbm>>
      %dma_start3A_30 = tpu.memref_squeeze %dma_start3A_29 : memref<1x20x128xi32, #tpu.memory_space<hbm>> -> memref<20x128xi32, #tpu.memory_space<hbm>>
      tpu.enqueue_dma source(%dma_start3A_30 : memref<20x128xi32, #tpu.memory_space<hbm>>) target(%arg5 : memref<20x128xi32, #tpu.memory_space<vmem>>) target_semaphore(%run_scoped3A : memref<!tpu.dma_semaphore, #tpu.memory_space<semaphore_mem>>)
      %dma_wait3A = arith.constant 0 : i32
      %dma_wait3A_31 = arith.constant 0 : i32
      %dma_wait3A_32 = tpu.memref_slice %arg3[%add3A, %dma_wait3A, %dma_wait3A_31] : memref<32x20x128xi32, #tpu.memory_space<hbm>> -> memref<1x20x128xi32, #tpu.memory_space<hbm>>
      %dma_wait3A_33 = tpu.memref_squeeze %dma_wait3A_32 : memref<1x20x128xi32, #tpu.memory_space<hbm>> -> memref<20x128xi32, #tpu.memory_space<hbm>>
      %dma_wait3A_34 = arith.constant 0 : i32
      %dma_wait3A_35 = arith.constant 0 : i32
      %dma_wait3A_36 = tpu.memref_slice %arg3[%add3A, %dma_wait3A_34, %dma_wait3A_35] : memref<32x20x128xi32, #tpu.memory_space<hbm>> -> memref<1x20x128xi32, #tpu.memory_space<hbm>>
      %dma_wait3A_37 = tpu.memref_squeeze %dma_wait3A_36 : memref<1x20x128xi32, #tpu.memory_space<hbm>> -> memref<20x128xi32, #tpu.memory_space<hbm>>
      tpu.wait_dma2 semaphore(%run_scoped3A : memref<!tpu.dma_semaphore, #tpu.memory_space<semaphore_mem>>) src(%dma_wait3A_37 : memref<20x128xi32, #tpu.memory_space<hbm>>) dst(%arg5 : memref<20x128xi32, #tpu.memory_space<vmem>>)
      tpu.yield
    }) : () -> ()
    %mul3A_1 = arith.constant 20 : i32
    %mul3A_2 = arith.muli %add3A, %mul3A_1 : i32
    %mul3A_3 = arith.constant 128 : i32
    %mul3A_4 = arith.muli %mul3A_2, %mul3A_3 : i32
    %dma_start3A = arith.constant 0 : i32
    %dma_start3A_5 = arith.constant 0 : i32
    %dma_start3A_6 = tpu.memref_slice %arg5[%dma_start3A, %dma_start3A_5] : memref<20x128xi32, #tpu.memory_space<vmem>> -> memref<1x128xi32, #tpu.memory_space<vmem>>
    %dma_start3A_7 = tpu.memref_squeeze %dma_start3A_6 : memref<1x128xi32, #tpu.memory_space<vmem>> -> memref<128xi32, #tpu.memory_space<vmem>>
    %dma_start3A_8 = arith.constant 0 : i32
    %dma_start3A_9 = arith.constant 0 : i32
    %dma_start3A_10 = tpu.memref_slice %arg2[%dma_start3A_8, %dma_start3A_9] : memref<10000x32xf32, #tpu.memory_space<hbm>> -> memref<10000x32xf32, #tpu.memory_space<hbm>>
    tpu.enqueue_indirect_dma source(%dma_start3A_10 : memref<10000x32xf32, #tpu.memory_space<hbm>>) target(%arg6 : memref<128x32xf32, #tpu.memory_space<vmem>>) offsets(%dma_start3A_7 : memref<128xi32, #tpu.memory_space<vmem>>) semaphore(%arg8 : memref<!tpu.dma_semaphore, #tpu.memory_space<semaphore_mem>>)
    %dma_start3A_11 = arith.constant 1 : i32
    %dma_start3A_12 = arith.constant 0 : i32
    %dma_start3A_13 = tpu.memref_slice %arg5[%dma_start3A_11, %dma_start3A_12] : memref<20x128xi32, #tpu.memory_space<vmem>> -> memref<1x128xi32, #tpu.memory_space<vmem>>
    %dma_start3A_14 = tpu.memref_squeeze %dma_start3A_13 : memref<1x128xi32, #tpu.memory_space<vmem>> -> memref<128xi32, #tpu.memory_space<vmem>>
    %dma_start3A_15 = arith.constant 0 : i32
    %dma_start3A_16 = arith.constant 0 : i32
    %dma_start3A_17 = tpu.memref_slice %arg2[%dma_start3A_15, %dma_start3A_16] : memref<10000x32xf32, #tpu.memory_space<hbm>> -> memref<10000x32xf32, #tpu.memory_space<hbm>>
    tpu.enqueue_indirect_dma source(%dma_start3A_17 : memref<10000x32xf32, #tpu.memory_space<hbm>>) target(%arg7 : memref<128x32xf32, #tpu.memory_space<vmem>>) offsets(%dma_start3A_14 : memref<128xi32, #tpu.memory_space<vmem>>) semaphore(%arg9 : memref<!tpu.dma_semaphore, #tpu.memory_space<semaphore_mem>>)
    %scan3A = arith.constant 0 : i32
    %scan3A_18 = arith.constant 0 : i32
    %scan3A_19 = arith.constant 10 : i32
    %scan3A_20 = arith.addi %scan3A_18, %scan3A_19 : i32
    %scan3A_21 = arith.constant 1 : i32
    scf.for %scan3A_23 = %scan3A_18 to %scan3A_20 step %scan3A_21  : i32 {
      %mul3A_24 = arith.constant 2 : i32
      %mul3A_25 = arith.muli %mul3A_24, %scan3A_23 : i32
      %add3A_26 = arith.constant 0 : i32
      %add3A_27 = arith.addi %mul3A_25, %add3A_26 : i32
      %dma_wait3A = arith.constant 0 : i32
      %dma_wait3A_28 = tpu.memref_slice %arg5[%add3A_27, %dma_wait3A] : memref<20x128xi32, #tpu.memory_space<vmem>> -> memref<1x128xi32, #tpu.memory_space<vmem>>
      %dma_wait3A_29 = tpu.memref_squeeze %dma_wait3A_28 : memref<1x128xi32, #tpu.memory_space<vmem>> -> memref<128xi32, #tpu.memory_space<vmem>>
      %dma_wait3A_30 = arith.constant 0 : i32
      %dma_wait3A_31 = arith.constant 0 : i32
      %dma_wait3A_32 = tpu.memref_slice %arg2[%dma_wait3A_30, %dma_wait3A_31] : memref<10000x32xf32, #tpu.memory_space<hbm>> -> memref<10000x32xf32, #tpu.memory_space<hbm>>
      tpu.wait_indirect_dma semaphore(%arg8 : memref<!tpu.dma_semaphore, #tpu.memory_space<semaphore_mem>>) src(%dma_wait3A_32 : memref<10000x32xf32, #tpu.memory_space<hbm>>) dst(%arg6 : memref<128x32xf32, #tpu.memory_space<vmem>>)
      %mul3A_33 = arith.constant 128 : i32
      %mul3A_34 = arith.muli %add3A_27, %mul3A_33 : i32
      %add3A_35 = arith.addi %mul3A_4, %mul3A_34 : i32
      "tpu.region"() ({
        %run_scoped3A = tpu.sem_alloc : memref<!tpu.dma_semaphore, #tpu.memory_space<semaphore_mem>>
        %dma_start3A_60 = arith.constant 0 : i32
        %dma_start3A_61 = tpu.memref_slice %arg4[%add3A_35, %dma_start3A_60] : memref<81920x32xf32, #tpu.memory_space<hbm>> -> memref<128x32xf32, #tpu.memory_space<hbm>>
        %dma_start3A_62 = arith.constant 0 : i32
        %dma_start3A_63 = tpu.memref_slice %arg4[%add3A_35, %dma_start3A_62] : memref<81920x32xf32, #tpu.memory_space<hbm>> -> memref<128x32xf32, #tpu.memory_space<hbm>>
        tpu.enqueue_dma source(%arg6 : memref<128x32xf32, #tpu.memory_space<vmem>>) target(%dma_start3A_63 : memref<128x32xf32, #tpu.memory_space<hbm>>) target_semaphore(%run_scoped3A : memref<!tpu.dma_semaphore, #tpu.memory_space<semaphore_mem>>)
        %dma_wait3A_64 = arith.constant 0 : i32
        %dma_wait3A_65 = tpu.memref_slice %arg4[%add3A_35, %dma_wait3A_64] : memref<81920x32xf32, #tpu.memory_space<hbm>> -> memref<128x32xf32, #tpu.memory_space<hbm>>
        %dma_wait3A_66 = arith.constant 0 : i32
        %dma_wait3A_67 = tpu.memref_slice %arg4[%add3A_35, %dma_wait3A_66] : memref<81920x32xf32, #tpu.memory_space<hbm>> -> memref<128x32xf32, #tpu.memory_space<hbm>>
        tpu.wait_dma2 semaphore(%run_scoped3A : memref<!tpu.dma_semaphore, #tpu.memory_space<semaphore_mem>>) src(%arg6 : memref<128x32xf32, #tpu.memory_space<vmem>>) dst(%dma_wait3A_67 : memref<128x32xf32, #tpu.memory_space<hbm>>)
        tpu.yield
      }) : () -> ()
      %add3A_36 = arith.constant 2 : i32
      %add3A_37 = arith.addi %add3A_27, %add3A_36 : i32
      %lt3A = arith.constant 20 : i32
      %lt3A_38 = arith.cmpi slt, %add3A_37, %lt3A : i32
      %convert_element_type3A = arith.extui %lt3A_38 : i1 to i32
      %cond3A = arith.constant 0 : i32
      %cond3A_39 = arith.cmpi ne, %convert_element_type3A, %cond3A : i32
      scf.if %cond3A_39 {
        %add3A_60 = arith.constant 2 : i32
        %add3A_61 = arith.addi %add3A_27, %add3A_60 : i32
        %dma_start3A_62 = arith.constant 0 : i32
        %dma_start3A_63 = tpu.memref_slice %arg5[%add3A_61, %dma_start3A_62] : memref<20x128xi32, #tpu.memory_space<vmem>> -> memref<1x128xi32, #tpu.memory_space<vmem>>
        %dma_start3A_64 = tpu.memref_squeeze %dma_start3A_63 : memref<1x128xi32, #tpu.memory_space<vmem>> -> memref<128xi32, #tpu.memory_space<vmem>>
        %dma_start3A_65 = arith.constant 0 : i32
        %dma_start3A_66 = arith.constant 0 : i32
        %dma_start3A_67 = tpu.memref_slice %arg2[%dma_start3A_65, %dma_start3A_66] : memref<10000x32xf32, #tpu.memory_space<hbm>> -> memref<10000x32xf32, #tpu.memory_space<hbm>>
        tpu.enqueue_indirect_dma source(%dma_start3A_67 : memref<10000x32xf32, #tpu.memory_space<hbm>>) target(%arg6 : memref<128x32xf32, #tpu.memory_space<vmem>>) offsets(%dma_start3A_64 : memref<128xi32, #tpu.memory_space<vmem>>) semaphore(%arg8 : memref<!tpu.dma_semaphore, #tpu.memory_space<semaphore_mem>>)
      } else {
      }
      %mul3A_40 = arith.constant 2 : i32
      %mul3A_41 = arith.muli %mul3A_40, %scan3A_23 : i32
      %add3A_42 = arith.constant 1 : i32
      %add3A_43 = arith.addi %mul3A_41, %add3A_42 : i32
      %dma_wait3A_44 = arith.constant 0 : i32
      %dma_wait3A_45 = tpu.memref_slice %arg5[%add3A_43, %dma_wait3A_44] : memref<20x128xi32, #tpu.memory_space<vmem>> -> memref<1x128xi32, #tpu.memory_space<vmem>>
      %dma_wait3A_46 = tpu.memref_squeeze %dma_wait3A_45 : memref<1x128xi32, #tpu.memory_space<vmem>> -> memref<128xi32, #tpu.memory_space<vmem>>
      %dma_wait3A_47 = arith.constant 0 : i32
      %dma_wait3A_48 = arith.constant 0 : i32
      %dma_wait3A_49 = tpu.memref_slice %arg2[%dma_wait3A_47, %dma_wait3A_48] : memref<10000x32xf32, #tpu.memory_space<hbm>> -> memref<10000x32xf32, #tpu.memory_space<hbm>>
      tpu.wait_indirect_dma semaphore(%arg9 : memref<!tpu.dma_semaphore, #tpu.memory_space<semaphore_mem>>) src(%dma_wait3A_49 : memref<10000x32xf32, #tpu.memory_space<hbm>>) dst(%arg7 : memref<128x32xf32, #tpu.memory_space<vmem>>)
      %mul3A_50 = arith.constant 128 : i32
      %mul3A_51 = arith.muli %add3A_43, %mul3A_50 : i32
      %add3A_52 = arith.addi %mul3A_4, %mul3A_51 : i32
      "tpu.region"() ({
        %run_scoped3A = tpu.sem_alloc : memref<!tpu.dma_semaphore, #tpu.memory_space<semaphore_mem>>
        %dma_start3A_60 = arith.constant 0 : i32
        %dma_start3A_61 = tpu.memref_slice %arg4[%add3A_52, %dma_start3A_60] : memref<81920x32xf32, #tpu.memory_space<hbm>> -> memref<128x32xf32, #tpu.memory_space<hbm>>
        %dma_start3A_62 = arith.constant 0 : i32
        %dma_start3A_63 = tpu.memref_slice %arg4[%add3A_52, %dma_start3A_62] : memref<81920x32xf32, #tpu.memory_space<hbm>> -> memref<128x32xf32, #tpu.memory_space<hbm>>
        tpu.enqueue_dma source(%arg7 : memref<128x32xf32, #tpu.memory_space<vmem>>) target(%dma_start3A_63 : memref<128x32xf32, #tpu.memory_space<hbm>>) target_semaphore(%run_scoped3A : memref<!tpu.dma_semaphore, #tpu.memory_space<semaphore_mem>>)
        %dma_wait3A_64 = arith.constant 0 : i32
        %dma_wait3A_65 = tpu.memref_slice %arg4[%add3A_52, %dma_wait3A_64] : memref<81920x32xf32, #tpu.memory_space<hbm>> -> memref<128x32xf32, #tpu.memory_space<hbm>>
        %dma_wait3A_66 = arith.constant 0 : i32
        %dma_wait3A_67 = tpu.memref_slice %arg4[%add3A_52, %dma_wait3A_66] : memref<81920x32xf32, #tpu.memory_space<hbm>> -> memref<128x32xf32, #tpu.memory_space<hbm>>
        tpu.wait_dma2 semaphore(%run_scoped3A : memref<!tpu.dma_semaphore, #tpu.memory_space<semaphore_mem>>) src(%arg7 : memref<128x32xf32, #tpu.memory_space<vmem>>) dst(%dma_wait3A_67 : memref<128x32xf32, #tpu.memory_space<hbm>>)
        tpu.yield
      }) : () -> ()
      %add3A_53 = arith.constant 2 : i32
      %add3A_54 = arith.addi %add3A_43, %add3A_53 : i32
      %lt3A_55 = arith.constant 20 : i32
      %lt3A_56 = arith.cmpi slt, %add3A_54, %lt3A_55 : i32
      %convert_element_type3A_57 = arith.extui %lt3A_56 : i1 to i32
      %cond3A_58 = arith.constant 0 : i32
      %cond3A_59 = arith.cmpi ne, %convert_element_type3A_57, %cond3A_58 : i32
      scf.if %cond3A_59 {
        %add3A_60 = arith.constant 2 : i32
        %add3A_61 = arith.addi %add3A_43, %add3A_60 : i32
        %dma_start3A_62 = arith.constant 0 : i32
        %dma_start3A_63 = tpu.memref_slice %arg5[%add3A_61, %dma_start3A_62] : memref<20x128xi32, #tpu.memory_space<vmem>> -> memref<1x128xi32, #tpu.memory_space<vmem>>
        %dma_start3A_64 = tpu.memref_squeeze %dma_start3A_63 : memref<1x128xi32, #tpu.memory_space<vmem>> -> memref<128xi32, #tpu.memory_space<vmem>>
        %dma_start3A_65 = arith.constant 0 : i32
        %dma_start3A_66 = arith.constant 0 : i32
        %dma_start3A_67 = tpu.memref_slice %arg2[%dma_start3A_65, %dma_start3A_66] : memref<10000x32xf32, #tpu.memory_space<hbm>> -> memref<10000x32xf32, #tpu.memory_space<hbm>>
        tpu.enqueue_indirect_dma source(%dma_start3A_67 : memref<10000x32xf32, #tpu.memory_space<hbm>>) target(%arg7 : memref<128x32xf32, #tpu.memory_space<vmem>>) offsets(%dma_start3A_64 : memref<128xi32, #tpu.memory_space<vmem>>) semaphore(%arg9 : memref<!tpu.dma_semaphore, #tpu.memory_space<semaphore_mem>>)
      } else {
      }
    }
    %scan3A_22 = arith.constant 10 : i32
    return
  }
}

#map = affine_map<(d0, d1) -> (0, 0)>
#map1 = affine_map<(d0, d1) -> (0, 0, 0)>
module attributes {stable_mosaic.version = 14 : i64} {
  func.func @body(%arg0: i32, %arg1: i32, %arg2: memref<81920x32xf32, #tpu.memory_space<hbm>>, %arg3: memref<32x20x128xi32, #tpu.memory_space<hbm>>, %arg4: memref<640x32xf32, #tpu.memory_space<hbm>>, %arg5: memref<2x10240x32xf32, #tpu.memory_space<hbm>>, %arg6: memref<20x128xi32, #tpu.memory_space<vmem>>, %arg7: memref<128x32xf32, #tpu.memory_space<vmem>>, %arg8: memref<128x32xf32, #tpu.memory_space<vmem>>, %arg9: memref<10240x32xf32, #tpu.memory_space<vmem_shared>>, %arg10: memref<!tpu.dma_semaphore, #tpu.memory_space<semaphore_mem>>, %arg11: memref<!tpu.dma_semaphore, #tpu.memory_space<semaphore_mem>>) attributes {dimension_semantics = [#tpu.dimension_semantics<core_parallel>, #tpu.dimension_semantics<subcore_parallel>], iteration_bounds = array<i64: 2, 16>, scalar_prefetch = 0 : i64, scratch_operands = 6 : i64, tpu.core_type = #tpu.core_type<sc_vector_subcore>, window_params = [{transform_indices = #map}, {transform_indices = #map1}, {transform_indices = #map}, {transform_indices = #map1}]} {
    %mul3A = arith.constant 2 : i32
    %mul3A_0 = arith.muli %arg1, %mul3A : i32
    %add3A = arith.addi %mul3A_0, %arg0 : i32
    %mul3A_1 = arith.constant 640 : i32
    %mul3A_2 = arith.muli %arg1, %mul3A_1 : i32
    "tpu.region"() ({
      %run_scoped3A = tpu.sem_alloc : memref<!tpu.dma_semaphore, #tpu.memory_space<semaphore_mem>>
      %dma_start3A_26 = arith.constant 0 : i32
      %dma_start3A_27 = tpu.memref_slice %arg9[%mul3A_2, %dma_start3A_26] : memref<10240x32xf32, #tpu.memory_space<vmem_shared>> -> memref<640x32xf32, #tpu.memory_space<vmem_shared>>
      tpu.enqueue_dma source(%arg4 : memref<640x32xf32, #tpu.memory_space<hbm>>) target(%dma_start3A_27 : memref<640x32xf32, #tpu.memory_space<vmem_shared>>) target_semaphore(%run_scoped3A : memref<!tpu.dma_semaphore, #tpu.memory_space<semaphore_mem>>)
      %dma_wait3A = arith.constant 0 : i32
      %dma_wait3A_28 = tpu.memref_slice %arg9[%mul3A_2, %dma_wait3A] : memref<10240x32xf32, #tpu.memory_space<vmem_shared>> -> memref<640x32xf32, #tpu.memory_space<vmem_shared>>
      tpu.wait_dma2 semaphore(%run_scoped3A : memref<!tpu.dma_semaphore, #tpu.memory_space<semaphore_mem>>) src(%arg4 : memref<640x32xf32, #tpu.memory_space<hbm>>) dst(%dma_wait3A_28 : memref<640x32xf32, #tpu.memory_space<vmem_shared>>)
      tpu.yield
    }) : () -> ()
    %barrier3A = arith.constant 0 : index
    tpu.barrier barrier_id(%barrier3A)
    "tpu.region"() ({
      %run_scoped3A = tpu.sem_alloc : memref<!tpu.dma_semaphore, #tpu.memory_space<semaphore_mem>>
      %dma_start3A_26 = arith.constant 0 : i32
      %dma_start3A_27 = arith.constant 0 : i32
      %dma_start3A_28 = tpu.memref_slice %arg3[%add3A, %dma_start3A_26, %dma_start3A_27] : memref<32x20x128xi32, #tpu.memory_space<hbm>> -> memref<1x20x128xi32, #tpu.memory_space<hbm>>
      %dma_start3A_29 = tpu.memref_squeeze %dma_start3A_28 : memref<1x20x128xi32, #tpu.memory_space<hbm>> -> memref<20x128xi32, #tpu.memory_space<hbm>>
      %dma_start3A_30 = arith.constant 0 : i32
      %dma_start3A_31 = arith.constant 0 : i32
      %dma_start3A_32 = tpu.memref_slice %arg3[%add3A, %dma_start3A_30, %dma_start3A_31] : memref<32x20x128xi32, #tpu.memory_space<hbm>> -> memref<1x20x128xi32, #tpu.memory_space<hbm>>
      %dma_start3A_33 = tpu.memref_squeeze %dma_start3A_32 : memref<1x20x128xi32, #tpu.memory_space<hbm>> -> memref<20x128xi32, #tpu.memory_space<hbm>>
      tpu.enqueue_dma source(%dma_start3A_33 : memref<20x128xi32, #tpu.memory_space<hbm>>) target(%arg6 : memref<20x128xi32, #tpu.memory_space<vmem>>) target_semaphore(%run_scoped3A : memref<!tpu.dma_semaphore, #tpu.memory_space<semaphore_mem>>)
      %dma_wait3A = arith.constant 0 : i32
      %dma_wait3A_34 = arith.constant 0 : i32
      %dma_wait3A_35 = tpu.memref_slice %arg3[%add3A, %dma_wait3A, %dma_wait3A_34] : memref<32x20x128xi32, #tpu.memory_space<hbm>> -> memref<1x20x128xi32, #tpu.memory_space<hbm>>
      %dma_wait3A_36 = tpu.memref_squeeze %dma_wait3A_35 : memref<1x20x128xi32, #tpu.memory_space<hbm>> -> memref<20x128xi32, #tpu.memory_space<hbm>>
      %dma_wait3A_37 = arith.constant 0 : i32
      %dma_wait3A_38 = arith.constant 0 : i32
      %dma_wait3A_39 = tpu.memref_slice %arg3[%add3A, %dma_wait3A_37, %dma_wait3A_38] : memref<32x20x128xi32, #tpu.memory_space<hbm>> -> memref<1x20x128xi32, #tpu.memory_space<hbm>>
      %dma_wait3A_40 = tpu.memref_squeeze %dma_wait3A_39 : memref<1x20x128xi32, #tpu.memory_space<hbm>> -> memref<20x128xi32, #tpu.memory_space<hbm>>
      tpu.wait_dma2 semaphore(%run_scoped3A : memref<!tpu.dma_semaphore, #tpu.memory_space<semaphore_mem>>) src(%dma_wait3A_40 : memref<20x128xi32, #tpu.memory_space<hbm>>) dst(%arg6 : memref<20x128xi32, #tpu.memory_space<vmem>>)
      tpu.yield
    }) : () -> ()
    %mul3A_3 = arith.constant 20 : i32
    %mul3A_4 = arith.muli %add3A, %mul3A_3 : i32
    %mul3A_5 = arith.constant 128 : i32
    %mul3A_6 = arith.muli %mul3A_4, %mul3A_5 : i32
    %dma_start3A = arith.constant 0 : i32
    %dma_start3A_7 = tpu.memref_slice %arg2[%mul3A_6, %dma_start3A] : memref<81920x32xf32, #tpu.memory_space<hbm>> -> memref<128x32xf32, #tpu.memory_space<hbm>>
    %dma_start3A_8 = arith.constant 0 : i32
    %dma_start3A_9 = tpu.memref_slice %arg2[%mul3A_6, %dma_start3A_8] : memref<81920x32xf32, #tpu.memory_space<hbm>> -> memref<128x32xf32, #tpu.memory_space<hbm>>
    tpu.enqueue_dma source(%dma_start3A_9 : memref<128x32xf32, #tpu.memory_space<hbm>>) target(%arg7 : memref<128x32xf32, #tpu.memory_space<vmem>>) target_semaphore(%arg10 : memref<!tpu.dma_semaphore, #tpu.memory_space<semaphore_mem>>)
    %add3A_10 = arith.constant 128 : i32
    %add3A_11 = arith.addi %mul3A_6, %add3A_10 : i32
    %dma_start3A_12 = arith.constant 0 : i32
    %dma_start3A_13 = tpu.memref_slice %arg2[%add3A_11, %dma_start3A_12] : memref<81920x32xf32, #tpu.memory_space<hbm>> -> memref<128x32xf32, #tpu.memory_space<hbm>>
    %dma_start3A_14 = arith.constant 0 : i32
    %dma_start3A_15 = tpu.memref_slice %arg2[%add3A_11, %dma_start3A_14] : memref<81920x32xf32, #tpu.memory_space<hbm>> -> memref<128x32xf32, #tpu.memory_space<hbm>>
    tpu.enqueue_dma source(%dma_start3A_15 : memref<128x32xf32, #tpu.memory_space<hbm>>) target(%arg8 : memref<128x32xf32, #tpu.memory_space<vmem>>) target_semaphore(%arg11 : memref<!tpu.dma_semaphore, #tpu.memory_space<semaphore_mem>>)
    %scan3A = arith.constant 0 : i32
    %scan3A_16 = arith.constant 0 : i32
    %scan3A_17 = arith.constant 10 : i32
    %scan3A_18 = arith.addi %scan3A_16, %scan3A_17 : i32
    %scan3A_19 = arith.constant 1 : i32
    scf.for %scan3A_26 = %scan3A_16 to %scan3A_18 step %scan3A_19  : i32 {
      %mul3A_27 = arith.constant 2 : i32
      %mul3A_28 = arith.muli %mul3A_27, %scan3A_26 : i32
      %add3A_29 = arith.constant 0 : i32
      %add3A_30 = arith.addi %mul3A_28, %add3A_29 : i32
      %mul3A_31 = arith.constant 128 : i32
      %mul3A_32 = arith.muli %add3A_30, %mul3A_31 : i32
      %add3A_33 = arith.addi %mul3A_6, %mul3A_32 : i32
      %dma_wait3A = arith.constant 0 : i32
      %dma_wait3A_34 = tpu.memref_slice %arg2[%add3A_33, %dma_wait3A] : memref<81920x32xf32, #tpu.memory_space<hbm>> -> memref<128x32xf32, #tpu.memory_space<hbm>>
      %dma_wait3A_35 = arith.constant 0 : i32
      %dma_wait3A_36 = tpu.memref_slice %arg2[%add3A_33, %dma_wait3A_35] : memref<81920x32xf32, #tpu.memory_space<hbm>> -> memref<128x32xf32, #tpu.memory_space<hbm>>
      tpu.wait_dma2 semaphore(%arg10 : memref<!tpu.dma_semaphore, #tpu.memory_space<semaphore_mem>>) src(%dma_wait3A_36 : memref<128x32xf32, #tpu.memory_space<hbm>>) dst(%arg7 : memref<128x32xf32, #tpu.memory_space<vmem>>)
      "tpu.region"() ({
        %run_scoped3A = tpu.sem_alloc : memref<!tpu.dma_semaphore, #tpu.memory_space<semaphore_mem>>
        %dma_start3A_59 = arith.constant 0 : i32
        %dma_start3A_60 = tpu.memref_slice %arg6[%add3A_30, %dma_start3A_59] : memref<20x128xi32, #tpu.memory_space<vmem>> -> memref<1x128xi32, #tpu.memory_space<vmem>>
        %dma_start3A_61 = tpu.memref_squeeze %dma_start3A_60 : memref<1x128xi32, #tpu.memory_space<vmem>> -> memref<128xi32, #tpu.memory_space<vmem>>
        %dma_start3A_62 = arith.constant 0 : i32
        %dma_start3A_63 = arith.constant 0 : i32
        %dma_start3A_64 = tpu.memref_slice %arg9[%dma_start3A_62, %dma_start3A_63] : memref<10240x32xf32, #tpu.memory_space<vmem_shared>> -> memref<10240x32xf32, #tpu.memory_space<vmem_shared>>
        tpu.enqueue_indirect_dma source(%arg7 : memref<128x32xf32, #tpu.memory_space<vmem>>) target(%dma_start3A_64 : memref<10240x32xf32, #tpu.memory_space<vmem_shared>>) offsets(%dma_start3A_61 : memref<128xi32, #tpu.memory_space<vmem>>) semaphore(%run_scoped3A : memref<!tpu.dma_semaphore, #tpu.memory_space<semaphore_mem>>) {add = true}
        %dma_wait3A_65 = arith.constant 0 : i32
        %dma_wait3A_66 = tpu.memref_slice %arg6[%add3A_30, %dma_wait3A_65] : memref<20x128xi32, #tpu.memory_space<vmem>> -> memref<1x128xi32, #tpu.memory_space<vmem>>
        %dma_wait3A_67 = tpu.memref_squeeze %dma_wait3A_66 : memref<1x128xi32, #tpu.memory_space<vmem>> -> memref<128xi32, #tpu.memory_space<vmem>>
        %dma_wait3A_68 = arith.constant 0 : i32
        %dma_wait3A_69 = arith.constant 0 : i32
        %dma_wait3A_70 = tpu.memref_slice %arg9[%dma_wait3A_68, %dma_wait3A_69] : memref<10240x32xf32, #tpu.memory_space<vmem_shared>> -> memref<10240x32xf32, #tpu.memory_space<vmem_shared>>
        tpu.wait_indirect_dma semaphore(%run_scoped3A : memref<!tpu.dma_semaphore, #tpu.memory_space<semaphore_mem>>) src(%arg7 : memref<128x32xf32, #tpu.memory_space<vmem>>) dst(%dma_wait3A_70 : memref<10240x32xf32, #tpu.memory_space<vmem_shared>>)
        tpu.yield
      }) : () -> ()
      %add3A_37 = arith.constant 2 : i32
      %add3A_38 = arith.addi %add3A_30, %add3A_37 : i32
      %lt3A = arith.constant 20 : i32
      %lt3A_39 = arith.cmpi slt, %add3A_38, %lt3A : i32
      %convert_element_type3A = arith.extui %lt3A_39 : i1 to i32
      %cond3A = arith.constant 0 : i32
      %cond3A_40 = arith.cmpi ne, %convert_element_type3A, %cond3A : i32
      scf.if %cond3A_40 {
        %add3A_59 = arith.constant 2 : i32
        %add3A_60 = arith.addi %add3A_30, %add3A_59 : i32
        %mul3A_61 = arith.constant 128 : i32
        %mul3A_62 = arith.muli %add3A_60, %mul3A_61 : i32
        %add3A_63 = arith.addi %mul3A_6, %mul3A_62 : i32
        %dma_start3A_64 = arith.constant 0 : i32
        %dma_start3A_65 = tpu.memref_slice %arg2[%add3A_63, %dma_start3A_64] : memref<81920x32xf32, #tpu.memory_space<hbm>> -> memref<128x32xf32, #tpu.memory_space<hbm>>
        %dma_start3A_66 = arith.constant 0 : i32
        %dma_start3A_67 = tpu.memref_slice %arg2[%add3A_63, %dma_start3A_66] : memref<81920x32xf32, #tpu.memory_space<hbm>> -> memref<128x32xf32, #tpu.memory_space<hbm>>
        tpu.enqueue_dma source(%dma_start3A_67 : memref<128x32xf32, #tpu.memory_space<hbm>>) target(%arg7 : memref<128x32xf32, #tpu.memory_space<vmem>>) target_semaphore(%arg10 : memref<!tpu.dma_semaphore, #tpu.memory_space<semaphore_mem>>)
      } else {
      }
      %mul3A_41 = arith.constant 2 : i32
      %mul3A_42 = arith.muli %mul3A_41, %scan3A_26 : i32
      %add3A_43 = arith.constant 1 : i32
      %add3A_44 = arith.addi %mul3A_42, %add3A_43 : i32
      %mul3A_45 = arith.constant 128 : i32
      %mul3A_46 = arith.muli %add3A_44, %mul3A_45 : i32
      %add3A_47 = arith.addi %mul3A_6, %mul3A_46 : i32
      %dma_wait3A_48 = arith.constant 0 : i32
      %dma_wait3A_49 = tpu.memref_slice %arg2[%add3A_47, %dma_wait3A_48] : memref<81920x32xf32, #tpu.memory_space<hbm>> -> memref<128x32xf32, #tpu.memory_space<hbm>>
      %dma_wait3A_50 = arith.constant 0 : i32
      %dma_wait3A_51 = tpu.memref_slice %arg2[%add3A_47, %dma_wait3A_50] : memref<81920x32xf32, #tpu.memory_space<hbm>> -> memref<128x32xf32, #tpu.memory_space<hbm>>
      tpu.wait_dma2 semaphore(%arg11 : memref<!tpu.dma_semaphore, #tpu.memory_space<semaphore_mem>>) src(%dma_wait3A_51 : memref<128x32xf32, #tpu.memory_space<hbm>>) dst(%arg8 : memref<128x32xf32, #tpu.memory_space<vmem>>)
      "tpu.region"() ({
        %run_scoped3A = tpu.sem_alloc : memref<!tpu.dma_semaphore, #tpu.memory_space<semaphore_mem>>
        %dma_start3A_59 = arith.constant 0 : i32
        %dma_start3A_60 = tpu.memref_slice %arg6[%add3A_44, %dma_start3A_59] : memref<20x128xi32, #tpu.memory_space<vmem>> -> memref<1x128xi32, #tpu.memory_space<vmem>>
        %dma_start3A_61 = tpu.memref_squeeze %dma_start3A_60 : memref<1x128xi32, #tpu.memory_space<vmem>> -> memref<128xi32, #tpu.memory_space<vmem>>
        %dma_start3A_62 = arith.constant 0 : i32
        %dma_start3A_63 = arith.constant 0 : i32
        %dma_start3A_64 = tpu.memref_slice %arg9[%dma_start3A_62, %dma_start3A_63] : memref<10240x32xf32, #tpu.memory_space<vmem_shared>> -> memref<10240x32xf32, #tpu.memory_space<vmem_shared>>
        tpu.enqueue_indirect_dma source(%arg8 : memref<128x32xf32, #tpu.memory_space<vmem>>) target(%dma_start3A_64 : memref<10240x32xf32, #tpu.memory_space<vmem_shared>>) offsets(%dma_start3A_61 : memref<128xi32, #tpu.memory_space<vmem>>) semaphore(%run_scoped3A : memref<!tpu.dma_semaphore, #tpu.memory_space<semaphore_mem>>) {add = true}
        %dma_wait3A_65 = arith.constant 0 : i32
        %dma_wait3A_66 = tpu.memref_slice %arg6[%add3A_44, %dma_wait3A_65] : memref<20x128xi32, #tpu.memory_space<vmem>> -> memref<1x128xi32, #tpu.memory_space<vmem>>
        %dma_wait3A_67 = tpu.memref_squeeze %dma_wait3A_66 : memref<1x128xi32, #tpu.memory_space<vmem>> -> memref<128xi32, #tpu.memory_space<vmem>>
        %dma_wait3A_68 = arith.constant 0 : i32
        %dma_wait3A_69 = arith.constant 0 : i32
        %dma_wait3A_70 = tpu.memref_slice %arg9[%dma_wait3A_68, %dma_wait3A_69] : memref<10240x32xf32, #tpu.memory_space<vmem_shared>> -> memref<10240x32xf32, #tpu.memory_space<vmem_shared>>
        tpu.wait_indirect_dma semaphore(%run_scoped3A : memref<!tpu.dma_semaphore, #tpu.memory_space<semaphore_mem>>) src(%arg8 : memref<128x32xf32, #tpu.memory_space<vmem>>) dst(%dma_wait3A_70 : memref<10240x32xf32, #tpu.memory_space<vmem_shared>>)
        tpu.yield
      }) : () -> ()
      %add3A_52 = arith.constant 2 : i32
      %add3A_53 = arith.addi %add3A_44, %add3A_52 : i32
      %lt3A_54 = arith.constant 20 : i32
      %lt3A_55 = arith.cmpi slt, %add3A_53, %lt3A_54 : i32
      %convert_element_type3A_56 = arith.extui %lt3A_55 : i1 to i32
      %cond3A_57 = arith.constant 0 : i32
      %cond3A_58 = arith.cmpi ne, %convert_element_type3A_56, %cond3A_57 : i32
      scf.if %cond3A_58 {
        %add3A_59 = arith.constant 2 : i32
        %add3A_60 = arith.addi %add3A_44, %add3A_59 : i32
        %mul3A_61 = arith.constant 128 : i32
        %mul3A_62 = arith.muli %add3A_60, %mul3A_61 : i32
        %add3A_63 = arith.addi %mul3A_6, %mul3A_62 : i32
        %dma_start3A_64 = arith.constant 0 : i32
        %dma_start3A_65 = tpu.memref_slice %arg2[%add3A_63, %dma_start3A_64] : memref<81920x32xf32, #tpu.memory_space<hbm>> -> memref<128x32xf32, #tpu.memory_space<hbm>>
        %dma_start3A_66 = arith.constant 0 : i32
        %dma_start3A_67 = tpu.memref_slice %arg2[%add3A_63, %dma_start3A_66] : memref<81920x32xf32, #tpu.memory_space<hbm>> -> memref<128x32xf32, #tpu.memory_space<hbm>>
        tpu.enqueue_dma source(%dma_start3A_67 : memref<128x32xf32, #tpu.memory_space<hbm>>) target(%arg8 : memref<128x32xf32, #tpu.memory_space<vmem>>) target_semaphore(%arg11 : memref<!tpu.dma_semaphore, #tpu.memory_space<semaphore_mem>>)
      } else {
      }
    }
    %scan3A_20 = arith.constant 10 : i32
    %barrier3A_21 = arith.constant 0 : index
    tpu.barrier barrier_id(%barrier3A_21)
    %mul3A_22 = arith.constant 640 : i32
    %mul3A_23 = arith.muli %arg1, %mul3A_22 : i32
    %mul3A_24 = arith.constant 640 : i32
    %mul3A_25 = arith.muli %arg1, %mul3A_24 : i32
    "tpu.region"() ({
      %run_scoped3A = tpu.sem_alloc : memref<!tpu.dma_semaphore, #tpu.memory_space<semaphore_mem>>
      %dma_start3A_26 = arith.constant 0 : i32
      %dma_start3A_27 = tpu.memref_slice %arg5[%arg0, %mul3A_25, %dma_start3A_26] : memref<2x10240x32xf32, #tpu.memory_space<hbm>> -> memref<1x640x32xf32, #tpu.memory_space<hbm>>
      %dma_start3A_28 = tpu.memref_squeeze %dma_start3A_27 : memref<1x640x32xf32, #tpu.memory_space<hbm>> -> memref<640x32xf32, #tpu.memory_space<hbm>>
      %dma_start3A_29 = arith.constant 0 : i32
      %dma_start3A_30 = tpu.memref_slice %arg9[%mul3A_23, %dma_start3A_29] : memref<10240x32xf32, #tpu.memory_space<vmem_shared>> -> memref<640x32xf32, #tpu.memory_space<vmem_shared>>
      tpu.enqueue_dma source(%dma_start3A_30 : memref<640x32xf32, #tpu.memory_space<vmem_shared>>) target(%dma_start3A_28 : memref<640x32xf32, #tpu.memory_space<hbm>>) target_semaphore(%run_scoped3A : memref<!tpu.dma_semaphore, #tpu.memory_space<semaphore_mem>>)
      %dma_wait3A = arith.constant 0 : i32
      %dma_wait3A_31 = tpu.memref_slice %arg5[%arg0, %mul3A_25, %dma_wait3A] : memref<2x10240x32xf32, #tpu.memory_space<hbm>> -> memref<1x640x32xf32, #tpu.memory_space<hbm>>
      %dma_wait3A_32 = tpu.memref_squeeze %dma_wait3A_31 : memref<1x640x32xf32, #tpu.memory_space<hbm>> -> memref<640x32xf32, #tpu.memory_space<hbm>>
      %dma_wait3A_33 = arith.constant 0 : i32
      %dma_wait3A_34 = tpu.memref_slice %arg9[%mul3A_23, %dma_wait3A_33] : memref<10240x32xf32, #tpu.memory_space<vmem_shared>> -> memref<640x32xf32, #tpu.memory_space<vmem_shared>>
      tpu.wait_dma2 semaphore(%run_scoped3A : memref<!tpu.dma_semaphore, #tpu.memory_space<semaphore_mem>>) src(%dma_wait3A_34 : memref<640x32xf32, #tpu.memory_space<vmem_shared>>) dst(%dma_wait3A_32 : memref<640x32xf32, #tpu.memory_space<hbm>>)
      tpu.yield
    }) : () -> ()
    return
  }
}

#map = affine_map<(d0, d1) -> (0, 0)>
#map1 = affine_map<(d0, d1) -> (0, 0, 0)>
module attributes {stable_mosaic.version = 14 : i64} {
  func.func @body(%arg0: i32, %arg1: i32, %arg2: memref<81920x32xf32, #tpu.memory_space<hbm>>, %arg3: memref<32x20x128xi32, #tpu.memory_space<hbm>>, %arg4: memref<640x32xf32, #tpu.memory_space<hbm>>, %arg5: memref<2x10240x32xf32, #tpu.memory_space<hbm>>, %arg6: memref<20x128xi32, #tpu.memory_space<vmem>>, %arg7: memref<128x32xf32, #tpu.memory_space<vmem>>, %arg8: memref<128x32xf32, #tpu.memory_space<vmem>>, %arg9: memref<10240x32xf32, #tpu.memory_space<vmem_shared>>, %arg10: memref<!tpu.dma_semaphore, #tpu.memory_space<semaphore_mem>>, %arg11: memref<!tpu.dma_semaphore, #tpu.memory_space<semaphore_mem>>) attributes {dimension_semantics = [#tpu.dimension_semantics<core_parallel>, #tpu.dimension_semantics<subcore_parallel>], iteration_bounds = array<i64: 2, 16>, scalar_prefetch = 0 : i64, scratch_operands = 6 : i64, tpu.core_type = #tpu.core_type<sc_vector_subcore>, window_params = [{transform_indices = #map}, {transform_indices = #map1}, {transform_indices = #map}, {transform_indices = #map1}]} {
    %mul3A = arith.constant 2 : i32
    %mul3A_0 = arith.muli %arg1, %mul3A : i32
    %add3A = arith.addi %mul3A_0, %arg0 : i32
    %mul3A_1 = arith.constant 640 : i32
    %mul3A_2 = arith.muli %arg1, %mul3A_1 : i32
    "tpu.region"() ({
      %run_scoped3A = tpu.sem_alloc : memref<!tpu.dma_semaphore, #tpu.memory_space<semaphore_mem>>
      %dma_start3A_26 = arith.constant 0 : i32
      %dma_start3A_27 = tpu.memref_slice %arg9[%mul3A_2, %dma_start3A_26] : memref<10240x32xf32, #tpu.memory_space<vmem_shared>> -> memref<640x32xf32, #tpu.memory_space<vmem_shared>>
      tpu.enqueue_dma source(%arg4 : memref<640x32xf32, #tpu.memory_space<hbm>>) target(%dma_start3A_27 : memref<640x32xf32, #tpu.memory_space<vmem_shared>>) target_semaphore(%run_scoped3A : memref<!tpu.dma_semaphore, #tpu.memory_space<semaphore_mem>>)
      %dma_wait3A = arith.constant 0 : i32
      %dma_wait3A_28 = tpu.memref_slice %arg9[%mul3A_2, %dma_wait3A] : memref<10240x32xf32, #tpu.memory_space<vmem_shared>> -> memref<640x32xf32, #tpu.memory_space<vmem_shared>>
      tpu.wait_dma2 semaphore(%run_scoped3A : memref<!tpu.dma_semaphore, #tpu.memory_space<semaphore_mem>>) src(%arg4 : memref<640x32xf32, #tpu.memory_space<hbm>>) dst(%dma_wait3A_28 : memref<640x32xf32, #tpu.memory_space<vmem_shared>>)
      tpu.yield
    }) : () -> ()
    %barrier3A = arith.constant 0 : index
    tpu.barrier barrier_id(%barrier3A)
    "tpu.region"() ({
      %run_scoped3A = tpu.sem_alloc : memref<!tpu.dma_semaphore, #tpu.memory_space<semaphore_mem>>
      %dma_start3A_26 = arith.constant 0 : i32
      %dma_start3A_27 = arith.constant 0 : i32
      %dma_start3A_28 = tpu.memref_slice %arg3[%add3A, %dma_start3A_26, %dma_start3A_27] : memref<32x20x128xi32, #tpu.memory_space<hbm>> -> memref<1x20x128xi32, #tpu.memory_space<hbm>>
      %dma_start3A_29 = tpu.memref_squeeze %dma_start3A_28 : memref<1x20x128xi32, #tpu.memory_space<hbm>> -> memref<20x128xi32, #tpu.memory_space<hbm>>
      %dma_start3A_30 = arith.constant 0 : i32
      %dma_start3A_31 = arith.constant 0 : i32
      %dma_start3A_32 = tpu.memref_slice %arg3[%add3A, %dma_start3A_30, %dma_start3A_31] : memref<32x20x128xi32, #tpu.memory_space<hbm>> -> memref<1x20x128xi32, #tpu.memory_space<hbm>>
      %dma_start3A_33 = tpu.memref_squeeze %dma_start3A_32 : memref<1x20x128xi32, #tpu.memory_space<hbm>> -> memref<20x128xi32, #tpu.memory_space<hbm>>
      tpu.enqueue_dma source(%dma_start3A_33 : memref<20x128xi32, #tpu.memory_space<hbm>>) target(%arg6 : memref<20x128xi32, #tpu.memory_space<vmem>>) target_semaphore(%run_scoped3A : memref<!tpu.dma_semaphore, #tpu.memory_space<semaphore_mem>>)
      %dma_wait3A = arith.constant 0 : i32
      %dma_wait3A_34 = arith.constant 0 : i32
      %dma_wait3A_35 = tpu.memref_slice %arg3[%add3A, %dma_wait3A, %dma_wait3A_34] : memref<32x20x128xi32, #tpu.memory_space<hbm>> -> memref<1x20x128xi32, #tpu.memory_space<hbm>>
      %dma_wait3A_36 = tpu.memref_squeeze %dma_wait3A_35 : memref<1x20x128xi32, #tpu.memory_space<hbm>> -> memref<20x128xi32, #tpu.memory_space<hbm>>
      %dma_wait3A_37 = arith.constant 0 : i32
      %dma_wait3A_38 = arith.constant 0 : i32
      %dma_wait3A_39 = tpu.memref_slice %arg3[%add3A, %dma_wait3A_37, %dma_wait3A_38] : memref<32x20x128xi32, #tpu.memory_space<hbm>> -> memref<1x20x128xi32, #tpu.memory_space<hbm>>
      %dma_wait3A_40 = tpu.memref_squeeze %dma_wait3A_39 : memref<1x20x128xi32, #tpu.memory_space<hbm>> -> memref<20x128xi32, #tpu.memory_space<hbm>>
      tpu.wait_dma2 semaphore(%run_scoped3A : memref<!tpu.dma_semaphore, #tpu.memory_space<semaphore_mem>>) src(%dma_wait3A_40 : memref<20x128xi32, #tpu.memory_space<hbm>>) dst(%arg6 : memref<20x128xi32, #tpu.memory_space<vmem>>)
      tpu.yield
    }) : () -> ()
    %mul3A_3 = arith.constant 20 : i32
    %mul3A_4 = arith.muli %add3A, %mul3A_3 : i32
    %mul3A_5 = arith.constant 128 : i32
    %mul3A_6 = arith.muli %mul3A_4, %mul3A_5 : i32
    %dma_start3A = arith.constant 0 : i32
    %dma_start3A_7 = tpu.memref_slice %arg2[%mul3A_6, %dma_start3A] : memref<81920x32xf32, #tpu.memory_space<hbm>> -> memref<128x32xf32, #tpu.memory_space<hbm>>
    %dma_start3A_8 = arith.constant 0 : i32
    %dma_start3A_9 = tpu.memref_slice %arg2[%mul3A_6, %dma_start3A_8] : memref<81920x32xf32, #tpu.memory_space<hbm>> -> memref<128x32xf32, #tpu.memory_space<hbm>>
    tpu.enqueue_dma source(%dma_start3A_9 : memref<128x32xf32, #tpu.memory_space<hbm>>) target(%arg7 : memref<128x32xf32, #tpu.memory_space<vmem>>) target_semaphore(%arg10 : memref<!tpu.dma_semaphore, #tpu.memory_space<semaphore_mem>>)
    %add3A_10 = arith.constant 128 : i32
    %add3A_11 = arith.addi %mul3A_6, %add3A_10 : i32
    %dma_start3A_12 = arith.constant 0 : i32
    %dma_start3A_13 = tpu.memref_slice %arg2[%add3A_11, %dma_start3A_12] : memref<81920x32xf32, #tpu.memory_space<hbm>> -> memref<128x32xf32, #tpu.memory_space<hbm>>
    %dma_start3A_14 = arith.constant 0 : i32
    %dma_start3A_15 = tpu.memref_slice %arg2[%add3A_11, %dma_start3A_14] : memref<81920x32xf32, #tpu.memory_space<hbm>> -> memref<128x32xf32, #tpu.memory_space<hbm>>
    tpu.enqueue_dma source(%dma_start3A_15 : memref<128x32xf32, #tpu.memory_space<hbm>>) target(%arg8 : memref<128x32xf32, #tpu.memory_space<vmem>>) target_semaphore(%arg11 : memref<!tpu.dma_semaphore, #tpu.memory_space<semaphore_mem>>)
    %scan3A = arith.constant 0 : i32
    %scan3A_16 = arith.constant 0 : i32
    %scan3A_17 = arith.constant 10 : i32
    %scan3A_18 = arith.addi %scan3A_16, %scan3A_17 : i32
    %scan3A_19 = arith.constant 1 : i32
    scf.for %scan3A_26 = %scan3A_16 to %scan3A_18 step %scan3A_19  : i32 {
      %mul3A_27 = arith.constant 2 : i32
      %mul3A_28 = arith.muli %mul3A_27, %scan3A_26 : i32
      %add3A_29 = arith.constant 0 : i32
      %add3A_30 = arith.addi %mul3A_28, %add3A_29 : i32
      %mul3A_31 = arith.constant 128 : i32
      %mul3A_32 = arith.muli %add3A_30, %mul3A_31 : i32
      %add3A_33 = arith.addi %mul3A_6, %mul3A_32 : i32
      %dma_wait3A = arith.constant 0 : i32
      %dma_wait3A_34 = tpu.memref_slice %arg2[%add3A_33, %dma_wait3A] : memref<81920x32xf32, #tpu.memory_space<hbm>> -> memref<128x32xf32, #tpu.memory_space<hbm>>
      %dma_wait3A_35 = arith.constant 0 : i32
      %dma_wait3A_36 = tpu.memref_slice %arg2[%add3A_33, %dma_wait3A_35] : memref<81920x32xf32, #tpu.memory_space<hbm>> -> memref<128x32xf32, #tpu.memory_space<hbm>>
      tpu.wait_dma2 semaphore(%arg10 : memref<!tpu.dma_semaphore, #tpu.memory_space<semaphore_mem>>) src(%dma_wait3A_36 : memref<128x32xf32, #tpu.memory_space<hbm>>) dst(%arg7 : memref<128x32xf32, #tpu.memory_space<vmem>>)
      "tpu.region"() ({
        %run_scoped3A = tpu.sem_alloc : memref<!tpu.dma_semaphore, #tpu.memory_space<semaphore_mem>>
        %dma_start3A_59 = arith.constant 0 : i32
        %dma_start3A_60 = tpu.memref_slice %arg6[%add3A_30, %dma_start3A_59] : memref<20x128xi32, #tpu.memory_space<vmem>> -> memref<1x128xi32, #tpu.memory_space<vmem>>
        %dma_start3A_61 = tpu.memref_squeeze %dma_start3A_60 : memref<1x128xi32, #tpu.memory_space<vmem>> -> memref<128xi32, #tpu.memory_space<vmem>>
        %dma_start3A_62 = arith.constant 0 : i32
        %dma_start3A_63 = arith.constant 0 : i32
        %dma_start3A_64 = tpu.memref_slice %arg9[%dma_start3A_62, %dma_start3A_63] : memref<10240x32xf32, #tpu.memory_space<vmem_shared>> -> memref<10240x32xf32, #tpu.memory_space<vmem_shared>>
        tpu.enqueue_indirect_dma source(%arg7 : memref<128x32xf32, #tpu.memory_space<vmem>>) target(%dma_start3A_64 : memref<10240x32xf32, #tpu.memory_space<vmem_shared>>) offsets(%dma_start3A_61 : memref<128xi32, #tpu.memory_space<vmem>>) semaphore(%run_scoped3A : memref<!tpu.dma_semaphore, #tpu.memory_space<semaphore_mem>>) {add = true}
        %dma_wait3A_65 = arith.constant 0 : i32
        %dma_wait3A_66 = tpu.memref_slice %arg6[%add3A_30, %dma_wait3A_65] : memref<20x128xi32, #tpu.memory_space<vmem>> -> memref<1x128xi32, #tpu.memory_space<vmem>>
        %dma_wait3A_67 = tpu.memref_squeeze %dma_wait3A_66 : memref<1x128xi32, #tpu.memory_space<vmem>> -> memref<128xi32, #tpu.memory_space<vmem>>
        %dma_wait3A_68 = arith.constant 0 : i32
        %dma_wait3A_69 = arith.constant 0 : i32
        %dma_wait3A_70 = tpu.memref_slice %arg9[%dma_wait3A_68, %dma_wait3A_69] : memref<10240x32xf32, #tpu.memory_space<vmem_shared>> -> memref<10240x32xf32, #tpu.memory_space<vmem_shared>>
        tpu.wait_indirect_dma semaphore(%run_scoped3A : memref<!tpu.dma_semaphore, #tpu.memory_space<semaphore_mem>>) src(%arg7 : memref<128x32xf32, #tpu.memory_space<vmem>>) dst(%dma_wait3A_70 : memref<10240x32xf32, #tpu.memory_space<vmem_shared>>)
        tpu.yield
      }) : () -> ()
      %add3A_37 = arith.constant 2 : i32
      %add3A_38 = arith.addi %add3A_30, %add3A_37 : i32
      %lt3A = arith.constant 20 : i32
      %lt3A_39 = arith.cmpi slt, %add3A_38, %lt3A : i32
      %convert_element_type3A = arith.extui %lt3A_39 : i1 to i32
      %cond3A = arith.constant 0 : i32
      %cond3A_40 = arith.cmpi ne, %convert_element_type3A, %cond3A : i32
      scf.if %cond3A_40 {
        %add3A_59 = arith.constant 2 : i32
        %add3A_60 = arith.addi %add3A_30, %add3A_59 : i32
        %mul3A_61 = arith.constant 128 : i32
        %mul3A_62 = arith.muli %add3A_60, %mul3A_61 : i32
        %add3A_63 = arith.addi %mul3A_6, %mul3A_62 : i32
        %dma_start3A_64 = arith.constant 0 : i32
        %dma_start3A_65 = tpu.memref_slice %arg2[%add3A_63, %dma_start3A_64] : memref<81920x32xf32, #tpu.memory_space<hbm>> -> memref<128x32xf32, #tpu.memory_space<hbm>>
        %dma_start3A_66 = arith.constant 0 : i32
        %dma_start3A_67 = tpu.memref_slice %arg2[%add3A_63, %dma_start3A_66] : memref<81920x32xf32, #tpu.memory_space<hbm>> -> memref<128x32xf32, #tpu.memory_space<hbm>>
        tpu.enqueue_dma source(%dma_start3A_67 : memref<128x32xf32, #tpu.memory_space<hbm>>) target(%arg7 : memref<128x32xf32, #tpu.memory_space<vmem>>) target_semaphore(%arg10 : memref<!tpu.dma_semaphore, #tpu.memory_space<semaphore_mem>>)
      } else {
      }
      %mul3A_41 = arith.constant 2 : i32
      %mul3A_42 = arith.muli %mul3A_41, %scan3A_26 : i32
      %add3A_43 = arith.constant 1 : i32
      %add3A_44 = arith.addi %mul3A_42, %add3A_43 : i32
      %mul3A_45 = arith.constant 128 : i32
      %mul3A_46 = arith.muli %add3A_44, %mul3A_45 : i32
      %add3A_47 = arith.addi %mul3A_6, %mul3A_46 : i32
      %dma_wait3A_48 = arith.constant 0 : i32
      %dma_wait3A_49 = tpu.memref_slice %arg2[%add3A_47, %dma_wait3A_48] : memref<81920x32xf32, #tpu.memory_space<hbm>> -> memref<128x32xf32, #tpu.memory_space<hbm>>
      %dma_wait3A_50 = arith.constant 0 : i32
      %dma_wait3A_51 = tpu.memref_slice %arg2[%add3A_47, %dma_wait3A_50] : memref<81920x32xf32, #tpu.memory_space<hbm>> -> memref<128x32xf32, #tpu.memory_space<hbm>>
      tpu.wait_dma2 semaphore(%arg11 : memref<!tpu.dma_semaphore, #tpu.memory_space<semaphore_mem>>) src(%dma_wait3A_51 : memref<128x32xf32, #tpu.memory_space<hbm>>) dst(%arg8 : memref<128x32xf32, #tpu.memory_space<vmem>>)
      "tpu.region"() ({
        %run_scoped3A = tpu.sem_alloc : memref<!tpu.dma_semaphore, #tpu.memory_space<semaphore_mem>>
        %dma_start3A_59 = arith.constant 0 : i32
        %dma_start3A_60 = tpu.memref_slice %arg6[%add3A_44, %dma_start3A_59] : memref<20x128xi32, #tpu.memory_space<vmem>> -> memref<1x128xi32, #tpu.memory_space<vmem>>
        %dma_start3A_61 = tpu.memref_squeeze %dma_start3A_60 : memref<1x128xi32, #tpu.memory_space<vmem>> -> memref<128xi32, #tpu.memory_space<vmem>>
        %dma_start3A_62 = arith.constant 0 : i32
        %dma_start3A_63 = arith.constant 0 : i32
        %dma_start3A_64 = tpu.memref_slice %arg9[%dma_start3A_62, %dma_start3A_63] : memref<10240x32xf32, #tpu.memory_space<vmem_shared>> -> memref<10240x32xf32, #tpu.memory_space<vmem_shared>>
        tpu.enqueue_indirect_dma source(%arg8 : memref<128x32xf32, #tpu.memory_space<vmem>>) target(%dma_start3A_64 : memref<10240x32xf32, #tpu.memory_space<vmem_shared>>) offsets(%dma_start3A_61 : memref<128xi32, #tpu.memory_space<vmem>>) semaphore(%run_scoped3A : memref<!tpu.dma_semaphore, #tpu.memory_space<semaphore_mem>>) {add = true}
        %dma_wait3A_65 = arith.constant 0 : i32
        %dma_wait3A_66 = tpu.memref_slice %arg6[%add3A_44, %dma_wait3A_65] : memref<20x128xi32, #tpu.memory_space<vmem>> -> memref<1x128xi32, #tpu.memory_space<vmem>>
        %dma_wait3A_67 = tpu.memref_squeeze %dma_wait3A_66 : memref<1x128xi32, #tpu.memory_space<vmem>> -> memref<128xi32, #tpu.memory_space<vmem>>
        %dma_wait3A_68 = arith.constant 0 : i32
        %dma_wait3A_69 = arith.constant 0 : i32
        %dma_wait3A_70 = tpu.memref_slice %arg9[%dma_wait3A_68, %dma_wait3A_69] : memref<10240x32xf32, #tpu.memory_space<vmem_shared>> -> memref<10240x32xf32, #tpu.memory_space<vmem_shared>>
        tpu.wait_indirect_dma semaphore(%run_scoped3A : memref<!tpu.dma_semaphore, #tpu.memory_space<semaphore_mem>>) src(%arg8 : memref<128x32xf32, #tpu.memory_space<vmem>>) dst(%dma_wait3A_70 : memref<10240x32xf32, #tpu.memory_space<vmem_shared>>)
        tpu.yield
      }) : () -> ()
      %add3A_52 = arith.constant 2 : i32
      %add3A_53 = arith.addi %add3A_44, %add3A_52 : i32
      %lt3A_54 = arith.constant 20 : i32
      %lt3A_55 = arith.cmpi slt, %add3A_53, %lt3A_54 : i32
      %convert_element_type3A_56 = arith.extui %lt3A_55 : i1 to i32
      %cond3A_57 = arith.constant 0 : i32
      %cond3A_58 = arith.cmpi ne, %convert_element_type3A_56, %cond3A_57 : i32
      scf.if %cond3A_58 {
        %add3A_59 = arith.constant 2 : i32
        %add3A_60 = arith.addi %add3A_44, %add3A_59 : i32
        %mul3A_61 = arith.constant 128 : i32
        %mul3A_62 = arith.muli %add3A_60, %mul3A_61 : i32
        %add3A_63 = arith.addi %mul3A_6, %mul3A_62 : i32
        %dma_start3A_64 = arith.constant 0 : i32
        %dma_start3A_65 = tpu.memref_slice %arg2[%add3A_63, %dma_start3A_64] : memref<81920x32xf32, #tpu.memory_space<hbm>> -> memref<128x32xf32, #tpu.memory_space<hbm>>
        %dma_start3A_66 = arith.constant 0 : i32
        %dma_start3A_67 = tpu.memref_slice %arg2[%add3A_63, %dma_start3A_66] : memref<81920x32xf32, #tpu.memory_space<hbm>> -> memref<128x32xf32, #tpu.memory_space<hbm>>
        tpu.enqueue_dma source(%dma_start3A_67 : memref<128x32xf32, #tpu.memory_space<hbm>>) target(%arg8 : memref<128x32xf32, #tpu.memory_space<vmem>>) target_semaphore(%arg11 : memref<!tpu.dma_semaphore, #tpu.memory_space<semaphore_mem>>)
      } else {
      }
    }
    %scan3A_20 = arith.constant 10 : i32
    %barrier3A_21 = arith.constant 0 : index
    tpu.barrier barrier_id(%barrier3A_21)
    %mul3A_22 = arith.constant 640 : i32
    %mul3A_23 = arith.muli %arg1, %mul3A_22 : i32
    %mul3A_24 = arith.constant 640 : i32
    %mul3A_25 = arith.muli %arg1, %mul3A_24 : i32
    "tpu.region"() ({
      %run_scoped3A = tpu.sem_alloc : memref<!tpu.dma_semaphore, #tpu.memory_space<semaphore_mem>>
      %dma_start3A_26 = arith.constant 0 : i32
      %dma_start3A_27 = tpu.memref_slice %arg5[%arg0, %mul3A_25, %dma_start3A_26] : memref<2x10240x32xf32, #tpu.memory_space<hbm>> -> memref<1x640x32xf32, #tpu.memory_space<hbm>>
      %dma_start3A_28 = tpu.memref_squeeze %dma_start3A_27 : memref<1x640x32xf32, #tpu.memory_space<hbm>> -> memref<640x32xf32, #tpu.memory_space<hbm>>
      %dma_start3A_29 = arith.constant 0 : i32
      %dma_start3A_30 = tpu.memref_slice %arg9[%mul3A_23, %dma_start3A_29] : memref<10240x32xf32, #tpu.memory_space<vmem_shared>> -> memref<640x32xf32, #tpu.memory_space<vmem_shared>>
      tpu.enqueue_dma source(%dma_start3A_30 : memref<640x32xf32, #tpu.memory_space<vmem_shared>>) target(%dma_start3A_28 : memref<640x32xf32, #tpu.memory_space<hbm>>) target_semaphore(%run_scoped3A : memref<!tpu.dma_semaphore, #tpu.memory_space<semaphore_mem>>)
      %dma_wait3A = arith.constant 0 : i32
      %dma_wait3A_31 = tpu.memref_slice %arg5[%arg0, %mul3A_25, %dma_wait3A] : memref<2x10240x32xf32, #tpu.memory_space<hbm>> -> memref<1x640x32xf32, #tpu.memory_space<hbm>>
      %dma_wait3A_32 = tpu.memref_squeeze %dma_wait3A_31 : memref<1x640x32xf32, #tpu.memory_space<hbm>> -> memref<640x32xf32, #tpu.memory_space<hbm>>
      %dma_wait3A_33 = arith.constant 0 : i32
      %dma_wait3A_34 = tpu.memref_slice %arg9[%mul3A_23, %dma_wait3A_33] : memref<10240x32xf32, #tpu.memory_space<vmem_shared>> -> memref<640x32xf32, #tpu.memory_space<vmem_shared>>
      tpu.wait_dma2 semaphore(%run_scoped3A : memref<!tpu.dma_semaphore, #tpu.memory_space<semaphore_mem>>) src(%dma_wait3A_34 : memref<640x32xf32, #tpu.memory_space<vmem_shared>>) dst(%dma_wait3A_32 : memref<640x32xf32, #tpu.memory_space<hbm>>)
      tpu.yield
    }) : () -> ()
    return
  }
}

#map = affine_map<(d0, d1) -> (0, 0)>
#map1 = affine_map<(d0, d1) -> (0, 0, 0)>
module attributes {stable_mosaic.version = 14 : i64} {
  func.func @body(%arg0: i32, %arg1: i32, %arg2: memref<10000x32xf32, #tpu.memory_space<hbm>>, %arg3: memref<32x20x128xi32, #tpu.memory_space<hbm>>, %arg4: memref<81920x32xf32, #tpu.memory_space<hbm>>, %arg5: memref<20x128xi32, #tpu.memory_space<vmem>>, %arg6: memref<128x32xf32, #tpu.memory_space<vmem>>, %arg7: memref<128x32xf32, #tpu.memory_space<vmem>>, %arg8: memref<!tpu.dma_semaphore, #tpu.memory_space<semaphore_mem>>, %arg9: memref<!tpu.dma_semaphore, #tpu.memory_space<semaphore_mem>>) attributes {dimension_semantics = [#tpu.dimension_semantics<core_parallel>, #tpu.dimension_semantics<subcore_parallel>], iteration_bounds = array<i64: 2, 16>, scalar_prefetch = 0 : i64, scratch_operands = 5 : i64, tpu.core_type = #tpu.core_type<sc_vector_subcore>, window_params = [{transform_indices = #map}, {transform_indices = #map1}, {transform_indices = #map}]} {
    %mul3A = arith.constant 2 : i32
    %mul3A_0 = arith.muli %arg1, %mul3A : i32
    %add3A = arith.addi %mul3A_0, %arg0 : i32
    "tpu.region"() ({
      %run_scoped3A = tpu.sem_alloc : memref<!tpu.dma_semaphore, #tpu.memory_space<semaphore_mem>>
      %dma_start3A_23 = arith.constant 0 : i32
      %dma_start3A_24 = arith.constant 0 : i32
      %dma_start3A_25 = tpu.memref_slice %arg3[%add3A, %dma_start3A_23, %dma_start3A_24] : memref<32x20x128xi32, #tpu.memory_space<hbm>> -> memref<1x20x128xi32, #tpu.memory_space<hbm>>
      %dma_start3A_26 = tpu.memref_squeeze %dma_start3A_25 : memref<1x20x128xi32, #tpu.memory_space<hbm>> -> memref<20x128xi32, #tpu.memory_space<hbm>>
      %dma_start3A_27 = arith.constant 0 : i32
      %dma_start3A_28 = arith.constant 0 : i32
      %dma_start3A_29 = tpu.memref_slice %arg3[%add3A, %dma_start3A_27, %dma_start3A_28] : memref<32x20x128xi32, #tpu.memory_space<hbm>> -> memref<1x20x128xi32, #tpu.memory_space<hbm>>
      %dma_start3A_30 = tpu.memref_squeeze %dma_start3A_29 : memref<1x20x128xi32, #tpu.memory_space<hbm>> -> memref<20x128xi32, #tpu.memory_space<hbm>>
      tpu.enqueue_dma source(%dma_start3A_30 : memref<20x128xi32, #tpu.memory_space<hbm>>) target(%arg5 : memref<20x128xi32, #tpu.memory_space<vmem>>) target_semaphore(%run_scoped3A : memref<!tpu.dma_semaphore, #tpu.memory_space<semaphore_mem>>)
      %dma_wait3A = arith.constant 0 : i32
      %dma_wait3A_31 = arith.constant 0 : i32
      %dma_wait3A_32 = tpu.memref_slice %arg3[%add3A, %dma_wait3A, %dma_wait3A_31] : memref<32x20x128xi32, #tpu.memory_space<hbm>> -> memref<1x20x128xi32, #tpu.memory_space<hbm>>
      %dma_wait3A_33 = tpu.memref_squeeze %dma_wait3A_32 : memref<1x20x128xi32, #tpu.memory_space<hbm>> -> memref<20x128xi32, #tpu.memory_space<hbm>>
      %dma_wait3A_34 = arith.constant 0 : i32
      %dma_wait3A_35 = arith.constant 0 : i32
      %dma_wait3A_36 = tpu.memref_slice %arg3[%add3A, %dma_wait3A_34, %dma_wait3A_35] : memref<32x20x128xi32, #tpu.memory_space<hbm>> -> memref<1x20x128xi32, #tpu.memory_space<hbm>>
      %dma_wait3A_37 = tpu.memref_squeeze %dma_wait3A_36 : memref<1x20x128xi32, #tpu.memory_space<hbm>> -> memref<20x128xi32, #tpu.memory_space<hbm>>
      tpu.wait_dma2 semaphore(%run_scoped3A : memref<!tpu.dma_semaphore, #tpu.memory_space<semaphore_mem>>) src(%dma_wait3A_37 : memref<20x128xi32, #tpu.memory_space<hbm>>) dst(%arg5 : memref<20x128xi32, #tpu.memory_space<vmem>>)
      tpu.yield
    }) : () -> ()
    %mul3A_1 = arith.constant 20 : i32
    %mul3A_2 = arith.muli %add3A, %mul3A_1 : i32
    %mul3A_3 = arith.constant 128 : i32
    %mul3A_4 = arith.muli %mul3A_2, %mul3A_3 : i32
    %dma_start3A = arith.constant 0 : i32
    %dma_start3A_5 = arith.constant 0 : i32
    %dma_start3A_6 = tpu.memref_slice %arg5[%dma_start3A, %dma_start3A_5] : memref<20x128xi32, #tpu.memory_space<vmem>> -> memref<1x128xi32, #tpu.memory_space<vmem>>
    %dma_start3A_7 = tpu.memref_squeeze %dma_start3A_6 : memref<1x128xi32, #tpu.memory_space<vmem>> -> memref<128xi32, #tpu.memory_space<vmem>>
    %dma_start3A_8 = arith.constant 0 : i32
    %dma_start3A_9 = arith.constant 0 : i32
    %dma_start3A_10 = tpu.memref_slice %arg2[%dma_start3A_8, %dma_start3A_9] : memref<10000x32xf32, #tpu.memory_space<hbm>> -> memref<10000x32xf32, #tpu.memory_space<hbm>>
    tpu.enqueue_indirect_dma source(%dma_start3A_10 : memref<10000x32xf32, #tpu.memory_space<hbm>>) target(%arg6 : memref<128x32xf32, #tpu.memory_space<vmem>>) offsets(%dma_start3A_7 : memref<128xi32, #tpu.memory_space<vmem>>) semaphore(%arg8 : memref<!tpu.dma_semaphore, #tpu.memory_space<semaphore_mem>>)
    %dma_start3A_11 = arith.constant 1 : i32
    %dma_start3A_12 = arith.constant 0 : i32
    %dma_start3A_13 = tpu.memref_slice %arg5[%dma_start3A_11, %dma_start3A_12] : memref<20x128xi32, #tpu.memory_space<vmem>> -> memref<1x128xi32, #tpu.memory_space<vmem>>
    %dma_start3A_14 = tpu.memref_squeeze %dma_start3A_13 : memref<1x128xi32, #tpu.memory_space<vmem>> -> memref<128xi32, #tpu.memory_space<vmem>>
    %dma_start3A_15 = arith.constant 0 : i32
    %dma_start3A_16 = arith.constant 0 : i32
    %dma_start3A_17 = tpu.memref_slice %arg2[%dma_start3A_15, %dma_start3A_16] : memref<10000x32xf32, #tpu.memory_space<hbm>> -> memref<10000x32xf32, #tpu.memory_space<hbm>>
    tpu.enqueue_indirect_dma source(%dma_start3A_17 : memref<10000x32xf32, #tpu.memory_space<hbm>>) target(%arg7 : memref<128x32xf32, #tpu.memory_space<vmem>>) offsets(%dma_start3A_14 : memref<128xi32, #tpu.memory_space<vmem>>) semaphore(%arg9 : memref<!tpu.dma_semaphore, #tpu.memory_space<semaphore_mem>>)
    %scan3A = arith.constant 0 : i32
    %scan3A_18 = arith.constant 0 : i32
    %scan3A_19 = arith.constant 10 : i32
    %scan3A_20 = arith.addi %scan3A_18, %scan3A_19 : i32
    %scan3A_21 = arith.constant 1 : i32
    scf.for %scan3A_23 = %scan3A_18 to %scan3A_20 step %scan3A_21  : i32 {
      %mul3A_24 = arith.constant 2 : i32
      %mul3A_25 = arith.muli %mul3A_24, %scan3A_23 : i32
      %add3A_26 = arith.constant 0 : i32
      %add3A_27 = arith.addi %mul3A_25, %add3A_26 : i32
      %dma_wait3A = arith.constant 0 : i32
      %dma_wait3A_28 = tpu.memref_slice %arg5[%add3A_27, %dma_wait3A] : memref<20x128xi32, #tpu.memory_space<vmem>> -> memref<1x128xi32, #tpu.memory_space<vmem>>
      %dma_wait3A_29 = tpu.memref_squeeze %dma_wait3A_28 : memref<1x128xi32, #tpu.memory_space<vmem>> -> memref<128xi32, #tpu.memory_space<vmem>>
      %dma_wait3A_30 = arith.constant 0 : i32
      %dma_wait3A_31 = arith.constant 0 : i32
      %dma_wait3A_32 = tpu.memref_slice %arg2[%dma_wait3A_30, %dma_wait3A_31] : memref<10000x32xf32, #tpu.memory_space<hbm>> -> memref<10000x32xf32, #tpu.memory_space<hbm>>
      tpu.wait_indirect_dma semaphore(%arg8 : memref<!tpu.dma_semaphore, #tpu.memory_space<semaphore_mem>>) src(%dma_wait3A_32 : memref<10000x32xf32, #tpu.memory_space<hbm>>) dst(%arg6 : memref<128x32xf32, #tpu.memory_space<vmem>>)
      %mul3A_33 = arith.constant 128 : i32
      %mul3A_34 = arith.muli %add3A_27, %mul3A_33 : i32
      %add3A_35 = arith.addi %mul3A_4, %mul3A_34 : i32
      "tpu.region"() ({
        %run_scoped3A = tpu.sem_alloc : memref<!tpu.dma_semaphore, #tpu.memory_space<semaphore_mem>>
        %dma_start3A_60 = arith.constant 0 : i32
        %dma_start3A_61 = tpu.memref_slice %arg4[%add3A_35, %dma_start3A_60] : memref<81920x32xf32, #tpu.memory_space<hbm>> -> memref<128x32xf32, #tpu.memory_space<hbm>>
        %dma_start3A_62 = arith.constant 0 : i32
        %dma_start3A_63 = tpu.memref_slice %arg4[%add3A_35, %dma_start3A_62] : memref<81920x32xf32, #tpu.memory_space<hbm>> -> memref<128x32xf32, #tpu.memory_space<hbm>>
        tpu.enqueue_dma source(%arg6 : memref<128x32xf32, #tpu.memory_space<vmem>>) target(%dma_start3A_63 : memref<128x32xf32, #tpu.memory_space<hbm>>) target_semaphore(%run_scoped3A : memref<!tpu.dma_semaphore, #tpu.memory_space<semaphore_mem>>)
        %dma_wait3A_64 = arith.constant 0 : i32
        %dma_wait3A_65 = tpu.memref_slice %arg4[%add3A_35, %dma_wait3A_64] : memref<81920x32xf32, #tpu.memory_space<hbm>> -> memref<128x32xf32, #tpu.memory_space<hbm>>
        %dma_wait3A_66 = arith.constant 0 : i32
        %dma_wait3A_67 = tpu.memref_slice %arg4[%add3A_35, %dma_wait3A_66] : memref<81920x32xf32, #tpu.memory_space<hbm>> -> memref<128x32xf32, #tpu.memory_space<hbm>>
        tpu.wait_dma2 semaphore(%run_scoped3A : memref<!tpu.dma_semaphore, #tpu.memory_space<semaphore_mem>>) src(%arg6 : memref<128x32xf32, #tpu.memory_space<vmem>>) dst(%dma_wait3A_67 : memref<128x32xf32, #tpu.memory_space<hbm>>)
        tpu.yield
      }) : () -> ()
      %add3A_36 = arith.constant 2 : i32
      %add3A_37 = arith.addi %add3A_27, %add3A_36 : i32
      %lt3A = arith.constant 20 : i32
      %lt3A_38 = arith.cmpi slt, %add3A_37, %lt3A : i32
      %convert_element_type3A = arith.extui %lt3A_38 : i1 to i32
      %cond3A = arith.constant 0 : i32
      %cond3A_39 = arith.cmpi ne, %convert_element_type3A, %cond3A : i32
      scf.if %cond3A_39 {
        %add3A_60 = arith.constant 2 : i32
        %add3A_61 = arith.addi %add3A_27, %add3A_60 : i32
        %dma_start3A_62 = arith.constant 0 : i32
        %dma_start3A_63 = tpu.memref_slice %arg5[%add3A_61, %dma_start3A_62] : memref<20x128xi32, #tpu.memory_space<vmem>> -> memref<1x128xi32, #tpu.memory_space<vmem>>
        %dma_start3A_64 = tpu.memref_squeeze %dma_start3A_63 : memref<1x128xi32, #tpu.memory_space<vmem>> -> memref<128xi32, #tpu.memory_space<vmem>>
        %dma_start3A_65 = arith.constant 0 : i32
        %dma_start3A_66 = arith.constant 0 : i32
        %dma_start3A_67 = tpu.memref_slice %arg2[%dma_start3A_65, %dma_start3A_66] : memref<10000x32xf32, #tpu.memory_space<hbm>> -> memref<10000x32xf32, #tpu.memory_space<hbm>>
        tpu.enqueue_indirect_dma source(%dma_start3A_67 : memref<10000x32xf32, #tpu.memory_space<hbm>>) target(%arg6 : memref<128x32xf32, #tpu.memory_space<vmem>>) offsets(%dma_start3A_64 : memref<128xi32, #tpu.memory_space<vmem>>) semaphore(%arg8 : memref<!tpu.dma_semaphore, #tpu.memory_space<semaphore_mem>>)
      } else {
      }
      %mul3A_40 = arith.constant 2 : i32
      %mul3A_41 = arith.muli %mul3A_40, %scan3A_23 : i32
      %add3A_42 = arith.constant 1 : i32
      %add3A_43 = arith.addi %mul3A_41, %add3A_42 : i32
      %dma_wait3A_44 = arith.constant 0 : i32
      %dma_wait3A_45 = tpu.memref_slice %arg5[%add3A_43, %dma_wait3A_44] : memref<20x128xi32, #tpu.memory_space<vmem>> -> memref<1x128xi32, #tpu.memory_space<vmem>>
      %dma_wait3A_46 = tpu.memref_squeeze %dma_wait3A_45 : memref<1x128xi32, #tpu.memory_space<vmem>> -> memref<128xi32, #tpu.memory_space<vmem>>
      %dma_wait3A_47 = arith.constant 0 : i32
      %dma_wait3A_48 = arith.constant 0 : i32
      %dma_wait3A_49 = tpu.memref_slice %arg2[%dma_wait3A_47, %dma_wait3A_48] : memref<10000x32xf32, #tpu.memory_space<hbm>> -> memref<10000x32xf32, #tpu.memory_space<hbm>>
      tpu.wait_indirect_dma semaphore(%arg9 : memref<!tpu.dma_semaphore, #tpu.memory_space<semaphore_mem>>) src(%dma_wait3A_49 : memref<10000x32xf32, #tpu.memory_space<hbm>>) dst(%arg7 : memref<128x32xf32, #tpu.memory_space<vmem>>)
      %mul3A_50 = arith.constant 128 : i32
      %mul3A_51 = arith.muli %add3A_43, %mul3A_50 : i32
      %add3A_52 = arith.addi %mul3A_4, %mul3A_51 : i32
      "tpu.region"() ({
        %run_scoped3A = tpu.sem_alloc : memref<!tpu.dma_semaphore, #tpu.memory_space<semaphore_mem>>
        %dma_start3A_60 = arith.constant 0 : i32
        %dma_start3A_61 = tpu.memref_slice %arg4[%add3A_52, %dma_start3A_60] : memref<81920x32xf32, #tpu.memory_space<hbm>> -> memref<128x32xf32, #tpu.memory_space<hbm>>
        %dma_start3A_62 = arith.constant 0 : i32
        %dma_start3A_63 = tpu.memref_slice %arg4[%add3A_52, %dma_start3A_62] : memref<81920x32xf32, #tpu.memory_space<hbm>> -> memref<128x32xf32, #tpu.memory_space<hbm>>
        tpu.enqueue_dma source(%arg7 : memref<128x32xf32, #tpu.memory_space<vmem>>) target(%dma_start3A_63 : memref<128x32xf32, #tpu.memory_space<hbm>>) target_semaphore(%run_scoped3A : memref<!tpu.dma_semaphore, #tpu.memory_space<semaphore_mem>>)
        %dma_wait3A_64 = arith.constant 0 : i32
        %dma_wait3A_65 = tpu.memref_slice %arg4[%add3A_52, %dma_wait3A_64] : memref<81920x32xf32, #tpu.memory_space<hbm>> -> memref<128x32xf32, #tpu.memory_space<hbm>>
        %dma_wait3A_66 = arith.constant 0 : i32
        %dma_wait3A_67 = tpu.memref_slice %arg4[%add3A_52, %dma_wait3A_66] : memref<81920x32xf32, #tpu.memory_space<hbm>> -> memref<128x32xf32, #tpu.memory_space<hbm>>
        tpu.wait_dma2 semaphore(%run_scoped3A : memref<!tpu.dma_semaphore, #tpu.memory_space<semaphore_mem>>) src(%arg7 : memref<128x32xf32, #tpu.memory_space<vmem>>) dst(%dma_wait3A_67 : memref<128x32xf32, #tpu.memory_space<hbm>>)
        tpu.yield
      }) : () -> ()
      %add3A_53 = arith.constant 2 : i32
      %add3A_54 = arith.addi %add3A_43, %add3A_53 : i32
      %lt3A_55 = arith.constant 20 : i32
      %lt3A_56 = arith.cmpi slt, %add3A_54, %lt3A_55 : i32
      %convert_element_type3A_57 = arith.extui %lt3A_56 : i1 to i32
      %cond3A_58 = arith.constant 0 : i32
      %cond3A_59 = arith.cmpi ne, %convert_element_type3A_57, %cond3A_58 : i32
      scf.if %cond3A_59 {
        %add3A_60 = arith.constant 2 : i32
        %add3A_61 = arith.addi %add3A_43, %add3A_60 : i32
        %dma_start3A_62 = arith.constant 0 : i32
        %dma_start3A_63 = tpu.memref_slice %arg5[%add3A_61, %dma_start3A_62] : memref<20x128xi32, #tpu.memory_space<vmem>> -> memref<1x128xi32, #tpu.memory_space<vmem>>
        %dma_start3A_64 = tpu.memref_squeeze %dma_start3A_63 : memref<1x128xi32, #tpu.memory_space<vmem>> -> memref<128xi32, #tpu.memory_space<vmem>>
        %dma_start3A_65 = arith.constant 0 : i32
        %dma_start3A_66 = arith.constant 0 : i32
        %dma_start3A_67 = tpu.memref_slice %arg2[%dma_start3A_65, %dma_start3A_66] : memref<10000x32xf32, #tpu.memory_space<hbm>> -> memref<10000x32xf32, #tpu.memory_space<hbm>>
        tpu.enqueue_indirect_dma source(%dma_start3A_67 : memref<10000x32xf32, #tpu.memory_space<hbm>>) target(%arg7 : memref<128x32xf32, #tpu.memory_space<vmem>>) offsets(%dma_start3A_64 : memref<128xi32, #tpu.memory_space<vmem>>) semaphore(%arg9 : memref<!tpu.dma_semaphore, #tpu.memory_space<semaphore_mem>>)
      } else {
      }
    }
    %scan3A_22 = arith.constant 10 : i32
    return
  }
}

#map = affine_map<(d0, d1) -> (0, 0)>
#map1 = affine_map<(d0, d1) -> (0, 0, 0)>
module attributes {stable_mosaic.version = 14 : i64} {
  func.func @body(%arg0: i32, %arg1: i32, %arg2: memref<10000x32xf32, #tpu.memory_space<hbm>>, %arg3: memref<32x20x128xi32, #tpu.memory_space<hbm>>, %arg4: memref<81920x32xf32, #tpu.memory_space<hbm>>, %arg5: memref<20x128xi32, #tpu.memory_space<vmem>>, %arg6: memref<128x32xf32, #tpu.memory_space<vmem>>, %arg7: memref<128x32xf32, #tpu.memory_space<vmem>>, %arg8: memref<!tpu.dma_semaphore, #tpu.memory_space<semaphore_mem>>, %arg9: memref<!tpu.dma_semaphore, #tpu.memory_space<semaphore_mem>>) attributes {dimension_semantics = [#tpu.dimension_semantics<core_parallel>, #tpu.dimension_semantics<subcore_parallel>], iteration_bounds = array<i64: 2, 16>, scalar_prefetch = 0 : i64, scratch_operands = 5 : i64, tpu.core_type = #tpu.core_type<sc_vector_subcore>, window_params = [{transform_indices = #map}, {transform_indices = #map1}, {transform_indices = #map}]} {
    %mul3A = arith.constant 2 : i32
    %mul3A_0 = arith.muli %arg1, %mul3A : i32
    %add3A = arith.addi %mul3A_0, %arg0 : i32
    "tpu.region"() ({
      %run_scoped3A = tpu.sem_alloc : memref<!tpu.dma_semaphore, #tpu.memory_space<semaphore_mem>>
      %dma_start3A_23 = arith.constant 0 : i32
      %dma_start3A_24 = arith.constant 0 : i32
      %dma_start3A_25 = tpu.memref_slice %arg3[%add3A, %dma_start3A_23, %dma_start3A_24] : memref<32x20x128xi32, #tpu.memory_space<hbm>> -> memref<1x20x128xi32, #tpu.memory_space<hbm>>
      %dma_start3A_26 = tpu.memref_squeeze %dma_start3A_25 : memref<1x20x128xi32, #tpu.memory_space<hbm>> -> memref<20x128xi32, #tpu.memory_space<hbm>>
      %dma_start3A_27 = arith.constant 0 : i32
      %dma_start3A_28 = arith.constant 0 : i32
      %dma_start3A_29 = tpu.memref_slice %arg3[%add3A, %dma_start3A_27, %dma_start3A_28] : memref<32x20x128xi32, #tpu.memory_space<hbm>> -> memref<1x20x128xi32, #tpu.memory_space<hbm>>
      %dma_start3A_30 = tpu.memref_squeeze %dma_start3A_29 : memref<1x20x128xi32, #tpu.memory_space<hbm>> -> memref<20x128xi32, #tpu.memory_space<hbm>>
      tpu.enqueue_dma source(%dma_start3A_30 : memref<20x128xi32, #tpu.memory_space<hbm>>) target(%arg5 : memref<20x128xi32, #tpu.memory_space<vmem>>) target_semaphore(%run_scoped3A : memref<!tpu.dma_semaphore, #tpu.memory_space<semaphore_mem>>)
      %dma_wait3A = arith.constant 0 : i32
      %dma_wait3A_31 = arith.constant 0 : i32
      %dma_wait3A_32 = tpu.memref_slice %arg3[%add3A, %dma_wait3A, %dma_wait3A_31] : memref<32x20x128xi32, #tpu.memory_space<hbm>> -> memref<1x20x128xi32, #tpu.memory_space<hbm>>
      %dma_wait3A_33 = tpu.memref_squeeze %dma_wait3A_32 : memref<1x20x128xi32, #tpu.memory_space<hbm>> -> memref<20x128xi32, #tpu.memory_space<hbm>>
      %dma_wait3A_34 = arith.constant 0 : i32
      %dma_wait3A_35 = arith.constant 0 : i32
      %dma_wait3A_36 = tpu.memref_slice %arg3[%add3A, %dma_wait3A_34, %dma_wait3A_35] : memref<32x20x128xi32, #tpu.memory_space<hbm>> -> memref<1x20x128xi32, #tpu.memory_space<hbm>>
      %dma_wait3A_37 = tpu.memref_squeeze %dma_wait3A_36 : memref<1x20x128xi32, #tpu.memory_space<hbm>> -> memref<20x128xi32, #tpu.memory_space<hbm>>
      tpu.wait_dma2 semaphore(%run_scoped3A : memref<!tpu.dma_semaphore, #tpu.memory_space<semaphore_mem>>) src(%dma_wait3A_37 : memref<20x128xi32, #tpu.memory_space<hbm>>) dst(%arg5 : memref<20x128xi32, #tpu.memory_space<vmem>>)
      tpu.yield
    }) : () -> ()
    %mul3A_1 = arith.constant 20 : i32
    %mul3A_2 = arith.muli %add3A, %mul3A_1 : i32
    %mul3A_3 = arith.constant 128 : i32
    %mul3A_4 = arith.muli %mul3A_2, %mul3A_3 : i32
    %dma_start3A = arith.constant 0 : i32
    %dma_start3A_5 = arith.constant 0 : i32
    %dma_start3A_6 = tpu.memref_slice %arg5[%dma_start3A, %dma_start3A_5] : memref<20x128xi32, #tpu.memory_space<vmem>> -> memref<1x128xi32, #tpu.memory_space<vmem>>
    %dma_start3A_7 = tpu.memref_squeeze %dma_start3A_6 : memref<1x128xi32, #tpu.memory_space<vmem>> -> memref<128xi32, #tpu.memory_space<vmem>>
    %dma_start3A_8 = arith.constant 0 : i32
    %dma_start3A_9 = arith.constant 0 : i32
    %dma_start3A_10 = tpu.memref_slice %arg2[%dma_start3A_8, %dma_start3A_9] : memref<10000x32xf32, #tpu.memory_space<hbm>> -> memref<10000x32xf32, #tpu.memory_space<hbm>>
    tpu.enqueue_indirect_dma source(%dma_start3A_10 : memref<10000x32xf32, #tpu.memory_space<hbm>>) target(%arg6 : memref<128x32xf32, #tpu.memory_space<vmem>>) offsets(%dma_start3A_7 : memref<128xi32, #tpu.memory_space<vmem>>) semaphore(%arg8 : memref<!tpu.dma_semaphore, #tpu.memory_space<semaphore_mem>>)
    %dma_start3A_11 = arith.constant 1 : i32
    %dma_start3A_12 = arith.constant 0 : i32
    %dma_start3A_13 = tpu.memref_slice %arg5[%dma_start3A_11, %dma_start3A_12] : memref<20x128xi32, #tpu.memory_space<vmem>> -> memref<1x128xi32, #tpu.memory_space<vmem>>
    %dma_start3A_14 = tpu.memref_squeeze %dma_start3A_13 : memref<1x128xi32, #tpu.memory_space<vmem>> -> memref<128xi32, #tpu.memory_space<vmem>>
    %dma_start3A_15 = arith.constant 0 : i32
    %dma_start3A_16 = arith.constant 0 : i32
    %dma_start3A_17 = tpu.memref_slice %arg2[%dma_start3A_15, %dma_start3A_16] : memref<10000x32xf32, #tpu.memory_space<hbm>> -> memref<10000x32xf32, #tpu.memory_space<hbm>>
    tpu.enqueue_indirect_dma source(%dma_start3A_17 : memref<10000x32xf32, #tpu.memory_space<hbm>>) target(%arg7 : memref<128x32xf32, #tpu.memory_space<vmem>>) offsets(%dma_start3A_14 : memref<128xi32, #tpu.memory_space<vmem>>) semaphore(%arg9 : memref<!tpu.dma_semaphore, #tpu.memory_space<semaphore_mem>>)
    %scan3A = arith.constant 0 : i32
    %scan3A_18 = arith.constant 0 : i32
    %scan3A_19 = arith.constant 10 : i32
    %scan3A_20 = arith.addi %scan3A_18, %scan3A_19 : i32
    %scan3A_21 = arith.constant 1 : i32
    scf.for %scan3A_23 = %scan3A_18 to %scan3A_20 step %scan3A_21  : i32 {
      %mul3A_24 = arith.constant 2 : i32
      %mul3A_25 = arith.muli %mul3A_24, %scan3A_23 : i32
      %add3A_26 = arith.constant 0 : i32
      %add3A_27 = arith.addi %mul3A_25, %add3A_26 : i32
      %dma_wait3A = arith.constant 0 : i32
      %dma_wait3A_28 = tpu.memref_slice %arg5[%add3A_27, %dma_wait3A] : memref<20x128xi32, #tpu.memory_space<vmem>> -> memref<1x128xi32, #tpu.memory_space<vmem>>
      %dma_wait3A_29 = tpu.memref_squeeze %dma_wait3A_28 : memref<1x128xi32, #tpu.memory_space<vmem>> -> memref<128xi32, #tpu.memory_space<vmem>>
      %dma_wait3A_30 = arith.constant 0 : i32
      %dma_wait3A_31 = arith.constant 0 : i32
      %dma_wait3A_32 = tpu.memref_slice %arg2[%dma_wait3A_30, %dma_wait3A_31] : memref<10000x32xf32, #tpu.memory_space<hbm>> -> memref<10000x32xf32, #tpu.memory_space<hbm>>
      tpu.wait_indirect_dma semaphore(%arg8 : memref<!tpu.dma_semaphore, #tpu.memory_space<semaphore_mem>>) src(%dma_wait3A_32 : memref<10000x32xf32, #tpu.memory_space<hbm>>) dst(%arg6 : memref<128x32xf32, #tpu.memory_space<vmem>>)
      %mul3A_33 = arith.constant 128 : i32
      %mul3A_34 = arith.muli %add3A_27, %mul3A_33 : i32
      %add3A_35 = arith.addi %mul3A_4, %mul3A_34 : i32
      "tpu.region"() ({
        %run_scoped3A = tpu.sem_alloc : memref<!tpu.dma_semaphore, #tpu.memory_space<semaphore_mem>>
        %dma_start3A_60 = arith.constant 0 : i32
        %dma_start3A_61 = tpu.memref_slice %arg4[%add3A_35, %dma_start3A_60] : memref<81920x32xf32, #tpu.memory_space<hbm>> -> memref<128x32xf32, #tpu.memory_space<hbm>>
        %dma_start3A_62 = arith.constant 0 : i32
        %dma_start3A_63 = tpu.memref_slice %arg4[%add3A_35, %dma_start3A_62] : memref<81920x32xf32, #tpu.memory_space<hbm>> -> memref<128x32xf32, #tpu.memory_space<hbm>>
        tpu.enqueue_dma source(%arg6 : memref<128x32xf32, #tpu.memory_space<vmem>>) target(%dma_start3A_63 : memref<128x32xf32, #tpu.memory_space<hbm>>) target_semaphore(%run_scoped3A : memref<!tpu.dma_semaphore, #tpu.memory_space<semaphore_mem>>)
        %dma_wait3A_64 = arith.constant 0 : i32
        %dma_wait3A_65 = tpu.memref_slice %arg4[%add3A_35, %dma_wait3A_64] : memref<81920x32xf32, #tpu.memory_space<hbm>> -> memref<128x32xf32, #tpu.memory_space<hbm>>
        %dma_wait3A_66 = arith.constant 0 : i32
        %dma_wait3A_67 = tpu.memref_slice %arg4[%add3A_35, %dma_wait3A_66] : memref<81920x32xf32, #tpu.memory_space<hbm>> -> memref<128x32xf32, #tpu.memory_space<hbm>>
        tpu.wait_dma2 semaphore(%run_scoped3A : memref<!tpu.dma_semaphore, #tpu.memory_space<semaphore_mem>>) src(%arg6 : memref<128x32xf32, #tpu.memory_space<vmem>>) dst(%dma_wait3A_67 : memref<128x32xf32, #tpu.memory_space<hbm>>)
        tpu.yield
      }) : () -> ()
      %add3A_36 = arith.constant 2 : i32
      %add3A_37 = arith.addi %add3A_27, %add3A_36 : i32
      %lt3A = arith.constant 20 : i32
      %lt3A_38 = arith.cmpi slt, %add3A_37, %lt3A : i32
      %convert_element_type3A = arith.extui %lt3A_38 : i1 to i32
      %cond3A = arith.constant 0 : i32
      %cond3A_39 = arith.cmpi ne, %convert_element_type3A, %cond3A : i32
      scf.if %cond3A_39 {
        %add3A_60 = arith.constant 2 : i32
        %add3A_61 = arith.addi %add3A_27, %add3A_60 : i32
        %dma_start3A_62 = arith.constant 0 : i32
        %dma_start3A_63 = tpu.memref_slice %arg5[%add3A_61, %dma_start3A_62] : memref<20x128xi32, #tpu.memory_space<vmem>> -> memref<1x128xi32, #tpu.memory_space<vmem>>
        %dma_start3A_64 = tpu.memref_squeeze %dma_start3A_63 : memref<1x128xi32, #tpu.memory_space<vmem>> -> memref<128xi32, #tpu.memory_space<vmem>>
        %dma_start3A_65 = arith.constant 0 : i32
        %dma_start3A_66 = arith.constant 0 : i32
        %dma_start3A_67 = tpu.memref_slice %arg2[%dma_start3A_65, %dma_start3A_66] : memref<10000x32xf32, #tpu.memory_space<hbm>> -> memref<10000x32xf32, #tpu.memory_space<hbm>>
        tpu.enqueue_indirect_dma source(%dma_start3A_67 : memref<10000x32xf32, #tpu.memory_space<hbm>>) target(%arg6 : memref<128x32xf32, #tpu.memory_space<vmem>>) offsets(%dma_start3A_64 : memref<128xi32, #tpu.memory_space<vmem>>) semaphore(%arg8 : memref<!tpu.dma_semaphore, #tpu.memory_space<semaphore_mem>>)
      } else {
      }
      %mul3A_40 = arith.constant 2 : i32
      %mul3A_41 = arith.muli %mul3A_40, %scan3A_23 : i32
      %add3A_42 = arith.constant 1 : i32
      %add3A_43 = arith.addi %mul3A_41, %add3A_42 : i32
      %dma_wait3A_44 = arith.constant 0 : i32
      %dma_wait3A_45 = tpu.memref_slice %arg5[%add3A_43, %dma_wait3A_44] : memref<20x128xi32, #tpu.memory_space<vmem>> -> memref<1x128xi32, #tpu.memory_space<vmem>>
      %dma_wait3A_46 = tpu.memref_squeeze %dma_wait3A_45 : memref<1x128xi32, #tpu.memory_space<vmem>> -> memref<128xi32, #tpu.memory_space<vmem>>
      %dma_wait3A_47 = arith.constant 0 : i32
      %dma_wait3A_48 = arith.constant 0 : i32
      %dma_wait3A_49 = tpu.memref_slice %arg2[%dma_wait3A_47, %dma_wait3A_48] : memref<10000x32xf32, #tpu.memory_space<hbm>> -> memref<10000x32xf32, #tpu.memory_space<hbm>>
      tpu.wait_indirect_dma semaphore(%arg9 : memref<!tpu.dma_semaphore, #tpu.memory_space<semaphore_mem>>) src(%dma_wait3A_49 : memref<10000x32xf32, #tpu.memory_space<hbm>>) dst(%arg7 : memref<128x32xf32, #tpu.memory_space<vmem>>)
      %mul3A_50 = arith.constant 128 : i32
      %mul3A_51 = arith.muli %add3A_43, %mul3A_50 : i32
      %add3A_52 = arith.addi %mul3A_4, %mul3A_51 : i32
      "tpu.region"() ({
        %run_scoped3A = tpu.sem_alloc : memref<!tpu.dma_semaphore, #tpu.memory_space<semaphore_mem>>
        %dma_start3A_60 = arith.constant 0 : i32
        %dma_start3A_61 = tpu.memref_slice %arg4[%add3A_52, %dma_start3A_60] : memref<81920x32xf32, #tpu.memory_space<hbm>> -> memref<128x32xf32, #tpu.memory_space<hbm>>
        %dma_start3A_62 = arith.constant 0 : i32
        %dma_start3A_63 = tpu.memref_slice %arg4[%add3A_52, %dma_start3A_62] : memref<81920x32xf32, #tpu.memory_space<hbm>> -> memref<128x32xf32, #tpu.memory_space<hbm>>
        tpu.enqueue_dma source(%arg7 : memref<128x32xf32, #tpu.memory_space<vmem>>) target(%dma_start3A_63 : memref<128x32xf32, #tpu.memory_space<hbm>>) target_semaphore(%run_scoped3A : memref<!tpu.dma_semaphore, #tpu.memory_space<semaphore_mem>>)
        %dma_wait3A_64 = arith.constant 0 : i32
        %dma_wait3A_65 = tpu.memref_slice %arg4[%add3A_52, %dma_wait3A_64] : memref<81920x32xf32, #tpu.memory_space<hbm>> -> memref<128x32xf32, #tpu.memory_space<hbm>>
        %dma_wait3A_66 = arith.constant 0 : i32
        %dma_wait3A_67 = tpu.memref_slice %arg4[%add3A_52, %dma_wait3A_66] : memref<81920x32xf32, #tpu.memory_space<hbm>> -> memref<128x32xf32, #tpu.memory_space<hbm>>
        tpu.wait_dma2 semaphore(%run_scoped3A : memref<!tpu.dma_semaphore, #tpu.memory_space<semaphore_mem>>) src(%arg7 : memref<128x32xf32, #tpu.memory_space<vmem>>) dst(%dma_wait3A_67 : memref<128x32xf32, #tpu.memory_space<hbm>>)
        tpu.yield
      }) : () -> ()
      %add3A_53 = arith.constant 2 : i32
      %add3A_54 = arith.addi %add3A_43, %add3A_53 : i32
      %lt3A_55 = arith.constant 20 : i32
      %lt3A_56 = arith.cmpi slt, %add3A_54, %lt3A_55 : i32
      %convert_element_type3A_57 = arith.extui %lt3A_56 : i1 to i32
      %cond3A_58 = arith.constant 0 : i32
      %cond3A_59 = arith.cmpi ne, %convert_element_type3A_57, %cond3A_58 : i32
      scf.if %cond3A_59 {
        %add3A_60 = arith.constant 2 : i32
        %add3A_61 = arith.addi %add3A_43, %add3A_60 : i32
        %dma_start3A_62 = arith.constant 0 : i32
        %dma_start3A_63 = tpu.memref_slice %arg5[%add3A_61, %dma_start3A_62] : memref<20x128xi32, #tpu.memory_space<vmem>> -> memref<1x128xi32, #tpu.memory_space<vmem>>
        %dma_start3A_64 = tpu.memref_squeeze %dma_start3A_63 : memref<1x128xi32, #tpu.memory_space<vmem>> -> memref<128xi32, #tpu.memory_space<vmem>>
        %dma_start3A_65 = arith.constant 0 : i32
        %dma_start3A_66 = arith.constant 0 : i32
        %dma_start3A_67 = tpu.memref_slice %arg2[%dma_start3A_65, %dma_start3A_66] : memref<10000x32xf32, #tpu.memory_space<hbm>> -> memref<10000x32xf32, #tpu.memory_space<hbm>>
        tpu.enqueue_indirect_dma source(%dma_start3A_67 : memref<10000x32xf32, #tpu.memory_space<hbm>>) target(%arg7 : memref<128x32xf32, #tpu.memory_space<vmem>>) offsets(%dma_start3A_64 : memref<128xi32, #tpu.memory_space<vmem>>) semaphore(%arg9 : memref<!tpu.dma_semaphore, #tpu.memory_space<semaphore_mem>>)
      } else {
      }
    }
    %scan3A_22 = arith.constant 10 : i32
    return
  }
}

#map = affine_map<(d0, d1) -> (0, 0)>
#map1 = affine_map<(d0, d1) -> (0, 0, 0)>
module attributes {stable_mosaic.version = 14 : i64} {
  func.func @body(%arg0: i32, %arg1: i32, %arg2: memref<81920x32xf32, #tpu.memory_space<hbm>>, %arg3: memref<32x20x128xi32, #tpu.memory_space<hbm>>, %arg4: memref<640x32xf32, #tpu.memory_space<hbm>>, %arg5: memref<2x10240x32xf32, #tpu.memory_space<hbm>>, %arg6: memref<20x128xi32, #tpu.memory_space<vmem>>, %arg7: memref<128x32xf32, #tpu.memory_space<vmem>>, %arg8: memref<128x32xf32, #tpu.memory_space<vmem>>, %arg9: memref<10240x32xf32, #tpu.memory_space<vmem_shared>>, %arg10: memref<!tpu.dma_semaphore, #tpu.memory_space<semaphore_mem>>, %arg11: memref<!tpu.dma_semaphore, #tpu.memory_space<semaphore_mem>>) attributes {dimension_semantics = [#tpu.dimension_semantics<core_parallel>, #tpu.dimension_semantics<subcore_parallel>], iteration_bounds = array<i64: 2, 16>, scalar_prefetch = 0 : i64, scratch_operands = 6 : i64, tpu.core_type = #tpu.core_type<sc_vector_subcore>, window_params = [{transform_indices = #map}, {transform_indices = #map1}, {transform_indices = #map}, {transform_indices = #map1}]} {
    %mul3A = arith.constant 2 : i32
    %mul3A_0 = arith.muli %arg1, %mul3A : i32
    %add3A = arith.addi %mul3A_0, %arg0 : i32
    %mul3A_1 = arith.constant 640 : i32
    %mul3A_2 = arith.muli %arg1, %mul3A_1 : i32
    "tpu.region"() ({
      %run_scoped3A = tpu.sem_alloc : memref<!tpu.dma_semaphore, #tpu.memory_space<semaphore_mem>>
      %dma_start3A_26 = arith.constant 0 : i32
      %dma_start3A_27 = tpu.memref_slice %arg9[%mul3A_2, %dma_start3A_26] : memref<10240x32xf32, #tpu.memory_space<vmem_shared>> -> memref<640x32xf32, #tpu.memory_space<vmem_shared>>
      tpu.enqueue_dma source(%arg4 : memref<640x32xf32, #tpu.memory_space<hbm>>) target(%dma_start3A_27 : memref<640x32xf32, #tpu.memory_space<vmem_shared>>) target_semaphore(%run_scoped3A : memref<!tpu.dma_semaphore, #tpu.memory_space<semaphore_mem>>)
      %dma_wait3A = arith.constant 0 : i32
      %dma_wait3A_28 = tpu.memref_slice %arg9[%mul3A_2, %dma_wait3A] : memref<10240x32xf32, #tpu.memory_space<vmem_shared>> -> memref<640x32xf32, #tpu.memory_space<vmem_shared>>
      tpu.wait_dma2 semaphore(%run_scoped3A : memref<!tpu.dma_semaphore, #tpu.memory_space<semaphore_mem>>) src(%arg4 : memref<640x32xf32, #tpu.memory_space<hbm>>) dst(%dma_wait3A_28 : memref<640x32xf32, #tpu.memory_space<vmem_shared>>)
      tpu.yield
    }) : () -> ()
    %barrier3A = arith.constant 0 : index
    tpu.barrier barrier_id(%barrier3A)
    "tpu.region"() ({
      %run_scoped3A = tpu.sem_alloc : memref<!tpu.dma_semaphore, #tpu.memory_space<semaphore_mem>>
      %dma_start3A_26 = arith.constant 0 : i32
      %dma_start3A_27 = arith.constant 0 : i32
      %dma_start3A_28 = tpu.memref_slice %arg3[%add3A, %dma_start3A_26, %dma_start3A_27] : memref<32x20x128xi32, #tpu.memory_space<hbm>> -> memref<1x20x128xi32, #tpu.memory_space<hbm>>
      %dma_start3A_29 = tpu.memref_squeeze %dma_start3A_28 : memref<1x20x128xi32, #tpu.memory_space<hbm>> -> memref<20x128xi32, #tpu.memory_space<hbm>>
      %dma_start3A_30 = arith.constant 0 : i32
      %dma_start3A_31 = arith.constant 0 : i32
      %dma_start3A_32 = tpu.memref_slice %arg3[%add3A, %dma_start3A_30, %dma_start3A_31] : memref<32x20x128xi32, #tpu.memory_space<hbm>> -> memref<1x20x128xi32, #tpu.memory_space<hbm>>
      %dma_start3A_33 = tpu.memref_squeeze %dma_start3A_32 : memref<1x20x128xi32, #tpu.memory_space<hbm>> -> memref<20x128xi32, #tpu.memory_space<hbm>>
      tpu.enqueue_dma source(%dma_start3A_33 : memref<20x128xi32, #tpu.memory_space<hbm>>) target(%arg6 : memref<20x128xi32, #tpu.memory_space<vmem>>) target_semaphore(%run_scoped3A : memref<!tpu.dma_semaphore, #tpu.memory_space<semaphore_mem>>)
      %dma_wait3A = arith.constant 0 : i32
      %dma_wait3A_34 = arith.constant 0 : i32
      %dma_wait3A_35 = tpu.memref_slice %arg3[%add3A, %dma_wait3A, %dma_wait3A_34] : memref<32x20x128xi32, #tpu.memory_space<hbm>> -> memref<1x20x128xi32, #tpu.memory_space<hbm>>
      %dma_wait3A_36 = tpu.memref_squeeze %dma_wait3A_35 : memref<1x20x128xi32, #tpu.memory_space<hbm>> -> memref<20x128xi32, #tpu.memory_space<hbm>>
      %dma_wait3A_37 = arith.constant 0 : i32
      %dma_wait3A_38 = arith.constant 0 : i32
      %dma_wait3A_39 = tpu.memref_slice %arg3[%add3A, %dma_wait3A_37, %dma_wait3A_38] : memref<32x20x128xi32, #tpu.memory_space<hbm>> -> memref<1x20x128xi32, #tpu.memory_space<hbm>>
      %dma_wait3A_40 = tpu.memref_squeeze %dma_wait3A_39 : memref<1x20x128xi32, #tpu.memory_space<hbm>> -> memref<20x128xi32, #tpu.memory_space<hbm>>
      tpu.wait_dma2 semaphore(%run_scoped3A : memref<!tpu.dma_semaphore, #tpu.memory_space<semaphore_mem>>) src(%dma_wait3A_40 : memref<20x128xi32, #tpu.memory_space<hbm>>) dst(%arg6 : memref<20x128xi32, #tpu.memory_space<vmem>>)
      tpu.yield
    }) : () -> ()
    %mul3A_3 = arith.constant 20 : i32
    %mul3A_4 = arith.muli %add3A, %mul3A_3 : i32
    %mul3A_5 = arith.constant 128 : i32
    %mul3A_6 = arith.muli %mul3A_4, %mul3A_5 : i32
    %dma_start3A = arith.constant 0 : i32
    %dma_start3A_7 = tpu.memref_slice %arg2[%mul3A_6, %dma_start3A] : memref<81920x32xf32, #tpu.memory_space<hbm>> -> memref<128x32xf32, #tpu.memory_space<hbm>>
    %dma_start3A_8 = arith.constant 0 : i32
    %dma_start3A_9 = tpu.memref_slice %arg2[%mul3A_6, %dma_start3A_8] : memref<81920x32xf32, #tpu.memory_space<hbm>> -> memref<128x32xf32, #tpu.memory_space<hbm>>
    tpu.enqueue_dma source(%dma_start3A_9 : memref<128x32xf32, #tpu.memory_space<hbm>>) target(%arg7 : memref<128x32xf32, #tpu.memory_space<vmem>>) target_semaphore(%arg10 : memref<!tpu.dma_semaphore, #tpu.memory_space<semaphore_mem>>)
    %add3A_10 = arith.constant 128 : i32
    %add3A_11 = arith.addi %mul3A_6, %add3A_10 : i32
    %dma_start3A_12 = arith.constant 0 : i32
    %dma_start3A_13 = tpu.memref_slice %arg2[%add3A_11, %dma_start3A_12] : memref<81920x32xf32, #tpu.memory_space<hbm>> -> memref<128x32xf32, #tpu.memory_space<hbm>>
    %dma_start3A_14 = arith.constant 0 : i32
    %dma_start3A_15 = tpu.memref_slice %arg2[%add3A_11, %dma_start3A_14] : memref<81920x32xf32, #tpu.memory_space<hbm>> -> memref<128x32xf32, #tpu.memory_space<hbm>>
    tpu.enqueue_dma source(%dma_start3A_15 : memref<128x32xf32, #tpu.memory_space<hbm>>) target(%arg8 : memref<128x32xf32, #tpu.memory_space<vmem>>) target_semaphore(%arg11 : memref<!tpu.dma_semaphore, #tpu.memory_space<semaphore_mem>>)
    %scan3A = arith.constant 0 : i32
    %scan3A_16 = arith.constant 0 : i32
    %scan3A_17 = arith.constant 10 : i32
    %scan3A_18 = arith.addi %scan3A_16, %scan3A_17 : i32
    %scan3A_19 = arith.constant 1 : i32
    scf.for %scan3A_26 = %scan3A_16 to %scan3A_18 step %scan3A_19  : i32 {
      %mul3A_27 = arith.constant 2 : i32
      %mul3A_28 = arith.muli %mul3A_27, %scan3A_26 : i32
      %add3A_29 = arith.constant 0 : i32
      %add3A_30 = arith.addi %mul3A_28, %add3A_29 : i32
      %mul3A_31 = arith.constant 128 : i32
      %mul3A_32 = arith.muli %add3A_30, %mul3A_31 : i32
      %add3A_33 = arith.addi %mul3A_6, %mul3A_32 : i32
      %dma_wait3A = arith.constant 0 : i32
      %dma_wait3A_34 = tpu.memref_slice %arg2[%add3A_33, %dma_wait3A] : memref<81920x32xf32, #tpu.memory_space<hbm>> -> memref<128x32xf32, #tpu.memory_space<hbm>>
      %dma_wait3A_35 = arith.constant 0 : i32
      %dma_wait3A_36 = tpu.memref_slice %arg2[%add3A_33, %dma_wait3A_35] : memref<81920x32xf32, #tpu.memory_space<hbm>> -> memref<128x32xf32, #tpu.memory_space<hbm>>
      tpu.wait_dma2 semaphore(%arg10 : memref<!tpu.dma_semaphore, #tpu.memory_space<semaphore_mem>>) src(%dma_wait3A_36 : memref<128x32xf32, #tpu.memory_space<hbm>>) dst(%arg7 : memref<128x32xf32, #tpu.memory_space<vmem>>)
      "tpu.region"() ({
        %run_scoped3A = tpu.sem_alloc : memref<!tpu.dma_semaphore, #tpu.memory_space<semaphore_mem>>
        %dma_start3A_59 = arith.constant 0 : i32
        %dma_start3A_60 = tpu.memref_slice %arg6[%add3A_30, %dma_start3A_59] : memref<20x128xi32, #tpu.memory_space<vmem>> -> memref<1x128xi32, #tpu.memory_space<vmem>>
        %dma_start3A_61 = tpu.memref_squeeze %dma_start3A_60 : memref<1x128xi32, #tpu.memory_space<vmem>> -> memref<128xi32, #tpu.memory_space<vmem>>
        %dma_start3A_62 = arith.constant 0 : i32
        %dma_start3A_63 = arith.constant 0 : i32
        %dma_start3A_64 = tpu.memref_slice %arg9[%dma_start3A_62, %dma_start3A_63] : memref<10240x32xf32, #tpu.memory_space<vmem_shared>> -> memref<10240x32xf32, #tpu.memory_space<vmem_shared>>
        tpu.enqueue_indirect_dma source(%arg7 : memref<128x32xf32, #tpu.memory_space<vmem>>) target(%dma_start3A_64 : memref<10240x32xf32, #tpu.memory_space<vmem_shared>>) offsets(%dma_start3A_61 : memref<128xi32, #tpu.memory_space<vmem>>) semaphore(%run_scoped3A : memref<!tpu.dma_semaphore, #tpu.memory_space<semaphore_mem>>) {add = true}
        %dma_wait3A_65 = arith.constant 0 : i32
        %dma_wait3A_66 = tpu.memref_slice %arg6[%add3A_30, %dma_wait3A_65] : memref<20x128xi32, #tpu.memory_space<vmem>> -> memref<1x128xi32, #tpu.memory_space<vmem>>
        %dma_wait3A_67 = tpu.memref_squeeze %dma_wait3A_66 : memref<1x128xi32, #tpu.memory_space<vmem>> -> memref<128xi32, #tpu.memory_space<vmem>>
        %dma_wait3A_68 = arith.constant 0 : i32
        %dma_wait3A_69 = arith.constant 0 : i32
        %dma_wait3A_70 = tpu.memref_slice %arg9[%dma_wait3A_68, %dma_wait3A_69] : memref<10240x32xf32, #tpu.memory_space<vmem_shared>> -> memref<10240x32xf32, #tpu.memory_space<vmem_shared>>
        tpu.wait_indirect_dma semaphore(%run_scoped3A : memref<!tpu.dma_semaphore, #tpu.memory_space<semaphore_mem>>) src(%arg7 : memref<128x32xf32, #tpu.memory_space<vmem>>) dst(%dma_wait3A_70 : memref<10240x32xf32, #tpu.memory_space<vmem_shared>>)
        tpu.yield
      }) : () -> ()
      %add3A_37 = arith.constant 2 : i32
      %add3A_38 = arith.addi %add3A_30, %add3A_37 : i32
      %lt3A = arith.constant 20 : i32
      %lt3A_39 = arith.cmpi slt, %add3A_38, %lt3A : i32
      %convert_element_type3A = arith.extui %lt3A_39 : i1 to i32
      %cond3A = arith.constant 0 : i32
      %cond3A_40 = arith.cmpi ne, %convert_element_type3A, %cond3A : i32
      scf.if %cond3A_40 {
        %add3A_59 = arith.constant 2 : i32
        %add3A_60 = arith.addi %add3A_30, %add3A_59 : i32
        %mul3A_61 = arith.constant 128 : i32
        %mul3A_62 = arith.muli %add3A_60, %mul3A_61 : i32
        %add3A_63 = arith.addi %mul3A_6, %mul3A_62 : i32
        %dma_start3A_64 = arith.constant 0 : i32
        %dma_start3A_65 = tpu.memref_slice %arg2[%add3A_63, %dma_start3A_64] : memref<81920x32xf32, #tpu.memory_space<hbm>> -> memref<128x32xf32, #tpu.memory_space<hbm>>
        %dma_start3A_66 = arith.constant 0 : i32
        %dma_start3A_67 = tpu.memref_slice %arg2[%add3A_63, %dma_start3A_66] : memref<81920x32xf32, #tpu.memory_space<hbm>> -> memref<128x32xf32, #tpu.memory_space<hbm>>
        tpu.enqueue_dma source(%dma_start3A_67 : memref<128x32xf32, #tpu.memory_space<hbm>>) target(%arg7 : memref<128x32xf32, #tpu.memory_space<vmem>>) target_semaphore(%arg10 : memref<!tpu.dma_semaphore, #tpu.memory_space<semaphore_mem>>)
      } else {
      }
      %mul3A_41 = arith.constant 2 : i32
      %mul3A_42 = arith.muli %mul3A_41, %scan3A_26 : i32
      %add3A_43 = arith.constant 1 : i32
      %add3A_44 = arith.addi %mul3A_42, %add3A_43 : i32
      %mul3A_45 = arith.constant 128 : i32
      %mul3A_46 = arith.muli %add3A_44, %mul3A_45 : i32
      %add3A_47 = arith.addi %mul3A_6, %mul3A_46 : i32
      %dma_wait3A_48 = arith.constant 0 : i32
      %dma_wait3A_49 = tpu.memref_slice %arg2[%add3A_47, %dma_wait3A_48] : memref<81920x32xf32, #tpu.memory_space<hbm>> -> memref<128x32xf32, #tpu.memory_space<hbm>>
      %dma_wait3A_50 = arith.constant 0 : i32
      %dma_wait3A_51 = tpu.memref_slice %arg2[%add3A_47, %dma_wait3A_50] : memref<81920x32xf32, #tpu.memory_space<hbm>> -> memref<128x32xf32, #tpu.memory_space<hbm>>
      tpu.wait_dma2 semaphore(%arg11 : memref<!tpu.dma_semaphore, #tpu.memory_space<semaphore_mem>>) src(%dma_wait3A_51 : memref<128x32xf32, #tpu.memory_space<hbm>>) dst(%arg8 : memref<128x32xf32, #tpu.memory_space<vmem>>)
      "tpu.region"() ({
        %run_scoped3A = tpu.sem_alloc : memref<!tpu.dma_semaphore, #tpu.memory_space<semaphore_mem>>
        %dma_start3A_59 = arith.constant 0 : i32
        %dma_start3A_60 = tpu.memref_slice %arg6[%add3A_44, %dma_start3A_59] : memref<20x128xi32, #tpu.memory_space<vmem>> -> memref<1x128xi32, #tpu.memory_space<vmem>>
        %dma_start3A_61 = tpu.memref_squeeze %dma_start3A_60 : memref<1x128xi32, #tpu.memory_space<vmem>> -> memref<128xi32, #tpu.memory_space<vmem>>
        %dma_start3A_62 = arith.constant 0 : i32
        %dma_start3A_63 = arith.constant 0 : i32
        %dma_start3A_64 = tpu.memref_slice %arg9[%dma_start3A_62, %dma_start3A_63] : memref<10240x32xf32, #tpu.memory_space<vmem_shared>> -> memref<10240x32xf32, #tpu.memory_space<vmem_shared>>
        tpu.enqueue_indirect_dma source(%arg8 : memref<128x32xf32, #tpu.memory_space<vmem>>) target(%dma_start3A_64 : memref<10240x32xf32, #tpu.memory_space<vmem_shared>>) offsets(%dma_start3A_61 : memref<128xi32, #tpu.memory_space<vmem>>) semaphore(%run_scoped3A : memref<!tpu.dma_semaphore, #tpu.memory_space<semaphore_mem>>) {add = true}
        %dma_wait3A_65 = arith.constant 0 : i32
        %dma_wait3A_66 = tpu.memref_slice %arg6[%add3A_44, %dma_wait3A_65] : memref<20x128xi32, #tpu.memory_space<vmem>> -> memref<1x128xi32, #tpu.memory_space<vmem>>
        %dma_wait3A_67 = tpu.memref_squeeze %dma_wait3A_66 : memref<1x128xi32, #tpu.memory_space<vmem>> -> memref<128xi32, #tpu.memory_space<vmem>>
        %dma_wait3A_68 = arith.constant 0 : i32
        %dma_wait3A_69 = arith.constant 0 : i32
        %dma_wait3A_70 = tpu.memref_slice %arg9[%dma_wait3A_68, %dma_wait3A_69] : memref<10240x32xf32, #tpu.memory_space<vmem_shared>> -> memref<10240x32xf32, #tpu.memory_space<vmem_shared>>
        tpu.wait_indirect_dma semaphore(%run_scoped3A : memref<!tpu.dma_semaphore, #tpu.memory_space<semaphore_mem>>) src(%arg8 : memref<128x32xf32, #tpu.memory_space<vmem>>) dst(%dma_wait3A_70 : memref<10240x32xf32, #tpu.memory_space<vmem_shared>>)
        tpu.yield
      }) : () -> ()
      %add3A_52 = arith.constant 2 : i32
      %add3A_53 = arith.addi %add3A_44, %add3A_52 : i32
      %lt3A_54 = arith.constant 20 : i32
      %lt3A_55 = arith.cmpi slt, %add3A_53, %lt3A_54 : i32
      %convert_element_type3A_56 = arith.extui %lt3A_55 : i1 to i32
      %cond3A_57 = arith.constant 0 : i32
      %cond3A_58 = arith.cmpi ne, %convert_element_type3A_56, %cond3A_57 : i32
      scf.if %cond3A_58 {
        %add3A_59 = arith.constant 2 : i32
        %add3A_60 = arith.addi %add3A_44, %add3A_59 : i32
        %mul3A_61 = arith.constant 128 : i32
        %mul3A_62 = arith.muli %add3A_60, %mul3A_61 : i32
        %add3A_63 = arith.addi %mul3A_6, %mul3A_62 : i32
        %dma_start3A_64 = arith.constant 0 : i32
        %dma_start3A_65 = tpu.memref_slice %arg2[%add3A_63, %dma_start3A_64] : memref<81920x32xf32, #tpu.memory_space<hbm>> -> memref<128x32xf32, #tpu.memory_space<hbm>>
        %dma_start3A_66 = arith.constant 0 : i32
        %dma_start3A_67 = tpu.memref_slice %arg2[%add3A_63, %dma_start3A_66] : memref<81920x32xf32, #tpu.memory_space<hbm>> -> memref<128x32xf32, #tpu.memory_space<hbm>>
        tpu.enqueue_dma source(%dma_start3A_67 : memref<128x32xf32, #tpu.memory_space<hbm>>) target(%arg8 : memref<128x32xf32, #tpu.memory_space<vmem>>) target_semaphore(%arg11 : memref<!tpu.dma_semaphore, #tpu.memory_space<semaphore_mem>>)
      } else {
      }
    }
    %scan3A_20 = arith.constant 10 : i32
    %barrier3A_21 = arith.constant 0 : index
    tpu.barrier barrier_id(%barrier3A_21)
    %mul3A_22 = arith.constant 640 : i32
    %mul3A_23 = arith.muli %arg1, %mul3A_22 : i32
    %mul3A_24 = arith.constant 640 : i32
    %mul3A_25 = arith.muli %arg1, %mul3A_24 : i32
    "tpu.region"() ({
      %run_scoped3A = tpu.sem_alloc : memref<!tpu.dma_semaphore, #tpu.memory_space<semaphore_mem>>
      %dma_start3A_26 = arith.constant 0 : i32
      %dma_start3A_27 = tpu.memref_slice %arg5[%arg0, %mul3A_25, %dma_start3A_26] : memref<2x10240x32xf32, #tpu.memory_space<hbm>> -> memref<1x640x32xf32, #tpu.memory_space<hbm>>
      %dma_start3A_28 = tpu.memref_squeeze %dma_start3A_27 : memref<1x640x32xf32, #tpu.memory_space<hbm>> -> memref<640x32xf32, #tpu.memory_space<hbm>>
      %dma_start3A_29 = arith.constant 0 : i32
      %dma_start3A_30 = tpu.memref_slice %arg9[%mul3A_23, %dma_start3A_29] : memref<10240x32xf32, #tpu.memory_space<vmem_shared>> -> memref<640x32xf32, #tpu.memory_space<vmem_shared>>
      tpu.enqueue_dma source(%dma_start3A_30 : memref<640x32xf32, #tpu.memory_space<vmem_shared>>) target(%dma_start3A_28 : memref<640x32xf32, #tpu.memory_space<hbm>>) target_semaphore(%run_scoped3A : memref<!tpu.dma_semaphore, #tpu.memory_space<semaphore_mem>>)
      %dma_wait3A = arith.constant 0 : i32
      %dma_wait3A_31 = tpu.memref_slice %arg5[%arg0, %mul3A_25, %dma_wait3A] : memref<2x10240x32xf32, #tpu.memory_space<hbm>> -> memref<1x640x32xf32, #tpu.memory_space<hbm>>
      %dma_wait3A_32 = tpu.memref_squeeze %dma_wait3A_31 : memref<1x640x32xf32, #tpu.memory_space<hbm>> -> memref<640x32xf32, #tpu.memory_space<hbm>>
      %dma_wait3A_33 = arith.constant 0 : i32
      %dma_wait3A_34 = tpu.memref_slice %arg9[%mul3A_23, %dma_wait3A_33] : memref<10240x32xf32, #tpu.memory_space<vmem_shared>> -> memref<640x32xf32, #tpu.memory_space<vmem_shared>>
      tpu.wait_dma2 semaphore(%run_scoped3A : memref<!tpu.dma_semaphore, #tpu.memory_space<semaphore_mem>>) src(%dma_wait3A_34 : memref<640x32xf32, #tpu.memory_space<vmem_shared>>) dst(%dma_wait3A_32 : memref<640x32xf32, #tpu.memory_space<hbm>>)
      tpu.yield
    }) : () -> ()
    return
  }
}

#map = affine_map<(d0, d1) -> (0, 0)>
#map1 = affine_map<(d0, d1) -> (0, 0, 0)>
module attributes {stable_mosaic.version = 14 : i64} {
  func.func @body(%arg0: i32, %arg1: i32, %arg2: memref<81920x32xf32, #tpu.memory_space<hbm>>, %arg3: memref<32x20x128xi32, #tpu.memory_space<hbm>>, %arg4: memref<640x32xf32, #tpu.memory_space<hbm>>, %arg5: memref<2x10240x32xf32, #tpu.memory_space<hbm>>, %arg6: memref<20x128xi32, #tpu.memory_space<vmem>>, %arg7: memref<128x32xf32, #tpu.memory_space<vmem>>, %arg8: memref<128x32xf32, #tpu.memory_space<vmem>>, %arg9: memref<10240x32xf32, #tpu.memory_space<vmem_shared>>, %arg10: memref<!tpu.dma_semaphore, #tpu.memory_space<semaphore_mem>>, %arg11: memref<!tpu.dma_semaphore, #tpu.memory_space<semaphore_mem>>) attributes {dimension_semantics = [#tpu.dimension_semantics<core_parallel>, #tpu.dimension_semantics<subcore_parallel>], iteration_bounds = array<i64: 2, 16>, scalar_prefetch = 0 : i64, scratch_operands = 6 : i64, tpu.core_type = #tpu.core_type<sc_vector_subcore>, window_params = [{transform_indices = #map}, {transform_indices = #map1}, {transform_indices = #map}, {transform_indices = #map1}]} {
    %mul3A = arith.constant 2 : i32
    %mul3A_0 = arith.muli %arg1, %mul3A : i32
    %add3A = arith.addi %mul3A_0, %arg0 : i32
    %mul3A_1 = arith.constant 640 : i32
    %mul3A_2 = arith.muli %arg1, %mul3A_1 : i32
    "tpu.region"() ({
      %run_scoped3A = tpu.sem_alloc : memref<!tpu.dma_semaphore, #tpu.memory_space<semaphore_mem>>
      %dma_start3A_26 = arith.constant 0 : i32
      %dma_start3A_27 = tpu.memref_slice %arg9[%mul3A_2, %dma_start3A_26] : memref<10240x32xf32, #tpu.memory_space<vmem_shared>> -> memref<640x32xf32, #tpu.memory_space<vmem_shared>>
      tpu.enqueue_dma source(%arg4 : memref<640x32xf32, #tpu.memory_space<hbm>>) target(%dma_start3A_27 : memref<640x32xf32, #tpu.memory_space<vmem_shared>>) target_semaphore(%run_scoped3A : memref<!tpu.dma_semaphore, #tpu.memory_space<semaphore_mem>>)
      %dma_wait3A = arith.constant 0 : i32
      %dma_wait3A_28 = tpu.memref_slice %arg9[%mul3A_2, %dma_wait3A] : memref<10240x32xf32, #tpu.memory_space<vmem_shared>> -> memref<640x32xf32, #tpu.memory_space<vmem_shared>>
      tpu.wait_dma2 semaphore(%run_scoped3A : memref<!tpu.dma_semaphore, #tpu.memory_space<semaphore_mem>>) src(%arg4 : memref<640x32xf32, #tpu.memory_space<hbm>>) dst(%dma_wait3A_28 : memref<640x32xf32, #tpu.memory_space<vmem_shared>>)
      tpu.yield
    }) : () -> ()
    %barrier3A = arith.constant 0 : index
    tpu.barrier barrier_id(%barrier3A)
    "tpu.region"() ({
      %run_scoped3A = tpu.sem_alloc : memref<!tpu.dma_semaphore, #tpu.memory_space<semaphore_mem>>
      %dma_start3A_26 = arith.constant 0 : i32
      %dma_start3A_27 = arith.constant 0 : i32
      %dma_start3A_28 = tpu.memref_slice %arg3[%add3A, %dma_start3A_26, %dma_start3A_27] : memref<32x20x128xi32, #tpu.memory_space<hbm>> -> memref<1x20x128xi32, #tpu.memory_space<hbm>>
      %dma_start3A_29 = tpu.memref_squeeze %dma_start3A_28 : memref<1x20x128xi32, #tpu.memory_space<hbm>> -> memref<20x128xi32, #tpu.memory_space<hbm>>
      %dma_start3A_30 = arith.constant 0 : i32
      %dma_start3A_31 = arith.constant 0 : i32
      %dma_start3A_32 = tpu.memref_slice %arg3[%add3A, %dma_start3A_30, %dma_start3A_31] : memref<32x20x128xi32, #tpu.memory_space<hbm>> -> memref<1x20x128xi32, #tpu.memory_space<hbm>>
      %dma_start3A_33 = tpu.memref_squeeze %dma_start3A_32 : memref<1x20x128xi32, #tpu.memory_space<hbm>> -> memref<20x128xi32, #tpu.memory_space<hbm>>
      tpu.enqueue_dma source(%dma_start3A_33 : memref<20x128xi32, #tpu.memory_space<hbm>>) target(%arg6 : memref<20x128xi32, #tpu.memory_space<vmem>>) target_semaphore(%run_scoped3A : memref<!tpu.dma_semaphore, #tpu.memory_space<semaphore_mem>>)
      %dma_wait3A = arith.constant 0 : i32
      %dma_wait3A_34 = arith.constant 0 : i32
      %dma_wait3A_35 = tpu.memref_slice %arg3[%add3A, %dma_wait3A, %dma_wait3A_34] : memref<32x20x128xi32, #tpu.memory_space<hbm>> -> memref<1x20x128xi32, #tpu.memory_space<hbm>>
      %dma_wait3A_36 = tpu.memref_squeeze %dma_wait3A_35 : memref<1x20x128xi32, #tpu.memory_space<hbm>> -> memref<20x128xi32, #tpu.memory_space<hbm>>
      %dma_wait3A_37 = arith.constant 0 : i32
      %dma_wait3A_38 = arith.constant 0 : i32
      %dma_wait3A_39 = tpu.memref_slice %arg3[%add3A, %dma_wait3A_37, %dma_wait3A_38] : memref<32x20x128xi32, #tpu.memory_space<hbm>> -> memref<1x20x128xi32, #tpu.memory_space<hbm>>
      %dma_wait3A_40 = tpu.memref_squeeze %dma_wait3A_39 : memref<1x20x128xi32, #tpu.memory_space<hbm>> -> memref<20x128xi32, #tpu.memory_space<hbm>>
      tpu.wait_dma2 semaphore(%run_scoped3A : memref<!tpu.dma_semaphore, #tpu.memory_space<semaphore_mem>>) src(%dma_wait3A_40 : memref<20x128xi32, #tpu.memory_space<hbm>>) dst(%arg6 : memref<20x128xi32, #tpu.memory_space<vmem>>)
      tpu.yield
    }) : () -> ()
    %mul3A_3 = arith.constant 20 : i32
    %mul3A_4 = arith.muli %add3A, %mul3A_3 : i32
    %mul3A_5 = arith.constant 128 : i32
    %mul3A_6 = arith.muli %mul3A_4, %mul3A_5 : i32
    %dma_start3A = arith.constant 0 : i32
    %dma_start3A_7 = tpu.memref_slice %arg2[%mul3A_6, %dma_start3A] : memref<81920x32xf32, #tpu.memory_space<hbm>> -> memref<128x32xf32, #tpu.memory_space<hbm>>
    %dma_start3A_8 = arith.constant 0 : i32
    %dma_start3A_9 = tpu.memref_slice %arg2[%mul3A_6, %dma_start3A_8] : memref<81920x32xf32, #tpu.memory_space<hbm>> -> memref<128x32xf32, #tpu.memory_space<hbm>>
    tpu.enqueue_dma source(%dma_start3A_9 : memref<128x32xf32, #tpu.memory_space<hbm>>) target(%arg7 : memref<128x32xf32, #tpu.memory_space<vmem>>) target_semaphore(%arg10 : memref<!tpu.dma_semaphore, #tpu.memory_space<semaphore_mem>>)
    %add3A_10 = arith.constant 128 : i32
    %add3A_11 = arith.addi %mul3A_6, %add3A_10 : i32
    %dma_start3A_12 = arith.constant 0 : i32
    %dma_start3A_13 = tpu.memref_slice %arg2[%add3A_11, %dma_start3A_12] : memref<81920x32xf32, #tpu.memory_space<hbm>> -> memref<128x32xf32, #tpu.memory_space<hbm>>
    %dma_start3A_14 = arith.constant 0 : i32
    %dma_start3A_15 = tpu.memref_slice %arg2[%add3A_11, %dma_start3A_14] : memref<81920x32xf32, #tpu.memory_space<hbm>> -> memref<128x32xf32, #tpu.memory_space<hbm>>
    tpu.enqueue_dma source(%dma_start3A_15 : memref<128x32xf32, #tpu.memory_space<hbm>>) target(%arg8 : memref<128x32xf32, #tpu.memory_space<vmem>>) target_semaphore(%arg11 : memref<!tpu.dma_semaphore, #tpu.memory_space<semaphore_mem>>)
    %scan3A = arith.constant 0 : i32
    %scan3A_16 = arith.constant 0 : i32
    %scan3A_17 = arith.constant 10 : i32
    %scan3A_18 = arith.addi %scan3A_16, %scan3A_17 : i32
    %scan3A_19 = arith.constant 1 : i32
    scf.for %scan3A_26 = %scan3A_16 to %scan3A_18 step %scan3A_19  : i32 {
      %mul3A_27 = arith.constant 2 : i32
      %mul3A_28 = arith.muli %mul3A_27, %scan3A_26 : i32
      %add3A_29 = arith.constant 0 : i32
      %add3A_30 = arith.addi %mul3A_28, %add3A_29 : i32
      %mul3A_31 = arith.constant 128 : i32
      %mul3A_32 = arith.muli %add3A_30, %mul3A_31 : i32
      %add3A_33 = arith.addi %mul3A_6, %mul3A_32 : i32
      %dma_wait3A = arith.constant 0 : i32
      %dma_wait3A_34 = tpu.memref_slice %arg2[%add3A_33, %dma_wait3A] : memref<81920x32xf32, #tpu.memory_space<hbm>> -> memref<128x32xf32, #tpu.memory_space<hbm>>
      %dma_wait3A_35 = arith.constant 0 : i32
      %dma_wait3A_36 = tpu.memref_slice %arg2[%add3A_33, %dma_wait3A_35] : memref<81920x32xf32, #tpu.memory_space<hbm>> -> memref<128x32xf32, #tpu.memory_space<hbm>>
      tpu.wait_dma2 semaphore(%arg10 : memref<!tpu.dma_semaphore, #tpu.memory_space<semaphore_mem>>) src(%dma_wait3A_36 : memref<128x32xf32, #tpu.memory_space<hbm>>) dst(%arg7 : memref<128x32xf32, #tpu.memory_space<vmem>>)
      "tpu.region"() ({
        %run_scoped3A = tpu.sem_alloc : memref<!tpu.dma_semaphore, #tpu.memory_space<semaphore_mem>>
        %dma_start3A_59 = arith.constant 0 : i32
        %dma_start3A_60 = tpu.memref_slice %arg6[%add3A_30, %dma_start3A_59] : memref<20x128xi32, #tpu.memory_space<vmem>> -> memref<1x128xi32, #tpu.memory_space<vmem>>
        %dma_start3A_61 = tpu.memref_squeeze %dma_start3A_60 : memref<1x128xi32, #tpu.memory_space<vmem>> -> memref<128xi32, #tpu.memory_space<vmem>>
        %dma_start3A_62 = arith.constant 0 : i32
        %dma_start3A_63 = arith.constant 0 : i32
        %dma_start3A_64 = tpu.memref_slice %arg9[%dma_start3A_62, %dma_start3A_63] : memref<10240x32xf32, #tpu.memory_space<vmem_shared>> -> memref<10240x32xf32, #tpu.memory_space<vmem_shared>>
        tpu.enqueue_indirect_dma source(%arg7 : memref<128x32xf32, #tpu.memory_space<vmem>>) target(%dma_start3A_64 : memref<10240x32xf32, #tpu.memory_space<vmem_shared>>) offsets(%dma_start3A_61 : memref<128xi32, #tpu.memory_space<vmem>>) semaphore(%run_scoped3A : memref<!tpu.dma_semaphore, #tpu.memory_space<semaphore_mem>>) {add = true}
        %dma_wait3A_65 = arith.constant 0 : i32
        %dma_wait3A_66 = tpu.memref_slice %arg6[%add3A_30, %dma_wait3A_65] : memref<20x128xi32, #tpu.memory_space<vmem>> -> memref<1x128xi32, #tpu.memory_space<vmem>>
        %dma_wait3A_67 = tpu.memref_squeeze %dma_wait3A_66 : memref<1x128xi32, #tpu.memory_space<vmem>> -> memref<128xi32, #tpu.memory_space<vmem>>
        %dma_wait3A_68 = arith.constant 0 : i32
        %dma_wait3A_69 = arith.constant 0 : i32
        %dma_wait3A_70 = tpu.memref_slice %arg9[%dma_wait3A_68, %dma_wait3A_69] : memref<10240x32xf32, #tpu.memory_space<vmem_shared>> -> memref<10240x32xf32, #tpu.memory_space<vmem_shared>>
        tpu.wait_indirect_dma semaphore(%run_scoped3A : memref<!tpu.dma_semaphore, #tpu.memory_space<semaphore_mem>>) src(%arg7 : memref<128x32xf32, #tpu.memory_space<vmem>>) dst(%dma_wait3A_70 : memref<10240x32xf32, #tpu.memory_space<vmem_shared>>)
        tpu.yield
      }) : () -> ()
      %add3A_37 = arith.constant 2 : i32
      %add3A_38 = arith.addi %add3A_30, %add3A_37 : i32
      %lt3A = arith.constant 20 : i32
      %lt3A_39 = arith.cmpi slt, %add3A_38, %lt3A : i32
      %convert_element_type3A = arith.extui %lt3A_39 : i1 to i32
      %cond3A = arith.constant 0 : i32
      %cond3A_40 = arith.cmpi ne, %convert_element_type3A, %cond3A : i32
      scf.if %cond3A_40 {
        %add3A_59 = arith.constant 2 : i32
        %add3A_60 = arith.addi %add3A_30, %add3A_59 : i32
        %mul3A_61 = arith.constant 128 : i32
        %mul3A_62 = arith.muli %add3A_60, %mul3A_61 : i32
        %add3A_63 = arith.addi %mul3A_6, %mul3A_62 : i32
        %dma_start3A_64 = arith.constant 0 : i32
        %dma_start3A_65 = tpu.memref_slice %arg2[%add3A_63, %dma_start3A_64] : memref<81920x32xf32, #tpu.memory_space<hbm>> -> memref<128x32xf32, #tpu.memory_space<hbm>>
        %dma_start3A_66 = arith.constant 0 : i32
        %dma_start3A_67 = tpu.memref_slice %arg2[%add3A_63, %dma_start3A_66] : memref<81920x32xf32, #tpu.memory_space<hbm>> -> memref<128x32xf32, #tpu.memory_space<hbm>>
        tpu.enqueue_dma source(%dma_start3A_67 : memref<128x32xf32, #tpu.memory_space<hbm>>) target(%arg7 : memref<128x32xf32, #tpu.memory_space<vmem>>) target_semaphore(%arg10 : memref<!tpu.dma_semaphore, #tpu.memory_space<semaphore_mem>>)
      } else {
      }
      %mul3A_41 = arith.constant 2 : i32
      %mul3A_42 = arith.muli %mul3A_41, %scan3A_26 : i32
      %add3A_43 = arith.constant 1 : i32
      %add3A_44 = arith.addi %mul3A_42, %add3A_43 : i32
      %mul3A_45 = arith.constant 128 : i32
      %mul3A_46 = arith.muli %add3A_44, %mul3A_45 : i32
      %add3A_47 = arith.addi %mul3A_6, %mul3A_46 : i32
      %dma_wait3A_48 = arith.constant 0 : i32
      %dma_wait3A_49 = tpu.memref_slice %arg2[%add3A_47, %dma_wait3A_48] : memref<81920x32xf32, #tpu.memory_space<hbm>> -> memref<128x32xf32, #tpu.memory_space<hbm>>
      %dma_wait3A_50 = arith.constant 0 : i32
      %dma_wait3A_51 = tpu.memref_slice %arg2[%add3A_47, %dma_wait3A_50] : memref<81920x32xf32, #tpu.memory_space<hbm>> -> memref<128x32xf32, #tpu.memory_space<hbm>>
      tpu.wait_dma2 semaphore(%arg11 : memref<!tpu.dma_semaphore, #tpu.memory_space<semaphore_mem>>) src(%dma_wait3A_51 : memref<128x32xf32, #tpu.memory_space<hbm>>) dst(%arg8 : memref<128x32xf32, #tpu.memory_space<vmem>>)
      "tpu.region"() ({
        %run_scoped3A = tpu.sem_alloc : memref<!tpu.dma_semaphore, #tpu.memory_space<semaphore_mem>>
        %dma_start3A_59 = arith.constant 0 : i32
        %dma_start3A_60 = tpu.memref_slice %arg6[%add3A_44, %dma_start3A_59] : memref<20x128xi32, #tpu.memory_space<vmem>> -> memref<1x128xi32, #tpu.memory_space<vmem>>
        %dma_start3A_61 = tpu.memref_squeeze %dma_start3A_60 : memref<1x128xi32, #tpu.memory_space<vmem>> -> memref<128xi32, #tpu.memory_space<vmem>>
        %dma_start3A_62 = arith.constant 0 : i32
        %dma_start3A_63 = arith.constant 0 : i32
        %dma_start3A_64 = tpu.memref_slice %arg9[%dma_start3A_62, %dma_start3A_63] : memref<10240x32xf32, #tpu.memory_space<vmem_shared>> -> memref<10240x32xf32, #tpu.memory_space<vmem_shared>>
        tpu.enqueue_indirect_dma source(%arg8 : memref<128x32xf32, #tpu.memory_space<vmem>>) target(%dma_start3A_64 : memref<10240x32xf32, #tpu.memory_space<vmem_shared>>) offsets(%dma_start3A_61 : memref<128xi32, #tpu.memory_space<vmem>>) semaphore(%run_scoped3A : memref<!tpu.dma_semaphore, #tpu.memory_space<semaphore_mem>>) {add = true}
        %dma_wait3A_65 = arith.constant 0 : i32
        %dma_wait3A_66 = tpu.memref_slice %arg6[%add3A_44, %dma_wait3A_65] : memref<20x128xi32, #tpu.memory_space<vmem>> -> memref<1x128xi32, #tpu.memory_space<vmem>>
        %dma_wait3A_67 = tpu.memref_squeeze %dma_wait3A_66 : memref<1x128xi32, #tpu.memory_space<vmem>> -> memref<128xi32, #tpu.memory_space<vmem>>
        %dma_wait3A_68 = arith.constant 0 : i32
        %dma_wait3A_69 = arith.constant 0 : i32
        %dma_wait3A_70 = tpu.memref_slice %arg9[%dma_wait3A_68, %dma_wait3A_69] : memref<10240x32xf32, #tpu.memory_space<vmem_shared>> -> memref<10240x32xf32, #tpu.memory_space<vmem_shared>>
        tpu.wait_indirect_dma semaphore(%run_scoped3A : memref<!tpu.dma_semaphore, #tpu.memory_space<semaphore_mem>>) src(%arg8 : memref<128x32xf32, #tpu.memory_space<vmem>>) dst(%dma_wait3A_70 : memref<10240x32xf32, #tpu.memory_space<vmem_shared>>)
        tpu.yield
      }) : () -> ()
      %add3A_52 = arith.constant 2 : i32
      %add3A_53 = arith.addi %add3A_44, %add3A_52 : i32
      %lt3A_54 = arith.constant 20 : i32
      %lt3A_55 = arith.cmpi slt, %add3A_53, %lt3A_54 : i32
      %convert_element_type3A_56 = arith.extui %lt3A_55 : i1 to i32
      %cond3A_57 = arith.constant 0 : i32
      %cond3A_58 = arith.cmpi ne, %convert_element_type3A_56, %cond3A_57 : i32
      scf.if %cond3A_58 {
        %add3A_59 = arith.constant 2 : i32
        %add3A_60 = arith.addi %add3A_44, %add3A_59 : i32
        %mul3A_61 = arith.constant 128 : i32
        %mul3A_62 = arith.muli %add3A_60, %mul3A_61 : i32
        %add3A_63 = arith.addi %mul3A_6, %mul3A_62 : i32
        %dma_start3A_64 = arith.constant 0 : i32
        %dma_start3A_65 = tpu.memref_slice %arg2[%add3A_63, %dma_start3A_64] : memref<81920x32xf32, #tpu.memory_space<hbm>> -> memref<128x32xf32, #tpu.memory_space<hbm>>
        %dma_start3A_66 = arith.constant 0 : i32
        %dma_start3A_67 = tpu.memref_slice %arg2[%add3A_63, %dma_start3A_66] : memref<81920x32xf32, #tpu.memory_space<hbm>> -> memref<128x32xf32, #tpu.memory_space<hbm>>
        tpu.enqueue_dma source(%dma_start3A_67 : memref<128x32xf32, #tpu.memory_space<hbm>>) target(%arg8 : memref<128x32xf32, #tpu.memory_space<vmem>>) target_semaphore(%arg11 : memref<!tpu.dma_semaphore, #tpu.memory_space<semaphore_mem>>)
      } else {
      }
    }
    %scan3A_20 = arith.constant 10 : i32
    %barrier3A_21 = arith.constant 0 : index
    tpu.barrier barrier_id(%barrier3A_21)
    %mul3A_22 = arith.constant 640 : i32
    %mul3A_23 = arith.muli %arg1, %mul3A_22 : i32
    %mul3A_24 = arith.constant 640 : i32
    %mul3A_25 = arith.muli %arg1, %mul3A_24 : i32
    "tpu.region"() ({
      %run_scoped3A = tpu.sem_alloc : memref<!tpu.dma_semaphore, #tpu.memory_space<semaphore_mem>>
      %dma_start3A_26 = arith.constant 0 : i32
      %dma_start3A_27 = tpu.memref_slice %arg5[%arg0, %mul3A_25, %dma_start3A_26] : memref<2x10240x32xf32, #tpu.memory_space<hbm>> -> memref<1x640x32xf32, #tpu.memory_space<hbm>>
      %dma_start3A_28 = tpu.memref_squeeze %dma_start3A_27 : memref<1x640x32xf32, #tpu.memory_space<hbm>> -> memref<640x32xf32, #tpu.memory_space<hbm>>
      %dma_start3A_29 = arith.constant 0 : i32
      %dma_start3A_30 = tpu.memref_slice %arg9[%mul3A_23, %dma_start3A_29] : memref<10240x32xf32, #tpu.memory_space<vmem_shared>> -> memref<640x32xf32, #tpu.memory_space<vmem_shared>>
      tpu.enqueue_dma source(%dma_start3A_30 : memref<640x32xf32, #tpu.memory_space<vmem_shared>>) target(%dma_start3A_28 : memref<640x32xf32, #tpu.memory_space<hbm>>) target_semaphore(%run_scoped3A : memref<!tpu.dma_semaphore, #tpu.memory_space<semaphore_mem>>)
      %dma_wait3A = arith.constant 0 : i32
      %dma_wait3A_31 = tpu.memref_slice %arg5[%arg0, %mul3A_25, %dma_wait3A] : memref<2x10240x32xf32, #tpu.memory_space<hbm>> -> memref<1x640x32xf32, #tpu.memory_space<hbm>>
      %dma_wait3A_32 = tpu.memref_squeeze %dma_wait3A_31 : memref<1x640x32xf32, #tpu.memory_space<hbm>> -> memref<640x32xf32, #tpu.memory_space<hbm>>
      %dma_wait3A_33 = arith.constant 0 : i32
      %dma_wait3A_34 = tpu.memref_slice %arg9[%mul3A_23, %dma_wait3A_33] : memref<10240x32xf32, #tpu.memory_space<vmem_shared>> -> memref<640x32xf32, #tpu.memory_space<vmem_shared>>
      tpu.wait_dma2 semaphore(%run_scoped3A : memref<!tpu.dma_semaphore, #tpu.memory_space<semaphore_mem>>) src(%dma_wait3A_34 : memref<640x32xf32, #tpu.memory_space<vmem_shared>>) dst(%dma_wait3A_32 : memref<640x32xf32, #tpu.memory_space<hbm>>)
      tpu.yield
    }) : () -> ()
    return
  }
}

module attributes {stable_mosaic.version = 14 : i64} {
  func.func @_fused_body(%arg0: i32, %arg1: memref<1024x20xbf16, #tpu.memory_space<vmem>>, %arg2: memref<1024x128xf32, #tpu.memory_space<vmem>>, %arg3: memref<20x2816xbf16, #tpu.memory_space<vmem>>, %arg4: memref<128x2816xbf16, #tpu.memory_space<vmem>>, %arg5: memref<2816x128xbf16, #tpu.memory_space<vmem>>, %arg6: memref<1024x128xf32, #tpu.memory_space<vmem>>) attributes {dimension_semantics = [#tpu.dimension_semantics<arbitrary>], iteration_bounds = array<i64: 20>, scalar_prefetch = 0 : i64, scratch_operands = 0 : i64, tpu.core_type = #tpu.core_type<tc>, window_params = [{transform_indices = @transform_0, window_bounds = array<i64: 1024, 20>}, {transform_indices = @transform_1, window_bounds = array<i64: 1024, 128>}, {pipeline_mode = #tpu.pipeline_mode<synchronous>, transform_indices = @transform_2, window_bounds = array<i64: 20, 2816>}, {pipeline_mode = #tpu.pipeline_mode<synchronous>, transform_indices = @transform_3, window_bounds = array<i64: 128, 2816>}, {pipeline_mode = #tpu.pipeline_mode<synchronous>, transform_indices = @transform_4, window_bounds = array<i64: 2816, 128>}, {transform_indices = @transform_5, window_bounds = array<i64: 1024, 128>}]} {
    %get3A = arith.constant 0 : index
    %get3A_0 = arith.constant 0 : index
    %get3A_1 = vector.load %arg1[%get3A, %get3A_0] : memref<1024x20xbf16, #tpu.memory_space<vmem>>, vector<1024x20xbf16>
    %get3A_2 = arith.constant 0 : index
    %get3A_3 = arith.constant 0 : index
    %get3A_4 = vector.load %arg3[%get3A_2, %get3A_3] : memref<20x2816xbf16, #tpu.memory_space<vmem>>, vector<20x2816xbf16>
    %dot_general3A = arith.constant dense<0.000000e+00> : vector<1024x2816xf32>
    %dot_general3A_5 = tpu.matmul %get3A_1, %get3A_4, %dot_general3A {dimension_numbers = #tpu.dot_dimension_numbers<[1], [0], [0], [1], [0, 0, 1, 1], [], []>, transpose_lhs_hint = false} : vector<1024x20xbf16>, vector<20x2816xbf16>, vector<1024x2816xf32> -> vector<1024x2816xf32>
    %max3A = arith.constant 0.000000e+00 : f32
    %max3A_6 = vector.broadcast %max3A : f32 to vector<1024x2816xf32>
    %max3A_7 = arith.maximumf %dot_general3A_5, %max3A_6 : vector<1024x2816xf32>
    %get3A_8 = arith.constant 0 : index
    %get3A_9 = arith.constant 0 : index
    %get3A_10 = vector.load %arg2[%get3A_8, %get3A_9] : memref<1024x128xf32, #tpu.memory_space<vmem>>, vector<1024x128xf32>
    %convert_element_type3A = arith.truncf %get3A_10 : vector<1024x128xf32> to vector<1024x128xbf16>
    %get3A_11 = arith.constant 0 : index
    %get3A_12 = arith.constant 0 : index
    %get3A_13 = vector.load %arg4[%get3A_11, %get3A_12] : memref<128x2816xbf16, #tpu.memory_space<vmem>>, vector<128x2816xbf16>
    %dot_general3A_14 = arith.constant dense<0.000000e+00> : vector<1024x2816xf32>
    %dot_general3A_15 = tpu.matmul %convert_element_type3A, %get3A_13, %dot_general3A_14 {dimension_numbers = #tpu.dot_dimension_numbers<[1], [0], [0], [1], [0, 0, 1, 1], [], []>, transpose_lhs_hint = false} : vector<1024x128xbf16>, vector<128x2816xbf16>, vector<1024x2816xf32> -> vector<1024x2816xf32>
    %mul3A = arith.mulf %max3A_7, %dot_general3A_15 : vector<1024x2816xf32>
    %convert_element_type3A_16 = arith.truncf %mul3A : vector<1024x2816xf32> to vector<1024x2816xbf16>
    %get3A_17 = arith.constant 0 : index
    %get3A_18 = arith.constant 0 : index
    %get3A_19 = vector.load %arg5[%get3A_17, %get3A_18] : memref<2816x128xbf16, #tpu.memory_space<vmem>>, vector<2816x128xbf16>
    %dot_general3A_20 = arith.constant dense<0.000000e+00> : vector<1024x128xf32>
    %dot_general3A_21 = tpu.matmul %convert_element_type3A_16, %get3A_19, %dot_general3A_20 {dimension_numbers = #tpu.dot_dimension_numbers<[1], [0], [0], [1], [0, 0, 1, 1], [], []>, transpose_lhs_hint = false} : vector<1024x2816xbf16>, vector<2816x128xbf16>, vector<1024x128xf32> -> vector<1024x128xf32>
    %swap3A = arith.constant 0 : index
    %swap3A_22 = arith.constant 0 : index
    %swap3A_23 = vector.load %arg6[%swap3A, %swap3A_22] : memref<1024x128xf32, #tpu.memory_space<vmem>>, vector<1024x128xf32>
    tpu.vector_store %arg6[%swap3A, %swap3A_22], %dot_general3A_21 {strides = array<i32>} : memref<1024x128xf32, #tpu.memory_space<vmem>>, vector<1024x128xf32>,
    return
  }
  func.func @transform_0(%arg0: i32) -> (i32, i32) {
    %c0_i32 = arith.constant 0 : i32
    %c0_i32_0 = arith.constant 0 : i32
    return %arg0, %c0_i32 : i32, i32
  }
  func.func @transform_1(%arg0: i32) -> (i32, i32) {
    %c0_i32 = arith.constant 0 : i32
    %c0_i32_0 = arith.constant 0 : i32
    return %arg0, %c0_i32 : i32, i32
  }
  func.func @transform_2(%arg0: i32) -> (i32, i32) {
    %c0_i32 = arith.constant 0 : i32
    %c0_i32_0 = arith.constant 0 : i32
    %c0_i32_1 = arith.constant 0 : i32
    return %c0_i32, %c0_i32_0 : i32, i32
  }
  func.func @transform_3(%arg0: i32) -> (i32, i32) {
    %c0_i32 = arith.constant 0 : i32
    %c0_i32_0 = arith.constant 0 : i32
    %c0_i32_1 = arith.constant 0 : i32
    return %c0_i32, %c0_i32_0 : i32, i32
  }
  func.func @transform_4(%arg0: i32) -> (i32, i32) {
    %c0_i32 = arith.constant 0 : i32
    %c0_i32_0 = arith.constant 0 : i32
    %c0_i32_1 = arith.constant 0 : i32
    return %c0_i32, %c0_i32_0 : i32, i32
  }
  func.func @transform_5(%arg0: i32) -> (i32, i32) {
    %c0_i32 = arith.constant 0 : i32
    %c0_i32_0 = arith.constant 0 : i32
    return %arg0, %c0_i32 : i32, i32
  }
}

module attributes {stable_mosaic.version = 14 : i64} {
  func.func @_bn1_body(%arg0: memref<2x10240x32xf32, #tpu.memory_space<vmem>>, %arg1: memref<2x10240x32xf32, #tpu.memory_space<vmem>>, %arg2: memref<10000x22xf32, #tpu.memory_space<vmem>>, %arg3: memref<22x32xf32, #tpu.memory_space<vmem>>, %arg4: memref<1x32xf32, #tpu.memory_space<vmem>>, %arg5: memref<1x32xf32, #tpu.memory_space<vmem>>, %arg6: memref<1x32xf32, #tpu.memory_space<vmem>>, %arg7: memref<10000x32xf32, #tpu.memory_space<vmem>>) attributes {dimension_semantics = [], scalar_prefetch = 0 : i64, scratch_operands = 0 : i64, tpu.core_type = #tpu.core_type<tc>} {
    %get3A = arith.constant 0 : index
    %get3A_0 = arith.constant 0 : index
    %get3A_1 = arith.constant 0 : index
    %get3A_2 = vector.load %arg0[%get3A, %get3A_0, %get3A_1] : memref<2x10240x32xf32, #tpu.memory_space<vmem>>, vector<1x10240x32xf32>
    %get3A_3 = vector.shape_cast %get3A_2 : vector<1x10240x32xf32> to vector<10240x32xf32>
    %get3A_4 = arith.constant 1 : index
    %get3A_5 = arith.constant 0 : index
    %get3A_6 = arith.constant 0 : index
    %get3A_7 = vector.load %arg0[%get3A_4, %get3A_5, %get3A_6] : memref<2x10240x32xf32, #tpu.memory_space<vmem>>, vector<1x10240x32xf32>
    %get3A_8 = vector.shape_cast %get3A_7 : vector<1x10240x32xf32> to vector<10240x32xf32>
    %add3A = arith.addf %get3A_3, %get3A_8 : vector<10240x32xf32>
    %add3A_9 = arith.constant 0.000000e+00 : f32
    %add3A_10 = vector.broadcast %add3A_9 : f32 to vector<10240x32xf32>
    %add3A_11 = arith.addf %add3A_10, %add3A : vector<10240x32xf32>
    %get3A_12 = arith.constant 0 : index
    %get3A_13 = arith.constant 0 : index
    %get3A_14 = arith.constant 0 : index
    %get3A_15 = vector.load %arg1[%get3A_12, %get3A_13, %get3A_14] : memref<2x10240x32xf32, #tpu.memory_space<vmem>>, vector<1x10240x32xf32>
    %get3A_16 = vector.shape_cast %get3A_15 : vector<1x10240x32xf32> to vector<10240x32xf32>
    %get3A_17 = arith.constant 1 : index
    %get3A_18 = arith.constant 0 : index
    %get3A_19 = arith.constant 0 : index
    %get3A_20 = vector.load %arg1[%get3A_17, %get3A_18, %get3A_19] : memref<2x10240x32xf32, #tpu.memory_space<vmem>>, vector<1x10240x32xf32>
    %get3A_21 = vector.shape_cast %get3A_20 : vector<1x10240x32xf32> to vector<10240x32xf32>
    %add3A_22 = arith.addf %get3A_16, %get3A_21 : vector<10240x32xf32>
    %add3A_23 = arith.addf %add3A_11, %add3A_22 : vector<10240x32xf32>
    %slice3A = vector.extract_strided_slice %add3A_23 {offsets = [0, 0], sizes = [10000, 32], strides = [1, 1]} : vector<10240x32xf32> to vector<10000x32xf32>
    %get3A_24 = arith.constant 0 : index
    %get3A_25 = arith.constant 0 : index
    %get3A_26 = vector.load %arg2[%get3A_24, %get3A_25] : memref<10000x22xf32, #tpu.memory_space<vmem>>, vector<10000x22xf32>
    %get3A_27 = arith.constant 0 : index
    %get3A_28 = arith.constant 0 : index
    %get3A_29 = vector.load %arg3[%get3A_27, %get3A_28] : memref<22x32xf32, #tpu.memory_space<vmem>>, vector<22x32xf32>
    %dot_general3A = arith.constant dense<0.000000e+00> : vector<10000x32xf32>
    %dot_general3A_30 = tpu.matmul %get3A_26, %get3A_29, %dot_general3A {dimension_numbers = #tpu.dot_dimension_numbers<[1], [0], [0], [1], [0, 0, 1, 1], [], []>, transpose_lhs_hint = false} : vector<10000x22xf32>, vector<22x32xf32>, vector<10000x32xf32> -> vector<10000x32xf32>
    %add3A_31 = arith.addf %slice3A, %dot_general3A_30 : vector<10000x32xf32>
    %get3A_32 = arith.constant 0 : index
    %get3A_33 = arith.constant 0 : index
    %get3A_34 = vector.load %arg4[%get3A_32, %get3A_33] : memref<1x32xf32, #tpu.memory_space<vmem>>, vector<1x32xf32>
    %add3A_35 = vector.broadcast %get3A_34 : vector<1x32xf32> to vector<10000x32xf32>
    %add3A_36 = arith.addf %add3A_31, %add3A_35 : vector<10000x32xf32>
    %reduce_sum3A = arith.constant dense<0.000000e+00> : vector<32xf32>
    %reduce_sum3A_37 = vector.multi_reduction <add>, %add3A_36, %reduce_sum3A [0] : vector<10000x32xf32> to vector<32xf32>
    %broadcast_in_dim3A = vector.shape_cast %reduce_sum3A_37 : vector<32xf32> to vector<1x32xf32>
    %div3A = arith.constant 1.000000e+04 : f32
    %div3A_38 = vector.broadcast %div3A : f32 to vector<1x32xf32>
    %div3A_39 = arith.divf %broadcast_in_dim3A, %div3A_38 : vector<1x32xf32>
    %sub3A = vector.broadcast %div3A_39 : vector<1x32xf32> to vector<10000x32xf32>
    %sub3A_40 = arith.subf %add3A_36, %sub3A : vector<10000x32xf32>
    %sub3A_41 = vector.broadcast %div3A_39 : vector<1x32xf32> to vector<10000x32xf32>
    %sub3A_42 = arith.subf %add3A_36, %sub3A_41 : vector<10000x32xf32>
    %mul3A = arith.mulf %sub3A_40, %sub3A_42 : vector<10000x32xf32>
    %reduce_sum3A_43 = arith.constant dense<0.000000e+00> : vector<32xf32>
    %reduce_sum3A_44 = vector.multi_reduction <add>, %mul3A, %reduce_sum3A_43 [0] : vector<10000x32xf32> to vector<32xf32>
    %broadcast_in_dim3A_45 = vector.shape_cast %reduce_sum3A_44 : vector<32xf32> to vector<1x32xf32>
    %div3A_46 = arith.constant 1.000000e+04 : f32
    %div3A_47 = vector.broadcast %div3A_46 : f32 to vector<1x32xf32>
    %div3A_48 = arith.divf %broadcast_in_dim3A_45, %div3A_47 : vector<1x32xf32>
    %sub3A_49 = vector.broadcast %div3A_39 : vector<1x32xf32> to vector<10000x32xf32>
    %sub3A_50 = arith.subf %add3A_36, %sub3A_49 : vector<10000x32xf32>
    %add3A_51 = arith.constant 9.99999974E-6 : f32
    %add3A_52 = vector.broadcast %add3A_51 : f32 to vector<1x32xf32>
    %add3A_53 = arith.addf %div3A_48, %add3A_52 : vector<1x32xf32>
    %rsqrt3A = math.rsqrt %add3A_53 : vector<1x32xf32>
    %mul3A_54 = vector.broadcast %rsqrt3A : vector<1x32xf32> to vector<10000x32xf32>
    %mul3A_55 = arith.mulf %sub3A_50, %mul3A_54 : vector<10000x32xf32>
    %get3A_56 = arith.constant 0 : index
    %get3A_57 = arith.constant 0 : index
    %get3A_58 = vector.load %arg5[%get3A_56, %get3A_57] : memref<1x32xf32, #tpu.memory_space<vmem>>, vector<1x32xf32>
    %mul3A_59 = vector.broadcast %get3A_58 : vector<1x32xf32> to vector<10000x32xf32>
    %mul3A_60 = arith.mulf %mul3A_55, %mul3A_59 : vector<10000x32xf32>
    %get3A_61 = arith.constant 0 : index
    %get3A_62 = arith.constant 0 : index
    %get3A_63 = vector.load %arg6[%get3A_61, %get3A_62] : memref<1x32xf32, #tpu.memory_space<vmem>>, vector<1x32xf32>
    %add3A_64 = vector.broadcast %get3A_63 : vector<1x32xf32> to vector<10000x32xf32>
    %add3A_65 = arith.addf %mul3A_60, %add3A_64 : vector<10000x32xf32>
    %max3A = arith.constant 0.000000e+00 : f32
    %max3A_66 = vector.broadcast %max3A : f32 to vector<10000x32xf32>
    %max3A_67 = arith.maximumf %add3A_65, %max3A_66 : vector<10000x32xf32>
    %swap3A = arith.constant 0 : index
    %swap3A_68 = arith.constant 0 : index
    %swap3A_69 = vector.load %arg7[%swap3A, %swap3A_68] : memref<10000x32xf32, #tpu.memory_space<vmem>>, vector<10000x32xf32>
    tpu.vector_store %arg7[%swap3A, %swap3A_68], %max3A_67 {strides = array<i32>} : memref<10000x32xf32, #tpu.memory_space<vmem>>, vector<10000x32xf32>,
    return
  }
}

module attributes {stable_mosaic.version = 14 : i64} {
  func.func @_fused_body(%arg0: i32, %arg1: memref<1024x20xbf16, #tpu.memory_space<vmem>>, %arg2: memref<1024x128xf32, #tpu.memory_space<vmem>>, %arg3: memref<20x4096xbf16, #tpu.memory_space<vmem>>, %arg4: memref<128x4096xbf16, #tpu.memory_space<vmem>>, %arg5: memref<4096x128xbf16, #tpu.memory_space<vmem>>, %arg6: memref<1024x128xf32, #tpu.memory_space<vmem>>) attributes {dimension_semantics = [#tpu.dimension_semantics<arbitrary>], iteration_bounds = array<i64: 20>, scalar_prefetch = 0 : i64, scratch_operands = 0 : i64, tpu.core_type = #tpu.core_type<tc>, window_params = [{transform_indices = @transform_0, window_bounds = array<i64: 1024, 20>}, {transform_indices = @transform_1, window_bounds = array<i64: 1024, 128>}, {pipeline_mode = #tpu.pipeline_mode<synchronous>, transform_indices = @transform_2, window_bounds = array<i64: 20, 4096>}, {pipeline_mode = #tpu.pipeline_mode<synchronous>, transform_indices = @transform_3, window_bounds = array<i64: 128, 4096>}, {pipeline_mode = #tpu.pipeline_mode<synchronous>, transform_indices = @transform_4, window_bounds = array<i64: 4096, 128>}, {transform_indices = @transform_5, window_bounds = array<i64: 1024, 128>}]} {
    %get3A = arith.constant 0 : index
    %get3A_0 = arith.constant 0 : index
    %get3A_1 = vector.load %arg1[%get3A, %get3A_0] : memref<1024x20xbf16, #tpu.memory_space<vmem>>, vector<1024x20xbf16>
    %get3A_2 = arith.constant 0 : index
    %get3A_3 = arith.constant 0 : index
    %get3A_4 = vector.load %arg3[%get3A_2, %get3A_3] : memref<20x4096xbf16, #tpu.memory_space<vmem>>, vector<20x4096xbf16>
    %dot_general3A = arith.constant dense<0.000000e+00> : vector<1024x4096xf32>
    %dot_general3A_5 = tpu.matmul %get3A_1, %get3A_4, %dot_general3A {dimension_numbers = #tpu.dot_dimension_numbers<[1], [0], [0], [1], [0, 0, 1, 1], [], []>, transpose_lhs_hint = false} : vector<1024x20xbf16>, vector<20x4096xbf16>, vector<1024x4096xf32> -> vector<1024x4096xf32>
    %max3A = arith.constant 0.000000e+00 : f32
    %max3A_6 = vector.broadcast %max3A : f32 to vector<1024x4096xf32>
    %max3A_7 = arith.maximumf %dot_general3A_5, %max3A_6 : vector<1024x4096xf32>
    %get3A_8 = arith.constant 0 : index
    %get3A_9 = arith.constant 0 : index
    %get3A_10 = vector.load %arg2[%get3A_8, %get3A_9] : memref<1024x128xf32, #tpu.memory_space<vmem>>, vector<1024x128xf32>
    %convert_element_type3A = arith.truncf %get3A_10 : vector<1024x128xf32> to vector<1024x128xbf16>
    %get3A_11 = arith.constant 0 : index
    %get3A_12 = arith.constant 0 : index
    %get3A_13 = vector.load %arg4[%get3A_11, %get3A_12] : memref<128x4096xbf16, #tpu.memory_space<vmem>>, vector<128x4096xbf16>
    %dot_general3A_14 = arith.constant dense<0.000000e+00> : vector<1024x4096xf32>
    %dot_general3A_15 = tpu.matmul %convert_element_type3A, %get3A_13, %dot_general3A_14 {dimension_numbers = #tpu.dot_dimension_numbers<[1], [0], [0], [1], [0, 0, 1, 1], [], []>, transpose_lhs_hint = false} : vector<1024x128xbf16>, vector<128x4096xbf16>, vector<1024x4096xf32> -> vector<1024x4096xf32>
    %mul3A = arith.mulf %max3A_7, %dot_general3A_15 : vector<1024x4096xf32>
    %convert_element_type3A_16 = arith.truncf %mul3A : vector<1024x4096xf32> to vector<1024x4096xbf16>
    %get3A_17 = arith.constant 0 : index
    %get3A_18 = arith.constant 0 : index
    %get3A_19 = vector.load %arg5[%get3A_17, %get3A_18] : memref<4096x128xbf16, #tpu.memory_space<vmem>>, vector<4096x128xbf16>
    %dot_general3A_20 = arith.constant dense<0.000000e+00> : vector<1024x128xf32>
    %dot_general3A_21 = tpu.matmul %convert_element_type3A_16, %get3A_19, %dot_general3A_20 {dimension_numbers = #tpu.dot_dimension_numbers<[1], [0], [0], [1], [0, 0, 1, 1], [], []>, transpose_lhs_hint = false} : vector<1024x4096xbf16>, vector<4096x128xbf16>, vector<1024x128xf32> -> vector<1024x128xf32>
    %swap3A = arith.constant 0 : index
    %swap3A_22 = arith.constant 0 : index
    %swap3A_23 = vector.load %arg6[%swap3A, %swap3A_22] : memref<1024x128xf32, #tpu.memory_space<vmem>>, vector<1024x128xf32>
    tpu.vector_store %arg6[%swap3A, %swap3A_22], %dot_general3A_21 {strides = array<i32>} : memref<1024x128xf32, #tpu.memory_space<vmem>>, vector<1024x128xf32>,
    return
  }
  func.func @transform_0(%arg0: i32) -> (i32, i32) {
    %c0_i32 = arith.constant 0 : i32
    %c0_i32_0 = arith.constant 0 : i32
    return %arg0, %c0_i32 : i32, i32
  }
  func.func @transform_1(%arg0: i32) -> (i32, i32) {
    %c0_i32 = arith.constant 0 : i32
    %c0_i32_0 = arith.constant 0 : i32
    return %arg0, %c0_i32 : i32, i32
  }
  func.func @transform_2(%arg0: i32) -> (i32, i32) {
    %c0_i32 = arith.constant 0 : i32
    %c0_i32_0 = arith.constant 0 : i32
    %c0_i32_1 = arith.constant 0 : i32
    return %c0_i32, %c0_i32_0 : i32, i32
  }
  func.func @transform_3(%arg0: i32) -> (i32, i32) {
    %c0_i32 = arith.constant 0 : i32
    %c0_i32_0 = arith.constant 0 : i32
    %c0_i32_1 = arith.constant 0 : i32
    return %c0_i32, %c0_i32_0 : i32, i32
  }
  func.func @transform_4(%arg0: i32) -> (i32, i32) {
    %c0_i32 = arith.constant 0 : i32
    %c0_i32_0 = arith.constant 0 : i32
    %c0_i32_1 = arith.constant 0 : i32
    return %c0_i32, %c0_i32_0 : i32, i32
  }
  func.func @transform_5(%arg0: i32) -> (i32, i32) {
    %c0_i32 = arith.constant 0 : i32
    %c0_i32_0 = arith.constant 0 : i32
    return %arg0, %c0_i32 : i32, i32
  }
}

module attributes {stable_mosaic.version = 14 : i64} {
  func.func @_bn2_body(%arg0: memref<2x10240x32xf32, #tpu.memory_space<vmem>>, %arg1: memref<2x10240x32xf32, #tpu.memory_space<vmem>>, %arg2: memref<10000x32xf32, #tpu.memory_space<vmem>>, %arg3: memref<32x32xf32, #tpu.memory_space<vmem>>, %arg4: memref<1x32xf32, #tpu.memory_space<vmem>>, %arg5: memref<1x32xf32, #tpu.memory_space<vmem>>, %arg6: memref<1x32xf32, #tpu.memory_space<vmem>>, %arg7: memref<32x1xf32, #tpu.memory_space<vmem>>, %arg8: memref<1x1xf32, #tpu.memory_space<vmem>>, %arg9: memref<10000x1xf32, #tpu.memory_space<vmem>>) attributes {dimension_semantics = [], scalar_prefetch = 0 : i64, scratch_operands = 0 : i64, tpu.core_type = #tpu.core_type<tc>} {
    %get3A = arith.constant 0 : index
    %get3A_0 = arith.constant 0 : index
    %get3A_1 = arith.constant 0 : index
    %get3A_2 = vector.load %arg0[%get3A, %get3A_0, %get3A_1] : memref<2x10240x32xf32, #tpu.memory_space<vmem>>, vector<1x10240x32xf32>
    %get3A_3 = vector.shape_cast %get3A_2 : vector<1x10240x32xf32> to vector<10240x32xf32>
    %get3A_4 = arith.constant 1 : index
    %get3A_5 = arith.constant 0 : index
    %get3A_6 = arith.constant 0 : index
    %get3A_7 = vector.load %arg0[%get3A_4, %get3A_5, %get3A_6] : memref<2x10240x32xf32, #tpu.memory_space<vmem>>, vector<1x10240x32xf32>
    %get3A_8 = vector.shape_cast %get3A_7 : vector<1x10240x32xf32> to vector<10240x32xf32>
    %add3A = arith.addf %get3A_3, %get3A_8 : vector<10240x32xf32>
    %add3A_9 = arith.constant 0.000000e+00 : f32
    %add3A_10 = vector.broadcast %add3A_9 : f32 to vector<10240x32xf32>
    %add3A_11 = arith.addf %add3A_10, %add3A : vector<10240x32xf32>
    %get3A_12 = arith.constant 0 : index
    %get3A_13 = arith.constant 0 : index
    %get3A_14 = arith.constant 0 : index
    %get3A_15 = vector.load %arg1[%get3A_12, %get3A_13, %get3A_14] : memref<2x10240x32xf32, #tpu.memory_space<vmem>>, vector<1x10240x32xf32>
    %get3A_16 = vector.shape_cast %get3A_15 : vector<1x10240x32xf32> to vector<10240x32xf32>
    %get3A_17 = arith.constant 1 : index
    %get3A_18 = arith.constant 0 : index
    %get3A_19 = arith.constant 0 : index
    %get3A_20 = vector.load %arg1[%get3A_17, %get3A_18, %get3A_19] : memref<2x10240x32xf32, #tpu.memory_space<vmem>>, vector<1x10240x32xf32>
    %get3A_21 = vector.shape_cast %get3A_20 : vector<1x10240x32xf32> to vector<10240x32xf32>
    %add3A_22 = arith.addf %get3A_16, %get3A_21 : vector<10240x32xf32>
    %add3A_23 = arith.addf %add3A_11, %add3A_22 : vector<10240x32xf32>
    %slice3A = vector.extract_strided_slice %add3A_23 {offsets = [0, 0], sizes = [10000, 32], strides = [1, 1]} : vector<10240x32xf32> to vector<10000x32xf32>
    %get3A_24 = arith.constant 0 : index
    %get3A_25 = arith.constant 0 : index
    %get3A_26 = vector.load %arg2[%get3A_24, %get3A_25] : memref<10000x32xf32, #tpu.memory_space<vmem>>, vector<10000x32xf32>
    %get3A_27 = arith.constant 0 : index
    %get3A_28 = arith.constant 0 : index
    %get3A_29 = vector.load %arg3[%get3A_27, %get3A_28] : memref<32x32xf32, #tpu.memory_space<vmem>>, vector<32x32xf32>
    %dot_general3A = arith.constant dense<0.000000e+00> : vector<10000x32xf32>
    %dot_general3A_30 = tpu.matmul %get3A_26, %get3A_29, %dot_general3A {dimension_numbers = #tpu.dot_dimension_numbers<[1], [0], [0], [1], [0, 0, 1, 1], [], []>, transpose_lhs_hint = false} : vector<10000x32xf32>, vector<32x32xf32>, vector<10000x32xf32> -> vector<10000x32xf32>
    %add3A_31 = arith.addf %slice3A, %dot_general3A_30 : vector<10000x32xf32>
    %get3A_32 = arith.constant 0 : index
    %get3A_33 = arith.constant 0 : index
    %get3A_34 = vector.load %arg4[%get3A_32, %get3A_33] : memref<1x32xf32, #tpu.memory_space<vmem>>, vector<1x32xf32>
    %add3A_35 = vector.broadcast %get3A_34 : vector<1x32xf32> to vector<10000x32xf32>
    %add3A_36 = arith.addf %add3A_31, %add3A_35 : vector<10000x32xf32>
    %reduce_sum3A = arith.constant dense<0.000000e+00> : vector<32xf32>
    %reduce_sum3A_37 = vector.multi_reduction <add>, %add3A_36, %reduce_sum3A [0] : vector<10000x32xf32> to vector<32xf32>
    %broadcast_in_dim3A = vector.shape_cast %reduce_sum3A_37 : vector<32xf32> to vector<1x32xf32>
    %div3A = arith.constant 1.000000e+04 : f32
    %div3A_38 = vector.broadcast %div3A : f32 to vector<1x32xf32>
    %div3A_39 = arith.divf %broadcast_in_dim3A, %div3A_38 : vector<1x32xf32>
    %sub3A = vector.broadcast %div3A_39 : vector<1x32xf32> to vector<10000x32xf32>
    %sub3A_40 = arith.subf %add3A_36, %sub3A : vector<10000x32xf32>
    %sub3A_41 = vector.broadcast %div3A_39 : vector<1x32xf32> to vector<10000x32xf32>
    %sub3A_42 = arith.subf %add3A_36, %sub3A_41 : vector<10000x32xf32>
    %mul3A = arith.mulf %sub3A_40, %sub3A_42 : vector<10000x32xf32>
    %reduce_sum3A_43 = arith.constant dense<0.000000e+00> : vector<32xf32>
    %reduce_sum3A_44 = vector.multi_reduction <add>, %mul3A, %reduce_sum3A_43 [0] : vector<10000x32xf32> to vector<32xf32>
    %broadcast_in_dim3A_45 = vector.shape_cast %reduce_sum3A_44 : vector<32xf32> to vector<1x32xf32>
    %div3A_46 = arith.constant 1.000000e+04 : f32
    %div3A_47 = vector.broadcast %div3A_46 : f32 to vector<1x32xf32>
    %div3A_48 = arith.divf %broadcast_in_dim3A_45, %div3A_47 : vector<1x32xf32>
    %sub3A_49 = vector.broadcast %div3A_39 : vector<1x32xf32> to vector<10000x32xf32>
    %sub3A_50 = arith.subf %add3A_36, %sub3A_49 : vector<10000x32xf32>
    %add3A_51 = arith.constant 9.99999974E-6 : f32
    %add3A_52 = vector.broadcast %add3A_51 : f32 to vector<1x32xf32>
    %add3A_53 = arith.addf %div3A_48, %add3A_52 : vector<1x32xf32>
    %rsqrt3A = math.rsqrt %add3A_53 : vector<1x32xf32>
    %mul3A_54 = vector.broadcast %rsqrt3A : vector<1x32xf32> to vector<10000x32xf32>
    %mul3A_55 = arith.mulf %sub3A_50, %mul3A_54 : vector<10000x32xf32>
    %get3A_56 = arith.constant 0 : index
    %get3A_57 = arith.constant 0 : index
    %get3A_58 = vector.load %arg5[%get3A_56, %get3A_57] : memref<1x32xf32, #tpu.memory_space<vmem>>, vector<1x32xf32>
    %mul3A_59 = vector.broadcast %get3A_58 : vector<1x32xf32> to vector<10000x32xf32>
    %mul3A_60 = arith.mulf %mul3A_55, %mul3A_59 : vector<10000x32xf32>
    %get3A_61 = arith.constant 0 : index
    %get3A_62 = arith.constant 0 : index
    %get3A_63 = vector.load %arg6[%get3A_61, %get3A_62] : memref<1x32xf32, #tpu.memory_space<vmem>>, vector<1x32xf32>
    %add3A_64 = vector.broadcast %get3A_63 : vector<1x32xf32> to vector<10000x32xf32>
    %add3A_65 = arith.addf %mul3A_60, %add3A_64 : vector<10000x32xf32>
    %max3A = arith.constant 0.000000e+00 : f32
    %max3A_66 = vector.broadcast %max3A : f32 to vector<10000x32xf32>
    %max3A_67 = arith.maximumf %add3A_65, %max3A_66 : vector<10000x32xf32>
    %get3A_68 = arith.constant 0 : index
    %get3A_69 = arith.constant 0 : index
    %get3A_70 = vector.load %arg7[%get3A_68, %get3A_69] : memref<32x1xf32, #tpu.memory_space<vmem>>, vector<32x1xf32>
    %dot_general3A_71 = arith.constant dense<0.000000e+00> : vector<10000x1xf32>
    %dot_general3A_72 = tpu.matmul %max3A_67, %get3A_70, %dot_general3A_71 {dimension_numbers = #tpu.dot_dimension_numbers<[1], [0], [0], [1], [0, 0, 1, 1], [], []>, transpose_lhs_hint = false} : vector<10000x32xf32>, vector<32x1xf32>, vector<10000x1xf32> -> vector<10000x1xf32>
    %get3A_73 = arith.constant 0 : index
    %get3A_74 = arith.constant 0 : index
    %get3A_75 = vector.load %arg8[%get3A_73, %get3A_74] : memref<1x1xf32, #tpu.memory_space<vmem>>, vector<1x1xf32>
    %add3A_76 = vector.broadcast %get3A_75 : vector<1x1xf32> to vector<10000x1xf32>
    %add3A_77 = arith.addf %dot_general3A_72, %add3A_76 : vector<10000x1xf32>
    %neg3A = arith.constant 0.000000e+00 : f32
    %neg3A_78 = vector.broadcast %neg3A : f32 to vector<10000x1xf32>
    %neg3A_79 = arith.subf %neg3A_78, %add3A_77 : vector<10000x1xf32>
    %exp3A = math.exp %neg3A_79 : vector<10000x1xf32>
    %add3A_80 = arith.constant 1.000000e+00 : f32
    %add3A_81 = vector.broadcast %add3A_80 : f32 to vector<10000x1xf32>
    %add3A_82 = arith.addf %add3A_81, %exp3A : vector<10000x1xf32>
    %div3A_83 = arith.constant 1.000000e+00 : f32
    %div3A_84 = vector.broadcast %div3A_83 : f32 to vector<10000x1xf32>
    %div3A_85 = arith.divf %div3A_84, %add3A_82 : vector<10000x1xf32>
    %swap3A = arith.constant 0 : index
    %swap3A_86 = arith.constant 0 : index
    %swap3A_87 = vector.load %arg9[%swap3A, %swap3A_86] : memref<10000x1xf32, #tpu.memory_space<vmem>>, vector<10000x1xf32>
    tpu.vector_store %arg9[%swap3A, %swap3A_86], %div3A_85 {strides = array<i32>} : memref<10000x1xf32, #tpu.memory_space<vmem>>, vector<10000x1xf32>,
    return
  }
}

</mosaic_0001>

<sc_bundles>
// kernel: kernel.16.cloned.1.call-start
scs
__scs_entry_jumppad:
0x0: {  	(pc) =	sbr.rel $0x88, $3  }
0x1: {  	(tag) =	ssettag $0x0;
	lr =	simm.s32 $0x1  }
0x2: {  	[smem:$0x3F90] =	sst lr;
	_ =	strace $0xD0000000  }
0x3: {  	_ = 	snop  }
0x4: {  	_ = 	snop  }
0x5: {  	_ = 	snop  }
0x6: {  	_ = 	snop  }
0x7: {  	_ = 	snop  }
__scs_overlays_trampoline_lowered:
0x8: {  	[smem:$0x3F9F] =	sst s0  }
0x9: {  	[smem:$0x3FA0] =	sst s1  }
0xa: {  	[smem:$0x3FA1] =	sst s2  }
0xb: {  	[smem:$0x3FA2] =	sst s3  }
0xc: {  	[smem:$0x3FA3] =	sst s4  }
0xd: {  	[smem:$0x3FA4] =	sst s5  }
0xe: {  	[smem:$0x3FA5] =	sst s6  }
0xf: {  	[smem:$0x3FA6] =	sst s7  }
0x10: {  	[smem:$0x3FA7] =	sst s8  }
0x11: {  	[smem:$0x3FA8] =	sst s9;
	s0 =	simm.s32 @!p0 $0x0  }
0x12: {  	s1 =	sld [smem:$0x3F8E];
	s0 =	simm.s32 @p0 $0x1  }
0x13: {  	[smem:$0x3FA9] =	sst s0;
	s0 =	simm.s32 @!p1 $0x0  }
0x14: {  	s2 =	sld [smem:$0x3F8D];
	s0 =	simm.s32 @p1 $0x1  }
0x15: {  	[smem:$0x3FAA] =	sst s0;
	s0 =	simm.s32 @!p2 $0x0  }
0x16: {  	s3 =	sld [smem:$0x3FDB];
	s0 =	simm.s32 @p2 $0x1  }
0x17: {  	s4 =	simm.s32 $0x1BF5;
	[smem:$0x3FAC] =	sst s0  }
0x18: {  	s0 =	sld [smem:$0x3F8F];
	_ =	swait.ge [sflag:s4], $0x0  }
0x19: {  	s7 =	sld [smem:$0x3F90]  }
0x1a: {  	s8 =	sadd.s32 $0xFFFFE003, lr  }
0x1b: {  	s9 =	sadd.s32 $0xFFFFFEF7, lr;
	s5 =	simm.s32 $0xFFFFFFFF;
	p2 =	slt.u32 s8, $0xFFFFF086  }
0x1c: {  	p1 =	slt.u32 s9, $0xF7A;
	s5 =	simm.s32 @!p2 $0x0  }
0x1d: {  	s5 =	simm.s32 @p1 $0x1;
	p0 =	seq.s32 s7, s2  }
0x1e: {  	s7 =	smul.u32 @!p0 $0xF7A, s2;
	p2 =	seq.s32 @!p0 s5, $0x0  }
0x1f: {  	s9 =	smul.u32 $0xF7A, s1;
	s8 =	simm.s32 @!p0 $0x1BF5;
	p2 =	por !p2, p0  }
0x20: {  	[sflag:s8] =	ssyncset.s32 @!p0 $0xFFFFF086;
	s6 =	sadd.s32 @!p0 s3, s7;
	s7 =	simm.s32 @!p0 $0x108  }
0x21: {  	s3 =	sadd.s32 s3, s9;
	s6 =	sadd.s32 @!p0 $0x88, s6;
	s7 =	simm.s32 @p2 $0x1082  }
0x22: {  	[simem:s7], [sflag:s8] =	dma.local @!p0 [hbm:s6], $0xF7A  }
0x23: {  	s9 =	sor.u32 $0xD0000000, s2;
	s6 =	simm.s32 $0x108;
	_ =	swait.ge @!p0 [sflag:s8], $0x0  }
0x24: {  	s3 =	sadd.s32 $0x88, s3;
	s6 =	simm.s32 @!p1 $0x1082;
	[sflag:s4] =	ssyncset.s32 $0xFFFFF086  }
0x25: {  	[simem:s6], [sflag:s4] =	dma.local [hbm:s3], $0xF7A  }
0x26: {  	[smem:$0x3F90] =	sst s1;
	(tag) =	ssettag s2;
	_ =	strace s9  }
0x27: {  	s1 =	sld [smem:$0x3FA0]  }
0x28: {  	s2 =	sld [smem:$0x3FA1]  }
0x29: {  	s4 =	sld [smem:$0x3FA3]  }
0x2a: {  	p0 =	seq.s32 s5, $0x0;
	s5 =	sld [smem:$0x3FA4]  }
0x2b: {  	s6 =	sld [smem:$0x3FA5]  }
0x2c: {  	s7 =	sld [smem:$0x3FA6]  }
0x2d: {  	s3 =	simm.s32 $0x108;
	s8 =	sld [smem:$0x3FA7]  }
0x2e: {  	s3 =	simm.s32 @!p0 $0x1082;
	s9 =	sld [smem:$0x3FA8]  }
0x2f: {  	lr =	sadd.s32 s0, s3;
	s0 =	sld [smem:$0x3F9F]  }
0x30: {  	s3 =	sld [smem:$0x3FA2]  }
0x31: {  	[smem:$0x3FAB] =	sst s10  }
0x32: {  	s10 =	sld [smem:$0x3FA9];
	_ =	sdelay $0x3  }
0x33: {  	p0 =	seq.s32 s10, $0x1;
	s10 =	sld [smem:$0x3FAB];
	_ =	sdelay $0x3  }
0x34: {  	[smem:$0x3FAB] =	sst s10  }
0x35: {  	s10 =	sld [smem:$0x3FAA];
	_ =	sdelay $0x3  }
0x36: {  	p1 =	seq.s32 s10, $0x1;
	s10 =	sld [smem:$0x3FAB];
	_ =	sdelay $0x3  }
0x37: {  	[smem:$0x3FAB] =	sst s10  }
0x38: {  	s10 =	sld [smem:$0x3FAC]  }
0x39: {  	_ = 	snop;
	(pc) =	sbr.ind lr, $3  }
0x3a: {  	_ = 	snop  }
0x3b: {  	_ = 	snop  }
0x3c: {  	p2 =	seq.s32 s10, $0x1;
	s10 =	sld [smem:$0x3FAB]  }
0x3d: {  	_ =	shalt  }
0x3e: {  	_ =	shalt  }
0x3f: {  	_ =	shalt  }
0x40: {  	_ =	shalt  }
0x41: {  	_ =	shalt  }
0x42: {  	_ =	shalt  }
0x43: {  	_ =	shalt  }
0x44: {  	_ =	shalt  }
0x45: {  	_ =	shalt  }
0x46: {  	_ =	shalt  }
0x47: {  	_ =	shalt  }
0x48: {  	_ =	shalt  }
0x49: {  	_ =	shalt  }
0x4a: {  	_ =	shalt  }
0x4b: {  	_ =	shalt  }
0x4c: {  	_ =	shalt  }
0x4d: {  	_ =	shalt  }
0x4e: {  	_ =	shalt  }
0x4f: {  	_ =	shalt  }
0x50: {  	_ =	shalt  }
0x51: {  	_ =	shalt  }
0x52: {  	_ =	shalt  }
0x53: {  	_ =	shalt  }
0x54: {  	_ =	shalt  }
0x55: {  	_ =	shalt  }
0x56: {  	_ =	shalt  }
0x57: {  	_ =	shalt  }
0x58: {  	_ =	shalt  }
0x59: {  	_ =	shalt  }
0x5a: {  	_ =	shalt  }
0x5b: {  	_ =	shalt  }
0x5c: {  	_ =	shalt  }
0x5d: {  	_ =	shalt  }
0x5e: {  	_ =	shalt  }
0x5f: {  	_ =	shalt  }
0x60: {  	_ =	shalt  }
0x61: {  	_ =	shalt  }
0x62: {  	_ =	shalt  }
0x63: {  	_ =	shalt  }
0x64: {  	_ =	shalt  }
0x65: {  	_ =	shalt  }
0x66: {  	_ =	shalt  }
0x67: {  	_ =	shalt  }
0x68: {  	_ =	shalt  }
0x69: {  	_ =	shalt  }
0x6a: {  	_ =	shalt  }
0x6b: {  	_ =	shalt  }
0x6c: {  	_ =	shalt  }
0x6d: {  	_ =	shalt  }
0x6e: {  	_ =	shalt  }
0x6f: {  	_ =	shalt  }
0x70: {  	_ =	shalt  }
0x71: {  	_ =	shalt  }
0x72: {  	_ =	shalt  }
0x73: {  	_ =	shalt  }
0x74: {  	_ =	shalt  }
0x75: {  	_ =	shalt  }
0x76: {  	_ =	shalt  }
0x77: {  	_ =	shalt  }
0x78: {  	_ =	shalt  }
0x79: {  	_ =	shalt  }
0x7a: {  	_ =	shalt  }
0x7b: {  	_ =	shalt  }
0x7c: {  	_ =	shalt  }
0x7d: {  	_ =	shalt  }
0x7e: {  	_ =	shalt  }
0x7f: {  	_ =	shalt  }
0x80: {  	_ =	shalt  }
0x81: {  	_ =	shalt  }
0x82: {  	_ =	shalt  }
0x83: {  	_ =	shalt  }
0x84: {  	_ =	shalt  }
0x85: {  	_ =	shalt  }
0x86: {  	_ =	shalt  }
0x87: {  	_ =	shalt  }
.Lfunc_end0:
.L_simem_size_0:
called_computation_lowered:
.L_overlay_start_0:
0x88: {  	s2 =	sld [smem:$0x3FD9]  }
0x89: {  	s3 =	sld [smem:$0x3FFE];
	_ =	sdelay $0x1  }
0x8a: {  	s1 =	srdreg.scid  }
0x8b: {  	s0 =	sand.u32 $0x1, s1  }
0x8c: {  	s17 =	sshll.u32 s0, $0xA;
	s2 =	sadd.s32 s3, s2  }
0x8d: {  	s2 =	sadd.s32 s2, s17  }
0x8e: {  	[smem:$0x3FB7] =	sst s2  }
0x8f: {  	_ = 	snop  }
0x90: {  	(tm) =	ssettm $0x1  }
0x91: {  	s18 =	sld [smem:$0x3FFB];
	_ =	sdelay $0x3  }
0x92: {  	_ =	strace s18  }
0x93: {  	s2 =	sld [smem:$0x3FFC];
	_ =	sdelay $0x3  }
0x94: {  	_ =	strace s2  }
0x95: {  	s2 =	sld [smem:$0x3FFD];
	_ =	sdelay $0x3  }
0x96: {  	_ =	strace s2  }
0x97: {  	_ =	strace $0x8FFFFFFF  }
0x98: {  	s19 =	sld [smem:$0x3FDB];
	_ =	sdelay $0x1  }
0x99: {  	s20 =	simm.s32 $_scs_section_size  }
0x9a: {  	s4 =	simm.s32 $_size__tile_overlayer_lowered;
	s5 =	simm.s32 $_tile_overlayer_lowered  }
0x9b: {  	s6 =	simm.s32 $0x1BFF;
	s21 =	sshll.u32 s5, $0x1;
	s3 =	sadd.s32 s20, s19  }
0x9c: {  	s22 =	simm.s32 $0x0;
	s4 =	sshll.u32 s4, $0x1;
	s5 =	sadd.s32 s21, s3  }
0x9d: {  	[timem:s22], [sflag:s6] =	dma.local [hbm:s5], s4  }
0x9e: {  	_ =	swait.ge [sflag:s6], s4  }
0x9f: {  	s4 =	ssub.s32 $0x0, s4;
	[sflag:s6] =	ssyncset.done $0x0  }
0xa0: {  	[sflag:s6] =	ssyncadd.s32 s4;
	_ =	sdelay $0x1  }
0xa1: {  	s23 =	simm.s32 $0x1B8B  }
0xa2: {  	_ =	swait.ge [sflag:s23], $0x1  }
0xa3: {  	[sflag:s23] =	ssyncset.done $0x0  }
0xa4: {  	[sflag:s23] =	ssyncadd.s32 $0xFFFFFFFF  }
0xa5: {  	s4 =	sld [smem:$0x0]  }
0xa6: {  	s5 =	sand.u32 $0xFFFFFFFE, s1  }
0xa7: {  	p0 =	sne.s32 s1, s5  }
0xa8: {  	s5 =	sshll.u32 @p0 s5, $0xE  }
0xa9: {  	s5 =	sadd.s32 @p0 $0x11B8D, s5;
	s6 =	sshll.u32 @p0 s4, $0x11  }
0xaa: {  	s5 =	sor.u32 @p0 s6, s5  }
0xab: {  	[sflag:s5] =	ssyncadd.remote.s32 @p0 $0x1;
	_ =	sdelay $0x1  }
0xac: {  	s5 =	simm.s32 @p0 $0x1B8D  }
0xad: {  	_ =	swait.eq @p0 [sflag:s5], $0x1  }
0xae: {  	[sflag:s5] =	ssyncadd.s32 @p0 $0xFFFFFFFF  }
0xaf: {  	s6 =	sshll.u32 @!p0 s1, $0xE  }
0xb0: {  	s6 =	sor.u32 @!p0 $0x4000, s6;
	s5 =	simm.s32 @!p0 $0x1B8D  }
0xb1: {  	s4 =	sshll.u32 @!p0 s4, $0x11;
	s6 =	sadd.s32 @!p0 $0x11B8D, s6;
	_ =	swait.eq @!p0 [sflag:s5], $0x1  }
0xb2: {  	s4 =	sor.u32 @!p0 s4, s6;
	[sflag:s5] =	ssyncadd.s32 @!p0 $0xFFFFFFFF  }
0xb3: {  	s25 =	simm.s32 $0x1B8E;
	s24 =	sld [smem:$0x3FFE];
	[sflag:s4] =	ssyncadd.remote.s32 @!p0 $0x1  }
0xb4: {  	s26 =	simm.s32 $execute0_lowered;
	[smem:$0x3FD2] =	sst s25  }
0xb5: {  	s5 =	sshll.u32 s26, $0x1;
	_ =	strace $0x80000049;
	[dreg:$0x1] =	wrdreg $0xFFFFFFFF  }
0xb6: {  	s28 =	simm.s32 $_size_execute0_lowered;
	s3 =	sadd.s32 s3, s5;
	[dreg:$0x0] =	wrdreg $0x0  }
0xb7: {  	s5 =	sshll.u32 s28, $0x1;
	[dreg:$0x2] =	wrdreg s3  }
0xb8: {  	[dreg:$0x3] =	wrdreg s5  }
0xb9: {  	[dreg:$0x4] =	wrdreg $0xC0  }
0xba: {  	_ =	task [dreg:s22], $0x5FFFF  }
0xbb: {  	[dreg:$0x1] =	wrdreg $0xFFFFFFFF  }
0xbc: {  	[dreg:$0x0] =	wrdreg $0x60  }
0xbd: {  	[dreg:$0x2] =	wrdreg s24  }
0xbe: {  	[dreg:$0x3] =	wrdreg $0x9  }
0xbf: {  	_ =	task.clear_ibuf [dreg:s22], $0x4FFFF;
	_ =	strace $0x90000049  }
0xc0: {  	s29 =	simm.s32 $0x9;
	_ =	strace $0x8000004B  }
0xc1: {  	_ =	swait.ge [sflag:s29], $0x1  }
0xc2: {  	[sflag:s29] =	ssyncadd.s32 $0xFFFFFFFF  }
0xc3: {  	_ =	strace $0x9000004B  }
0xc4: {  	_ =	sfence  }
0xc5: {  	s30 =	sld [smem:$0x0];
	_ =	sdelay $0x2  }
0xc6: {  	s31 =	sshll.u32 s1, $0xD;
	s1 =	sshrl.u32 s1, $0x2  }
0xc7: {  	s4 =	sand.u32 $0x4000, s31;
	s1 =	sadd.s32 s1, s30  }
0xc8: {  	s0 =	sor.u32 s4, s0;
	s1 =	sshll.u32 s1, $0x11  }
0xc9: {  	s0 =	sor.u32 s1, s0  }
0xca: {  	s0 =	sadd.s32 $0x8F2B, s0  }
0xcb: {  	[sflag:s0] =	ssyncadd.remote.s32 $0x1  }
0xcc: {  	_ =	sfence.sel $0xFFFF  }
0xcd: {  	[dreg:$0x0] =	wrdreg $0xFFFFFFFF;
	(pc) =	sbr.abs _section_cstart, $3  }
0xce: {  	[dreg:$0x1] =	wrdreg $0xFFFFFFFF  }
0xcf: {  	_ =	task.clear_ibuf [dreg:s22], $0x2FFFF;
	_ =	strace $0x9FFFFFFF  }
0xd0: {  	(tm) =	ssettm $0x7FFFFFFF  }
0xd1: {  	_ =	shalt  }
tec
execute0_lowered:
.L_overlay_start_1:
0x0: {  	(tag) =	ssettag $0x1  }
0x1: {  	s1 =	srdreg.scid  }
0x2: {  	s0 =	stileid.u32;
	s4 =	rddreg [dreg:$0x0];
	s2 =	simm.s32 $0x0  }
0x3: {  	s14 =	simm.s32 $0x1;
	s15 =	simm.s32 $0x2;
	s12 =	smul.u32 $0x28000, s0  }
0x4: {  	s16 =	simm.s32 $0x0;
	s7 =	sand.u32 $0x1, s1;
	s29 =	smul.u32 $0x5000, s0  }
0x5: {  	s3 =	sshll.u32 s0, $0x1;
	s1 =	rddreg [dreg:$0x1];
	s26 =	smul.u32 $0x14000, s7  }
0x6: {  	[smem:$0x7FF] =	sst s2;
	s5 =	sor.u32 s7, s3;
	s13 =	smul.u32 $0x2800, s7  }
0x7: {  	s11 =	sadd.s32 $0x8B000, s4;
	s9 =	ssub.s32 $0x2, s7;
	s6 =	smul.u32 $0x140, s5  }
0x8: {  	_ =	strace $0x8000004A;
	s8 =	smul.u32 $0x14000, s5;
	s24 =	sshrl.u32 s9, $0x1  }
0x9: {  	s3 =	sadd.s32 $0x2C200, s4;
	s10 =	smul.u32 $0x2800, s5;
	s25 =	ssub.s32 s9, s24  }
0xa: {  	s9 =	sadd.s32 s26, s12;
	s12 =	simm.s32 $0xA00;
	s6 =	sadd.s32 s6, s4  }
0xb: {  	s8 =	sshrl.u32 s8, $0x3;
	s5 =	smax.u32 s25, $0x1;
	s30 =	sadd.s32 s10, s11  }
0xc: {  	s9 =	sshrl.u32 s9, $0x3;
	s10 =	simm.s32 $0x3;
	s4 =	sadd.s32 $0x88800, s6  }
0xd: {  	s28 =	sadd.s32 s11, s8;
	s8 =	sadd.s32 s29, s11;
	s7 =	sadd.s32 $0x2600, s30  }
0xe: {  	s6 =	sadd.s32 $0x2400, s28;
	s31 =	sadd.s32 s13, s8;
	s8 =	sadd.s32 s9, s11  }
0xf: {  	s11 =	simm.s32 $0x80;
	s13 =	simm.s32 $0x1A00;
	s9 =	sadd.s32 $0x200, s31  }
.LBB2_1:
0x10: {  	[tilespmem:s2], [sflag:$0x3] =	stream.linear.gather [hbm4b:s4+s2], $0xA00, $0x38;
	[tilespmem:$0x2A00] =	vst v63  }
0x11: {  	_ =	swait.ge [sflag:s10], $0xA00  }
0x12: {  	[sflag:s10] =	ssyncset.done $0x0  }
0x13: {  	[sflag:s10] =	ssyncadd.s32 $0xFFFFF600  }
0x14: {  	[tilespmem:s12], [sflag:$0x1] =	stream.indirect.gather [hbm4b:s3+s11], $0x20, s2, s11, $0xb8;
	[tilespmem:$0x2A00] =	vst v63  }
0x15: {  	_ = 	snop  }
0x16: {  	[tilespmem:s13], [sflag:$0x2] =	stream.indirect.gather [hbm4b:s3+s11], $0x20, s11, s11, $0xb8;
	[tilespmem:$0x2A00] =	vst v63  }
0x17: {  	_ =	swait.ge [sflag:s14], $0x1000  }
0x18: {  	[sflag:s14] =	ssyncset.done $0x0  }
0x19: {  	s17 =	sadd.s32 $0x0, s8;
	[sflag:s14] =	ssyncadd.s32 $0xFFFFF000  }
0x1a: {  	[hbm4b:s17+s2] =	stream.linear.scatter [tilespmem:s12], [sflag:$0x3], $0x1000, $0x38;
	[tilespmem:$0x2A00] =	vst v63  }
0x1b: {  	_ =	swait.ge [sflag:s10], $0x1000  }
0x1c: {  	[sflag:s10] =	ssyncset.done $0x0  }
0x1d: {  	s30 =	simm.s32 $0x100;
	[sflag:s10] =	ssyncadd.s32 $0xFFFFF000  }
0x1e: {  	[tilespmem:s12], [sflag:$0x1] =	stream.indirect.gather [hbm4b:s3+s11], $0x20, s30, s11, $0xb8;
	[tilespmem:$0x2A00] =	vst v63  }
0x1f: {  	_ =	swait.ge [sflag:s15], $0x1000  }
0x20: {  	[sflag:s15] =	ssyncset.done $0x0  }
0x21: {  	s31 =	sadd.s32 $0x0, s9;
	[sflag:s15] =	ssyncadd.s32 $0xFFFFF000  }
0x22: {  	[hbm4b:s31+s2] =	stream.linear.scatter [tilespmem:s13], [sflag:$0x3], $0x1000, $0x38;
	[tilespmem:$0x2A00] =	vst v63  }
0x23: {  	_ =	swait.ge [sflag:s10], $0x1000  }
0x24: {  	[sflag:s10] =	ssyncset.done $0x0  }
0x25: {  	s18 =	simm.s32 $0x180;
	s17 =	simm.s32 $0x400;
	[sflag:s10] =	ssyncadd.s32 $0xFFFFF000  }
.LBB2_2:
0x26: {  	[tilespmem:s13], [sflag:$0x2] =	stream.indirect.gather [hbm4b:s3+s11], $0x20, s18, s11, $0xb8;
	[tilespmem:$0x2A00] =	vst v63  }
0x27: {  	s18 =	smov.u32 s17  }
0x28: {  	p0 =	sne.s32 s17, $0x2000;
	s17 =	sadd.s32 $0x400, s17;
	_ =	swait.ge [sflag:s14], $0x1000  }
0x29: {  	[sflag:s14] =	ssyncset.done $0x0  }
0x2a: {  	s19 =	sadd.s32 s18, s8;
	[sflag:s14] =	ssyncadd.s32 $0xFFFFF000  }
0x2b: {  	[hbm4b:s19+s2] =	stream.linear.scatter [tilespmem:s12], [sflag:$0x3], $0x1000, $0x38;
	[tilespmem:$0x2A00] =	vst v63  }
0x2c: {  	_ =	swait.ge [sflag:s10], $0x1000  }
0x2d: {  	s19 =	sshra.s32 s18, $0x2;
	[sflag:s10] =	ssyncset.done $0x0  }
0x2e: {  	s20 =	sadd.s32 $0x100, s19;
	[sflag:s10] =	ssyncadd.s32 $0xFFFFF000  }
0x2f: {  	[tilespmem:s12], [sflag:$0x1] =	stream.indirect.gather [hbm4b:s3+s11], $0x20, s20, s11, $0xb8;
	[tilespmem:$0x2A00] =	vst v63  }
0x30: {  	_ =	swait.ge [sflag:s15], $0x1000  }
0x31: {  	[sflag:s15] =	ssyncset.done $0x0  }
.Ltmp0:
0x32: {  	s18 =	sadd.s32 s18, s9;
	[sflag:s15] =	ssyncadd.s32 $0xFFFFF000;
	(pc) =	sbr.rel @p0 .LBB2_2-.Ltmp0, $4  }
0x33: {  	[hbm4b:s18+s2] =	stream.linear.scatter [tilespmem:s13], [sflag:$0x3], $0x1000, $0x38;
	[tilespmem:$0x2A00] =	vst v63  }
0x34: {  	_ =	swait.ge [sflag:s10], $0x1000  }
0x35: {  	[sflag:s10] =	ssyncset.done $0x0  }
0x36: {  	s18 =	sadd.s32 $0x180, s19;
	[sflag:s10] =	ssyncadd.s32 $0xFFFFF000  }
0x37: {  	[tilespmem:s13], [sflag:$0x2] =	stream.indirect.gather [hbm4b:s3+s11], $0x20, s18, s11, $0xb8;
	[tilespmem:$0x2A00] =	vst v63  }
0x38: {  	_ =	swait.ge [sflag:s14], $0x1000  }
0x39: {  	[sflag:s14] =	ssyncset.done $0x0  }
0x3a: {  	[sflag:s14] =	ssyncadd.s32 $0xFFFFF000  }
0x3b: {  	[hbm4b:s6+s2] =	stream.linear.scatter [tilespmem:s12], [sflag:$0x3], $0x1000, $0x38;
	[tilespmem:$0x2A00] =	vst v63  }
0x3c: {  	_ =	swait.ge [sflag:s10], $0x1000  }
0x3d: {  	[sflag:s10] =	ssyncset.done $0x0  }
0x3e: {  	[sflag:s10] =	ssyncadd.s32 $0xFFFFF000  }
0x3f: {  	s16 =	sadd.s32 $0x1, s16;
	_ =	swait.ge [sflag:s15], $0x1000  }
0x40: {  	p0 =	sne.s32 s16, s5;
	[sflag:s15] =	ssyncset.done $0x0  }
.Ltmp1:
0x41: {  	[sflag:s15] =	ssyncadd.s32 $0xFFFFF000;
	(pc) =	sbr.rel @p0 .LBB2_1-.Ltmp1, $4  }
0x42: {  	[hbm4b:s7+s2] =	stream.linear.scatter [tilespmem:s13], [sflag:$0x3], $0x1000, $0x38;
	[tilespmem:$0x2A00] =	vst v63  }
0x43: {  	_ =	swait.ge [sflag:s10], $0x1000  }
0x44: {  	[sflag:s10] =	ssyncset.done $0x0  }
0x45: {  	[sflag:s10] =	ssyncadd.s32 $0xFFFFF000  }
0x46: {  	_ =	sfence.sel $0x180000  }
0x47: {  	[bflag:$0x0] =	sbarrier.arrive $0xFFFF  }
0x48: {  	p0 =	sne.s32 s0, $0x0;
	_ =	strace $0x9000004A  }
0x49: {  	s0 =	sadd.s32 @!p0 $0x100000, s1;
	[bflag:$0x2] =	sbarrier.arrive $0xFFFF  }
0x4a: {  	[sflag:s0] =	ssyncadd.tile.s32 @!p0 $0x1;
	_ =	shalt  }
.Lfunc_end2:
_tile_overlayer_lowered:
.L_overlay_start_2:
0x4b: {  	(tag) =	ssettag $0x2  }
0x4c: {  	s0 =	rddreg [dreg:$0x0];
	s2 =	stileid.u32  }
0x4d: {  	s1 =	rddreg [dreg:$0x1];
	p0 =	sne.s32 s2, $0x0  }
0x4e: {  	s3 =	rddreg [dreg:$0x2];
	[bflag:$0x3] =	sbarrier.arrive $0xFFFF;
	s2 =	simm.s32 @!p0 $0x1C03  }
0x4f: {  	[timem:s3], [sflag:s2] =	dma.local @!p0 [hbm:s0], s1  }
0x50: {  	s0 =	simm.s32 @!p0 $0x3  }
0x51: {  	_ =	swait.ge @!p0 [sflag:s0], s1  }
0x52: {  	s1 =	ssub.s32 @!p0 $0x0, s1;
	[sflag:s0] =	ssyncset.done @!p0 $0x0  }
0x53: {  	[sflag:s0] =	ssyncadd.s32 @!p0 s1  }
0x54: {  	[bflag:$0x3] =	sbarrier.arrive $0xFFFF  }
0x55: {  	_ =	shalt  }

// kernel: kernel.19.cloned.1.call-start
scs
__scs_entry_jumppad:
0x0: {  	(pc) =	sbr.rel $0x88, $3  }
0x1: {  	(tag) =	ssettag $0x0;
	lr =	simm.s32 $0x1  }
0x2: {  	[smem:$0x3F90] =	sst lr;
	_ =	strace $0xD0000000  }
0x3: {  	_ = 	snop  }
0x4: {  	_ = 	snop  }
0x5: {  	_ = 	snop  }
0x6: {  	_ = 	snop  }
0x7: {  	_ = 	snop  }
__scs_overlays_trampoline_lowered:
0x8: {  	[smem:$0x3F9F] =	sst s0  }
0x9: {  	[smem:$0x3FA0] =	sst s1  }
0xa: {  	[smem:$0x3FA1] =	sst s2  }
0xb: {  	[smem:$0x3FA2] =	sst s3  }
0xc: {  	[smem:$0x3FA3] =	sst s4  }
0xd: {  	[smem:$0x3FA4] =	sst s5  }
0xe: {  	[smem:$0x3FA5] =	sst s6  }
0xf: {  	[smem:$0x3FA6] =	sst s7  }
0x10: {  	[smem:$0x3FA7] =	sst s8  }
0x11: {  	[smem:$0x3FA8] =	sst s9;
	s0 =	simm.s32 @!p0 $0x0  }
0x12: {  	s1 =	sld [smem:$0x3F8E];
	s0 =	simm.s32 @p0 $0x1  }
0x13: {  	[smem:$0x3FA9] =	sst s0;
	s0 =	simm.s32 @!p1 $0x0  }
0x14: {  	s2 =	sld [smem:$0x3F8D];
	s0 =	simm.s32 @p1 $0x1  }
0x15: {  	[smem:$0x3FAA] =	sst s0;
	s0 =	simm.s32 @!p2 $0x0  }
0x16: {  	s3 =	sld [smem:$0x3FDB];
	s0 =	simm.s32 @p2 $0x1  }
0x17: {  	s4 =	simm.s32 $0x1BF5;
	[smem:$0x3FAC] =	sst s0  }
0x18: {  	s0 =	sld [smem:$0x3F8F];
	_ =	swait.ge [sflag:s4], $0x0  }
0x19: {  	s7 =	sld [smem:$0x3F90]  }
0x1a: {  	s8 =	sadd.s32 $0xFFFFE003, lr  }
0x1b: {  	s9 =	sadd.s32 $0xFFFFFEF7, lr;
	s5 =	simm.s32 $0xFFFFFFFF;
	p2 =	slt.u32 s8, $0xFFFFF086  }
0x1c: {  	p1 =	slt.u32 s9, $0xF7A;
	s5 =	simm.s32 @!p2 $0x0  }
0x1d: {  	s5 =	simm.s32 @p1 $0x1;
	p0 =	seq.s32 s7, s2  }
0x1e: {  	s7 =	smul.u32 @!p0 $0xF7A, s2;
	p2 =	seq.s32 @!p0 s5, $0x0  }
0x1f: {  	s9 =	smul.u32 $0xF7A, s1;
	s8 =	simm.s32 @!p0 $0x1BF5;
	p2 =	por !p2, p0  }
0x20: {  	[sflag:s8] =	ssyncset.s32 @!p0 $0xFFFFF086;
	s6 =	sadd.s32 @!p0 s3, s7;
	s7 =	simm.s32 @!p0 $0x108  }
0x21: {  	s3 =	sadd.s32 s3, s9;
	s6 =	sadd.s32 @!p0 $0x88, s6;
	s7 =	simm.s32 @p2 $0x1082  }
0x22: {  	[simem:s7], [sflag:s8] =	dma.local @!p0 [hbm:s6], $0xF7A  }
0x23: {  	s9 =	sor.u32 $0xD0000000, s2;
	s6 =	simm.s32 $0x108;
	_ =	swait.ge @!p0 [sflag:s8], $0x0  }
0x24: {  	s3 =	sadd.s32 $0x88, s3;
	s6 =	simm.s32 @!p1 $0x1082;
	[sflag:s4] =	ssyncset.s32 $0xFFFFF086  }
0x25: {  	[simem:s6], [sflag:s4] =	dma.local [hbm:s3], $0xF7A  }
0x26: {  	[smem:$0x3F90] =	sst s1;
	(tag) =	ssettag s2;
	_ =	strace s9  }
0x27: {  	s1 =	sld [smem:$0x3FA0]  }
0x28: {  	s2 =	sld [smem:$0x3FA1]  }
0x29: {  	s4 =	sld [smem:$0x3FA3]  }
0x2a: {  	p0 =	seq.s32 s5, $0x0;
	s5 =	sld [smem:$0x3FA4]  }
0x2b: {  	s6 =	sld [smem:$0x3FA5]  }
0x2c: {  	s7 =	sld [smem:$0x3FA6]  }
0x2d: {  	s3 =	simm.s32 $0x108;
	s8 =	sld [smem:$0x3FA7]  }
0x2e: {  	s3 =	simm.s32 @!p0 $0x1082;
	s9 =	sld [smem:$0x3FA8]  }
0x2f: {  	lr =	sadd.s32 s0, s3;
	s0 =	sld [smem:$0x3F9F]  }
0x30: {  	s3 =	sld [smem:$0x3FA2]  }
0x31: {  	[smem:$0x3FAB] =	sst s10  }
0x32: {  	s10 =	sld [smem:$0x3FA9];
	_ =	sdelay $0x3  }
0x33: {  	p0 =	seq.s32 s10, $0x1;
	s10 =	sld [smem:$0x3FAB];
	_ =	sdelay $0x3  }
0x34: {  	[smem:$0x3FAB] =	sst s10  }
0x35: {  	s10 =	sld [smem:$0x3FAA];
	_ =	sdelay $0x3  }
0x36: {  	p1 =	seq.s32 s10, $0x1;
	s10 =	sld [smem:$0x3FAB];
	_ =	sdelay $0x3  }
0x37: {  	[smem:$0x3FAB] =	sst s10  }
0x38: {  	s10 =	sld [smem:$0x3FAC]  }
0x39: {  	_ = 	snop;
	(pc) =	sbr.ind lr, $3  }
0x3a: {  	_ = 	snop  }
0x3b: {  	_ = 	snop  }
0x3c: {  	p2 =	seq.s32 s10, $0x1;
	s10 =	sld [smem:$0x3FAB]  }
0x3d: {  	_ =	shalt  }
0x3e: {  	_ =	shalt  }
0x3f: {  	_ =	shalt  }
0x40: {  	_ =	shalt  }
0x41: {  	_ =	shalt  }
0x42: {  	_ =	shalt  }
0x43: {  	_ =	shalt  }
0x44: {  	_ =	shalt  }
0x45: {  	_ =	shalt  }
0x46: {  	_ =	shalt  }
0x47: {  	_ =	shalt  }
0x48: {  	_ =	shalt  }
0x49: {  	_ =	shalt  }
0x4a: {  	_ =	shalt  }
0x4b: {  	_ =	shalt  }
0x4c: {  	_ =	shalt  }
0x4d: {  	_ =	shalt  }
0x4e: {  	_ =	shalt  }
0x4f: {  	_ =	shalt  }
0x50: {  	_ =	shalt  }
0x51: {  	_ =	shalt  }
0x52: {  	_ =	shalt  }
0x53: {  	_ =	shalt  }
0x54: {  	_ =	shalt  }
0x55: {  	_ =	shalt  }
0x56: {  	_ =	shalt  }
0x57: {  	_ =	shalt  }
0x58: {  	_ =	shalt  }
0x59: {  	_ =	shalt  }
0x5a: {  	_ =	shalt  }
0x5b: {  	_ =	shalt  }
0x5c: {  	_ =	shalt  }
0x5d: {  	_ =	shalt  }
0x5e: {  	_ =	shalt  }
0x5f: {  	_ =	shalt  }
0x60: {  	_ =	shalt  }
0x61: {  	_ =	shalt  }
0x62: {  	_ =	shalt  }
0x63: {  	_ =	shalt  }
0x64: {  	_ =	shalt  }
0x65: {  	_ =	shalt  }
0x66: {  	_ =	shalt  }
0x67: {  	_ =	shalt  }
0x68: {  	_ =	shalt  }
0x69: {  	_ =	shalt  }
0x6a: {  	_ =	shalt  }
0x6b: {  	_ =	shalt  }
0x6c: {  	_ =	shalt  }
0x6d: {  	_ =	shalt  }
0x6e: {  	_ =	shalt  }
0x6f: {  	_ =	shalt  }
0x70: {  	_ =	shalt  }
0x71: {  	_ =	shalt  }
0x72: {  	_ =	shalt  }
0x73: {  	_ =	shalt  }
0x74: {  	_ =	shalt  }
0x75: {  	_ =	shalt  }
0x76: {  	_ =	shalt  }
0x77: {  	_ =	shalt  }
0x78: {  	_ =	shalt  }
0x79: {  	_ =	shalt  }
0x7a: {  	_ =	shalt  }
0x7b: {  	_ =	shalt  }
0x7c: {  	_ =	shalt  }
0x7d: {  	_ =	shalt  }
0x7e: {  	_ =	shalt  }
0x7f: {  	_ =	shalt  }
0x80: {  	_ =	shalt  }
0x81: {  	_ =	shalt  }
0x82: {  	_ =	shalt  }
0x83: {  	_ =	shalt  }
0x84: {  	_ =	shalt  }
0x85: {  	_ =	shalt  }
0x86: {  	_ =	shalt  }
0x87: {  	_ =	shalt  }
.Lfunc_end0:
.L_simem_size_0:
called_computation.1_lowered:
.L_overlay_start_0:
0x88: {  	s2 =	sld [smem:$0x3FD9]  }
0x89: {  	s3 =	sld [smem:$0x3FFE];
	_ =	sdelay $0x1  }
0x8a: {  	s1 =	srdreg.scid  }
0x8b: {  	s0 =	sand.u32 $0x1, s1  }
0x8c: {  	s16 =	sshll.u32 s0, $0xA;
	s2 =	sadd.s32 s3, s2  }
0x8d: {  	s2 =	sadd.s32 s2, s16  }
0x8e: {  	[smem:$0x3FB7] =	sst s2  }
0x8f: {  	_ = 	snop  }
0x90: {  	(tm) =	ssettm $0x1  }
0x91: {  	s17 =	sld [smem:$0x3FFB];
	_ =	sdelay $0x3  }
0x92: {  	_ =	strace s17  }
0x93: {  	s2 =	sld [smem:$0x3FFC];
	_ =	sdelay $0x3  }
0x94: {  	_ =	strace s2  }
0x95: {  	s2 =	sld [smem:$0x3FFD];
	_ =	sdelay $0x3  }
0x96: {  	_ =	strace s2  }
0x97: {  	_ =	strace $0x8FFFFFFF  }
0x98: {  	s18 =	sld [smem:$0x3FDB];
	_ =	sdelay $0x1  }
0x99: {  	s19 =	simm.s32 $_scs_section_size  }
0x9a: {  	s4 =	simm.s32 $_size__tile_overlayer_lowered;
	s5 =	simm.s32 $_tile_overlayer_lowered  }
0x9b: {  	s22 =	simm.s32 $0x1BFF;
	s21 =	sshll.u32 s5, $0x1;
	s2 =	sadd.s32 s19, s18  }
0x9c: {  	s6 =	simm.s32 $0x0;
	s20 =	sshll.u32 s4, $0x1;
	s4 =	sadd.s32 s21, s2  }
0x9d: {  	[timem:s6], [sflag:s22] =	dma.local [hbm:s4], s20  }
0x9e: {  	_ =	swait.ge [sflag:s22], s20  }
0x9f: {  	s3 =	ssub.s32 $0x0, s20;
	[sflag:s22] =	ssyncset.done $0x0  }
0xa0: {  	[sflag:s22] =	ssyncadd.s32 s3;
	_ =	sdelay $0x1  }
0xa1: {  	s23 =	simm.s32 $0x1B8B  }
0xa2: {  	_ =	swait.ge [sflag:s23], $0x1  }
0xa3: {  	[sflag:s23] =	ssyncset.done $0x0  }
0xa4: {  	s25 =	simm.s32 $0x1B8E;
	s24 =	sld [smem:$0x3FFE];
	[sflag:s23] =	ssyncadd.s32 $0xFFFFFFFF  }
0xa5: {  	s26 =	simm.s32 $execute0_lowered;
	[smem:$0x3FD2] =	sst s25  }
0xa6: {  	s4 =	sshll.u32 s26, $0x1;
	_ =	strace $0x80000046;
	[dreg:$0x1] =	wrdreg $0xFFFFFFFF  }
0xa7: {  	s28 =	simm.s32 $_size_execute0_lowered;
	s2 =	sadd.s32 s2, s4;
	[dreg:$0x0] =	wrdreg $0x0  }
0xa8: {  	s4 =	sshll.u32 s28, $0x1;
	[dreg:$0x2] =	wrdreg s2  }
0xa9: {  	[dreg:$0x3] =	wrdreg s4  }
0xaa: {  	[dreg:$0x4] =	wrdreg $0xC0  }
0xab: {  	_ =	task [dreg:s6], $0x5FFFF  }
0xac: {  	[dreg:$0x1] =	wrdreg $0xFFFFFFFF  }
0xad: {  	[dreg:$0x0] =	wrdreg $0x60  }
0xae: {  	[dreg:$0x2] =	wrdreg s24  }
0xaf: {  	[dreg:$0x3] =	wrdreg $0xA  }
0xb0: {  	_ =	task.clear_ibuf [dreg:s6], $0x4FFFF;
	_ =	strace $0x90000046  }
0xb1: {  	s29 =	simm.s32 $0xA;
	_ =	strace $0x80000048  }
0xb2: {  	_ =	swait.ge [sflag:s29], $0x1  }
0xb3: {  	[sflag:s29] =	ssyncadd.s32 $0xFFFFFFFF  }
0xb4: {  	_ =	strace $0x90000048  }
0xb5: {  	_ =	sfence  }
0xb6: {  	s30 =	sld [smem:$0x0];
	_ =	sdelay $0x2  }
0xb7: {  	s31 =	sshll.u32 s1, $0xD;
	s1 =	sshrl.u32 s1, $0x2  }
0xb8: {  	s3 =	sand.u32 $0x4000, s31;
	s1 =	sadd.s32 s1, s30  }
0xb9: {  	s0 =	sor.u32 s3, s0;
	s1 =	sshll.u32 s1, $0x11  }
0xba: {  	s0 =	sor.u32 s1, s0  }
0xbb: {  	s0 =	sadd.s32 $0x8F2B, s0  }
0xbc: {  	[sflag:s0] =	ssyncadd.remote.s32 $0x1  }
0xbd: {  	_ =	sfence.sel $0xFFFF  }
0xbe: {  	[dreg:$0x0] =	wrdreg $0xFFFFFFFF;
	(pc) =	sbr.abs _section_cstart, $3  }
0xbf: {  	[dreg:$0x1] =	wrdreg $0xFFFFFFFF  }
0xc0: {  	_ =	task.clear_ibuf [dreg:s6], $0x2FFFF;
	_ =	strace $0x9FFFFFFF  }
0xc1: {  	(tm) =	ssettm $0x7FFFFFFF  }
tec
execute0_lowered:
.L_overlay_start_1:
0x0: {  	(tag) =	ssettag $0x1  }
0x1: {  	s1 =	srdreg.scid  }
0x2: {  	s0 =	stileid.u32;
	s4 =	rddreg [dreg:$0x0];
	s2 =	simm.s32 $0x0  }
0x3: {  	s14 =	simm.s32 $0x1;
	s15 =	simm.s32 $0x2;
	s12 =	smul.u32 $0x28000, s0  }
0x4: {  	s16 =	simm.s32 $0x0;
	s7 =	sand.u32 $0x1, s1;
	s29 =	smul.u32 $0x5000, s0  }
0x5: {  	s3 =	sshll.u32 s0, $0x1;
	s1 =	rddreg [dreg:$0x1];
	s26 =	smul.u32 $0x14000, s7  }
0x6: {  	[smem:$0x7FF] =	sst s2;
	s5 =	sor.u32 s7, s3;
	s13 =	smul.u32 $0x2800, s7  }
0x7: {  	s11 =	sadd.s32 $0x38800, s4;
	s9 =	ssub.s32 $0x2, s7;
	s6 =	smul.u32 $0x140, s5  }
0x8: {  	_ =	strace $0x80000047;
	s8 =	smul.u32 $0x14000, s5;
	s24 =	sshrl.u32 s9, $0x1  }
0x9: {  	s3 =	sadd.s32 $0x2C200, s4;
	s10 =	smul.u32 $0x2800, s5;
	s25 =	ssub.s32 s9, s24  }
0xa: {  	s9 =	sadd.s32 s26, s12;
	s12 =	simm.s32 $0xA00;
	s6 =	sadd.s32 s6, s4  }
0xb: {  	s8 =	sshrl.u32 s8, $0x3;
	s5 =	smax.u32 s25, $0x1;
	s30 =	sadd.s32 s10, s11  }
0xc: {  	s9 =	sshrl.u32 s9, $0x3;
	s10 =	simm.s32 $0x3;
	s4 =	sadd.s32 $0x36000, s6  }
0xd: {  	s28 =	sadd.s32 s11, s8;
	s8 =	sadd.s32 s29, s11;
	s7 =	sadd.s32 $0x2600, s30  }
0xe: {  	s6 =	sadd.s32 $0x2400, s28;
	s31 =	sadd.s32 s13, s8;
	s8 =	sadd.s32 s9, s11  }
0xf: {  	s11 =	simm.s32 $0x80;
	s13 =	simm.s32 $0x1A00;
	s9 =	sadd.s32 $0x200, s31  }
.LBB2_1:
0x10: {  	[tilespmem:s2], [sflag:$0x3] =	stream.linear.gather [hbm4b:s4+s2], $0xA00, $0x38;
	[tilespmem:$0x2A00] =	vst v63  }
0x11: {  	_ =	swait.ge [sflag:s10], $0xA00  }
0x12: {  	[sflag:s10] =	ssyncset.done $0x0  }
0x13: {  	[sflag:s10] =	ssyncadd.s32 $0xFFFFF600  }
0x14: {  	[tilespmem:s12], [sflag:$0x1] =	stream.indirect.gather [hbm4b:s3+s11], $0x20, s2, s11, $0xb8;
	[tilespmem:$0x2A00] =	vst v63  }
0x15: {  	_ = 	snop  }
0x16: {  	[tilespmem:s13], [sflag:$0x2] =	stream.indirect.gather [hbm4b:s3+s11], $0x20, s11, s11, $0xb8;
	[tilespmem:$0x2A00] =	vst v63  }
0x17: {  	_ =	swait.ge [sflag:s14], $0x1000  }
0x18: {  	[sflag:s14] =	ssyncset.done $0x0  }
0x19: {  	s17 =	sadd.s32 $0x0, s8;
	[sflag:s14] =	ssyncadd.s32 $0xFFFFF000  }
0x1a: {  	[hbm4b:s17+s2] =	stream.linear.scatter [tilespmem:s12], [sflag:$0x3], $0x1000, $0x38;
	[tilespmem:$0x2A00] =	vst v63  }
0x1b: {  	_ =	swait.ge [sflag:s10], $0x1000  }
0x1c: {  	[sflag:s10] =	ssyncset.done $0x0  }
0x1d: {  	s30 =	simm.s32 $0x100;
	[sflag:s10] =	ssyncadd.s32 $0xFFFFF000  }
0x1e: {  	[tilespmem:s12], [sflag:$0x1] =	stream.indirect.gather [hbm4b:s3+s11], $0x20, s30, s11, $0xb8;
	[tilespmem:$0x2A00] =	vst v63  }
0x1f: {  	_ =	swait.ge [sflag:s15], $0x1000  }
0x20: {  	[sflag:s15] =	ssyncset.done $0x0  }
0x21: {  	s31 =	sadd.s32 $0x0, s9;
	[sflag:s15] =	ssyncadd.s32 $0xFFFFF000  }
0x22: {  	[hbm4b:s31+s2] =	stream.linear.scatter [tilespmem:s13], [sflag:$0x3], $0x1000, $0x38;
	[tilespmem:$0x2A00] =	vst v63  }
0x23: {  	_ =	swait.ge [sflag:s10], $0x1000  }
0x24: {  	[sflag:s10] =	ssyncset.done $0x0  }
0x25: {  	s18 =	simm.s32 $0x180;
	s17 =	simm.s32 $0x400;
	[sflag:s10] =	ssyncadd.s32 $0xFFFFF000  }
.LBB2_2:
0x26: {  	[tilespmem:s13], [sflag:$0x2] =	stream.indirect.gather [hbm4b:s3+s11], $0x20, s18, s11, $0xb8;
	[tilespmem:$0x2A00] =	vst v63  }
0x27: {  	s18 =	smov.u32 s17  }
0x28: {  	p0 =	sne.s32 s17, $0x2000;
	s17 =	sadd.s32 $0x400, s17;
	_ =	swait.ge [sflag:s14], $0x1000  }
0x29: {  	[sflag:s14] =	ssyncset.done $0x0  }
0x2a: {  	s19 =	sadd.s32 s18, s8;
	[sflag:s14] =	ssyncadd.s32 $0xFFFFF000  }
0x2b: {  	[hbm4b:s19+s2] =	stream.linear.scatter [tilespmem:s12], [sflag:$0x3], $0x1000, $0x38;
	[tilespmem:$0x2A00] =	vst v63  }
0x2c: {  	_ =	swait.ge [sflag:s10], $0x1000  }
0x2d: {  	s19 =	sshra.s32 s18, $0x2;
	[sflag:s10] =	ssyncset.done $0x0  }
0x2e: {  	s20 =	sadd.s32 $0x100, s19;
	[sflag:s10] =	ssyncadd.s32 $0xFFFFF000  }
0x2f: {  	[tilespmem:s12], [sflag:$0x1] =	stream.indirect.gather [hbm4b:s3+s11], $0x20, s20, s11, $0xb8;
	[tilespmem:$0x2A00] =	vst v63  }
0x30: {  	_ =	swait.ge [sflag:s15], $0x1000  }
0x31: {  	[sflag:s15] =	ssyncset.done $0x0  }
.Ltmp0:
0x32: {  	s18 =	sadd.s32 s18, s9;
	[sflag:s15] =	ssyncadd.s32 $0xFFFFF000;
	(pc) =	sbr.rel @p0 .LBB2_2-.Ltmp0, $4  }
0x33: {  	[hbm4b:s18+s2] =	stream.linear.scatter [tilespmem:s13], [sflag:$0x3], $0x1000, $0x38;
	[tilespmem:$0x2A00] =	vst v63  }
0x34: {  	_ =	swait.ge [sflag:s10], $0x1000  }
0x35: {  	[sflag:s10] =	ssyncset.done $0x0  }
0x36: {  	s18 =	sadd.s32 $0x180, s19;
	[sflag:s10] =	ssyncadd.s32 $0xFFFFF000  }
0x37: {  	[tilespmem:s13], [sflag:$0x2] =	stream.indirect.gather [hbm4b:s3+s11], $0x20, s18, s11, $0xb8;
	[tilespmem:$0x2A00] =	vst v63  }
0x38: {  	_ =	swait.ge [sflag:s14], $0x1000  }
0x39: {  	[sflag:s14] =	ssyncset.done $0x0  }
0x3a: {  	[sflag:s14] =	ssyncadd.s32 $0xFFFFF000  }
0x3b: {  	[hbm4b:s6+s2] =	stream.linear.scatter [tilespmem:s12], [sflag:$0x3], $0x1000, $0x38;
	[tilespmem:$0x2A00] =	vst v63  }
0x3c: {  	_ =	swait.ge [sflag:s10], $0x1000  }
0x3d: {  	[sflag:s10] =	ssyncset.done $0x0  }
0x3e: {  	[sflag:s10] =	ssyncadd.s32 $0xFFFFF000  }
0x3f: {  	s16 =	sadd.s32 $0x1, s16;
	_ =	swait.ge [sflag:s15], $0x1000  }
0x40: {  	p0 =	sne.s32 s16, s5;
	[sflag:s15] =	ssyncset.done $0x0  }
.Ltmp1:
0x41: {  	[sflag:s15] =	ssyncadd.s32 $0xFFFFF000;
	(pc) =	sbr.rel @p0 .LBB2_1-.Ltmp1, $4  }
0x42: {  	[hbm4b:s7+s2] =	stream.linear.scatter [tilespmem:s13], [sflag:$0x3], $0x1000, $0x38;
	[tilespmem:$0x2A00] =	vst v63  }
0x43: {  	_ =	swait.ge [sflag:s10], $0x1000  }
0x44: {  	[sflag:s10] =	ssyncset.done $0x0  }
0x45: {  	[sflag:s10] =	ssyncadd.s32 $0xFFFFF000  }
0x46: {  	_ =	sfence.sel $0x180000  }
0x47: {  	[bflag:$0x0] =	sbarrier.arrive $0xFFFF  }
0x48: {  	p0 =	sne.s32 s0, $0x0;
	_ =	strace $0x90000047  }
0x49: {  	s0 =	sadd.s32 @!p0 $0x100000, s1;
	[bflag:$0x2] =	sbarrier.arrive $0xFFFF  }
0x4a: {  	[sflag:s0] =	ssyncadd.tile.s32 @!p0 $0x1;
	_ =	shalt  }
.Lfunc_end2:
_tile_overlayer_lowered:
.L_overlay_start_2:
0x4b: {  	(tag) =	ssettag $0x2  }
0x4c: {  	s0 =	rddreg [dreg:$0x0];
	s2 =	stileid.u32  }
0x4d: {  	s1 =	rddreg [dreg:$0x1];
	p0 =	sne.s32 s2, $0x0  }
0x4e: {  	s3 =	rddreg [dreg:$0x2];
	[bflag:$0x3] =	sbarrier.arrive $0xFFFF;
	s2 =	simm.s32 @!p0 $0x1C03  }
0x4f: {  	[timem:s3], [sflag:s2] =	dma.local @!p0 [hbm:s0], s1  }
0x50: {  	s0 =	simm.s32 @!p0 $0x3  }
0x51: {  	_ =	swait.ge @!p0 [sflag:s0], s1  }
0x52: {  	s1 =	ssub.s32 @!p0 $0x0, s1;
	[sflag:s0] =	ssyncset.done @!p0 $0x0  }
0x53: {  	[sflag:s0] =	ssyncadd.s32 @!p0 s1  }
0x54: {  	[bflag:$0x3] =	sbarrier.arrive $0xFFFF  }
0x55: {  	_ =	shalt  }

// kernel: kernel.22.cloned.1.call-start
scs
__scs_entry_jumppad:
0x0: {  	(pc) =	sbr.rel $0x88, $3  }
0x1: {  	(tag) =	ssettag $0x0;
	lr =	simm.s32 $0x1  }
0x2: {  	[smem:$0x3F90] =	sst lr;
	_ =	strace $0xD0000000  }
0x3: {  	_ = 	snop  }
0x4: {  	_ = 	snop  }
0x5: {  	_ = 	snop  }
0x6: {  	_ = 	snop  }
0x7: {  	_ = 	snop  }
__scs_overlays_trampoline_lowered:
0x8: {  	[smem:$0x3F9F] =	sst s0  }
0x9: {  	[smem:$0x3FA0] =	sst s1  }
0xa: {  	[smem:$0x3FA1] =	sst s2  }
0xb: {  	[smem:$0x3FA2] =	sst s3  }
0xc: {  	[smem:$0x3FA3] =	sst s4  }
0xd: {  	[smem:$0x3FA4] =	sst s5  }
0xe: {  	[smem:$0x3FA5] =	sst s6  }
0xf: {  	[smem:$0x3FA6] =	sst s7  }
0x10: {  	[smem:$0x3FA7] =	sst s8  }
0x11: {  	[smem:$0x3FA8] =	sst s9;
	s0 =	simm.s32 @!p0 $0x0  }
0x12: {  	s1 =	sld [smem:$0x3F8E];
	s0 =	simm.s32 @p0 $0x1  }
0x13: {  	[smem:$0x3FA9] =	sst s0;
	s0 =	simm.s32 @!p1 $0x0  }
0x14: {  	s2 =	sld [smem:$0x3F8D];
	s0 =	simm.s32 @p1 $0x1  }
0x15: {  	[smem:$0x3FAA] =	sst s0;
	s0 =	simm.s32 @!p2 $0x0  }
0x16: {  	s3 =	sld [smem:$0x3FDB];
	s0 =	simm.s32 @p2 $0x1  }
0x17: {  	s4 =	simm.s32 $0x1BF5;
	[smem:$0x3FAC] =	sst s0  }
0x18: {  	s0 =	sld [smem:$0x3F8F];
	_ =	swait.ge [sflag:s4], $0x0  }
0x19: {  	s7 =	sld [smem:$0x3F90]  }
0x1a: {  	s8 =	sadd.s32 $0xFFFFE003, lr  }
0x1b: {  	s9 =	sadd.s32 $0xFFFFFEF7, lr;
	s5 =	simm.s32 $0xFFFFFFFF;
	p2 =	slt.u32 s8, $0xFFFFF086  }
0x1c: {  	p1 =	slt.u32 s9, $0xF7A;
	s5 =	simm.s32 @!p2 $0x0  }
0x1d: {  	s5 =	simm.s32 @p1 $0x1;
	p0 =	seq.s32 s7, s2  }
0x1e: {  	s7 =	smul.u32 @!p0 $0xF7A, s2;
	p2 =	seq.s32 @!p0 s5, $0x0  }
0x1f: {  	s9 =	smul.u32 $0xF7A, s1;
	s8 =	simm.s32 @!p0 $0x1BF5;
	p2 =	por !p2, p0  }
0x20: {  	[sflag:s8] =	ssyncset.s32 @!p0 $0xFFFFF086;
	s6 =	sadd.s32 @!p0 s3, s7;
	s7 =	simm.s32 @!p0 $0x108  }
0x21: {  	s3 =	sadd.s32 s3, s9;
	s6 =	sadd.s32 @!p0 $0x88, s6;
	s7 =	simm.s32 @p2 $0x1082  }
0x22: {  	[simem:s7], [sflag:s8] =	dma.local @!p0 [hbm:s6], $0xF7A  }
0x23: {  	s9 =	sor.u32 $0xD0000000, s2;
	s6 =	simm.s32 $0x108;
	_ =	swait.ge @!p0 [sflag:s8], $0x0  }
0x24: {  	s3 =	sadd.s32 $0x88, s3;
	s6 =	simm.s32 @!p1 $0x1082;
	[sflag:s4] =	ssyncset.s32 $0xFFFFF086  }
0x25: {  	[simem:s6], [sflag:s4] =	dma.local [hbm:s3], $0xF7A  }
0x26: {  	[smem:$0x3F90] =	sst s1;
	(tag) =	ssettag s2;
	_ =	strace s9  }
0x27: {  	s1 =	sld [smem:$0x3FA0]  }
0x28: {  	s2 =	sld [smem:$0x3FA1]  }
0x29: {  	s4 =	sld [smem:$0x3FA3]  }
0x2a: {  	p0 =	seq.s32 s5, $0x0;
	s5 =	sld [smem:$0x3FA4]  }
0x2b: {  	s6 =	sld [smem:$0x3FA5]  }
0x2c: {  	s7 =	sld [smem:$0x3FA6]  }
0x2d: {  	s3 =	simm.s32 $0x108;
	s8 =	sld [smem:$0x3FA7]  }
0x2e: {  	s3 =	simm.s32 @!p0 $0x1082;
	s9 =	sld [smem:$0x3FA8]  }
0x2f: {  	lr =	sadd.s32 s0, s3;
	s0 =	sld [smem:$0x3F9F]  }
0x30: {  	s3 =	sld [smem:$0x3FA2]  }
0x31: {  	[smem:$0x3FAB] =	sst s10  }
0x32: {  	s10 =	sld [smem:$0x3FA9];
	_ =	sdelay $0x3  }
0x33: {  	p0 =	seq.s32 s10, $0x1;
	s10 =	sld [smem:$0x3FAB];
	_ =	sdelay $0x3  }
0x34: {  	[smem:$0x3FAB] =	sst s10  }
0x35: {  	s10 =	sld [smem:$0x3FAA];
	_ =	sdelay $0x3  }
0x36: {  	p1 =	seq.s32 s10, $0x1;
	s10 =	sld [smem:$0x3FAB];
	_ =	sdelay $0x3  }
0x37: {  	[smem:$0x3FAB] =	sst s10  }
0x38: {  	s10 =	sld [smem:$0x3FAC]  }
0x39: {  	_ = 	snop;
	(pc) =	sbr.ind lr, $3  }
0x3a: {  	_ = 	snop  }
0x3b: {  	_ = 	snop  }
0x3c: {  	p2 =	seq.s32 s10, $0x1;
	s10 =	sld [smem:$0x3FAB]  }
0x3d: {  	_ =	shalt  }
0x3e: {  	_ =	shalt  }
0x3f: {  	_ =	shalt  }
0x40: {  	_ =	shalt  }
0x41: {  	_ =	shalt  }
0x42: {  	_ =	shalt  }
0x43: {  	_ =	shalt  }
0x44: {  	_ =	shalt  }
0x45: {  	_ =	shalt  }
0x46: {  	_ =	shalt  }
0x47: {  	_ =	shalt  }
0x48: {  	_ =	shalt  }
0x49: {  	_ =	shalt  }
0x4a: {  	_ =	shalt  }
0x4b: {  	_ =	shalt  }
0x4c: {  	_ =	shalt  }
0x4d: {  	_ =	shalt  }
0x4e: {  	_ =	shalt  }
0x4f: {  	_ =	shalt  }
0x50: {  	_ =	shalt  }
0x51: {  	_ =	shalt  }
0x52: {  	_ =	shalt  }
0x53: {  	_ =	shalt  }
0x54: {  	_ =	shalt  }
0x55: {  	_ =	shalt  }
0x56: {  	_ =	shalt  }
0x57: {  	_ =	shalt  }
0x58: {  	_ =	shalt  }
0x59: {  	_ =	shalt  }
0x5a: {  	_ =	shalt  }
0x5b: {  	_ =	shalt  }
0x5c: {  	_ =	shalt  }
0x5d: {  	_ =	shalt  }
0x5e: {  	_ =	shalt  }
0x5f: {  	_ =	shalt  }
0x60: {  	_ =	shalt  }
0x61: {  	_ =	shalt  }
0x62: {  	_ =	shalt  }
0x63: {  	_ =	shalt  }
0x64: {  	_ =	shalt  }
0x65: {  	_ =	shalt  }
0x66: {  	_ =	shalt  }
0x67: {  	_ =	shalt  }
0x68: {  	_ =	shalt  }
0x69: {  	_ =	shalt  }
0x6a: {  	_ =	shalt  }
0x6b: {  	_ =	shalt  }
0x6c: {  	_ =	shalt  }
0x6d: {  	_ =	shalt  }
0x6e: {  	_ =	shalt  }
0x6f: {  	_ =	shalt  }
0x70: {  	_ =	shalt  }
0x71: {  	_ =	shalt  }
0x72: {  	_ =	shalt  }
0x73: {  	_ =	shalt  }
0x74: {  	_ =	shalt  }
0x75: {  	_ =	shalt  }
0x76: {  	_ =	shalt  }
0x77: {  	_ =	shalt  }
0x78: {  	_ =	shalt  }
0x79: {  	_ =	shalt  }
0x7a: {  	_ =	shalt  }
0x7b: {  	_ =	shalt  }
0x7c: {  	_ =	shalt  }
0x7d: {  	_ =	shalt  }
0x7e: {  	_ =	shalt  }
0x7f: {  	_ =	shalt  }
0x80: {  	_ =	shalt  }
0x81: {  	_ =	shalt  }
0x82: {  	_ =	shalt  }
0x83: {  	_ =	shalt  }
0x84: {  	_ =	shalt  }
0x85: {  	_ =	shalt  }
0x86: {  	_ =	shalt  }
0x87: {  	_ =	shalt  }
.Lfunc_end0:
.L_simem_size_0:
called_computation.2_lowered:
.L_overlay_start_0:
0x88: {  	s2 =	sld [smem:$0x3FD9]  }
0x89: {  	s3 =	sld [smem:$0x3FFE];
	_ =	sdelay $0x1  }
0x8a: {  	s1 =	srdreg.scid  }
0x8b: {  	s0 =	sand.u32 $0x1, s1  }
0x8c: {  	s17 =	sshll.u32 s0, $0xA;
	s2 =	sadd.s32 s3, s2  }
0x8d: {  	s2 =	sadd.s32 s2, s17  }
0x8e: {  	[smem:$0x3FB7] =	sst s2  }
0x8f: {  	_ = 	snop  }
0x90: {  	(tm) =	ssettm $0x1  }
0x91: {  	s18 =	sld [smem:$0x3FFB];
	_ =	sdelay $0x3  }
0x92: {  	_ =	strace s18  }
0x93: {  	s2 =	sld [smem:$0x3FFC];
	_ =	sdelay $0x3  }
0x94: {  	_ =	strace s2  }
0x95: {  	s2 =	sld [smem:$0x3FFD];
	_ =	sdelay $0x3  }
0x96: {  	_ =	strace s2  }
0x97: {  	_ =	strace $0x8FFFFFFF  }
0x98: {  	s19 =	sld [smem:$0x3FDB];
	_ =	sdelay $0x1  }
0x99: {  	s20 =	simm.s32 $_scs_section_size  }
0x9a: {  	s4 =	simm.s32 $_size__tile_overlayer_lowered;
	s5 =	simm.s32 $_tile_overlayer_lowered  }
0x9b: {  	s6 =	simm.s32 $0x1BFF;
	s21 =	sshll.u32 s5, $0x1;
	s3 =	sadd.s32 s20, s19  }
0x9c: {  	s22 =	simm.s32 $0x0;
	s4 =	sshll.u32 s4, $0x1;
	s5 =	sadd.s32 s21, s3  }
0x9d: {  	[timem:s22], [sflag:s6] =	dma.local [hbm:s5], s4  }
0x9e: {  	_ =	swait.ge [sflag:s6], s4  }
0x9f: {  	s4 =	ssub.s32 $0x0, s4;
	[sflag:s6] =	ssyncset.done $0x0  }
0xa0: {  	[sflag:s6] =	ssyncadd.s32 s4;
	_ =	sdelay $0x1  }
0xa1: {  	s23 =	simm.s32 $0x1B8B  }
0xa2: {  	_ =	swait.ge [sflag:s23], $0x1  }
0xa3: {  	[sflag:s23] =	ssyncset.done $0x0  }
0xa4: {  	[sflag:s23] =	ssyncadd.s32 $0xFFFFFFFF  }
0xa5: {  	s4 =	sld [smem:$0x0]  }
0xa6: {  	s5 =	sand.u32 $0xFFFFFFFE, s1  }
0xa7: {  	p0 =	sne.s32 s1, s5  }
0xa8: {  	s5 =	sshll.u32 @p0 s5, $0xE  }
0xa9: {  	s5 =	sadd.s32 @p0 $0x11B8D, s5;
	s6 =	sshll.u32 @p0 s4, $0x11  }
0xaa: {  	s5 =	sor.u32 @p0 s6, s5  }
0xab: {  	[sflag:s5] =	ssyncadd.remote.s32 @p0 $0x1;
	_ =	sdelay $0x1  }
0xac: {  	s5 =	simm.s32 @p0 $0x1B8D  }
0xad: {  	_ =	swait.eq @p0 [sflag:s5], $0x1  }
0xae: {  	[sflag:s5] =	ssyncadd.s32 @p0 $0xFFFFFFFF  }
0xaf: {  	s6 =	sshll.u32 @!p0 s1, $0xE  }
0xb0: {  	s6 =	sor.u32 @!p0 $0x4000, s6;
	s5 =	simm.s32 @!p0 $0x1B8D  }
0xb1: {  	s4 =	sshll.u32 @!p0 s4, $0x11;
	s6 =	sadd.s32 @!p0 $0x11B8D, s6;
	_ =	swait.eq @!p0 [sflag:s5], $0x1  }
0xb2: {  	s4 =	sor.u32 @!p0 s4, s6;
	[sflag:s5] =	ssyncadd.s32 @!p0 $0xFFFFFFFF  }
0xb3: {  	s25 =	simm.s32 $0x1B8E;
	s24 =	sld [smem:$0x3FFE];
	[sflag:s4] =	ssyncadd.remote.s32 @!p0 $0x1  }
0xb4: {  	s26 =	simm.s32 $execute0_lowered;
	[smem:$0x3FD2] =	sst s25  }
0xb5: {  	s5 =	sshll.u32 s26, $0x1;
	_ =	strace $0x8000004F;
	[dreg:$0x1] =	wrdreg $0xFFFFFFFF  }
0xb6: {  	s28 =	simm.s32 $_size_execute0_lowered;
	s3 =	sadd.s32 s3, s5;
	[dreg:$0x0] =	wrdreg $0x0  }
0xb7: {  	s5 =	sshll.u32 s28, $0x1;
	[dreg:$0x2] =	wrdreg s3  }
0xb8: {  	[dreg:$0x3] =	wrdreg s5  }
0xb9: {  	[dreg:$0x4] =	wrdreg $0xC0  }
0xba: {  	_ =	task [dreg:s22], $0x5FFFF  }
0xbb: {  	[dreg:$0x1] =	wrdreg $0xFFFFFFFF  }
0xbc: {  	[dreg:$0x0] =	wrdreg $0x60  }
0xbd: {  	[dreg:$0x2] =	wrdreg s24  }
0xbe: {  	[dreg:$0x3] =	wrdreg $0x2A000  }
0xbf: {  	[dreg:$0x4] =	wrdreg $0x9  }
0xc0: {  	_ =	task.clear_ibuf [dreg:s22], $0x5FFFF;
	_ =	strace $0x9000004F  }
0xc1: {  	s29 =	simm.s32 $0x9;
	_ =	strace $0x80000051  }
0xc2: {  	_ =	swait.ge [sflag:s29], $0x1  }
0xc3: {  	[sflag:s29] =	ssyncadd.s32 $0xFFFFFFFF  }
0xc4: {  	_ =	strace $0x90000051  }
0xc5: {  	_ =	sfence  }
0xc6: {  	s30 =	sld [smem:$0x0];
	_ =	sdelay $0x2  }
0xc7: {  	s31 =	sshll.u32 s1, $0xD;
	s1 =	sshrl.u32 s1, $0x2  }
0xc8: {  	s4 =	sand.u32 $0x4000, s31;
	s1 =	sadd.s32 s1, s30  }
0xc9: {  	s0 =	sor.u32 s4, s0;
	s1 =	sshll.u32 s1, $0x11  }
0xca: {  	s0 =	sor.u32 s1, s0  }
0xcb: {  	s0 =	sadd.s32 $0x8F2B, s0  }
0xcc: {  	[sflag:s0] =	ssyncadd.remote.s32 $0x1  }
0xcd: {  	_ =	sfence.sel $0xFFFF  }
0xce: {  	[dreg:$0x0] =	wrdreg $0xFFFFFFFF;
	(pc) =	sbr.abs _section_cstart, $3  }
0xcf: {  	[dreg:$0x1] =	wrdreg $0xFFFFFFFF  }
0xd0: {  	_ =	task.clear_ibuf [dreg:s22], $0x2FFFF;
	_ =	strace $0x9FFFFFFF  }
0xd1: {  	(tm) =	ssettm $0x7FFFFFFF  }
tec
execute0_lowered:
.L_overlay_start_1:
0x0: {  	(tag) =	ssettag $0x1  }
0x1: {  	s1 =	srdreg.scid  }
0x2: {  	s0 =	stileid.u32;
	s6 =	rddreg [dreg:$0x0]  }
0x3: {  	s2 =	rddreg [dreg:$0x1];
	s3 =	simm.s32 $0x0;
	s16 =	simm.s32 $0x1A00  }
0x4: {  	s17 =	simm.s32 $0x1;
	s18 =	simm.s32 $0x80;
	s19 =	simm.s32 $0x2  }
0x5: {  	s20 =	simm.s32 $0x900;
	s21 =	simm.s32 $0x980;
	s22 =	simm.s32 $0x0  }
0x6: {  	s5 =	sand.u32 $0x1, s1;
	s1 =	rddreg [dreg:$0x2];
	s8 =	smul.u32 $0x5000, s0  }
0x7: {  	s25 =	sshll.u32 s0, $0x1;
	[smem:$0x7FF] =	sst s3;
	s13 =	smul.u32 $0x28000, s0  }
0x8: {  	s12 =	sadd.s32 $0x8B000, s6;
	s28 =	sshll.u32 s0, $0x6;
	s9 =	smul.u32 $0x50000, s5  }
0x9: {  	s7 =	sor.u32 s5, s25;
	_ =	strace $0x80000050;
	s14 =	smul.u32 $0x14000, s5  }
0xa: {  	s11 =	ssub.s32 $0x2, s5;
	s5 =	sor.u32 $0x1C03, s28;
	s4 =	smul.u32 $0x140, s7  }
0xb: {  	s7 =	smul.u32 $0x2800, s7;
	s26 =	sshrl.u32 s11, $0x1;
	s15 =	sadd.s32 s8, s2  }
0xc: {  	s9 =	sadd.s32 s8, s9;
	s11 =	ssub.s32 s11, s26;
	s29 =	sadd.s32 s14, s13  }
0xd: {  	s10 =	sadd.s32 s4, s6;
	s4 =	sadd.s32 $0xDD800, s6;
	s9 =	sshrl.u32 s9, $0x3  }
0xe: {  	s13 =	sor.u32 $0x3000, s29;
	s14 =	sor.u32 $0x2000, s29;
	s9 =	sadd.s32 s9, s6  }
0xf: {  	s6 =	sadd.s32 s12, s7;
	s7 =	sadd.s32 $0xF2200, s10;
	s10 =	smax.u32 s11, $0x1  }
0x10: {  	s30 =	sshrl.u32 s13, $0x3;
	s31 =	sshrl.u32 s14, $0x3;
	s13 =	sshrl.u32 s15, $0x3  }
0x11: {  	s14 =	simm.s32 $0x3;
	s15 =	simm.s32 $0xA00;
	s8 =	sadd.s32 $0x200, s6  }
0x12: {  	s9 =	sadd.s32 $0xF4A00, s9;
	s11 =	sadd.s32 s30, s12;
	s12 =	sadd.s32 s31, s12  }
.LBB2_1:
0x13: {  	[spmem:s13], [sflag:s5] =	dma.local [hbm:s4], $0xA00  }
0x14: {  	_ =	swait.ge [sflag:s14], $0xA00  }
0x15: {  	[sflag:s14] =	ssyncset.done $0x0  }
0x16: {  	[sflag:s14] =	ssyncadd.s32 $0xFFFFF600  }
0x17: {  	[bflag:$0x0] =	sbarrier.arrive $0xFFFF  }
0x18: {  	[tilespmem:s3], [sflag:$0x3] =	stream.linear.gather [hbm4b:s7+s3], $0xA00, $0x38;
	[tilespmem:$0x7A00] =	vst v63  }
0x19: {  	_ =	swait.ge [sflag:s14], $0xA00  }
0x1a: {  	[sflag:s14] =	ssyncset.done $0x0  }
0x1b: {  	[sflag:s14] =	ssyncadd.s32 $0xFFFFF600  }
0x1c: {  	[tilespmem:s15], [sflag:$0x1] =	stream.linear.gather [hbm4b:s6+s3], $0x1000, $0x38;
	[tilespmem:$0x7A00] =	vst v63  }
0x1d: {  	_ = 	snop  }
0x1e: {  	[tilespmem:s16], [sflag:$0x2] =	stream.linear.gather [hbm4b:s8+s3], $0x1000, $0x38;
	[tilespmem:$0x7A00] =	vst v63  }
0x1f: {  	_ =	swait.ge [sflag:s17], $0x1000  }
0x20: {  	[sflag:s17] =	ssyncset.done $0x0  }
0x21: {  	s23 =	simm.s32 $0x0;
	[sflag:s17] =	ssyncadd.s32 $0xFFFFF000  }
0x22: {  	[spmem:s2] =	stream.indirect.scatter.add.f32 [tilespmem:s15], [sflag:$0x3], $0x20, s23, s18, $0xb8;
	[tilespmem:$0x7A00] =	vst v63  }
0x23: {  	_ =	swait.ge [sflag:s14], $0x1000  }
0x24: {  	[sflag:s14] =	ssyncset.done $0x0  }
0x25: {  	s30 =	sadd.s32 $0x0, s12;
	[sflag:s14] =	ssyncadd.s32 $0xFFFFF000  }
0x26: {  	[tilespmem:s15], [sflag:$0x1] =	stream.linear.gather [hbm4b:s30+s3], $0x1000, $0x38;
	[tilespmem:$0x7A00] =	vst v63  }
0x27: {  	_ =	swait.ge [sflag:s19], $0x1000  }
0x28: {  	[sflag:s19] =	ssyncset.done $0x0  }
0x29: {  	s31 =	simm.s32 $0x80;
	[sflag:s19] =	ssyncadd.s32 $0xFFFFF000  }
0x2a: {  	[spmem:s2] =	stream.indirect.scatter.add.f32 [tilespmem:s16], [sflag:$0x3], $0x20, s31, s18, $0xb8;
	[tilespmem:$0x7A00] =	vst v63  }
0x2b: {  	_ =	swait.ge [sflag:s14], $0x1000  }
0x2c: {  	[sflag:s14] =	ssyncset.done $0x0  }
0x2d: {  	s24 =	sadd.s32 $0x0, s11;
	s23 =	simm.s32 $0x400;
	[sflag:s14] =	ssyncadd.s32 $0xFFFFF000  }
.LBB2_2:
0x2e: {  	[tilespmem:s16], [sflag:$0x2] =	stream.linear.gather [hbm4b:s24+s3], $0x1000, $0x38;
	[tilespmem:$0x7A00] =	vst v63  }
0x2f: {  	s24 =	smov.u32 s23  }
0x30: {  	p0 =	sne.s32 s23, $0x2000;
	s23 =	sadd.s32 $0x400, s23;
	_ =	swait.ge [sflag:s17], $0x1000  }
0x31: {  	[sflag:s17] =	ssyncset.done $0x0  }
0x32: {  	s25 =	sshra.s32 s24, $0x2;
	[sflag:s17] =	ssyncadd.s32 $0xFFFFF000  }
0x33: {  	[spmem:s2] =	stream.indirect.scatter.add.f32 [tilespmem:s15], [sflag:$0x3], $0x20, s25, s18, $0xb8;
	[tilespmem:$0x7A00] =	vst v63  }
0x34: {  	_ =	swait.ge [sflag:s14], $0x1000  }
0x35: {  	[sflag:s14] =	ssyncset.done $0x0  }
0x36: {  	s26 =	sadd.s32 s24, s12;
	[sflag:s14] =	ssyncadd.s32 $0xFFFFF000  }
0x37: {  	[tilespmem:s15], [sflag:$0x1] =	stream.linear.gather [hbm4b:s26+s3], $0x1000, $0x38;
	[tilespmem:$0x7A00] =	vst v63  }
0x38: {  	_ =	swait.ge [sflag:s19], $0x1000  }
0x39: {  	[sflag:s19] =	ssyncset.done $0x0  }
.Ltmp0:
0x3a: {  	s25 =	sadd.s32 $0x80, s25;
	[sflag:s19] =	ssyncadd.s32 $0xFFFFF000;
	(pc) =	sbr.rel @p0 .LBB2_2-.Ltmp0, $4  }
0x3b: {  	[spmem:s2] =	stream.indirect.scatter.add.f32 [tilespmem:s16], [sflag:$0x3], $0x20, s25, s18, $0xb8;
	[tilespmem:$0x7A00] =	vst v63  }
0x3c: {  	_ =	swait.ge [sflag:s14], $0x1000  }
0x3d: {  	[sflag:s14] =	ssyncset.done $0x0  }
0x3e: {  	s24 =	sadd.s32 s24, s11;
	[sflag:s14] =	ssyncadd.s32 $0xFFFFF000  }
0x3f: {  	[tilespmem:s16], [sflag:$0x2] =	stream.linear.gather [hbm4b:s24+s3], $0x1000, $0x38;
	[tilespmem:$0x7A00] =	vst v63  }
0x40: {  	_ =	swait.ge [sflag:s17], $0x1000  }
0x41: {  	[sflag:s17] =	ssyncset.done $0x0  }
0x42: {  	[sflag:s17] =	ssyncadd.s32 $0xFFFFF000  }
0x43: {  	[spmem:s2] =	stream.indirect.scatter.add.f32 [tilespmem:s15], [sflag:$0x3], $0x20, s20, s18, $0xb8;
	[tilespmem:$0x7A00] =	vst v63  }
0x44: {  	_ =	swait.ge [sflag:s14], $0x1000  }
0x45: {  	[sflag:s14] =	ssyncset.done $0x0  }
0x46: {  	[sflag:s14] =	ssyncadd.s32 $0xFFFFF000  }
0x47: {  	_ =	swait.ge [sflag:s19], $0x1000  }
0x48: {  	[sflag:s19] =	ssyncset.done $0x0  }
0x49: {  	[sflag:s19] =	ssyncadd.s32 $0xFFFFF000  }
0x4a: {  	[spmem:s2] =	stream.indirect.scatter.add.f32 [tilespmem:s16], [sflag:$0x3], $0x20, s21, s18, $0xb8;
	[tilespmem:$0x7A00] =	vst v63  }
0x4b: {  	_ =	swait.ge [sflag:s14], $0x1000  }
0x4c: {  	s22 =	sadd.s32 $0x1, s22;
	[sflag:s14] =	ssyncset.done $0x0  }
0x4d: {  	p0 =	sne.s32 s22, s10;
	[sflag:s14] =	ssyncadd.s32 $0xFFFFF000  }
.Ltmp1:
0x4e: {  	[bflag:$0x0] =	sbarrier.arrive $0xFFFF;
	(pc) =	sbr.rel @p0 .LBB2_1-.Ltmp1, $4  }
0x4f: {  	[hbm:s9], [sflag:s5] =	dma.local [spmem:s13], $0xA00  }
0x50: {  	_ =	swait.ge [sflag:s14], $0xA00  }
0x51: {  	[sflag:s14] =	ssyncset.done $0x0  }
0x52: {  	[sflag:s14] =	ssyncadd.s32 $0xFFFFF600  }
0x53: {  	_ =	sfence.sel $0x180000  }
0x54: {  	[bflag:$0x0] =	sbarrier.arrive $0xFFFF  }
0x55: {  	p0 =	sne.s32 s0, $0x0;
	_ =	strace $0x90000050  }
0x56: {  	s0 =	sadd.s32 @!p0 $0x100000, s1;
	[bflag:$0x2] =	sbarrier.arrive $0xFFFF  }
0x57: {  	[sflag:s0] =	ssyncadd.tile.s32 @!p0 $0x1;
	_ =	shalt  }
.Lfunc_end2:
_tile_overlayer_lowered:
.L_overlay_start_2:
0x58: {  	(tag) =	ssettag $0x2  }
0x59: {  	s0 =	rddreg [dreg:$0x0];
	s2 =	stileid.u32  }
0x5a: {  	s1 =	rddreg [dreg:$0x1];
	p0 =	sne.s32 s2, $0x0  }
0x5b: {  	s3 =	rddreg [dreg:$0x2];
	[bflag:$0x3] =	sbarrier.arrive $0xFFFF;
	s2 =	simm.s32 @!p0 $0x1C03  }
0x5c: {  	[timem:s3], [sflag:s2] =	dma.local @!p0 [hbm:s0], s1  }
0x5d: {  	s0 =	simm.s32 @!p0 $0x3  }
0x5e: {  	_ =	swait.ge @!p0 [sflag:s0], s1  }
0x5f: {  	s1 =	ssub.s32 @!p0 $0x0, s1;
	[sflag:s0] =	ssyncset.done @!p0 $0x0  }
0x60: {  	[sflag:s0] =	ssyncadd.s32 @!p0 s1  }
0x61: {  	[bflag:$0x3] =	sbarrier.arrive $0xFFFF  }
0x62: {  	_ =	shalt  }

// kernel: kernel.25.cloned.1.call-start
scs
__scs_entry_jumppad:
0x0: {  	(pc) =	sbr.rel $0x88, $3  }
0x1: {  	(tag) =	ssettag $0x0;
	lr =	simm.s32 $0x1  }
0x2: {  	[smem:$0x3F90] =	sst lr;
	_ =	strace $0xD0000000  }
0x3: {  	_ = 	snop  }
0x4: {  	_ = 	snop  }
0x5: {  	_ = 	snop  }
0x6: {  	_ = 	snop  }
0x7: {  	_ = 	snop  }
__scs_overlays_trampoline_lowered:
0x8: {  	[smem:$0x3F9F] =	sst s0  }
0x9: {  	[smem:$0x3FA0] =	sst s1  }
0xa: {  	[smem:$0x3FA1] =	sst s2  }
0xb: {  	[smem:$0x3FA2] =	sst s3  }
0xc: {  	[smem:$0x3FA3] =	sst s4  }
0xd: {  	[smem:$0x3FA4] =	sst s5  }
0xe: {  	[smem:$0x3FA5] =	sst s6  }
0xf: {  	[smem:$0x3FA6] =	sst s7  }
0x10: {  	[smem:$0x3FA7] =	sst s8  }
0x11: {  	[smem:$0x3FA8] =	sst s9;
	s0 =	simm.s32 @!p0 $0x0  }
0x12: {  	s1 =	sld [smem:$0x3F8E];
	s0 =	simm.s32 @p0 $0x1  }
0x13: {  	[smem:$0x3FA9] =	sst s0;
	s0 =	simm.s32 @!p1 $0x0  }
0x14: {  	s2 =	sld [smem:$0x3F8D];
	s0 =	simm.s32 @p1 $0x1  }
0x15: {  	[smem:$0x3FAA] =	sst s0;
	s0 =	simm.s32 @!p2 $0x0  }
0x16: {  	s3 =	sld [smem:$0x3FDB];
	s0 =	simm.s32 @p2 $0x1  }
0x17: {  	s4 =	simm.s32 $0x1BF5;
	[smem:$0x3FAC] =	sst s0  }
0x18: {  	s0 =	sld [smem:$0x3F8F];
	_ =	swait.ge [sflag:s4], $0x0  }
0x19: {  	s7 =	sld [smem:$0x3F90]  }
0x1a: {  	s8 =	sadd.s32 $0xFFFFE003, lr  }
0x1b: {  	s9 =	sadd.s32 $0xFFFFFEF7, lr;
	s5 =	simm.s32 $0xFFFFFFFF;
	p2 =	slt.u32 s8, $0xFFFFF086  }
0x1c: {  	p1 =	slt.u32 s9, $0xF7A;
	s5 =	simm.s32 @!p2 $0x0  }
0x1d: {  	s5 =	simm.s32 @p1 $0x1;
	p0 =	seq.s32 s7, s2  }
0x1e: {  	s7 =	smul.u32 @!p0 $0xF7A, s2;
	p2 =	seq.s32 @!p0 s5, $0x0  }
0x1f: {  	s9 =	smul.u32 $0xF7A, s1;
	s8 =	simm.s32 @!p0 $0x1BF5;
	p2 =	por !p2, p0  }
0x20: {  	[sflag:s8] =	ssyncset.s32 @!p0 $0xFFFFF086;
	s6 =	sadd.s32 @!p0 s3, s7;
	s7 =	simm.s32 @!p0 $0x108  }
0x21: {  	s3 =	sadd.s32 s3, s9;
	s6 =	sadd.s32 @!p0 $0x88, s6;
	s7 =	simm.s32 @p2 $0x1082  }
0x22: {  	[simem:s7], [sflag:s8] =	dma.local @!p0 [hbm:s6], $0xF7A  }
0x23: {  	s9 =	sor.u32 $0xD0000000, s2;
	s6 =	simm.s32 $0x108;
	_ =	swait.ge @!p0 [sflag:s8], $0x0  }
0x24: {  	s3 =	sadd.s32 $0x88, s3;
	s6 =	simm.s32 @!p1 $0x1082;
	[sflag:s4] =	ssyncset.s32 $0xFFFFF086  }
0x25: {  	[simem:s6], [sflag:s4] =	dma.local [hbm:s3], $0xF7A  }
0x26: {  	[smem:$0x3F90] =	sst s1;
	(tag) =	ssettag s2;
	_ =	strace s9  }
0x27: {  	s1 =	sld [smem:$0x3FA0]  }
0x28: {  	s2 =	sld [smem:$0x3FA1]  }
0x29: {  	s4 =	sld [smem:$0x3FA3]  }
0x2a: {  	p0 =	seq.s32 s5, $0x0;
	s5 =	sld [smem:$0x3FA4]  }
0x2b: {  	s6 =	sld [smem:$0x3FA5]  }
0x2c: {  	s7 =	sld [smem:$0x3FA6]  }
0x2d: {  	s3 =	simm.s32 $0x108;
	s8 =	sld [smem:$0x3FA7]  }
0x2e: {  	s3 =	simm.s32 @!p0 $0x1082;
	s9 =	sld [smem:$0x3FA8]  }
0x2f: {  	lr =	sadd.s32 s0, s3;
	s0 =	sld [smem:$0x3F9F]  }
0x30: {  	s3 =	sld [smem:$0x3FA2]  }
0x31: {  	[smem:$0x3FAB] =	sst s10  }
0x32: {  	s10 =	sld [smem:$0x3FA9];
	_ =	sdelay $0x3  }
0x33: {  	p0 =	seq.s32 s10, $0x1;
	s10 =	sld [smem:$0x3FAB];
	_ =	sdelay $0x3  }
0x34: {  	[smem:$0x3FAB] =	sst s10  }
0x35: {  	s10 =	sld [smem:$0x3FAA];
	_ =	sdelay $0x3  }
0x36: {  	p1 =	seq.s32 s10, $0x1;
	s10 =	sld [smem:$0x3FAB];
	_ =	sdelay $0x3  }
0x37: {  	[smem:$0x3FAB] =	sst s10  }
0x38: {  	s10 =	sld [smem:$0x3FAC]  }
0x39: {  	_ = 	snop;
	(pc) =	sbr.ind lr, $3  }
0x3a: {  	_ = 	snop  }
0x3b: {  	_ = 	snop  }
0x3c: {  	p2 =	seq.s32 s10, $0x1;
	s10 =	sld [smem:$0x3FAB]  }
0x3d: {  	_ =	shalt  }
0x3e: {  	_ =	shalt  }
0x3f: {  	_ =	shalt  }
0x40: {  	_ =	shalt  }
0x41: {  	_ =	shalt  }
0x42: {  	_ =	shalt  }
0x43: {  	_ =	shalt  }
0x44: {  	_ =	shalt  }
0x45: {  	_ =	shalt  }
0x46: {  	_ =	shalt  }
0x47: {  	_ =	shalt  }
0x48: {  	_ =	shalt  }
0x49: {  	_ =	shalt  }
0x4a: {  	_ =	shalt  }
0x4b: {  	_ =	shalt  }
0x4c: {  	_ =	shalt  }
0x4d: {  	_ =	shalt  }
0x4e: {  	_ =	shalt  }
0x4f: {  	_ =	shalt  }
0x50: {  	_ =	shalt  }
0x51: {  	_ =	shalt  }
0x52: {  	_ =	shalt  }
0x53: {  	_ =	shalt  }
0x54: {  	_ =	shalt  }
0x55: {  	_ =	shalt  }
0x56: {  	_ =	shalt  }
0x57: {  	_ =	shalt  }
0x58: {  	_ =	shalt  }
0x59: {  	_ =	shalt  }
0x5a: {  	_ =	shalt  }
0x5b: {  	_ =	shalt  }
0x5c: {  	_ =	shalt  }
0x5d: {  	_ =	shalt  }
0x5e: {  	_ =	shalt  }
0x5f: {  	_ =	shalt  }
0x60: {  	_ =	shalt  }
0x61: {  	_ =	shalt  }
0x62: {  	_ =	shalt  }
0x63: {  	_ =	shalt  }
0x64: {  	_ =	shalt  }
0x65: {  	_ =	shalt  }
0x66: {  	_ =	shalt  }
0x67: {  	_ =	shalt  }
0x68: {  	_ =	shalt  }
0x69: {  	_ =	shalt  }
0x6a: {  	_ =	shalt  }
0x6b: {  	_ =	shalt  }
0x6c: {  	_ =	shalt  }
0x6d: {  	_ =	shalt  }
0x6e: {  	_ =	shalt  }
0x6f: {  	_ =	shalt  }
0x70: {  	_ =	shalt  }
0x71: {  	_ =	shalt  }
0x72: {  	_ =	shalt  }
0x73: {  	_ =	shalt  }
0x74: {  	_ =	shalt  }
0x75: {  	_ =	shalt  }
0x76: {  	_ =	shalt  }
0x77: {  	_ =	shalt  }
0x78: {  	_ =	shalt  }
0x79: {  	_ =	shalt  }
0x7a: {  	_ =	shalt  }
0x7b: {  	_ =	shalt  }
0x7c: {  	_ =	shalt  }
0x7d: {  	_ =	shalt  }
0x7e: {  	_ =	shalt  }
0x7f: {  	_ =	shalt  }
0x80: {  	_ =	shalt  }
0x81: {  	_ =	shalt  }
0x82: {  	_ =	shalt  }
0x83: {  	_ =	shalt  }
0x84: {  	_ =	shalt  }
0x85: {  	_ =	shalt  }
0x86: {  	_ =	shalt  }
0x87: {  	_ =	shalt  }
.Lfunc_end0:
.L_simem_size_0:
called_computation.3_lowered:
.L_overlay_start_0:
0x88: {  	s2 =	sld [smem:$0x3FD9]  }
0x89: {  	s3 =	sld [smem:$0x3FFE];
	_ =	sdelay $0x1  }
0x8a: {  	s1 =	srdreg.scid  }
0x8b: {  	s0 =	sand.u32 $0x1, s1  }
0x8c: {  	s17 =	sshll.u32 s0, $0xA;
	s2 =	sadd.s32 s3, s2  }
0x8d: {  	s2 =	sadd.s32 s2, s17  }
0x8e: {  	[smem:$0x3FB7] =	sst s2  }
0x8f: {  	_ = 	snop  }
0x90: {  	(tm) =	ssettm $0x1  }
0x91: {  	s18 =	sld [smem:$0x3FFB];
	_ =	sdelay $0x3  }
0x92: {  	_ =	strace s18  }
0x93: {  	s2 =	sld [smem:$0x3FFC];
	_ =	sdelay $0x3  }
0x94: {  	_ =	strace s2  }
0x95: {  	s2 =	sld [smem:$0x3FFD];
	_ =	sdelay $0x3  }
0x96: {  	_ =	strace s2  }
0x97: {  	_ =	strace $0x8FFFFFFF  }
0x98: {  	s19 =	sld [smem:$0x3FDB];
	_ =	sdelay $0x1  }
0x99: {  	s20 =	simm.s32 $_scs_section_size  }
0x9a: {  	s4 =	simm.s32 $_size__tile_overlayer_lowered;
	s5 =	simm.s32 $_tile_overlayer_lowered  }
0x9b: {  	s6 =	simm.s32 $0x1BFF;
	s21 =	sshll.u32 s5, $0x1;
	s3 =	sadd.s32 s20, s19  }
0x9c: {  	s22 =	simm.s32 $0x0;
	s4 =	sshll.u32 s4, $0x1;
	s5 =	sadd.s32 s21, s3  }
0x9d: {  	[timem:s22], [sflag:s6] =	dma.local [hbm:s5], s4  }
0x9e: {  	_ =	swait.ge [sflag:s6], s4  }
0x9f: {  	s4 =	ssub.s32 $0x0, s4;
	[sflag:s6] =	ssyncset.done $0x0  }
0xa0: {  	[sflag:s6] =	ssyncadd.s32 s4;
	_ =	sdelay $0x1  }
0xa1: {  	s23 =	simm.s32 $0x1B8B  }
0xa2: {  	_ =	swait.ge [sflag:s23], $0x1  }
0xa3: {  	[sflag:s23] =	ssyncset.done $0x0  }
0xa4: {  	[sflag:s23] =	ssyncadd.s32 $0xFFFFFFFF  }
0xa5: {  	s4 =	sld [smem:$0x0]  }
0xa6: {  	s5 =	sand.u32 $0xFFFFFFFE, s1  }
0xa7: {  	p0 =	sne.s32 s1, s5  }
0xa8: {  	s5 =	sshll.u32 @p0 s5, $0xE  }
0xa9: {  	s5 =	sadd.s32 @p0 $0x11B8D, s5;
	s6 =	sshll.u32 @p0 s4, $0x11  }
0xaa: {  	s5 =	sor.u32 @p0 s6, s5  }
0xab: {  	[sflag:s5] =	ssyncadd.remote.s32 @p0 $0x1;
	_ =	sdelay $0x1  }
0xac: {  	s5 =	simm.s32 @p0 $0x1B8D  }
0xad: {  	_ =	swait.eq @p0 [sflag:s5], $0x1  }
0xae: {  	[sflag:s5] =	ssyncadd.s32 @p0 $0xFFFFFFFF  }
0xaf: {  	s6 =	sshll.u32 @!p0 s1, $0xE  }
0xb0: {  	s6 =	sor.u32 @!p0 $0x4000, s6;
	s5 =	simm.s32 @!p0 $0x1B8D  }
0xb1: {  	s4 =	sshll.u32 @!p0 s4, $0x11;
	s6 =	sadd.s32 @!p0 $0x11B8D, s6;
	_ =	swait.eq @!p0 [sflag:s5], $0x1  }
0xb2: {  	s4 =	sor.u32 @!p0 s4, s6;
	[sflag:s5] =	ssyncadd.s32 @!p0 $0xFFFFFFFF  }
0xb3: {  	s25 =	simm.s32 $0x1B8E;
	s24 =	sld [smem:$0x3FFE];
	[sflag:s4] =	ssyncadd.remote.s32 @!p0 $0x1  }
0xb4: {  	s26 =	simm.s32 $execute0_lowered;
	[smem:$0x3FD2] =	sst s25  }
0xb5: {  	s5 =	sshll.u32 s26, $0x1;
	_ =	strace $0x8000004C;
	[dreg:$0x1] =	wrdreg $0xFFFFFFFF  }
0xb6: {  	s28 =	simm.s32 $_size_execute0_lowered;
	s3 =	sadd.s32 s3, s5;
	[dreg:$0x0] =	wrdreg $0x0  }
0xb7: {  	s5 =	sshll.u32 s28, $0x1;
	[dreg:$0x2] =	wrdreg s3  }
0xb8: {  	[dreg:$0x3] =	wrdreg s5  }
0xb9: {  	[dreg:$0x4] =	wrdreg $0xC0  }
0xba: {  	_ =	task [dreg:s22], $0x5FFFF  }
0xbb: {  	[dreg:$0x1] =	wrdreg $0xFFFFFFFF  }
0xbc: {  	[dreg:$0x0] =	wrdreg $0x60  }
0xbd: {  	[dreg:$0x2] =	wrdreg s24  }
0xbe: {  	[dreg:$0x3] =	wrdreg $0x2A000  }
0xbf: {  	[dreg:$0x4] =	wrdreg $0xA  }
0xc0: {  	_ =	task.clear_ibuf [dreg:s22], $0x5FFFF;
	_ =	strace $0x9000004C  }
0xc1: {  	s29 =	simm.s32 $0xA;
	_ =	strace $0x8000004E  }
0xc2: {  	_ =	swait.ge [sflag:s29], $0x1  }
0xc3: {  	[sflag:s29] =	ssyncadd.s32 $0xFFFFFFFF  }
0xc4: {  	_ =	strace $0x9000004E  }
0xc5: {  	_ =	sfence  }
0xc6: {  	s30 =	sld [smem:$0x0];
	_ =	sdelay $0x2  }
0xc7: {  	s31 =	sshll.u32 s1, $0xD;
	s1 =	sshrl.u32 s1, $0x2  }
0xc8: {  	s4 =	sand.u32 $0x4000, s31;
	s1 =	sadd.s32 s1, s30  }
0xc9: {  	s0 =	sor.u32 s4, s0;
	s1 =	sshll.u32 s1, $0x11  }
0xca: {  	s0 =	sor.u32 s1, s0  }
0xcb: {  	s0 =	sadd.s32 $0x8F2B, s0  }
0xcc: {  	[sflag:s0] =	ssyncadd.remote.s32 $0x1  }
0xcd: {  	_ =	sfence.sel $0xFFFF  }
0xce: {  	[dreg:$0x0] =	wrdreg $0xFFFFFFFF;
	(pc) =	sbr.abs _section_cstart, $3  }
0xcf: {  	[dreg:$0x1] =	wrdreg $0xFFFFFFFF  }
0xd0: {  	_ =	task.clear_ibuf [dreg:s22], $0x2FFFF;
	_ =	strace $0x9FFFFFFF  }
0xd1: {  	(tm) =	ssettm $0x7FFFFFFF  }
tec
execute0_lowered:
.L_overlay_start_1:
0x0: {  	(tag) =	ssettag $0x1  }
0x1: {  	s1 =	srdreg.scid  }
0x2: {  	s0 =	stileid.u32;
	s6 =	rddreg [dreg:$0x0]  }
0x3: {  	s2 =	rddreg [dreg:$0x1];
	s3 =	simm.s32 $0x0;
	s16 =	simm.s32 $0x1A00  }
0x4: {  	s17 =	simm.s32 $0x1;
	s18 =	simm.s32 $0x80;
	s19 =	simm.s32 $0x2  }
0x5: {  	s20 =	simm.s32 $0x900;
	s21 =	simm.s32 $0x980;
	s22 =	simm.s32 $0x0  }
0x6: {  	s5 =	sand.u32 $0x1, s1;
	s1 =	rddreg [dreg:$0x2];
	s8 =	smul.u32 $0x5000, s0  }
0x7: {  	s25 =	sshll.u32 s0, $0x1;
	[smem:$0x7FF] =	sst s3;
	s13 =	smul.u32 $0x28000, s0  }
0x8: {  	s12 =	sadd.s32 $0x38800, s6;
	s28 =	sshll.u32 s0, $0x6;
	s9 =	smul.u32 $0x50000, s5  }
0x9: {  	s7 =	sor.u32 s5, s25;
	_ =	strace $0x8000004D;
	s14 =	smul.u32 $0x14000, s5  }
0xa: {  	s11 =	ssub.s32 $0x2, s5;
	s5 =	sor.u32 $0x1C03, s28;
	s4 =	smul.u32 $0x140, s7  }
0xb: {  	s7 =	smul.u32 $0x2800, s7;
	s26 =	sshrl.u32 s11, $0x1;
	s15 =	sadd.s32 s8, s2  }
0xc: {  	s9 =	sadd.s32 s8, s9;
	s11 =	ssub.s32 s11, s26;
	s29 =	sadd.s32 s14, s13  }
0xd: {  	s10 =	sadd.s32 s4, s6;
	s4 =	sadd.s32 $0xDD800, s6;
	s9 =	sshrl.u32 s9, $0x3  }
0xe: {  	s13 =	sor.u32 $0x3000, s29;
	s14 =	sor.u32 $0x2000, s29;
	s9 =	sadd.s32 s9, s6  }
0xf: {  	s6 =	sadd.s32 s12, s7;
	s7 =	sadd.s32 $0xDB000, s10;
	s10 =	smax.u32 s11, $0x1  }
0x10: {  	s30 =	sshrl.u32 s13, $0x3;
	s31 =	sshrl.u32 s14, $0x3;
	s13 =	sshrl.u32 s15, $0x3  }
0x11: {  	s14 =	simm.s32 $0x3;
	s15 =	simm.s32 $0xA00;
	s8 =	sadd.s32 $0x200, s6  }
0x12: {  	s9 =	sadd.s32 $0xDE200, s9;
	s11 =	sadd.s32 s30, s12;
	s12 =	sadd.s32 s31, s12  }
.LBB2_1:
0x13: {  	[spmem:s13], [sflag:s5] =	dma.local [hbm:s4], $0xA00  }
0x14: {  	_ =	swait.ge [sflag:s14], $0xA00  }
0x15: {  	[sflag:s14] =	ssyncset.done $0x0  }
0x16: {  	[sflag:s14] =	ssyncadd.s32 $0xFFFFF600  }
0x17: {  	[bflag:$0x0] =	sbarrier.arrive $0xFFFF  }
0x18: {  	[tilespmem:s3], [sflag:$0x3] =	stream.linear.gather [hbm4b:s7+s3], $0xA00, $0x38;
	[tilespmem:$0x7A00] =	vst v63  }
0x19: {  	_ =	swait.ge [sflag:s14], $0xA00  }
0x1a: {  	[sflag:s14] =	ssyncset.done $0x0  }
0x1b: {  	[sflag:s14] =	ssyncadd.s32 $0xFFFFF600  }
0x1c: {  	[tilespmem:s15], [sflag:$0x1] =	stream.linear.gather [hbm4b:s6+s3], $0x1000, $0x38;
	[tilespmem:$0x7A00] =	vst v63  }
0x1d: {  	_ = 	snop  }
0x1e: {  	[tilespmem:s16], [sflag:$0x2] =	stream.linear.gather [hbm4b:s8+s3], $0x1000, $0x38;
	[tilespmem:$0x7A00] =	vst v63  }
0x1f: {  	_ =	swait.ge [sflag:s17], $0x1000  }
0x20: {  	[sflag:s17] =	ssyncset.done $0x0  }
0x21: {  	s23 =	simm.s32 $0x0;
	[sflag:s17] =	ssyncadd.s32 $0xFFFFF000  }
0x22: {  	[spmem:s2] =	stream.indirect.scatter.add.f32 [tilespmem:s15], [sflag:$0x3], $0x20, s23, s18, $0xb8;
	[tilespmem:$0x7A00] =	vst v63  }
0x23: {  	_ =	swait.ge [sflag:s14], $0x1000  }
0x24: {  	[sflag:s14] =	ssyncset.done $0x0  }
0x25: {  	s30 =	sadd.s32 $0x0, s12;
	[sflag:s14] =	ssyncadd.s32 $0xFFFFF000  }
0x26: {  	[tilespmem:s15], [sflag:$0x1] =	stream.linear.gather [hbm4b:s30+s3], $0x1000, $0x38;
	[tilespmem:$0x7A00] =	vst v63  }
0x27: {  	_ =	swait.ge [sflag:s19], $0x1000  }
0x28: {  	[sflag:s19] =	ssyncset.done $0x0  }
0x29: {  	s31 =	simm.s32 $0x80;
	[sflag:s19] =	ssyncadd.s32 $0xFFFFF000  }
0x2a: {  	[spmem:s2] =	stream.indirect.scatter.add.f32 [tilespmem:s16], [sflag:$0x3], $0x20, s31, s18, $0xb8;
	[tilespmem:$0x7A00] =	vst v63  }
0x2b: {  	_ =	swait.ge [sflag:s14], $0x1000  }
0x2c: {  	[sflag:s14] =	ssyncset.done $0x0  }
0x2d: {  	s24 =	sadd.s32 $0x0, s11;
	s23 =	simm.s32 $0x400;
	[sflag:s14] =	ssyncadd.s32 $0xFFFFF000  }
.LBB2_2:
0x2e: {  	[tilespmem:s16], [sflag:$0x2] =	stream.linear.gather [hbm4b:s24+s3], $0x1000, $0x38;
	[tilespmem:$0x7A00] =	vst v63  }
0x2f: {  	s24 =	smov.u32 s23  }
0x30: {  	p0 =	sne.s32 s23, $0x2000;
	s23 =	sadd.s32 $0x400, s23;
	_ =	swait.ge [sflag:s17], $0x1000  }
0x31: {  	[sflag:s17] =	ssyncset.done $0x0  }
0x32: {  	s25 =	sshra.s32 s24, $0x2;
	[sflag:s17] =	ssyncadd.s32 $0xFFFFF000  }
0x33: {  	[spmem:s2] =	stream.indirect.scatter.add.f32 [tilespmem:s15], [sflag:$0x3], $0x20, s25, s18, $0xb8;
	[tilespmem:$0x7A00] =	vst v63  }
0x34: {  	_ =	swait.ge [sflag:s14], $0x1000  }
0x35: {  	[sflag:s14] =	ssyncset.done $0x0  }
0x36: {  	s26 =	sadd.s32 s24, s12;
	[sflag:s14] =	ssyncadd.s32 $0xFFFFF000  }
0x37: {  	[tilespmem:s15], [sflag:$0x1] =	stream.linear.gather [hbm4b:s26+s3], $0x1000, $0x38;
	[tilespmem:$0x7A00] =	vst v63  }
0x38: {  	_ =	swait.ge [sflag:s19], $0x1000  }
0x39: {  	[sflag:s19] =	ssyncset.done $0x0  }
.Ltmp0:
0x3a: {  	s25 =	sadd.s32 $0x80, s25;
	[sflag:s19] =	ssyncadd.s32 $0xFFFFF000;
	(pc) =	sbr.rel @p0 .LBB2_2-.Ltmp0, $4  }
0x3b: {  	[spmem:s2] =	stream.indirect.scatter.add.f32 [tilespmem:s16], [sflag:$0x3], $0x20, s25, s18, $0xb8;
	[tilespmem:$0x7A00] =	vst v63  }
0x3c: {  	_ =	swait.ge [sflag:s14], $0x1000  }
0x3d: {  	[sflag:s14] =	ssyncset.done $0x0  }
0x3e: {  	s24 =	sadd.s32 s24, s11;
	[sflag:s14] =	ssyncadd.s32 $0xFFFFF000  }
0x3f: {  	[tilespmem:s16], [sflag:$0x2] =	stream.linear.gather [hbm4b:s24+s3], $0x1000, $0x38;
	[tilespmem:$0x7A00] =	vst v63  }
0x40: {  	_ =	swait.ge [sflag:s17], $0x1000  }
0x41: {  	[sflag:s17] =	ssyncset.done $0x0  }
0x42: {  	[sflag:s17] =	ssyncadd.s32 $0xFFFFF000  }
0x43: {  	[spmem:s2] =	stream.indirect.scatter.add.f32 [tilespmem:s15], [sflag:$0x3], $0x20, s20, s18, $0xb8;
	[tilespmem:$0x7A00] =	vst v63  }
0x44: {  	_ =	swait.ge [sflag:s14], $0x1000  }
0x45: {  	[sflag:s14] =	ssyncset.done $0x0  }
0x46: {  	[sflag:s14] =	ssyncadd.s32 $0xFFFFF000  }
0x47: {  	_ =	swait.ge [sflag:s19], $0x1000  }
0x48: {  	[sflag:s19] =	ssyncset.done $0x0  }
0x49: {  	[sflag:s19] =	ssyncadd.s32 $0xFFFFF000  }
0x4a: {  	[spmem:s2] =	stream.indirect.scatter.add.f32 [tilespmem:s16], [sflag:$0x3], $0x20, s21, s18, $0xb8;
	[tilespmem:$0x7A00] =	vst v63  }
0x4b: {  	_ =	swait.ge [sflag:s14], $0x1000  }
0x4c: {  	s22 =	sadd.s32 $0x1, s22;
	[sflag:s14] =	ssyncset.done $0x0  }
0x4d: {  	p0 =	sne.s32 s22, s10;
	[sflag:s14] =	ssyncadd.s32 $0xFFFFF000  }
.Ltmp1:
0x4e: {  	[bflag:$0x0] =	sbarrier.arrive $0xFFFF;
	(pc) =	sbr.rel @p0 .LBB2_1-.Ltmp1, $4  }
0x4f: {  	[hbm:s9], [sflag:s5] =	dma.local [spmem:s13], $0xA00  }
0x50: {  	_ =	swait.ge [sflag:s14], $0xA00  }
0x51: {  	[sflag:s14] =	ssyncset.done $0x0  }
0x52: {  	[sflag:s14] =	ssyncadd.s32 $0xFFFFF600  }
0x53: {  	_ =	sfence.sel $0x180000  }
0x54: {  	[bflag:$0x0] =	sbarrier.arrive $0xFFFF  }
0x55: {  	p0 =	sne.s32 s0, $0x0;
	_ =	strace $0x9000004D  }
0x56: {  	s0 =	sadd.s32 @!p0 $0x100000, s1;
	[bflag:$0x2] =	sbarrier.arrive $0xFFFF  }
0x57: {  	[sflag:s0] =	ssyncadd.tile.s32 @!p0 $0x1;
	_ =	shalt  }
.Lfunc_end2:
_tile_overlayer_lowered:
.L_overlay_start_2:
0x58: {  	(tag) =	ssettag $0x2  }
0x59: {  	s0 =	rddreg [dreg:$0x0];
	s2 =	stileid.u32  }
0x5a: {  	s1 =	rddreg [dreg:$0x1];
	p0 =	sne.s32 s2, $0x0  }
0x5b: {  	s3 =	rddreg [dreg:$0x2];
	[bflag:$0x3] =	sbarrier.arrive $0xFFFF;
	s2 =	simm.s32 @!p0 $0x1C03  }
0x5c: {  	[timem:s3], [sflag:s2] =	dma.local @!p0 [hbm:s0], s1  }
0x5d: {  	s0 =	simm.s32 @!p0 $0x3  }
0x5e: {  	_ =	swait.ge @!p0 [sflag:s0], s1  }
0x5f: {  	s1 =	ssub.s32 @!p0 $0x0, s1;
	[sflag:s0] =	ssyncset.done @!p0 $0x0  }
0x60: {  	[sflag:s0] =	ssyncadd.s32 @!p0 s1  }
0x61: {  	[bflag:$0x3] =	sbarrier.arrive $0xFFFF  }
0x62: {  	_ =	shalt  }

// kernel: kernel.28.cloned.1.call-start
scs
__scs_entry_jumppad:
0x0: {  	(pc) =	sbr.rel $0x88, $3  }
0x1: {  	(tag) =	ssettag $0x0;
	lr =	simm.s32 $0x1  }
0x2: {  	[smem:$0x3F90] =	sst lr;
	_ =	strace $0xD0000000  }
0x3: {  	_ = 	snop  }
0x4: {  	_ = 	snop  }
0x5: {  	_ = 	snop  }
0x6: {  	_ = 	snop  }
0x7: {  	_ = 	snop  }
__scs_overlays_trampoline_lowered:
0x8: {  	[smem:$0x3F9F] =	sst s0  }
0x9: {  	[smem:$0x3FA0] =	sst s1  }
0xa: {  	[smem:$0x3FA1] =	sst s2  }
0xb: {  	[smem:$0x3FA2] =	sst s3  }
0xc: {  	[smem:$0x3FA3] =	sst s4  }
0xd: {  	[smem:$0x3FA4] =	sst s5  }
0xe: {  	[smem:$0x3FA5] =	sst s6  }
0xf: {  	[smem:$0x3FA6] =	sst s7  }
0x10: {  	[smem:$0x3FA7] =	sst s8  }
0x11: {  	[smem:$0x3FA8] =	sst s9;
	s0 =	simm.s32 @!p0 $0x0  }
0x12: {  	s1 =	sld [smem:$0x3F8E];
	s0 =	simm.s32 @p0 $0x1  }
0x13: {  	[smem:$0x3FA9] =	sst s0;
	s0 =	simm.s32 @!p1 $0x0  }
0x14: {  	s2 =	sld [smem:$0x3F8D];
	s0 =	simm.s32 @p1 $0x1  }
0x15: {  	[smem:$0x3FAA] =	sst s0;
	s0 =	simm.s32 @!p2 $0x0  }
0x16: {  	s3 =	sld [smem:$0x3FDB];
	s0 =	simm.s32 @p2 $0x1  }
0x17: {  	s4 =	simm.s32 $0x1BF5;
	[smem:$0x3FAC] =	sst s0  }
0x18: {  	s0 =	sld [smem:$0x3F8F];
	_ =	swait.ge [sflag:s4], $0x0  }
0x19: {  	s7 =	sld [smem:$0x3F90]  }
0x1a: {  	s8 =	sadd.s32 $0xFFFFE003, lr  }
0x1b: {  	s9 =	sadd.s32 $0xFFFFFEF7, lr;
	s5 =	simm.s32 $0xFFFFFFFF;
	p2 =	slt.u32 s8, $0xFFFFF086  }
0x1c: {  	p1 =	slt.u32 s9, $0xF7A;
	s5 =	simm.s32 @!p2 $0x0  }
0x1d: {  	s5 =	simm.s32 @p1 $0x1;
	p0 =	seq.s32 s7, s2  }
0x1e: {  	s7 =	smul.u32 @!p0 $0xF7A, s2;
	p2 =	seq.s32 @!p0 s5, $0x0  }
0x1f: {  	s9 =	smul.u32 $0xF7A, s1;
	s8 =	simm.s32 @!p0 $0x1BF5;
	p2 =	por !p2, p0  }
0x20: {  	[sflag:s8] =	ssyncset.s32 @!p0 $0xFFFFF086;
	s6 =	sadd.s32 @!p0 s3, s7;
	s7 =	simm.s32 @!p0 $0x108  }
0x21: {  	s3 =	sadd.s32 s3, s9;
	s6 =	sadd.s32 @!p0 $0x88, s6;
	s7 =	simm.s32 @p2 $0x1082  }
0x22: {  	[simem:s7], [sflag:s8] =	dma.local @!p0 [hbm:s6], $0xF7A  }
0x23: {  	s9 =	sor.u32 $0xD0000000, s2;
	s6 =	simm.s32 $0x108;
	_ =	swait.ge @!p0 [sflag:s8], $0x0  }
0x24: {  	s3 =	sadd.s32 $0x88, s3;
	s6 =	simm.s32 @!p1 $0x1082;
	[sflag:s4] =	ssyncset.s32 $0xFFFFF086  }
0x25: {  	[simem:s6], [sflag:s4] =	dma.local [hbm:s3], $0xF7A  }
0x26: {  	[smem:$0x3F90] =	sst s1;
	(tag) =	ssettag s2;
	_ =	strace s9  }
0x27: {  	s1 =	sld [smem:$0x3FA0]  }
0x28: {  	s2 =	sld [smem:$0x3FA1]  }
0x29: {  	s4 =	sld [smem:$0x3FA3]  }
0x2a: {  	p0 =	seq.s32 s5, $0x0;
	s5 =	sld [smem:$0x3FA4]  }
0x2b: {  	s6 =	sld [smem:$0x3FA5]  }
0x2c: {  	s7 =	sld [smem:$0x3FA6]  }
0x2d: {  	s3 =	simm.s32 $0x108;
	s8 =	sld [smem:$0x3FA7]  }
0x2e: {  	s3 =	simm.s32 @!p0 $0x1082;
	s9 =	sld [smem:$0x3FA8]  }
0x2f: {  	lr =	sadd.s32 s0, s3;
	s0 =	sld [smem:$0x3F9F]  }
0x30: {  	s3 =	sld [smem:$0x3FA2]  }
0x31: {  	[smem:$0x3FAB] =	sst s10  }
0x32: {  	s10 =	sld [smem:$0x3FA9];
	_ =	sdelay $0x3  }
0x33: {  	p0 =	seq.s32 s10, $0x1;
	s10 =	sld [smem:$0x3FAB];
	_ =	sdelay $0x3  }
0x34: {  	[smem:$0x3FAB] =	sst s10  }
0x35: {  	s10 =	sld [smem:$0x3FAA];
	_ =	sdelay $0x3  }
0x36: {  	p1 =	seq.s32 s10, $0x1;
	s10 =	sld [smem:$0x3FAB];
	_ =	sdelay $0x3  }
0x37: {  	[smem:$0x3FAB] =	sst s10  }
0x38: {  	s10 =	sld [smem:$0x3FAC]  }
0x39: {  	_ = 	snop;
	(pc) =	sbr.ind lr, $3  }
0x3a: {  	_ = 	snop  }
0x3b: {  	_ = 	snop  }
0x3c: {  	p2 =	seq.s32 s10, $0x1;
	s10 =	sld [smem:$0x3FAB]  }
0x3d: {  	_ =	shalt  }
0x3e: {  	_ =	shalt  }
0x3f: {  	_ =	shalt  }
0x40: {  	_ =	shalt  }
0x41: {  	_ =	shalt  }
0x42: {  	_ =	shalt  }
0x43: {  	_ =	shalt  }
0x44: {  	_ =	shalt  }
0x45: {  	_ =	shalt  }
0x46: {  	_ =	shalt  }
0x47: {  	_ =	shalt  }
0x48: {  	_ =	shalt  }
0x49: {  	_ =	shalt  }
0x4a: {  	_ =	shalt  }
0x4b: {  	_ =	shalt  }
0x4c: {  	_ =	shalt  }
0x4d: {  	_ =	shalt  }
0x4e: {  	_ =	shalt  }
0x4f: {  	_ =	shalt  }
0x50: {  	_ =	shalt  }
0x51: {  	_ =	shalt  }
0x52: {  	_ =	shalt  }
0x53: {  	_ =	shalt  }
0x54: {  	_ =	shalt  }
0x55: {  	_ =	shalt  }
0x56: {  	_ =	shalt  }
0x57: {  	_ =	shalt  }
0x58: {  	_ =	shalt  }
0x59: {  	_ =	shalt  }
0x5a: {  	_ =	shalt  }
0x5b: {  	_ =	shalt  }
0x5c: {  	_ =	shalt  }
0x5d: {  	_ =	shalt  }
0x5e: {  	_ =	shalt  }
0x5f: {  	_ =	shalt  }
0x60: {  	_ =	shalt  }
0x61: {  	_ =	shalt  }
0x62: {  	_ =	shalt  }
0x63: {  	_ =	shalt  }
0x64: {  	_ =	shalt  }
0x65: {  	_ =	shalt  }
0x66: {  	_ =	shalt  }
0x67: {  	_ =	shalt  }
0x68: {  	_ =	shalt  }
0x69: {  	_ =	shalt  }
0x6a: {  	_ =	shalt  }
0x6b: {  	_ =	shalt  }
0x6c: {  	_ =	shalt  }
0x6d: {  	_ =	shalt  }
0x6e: {  	_ =	shalt  }
0x6f: {  	_ =	shalt  }
0x70: {  	_ =	shalt  }
0x71: {  	_ =	shalt  }
0x72: {  	_ =	shalt  }
0x73: {  	_ =	shalt  }
0x74: {  	_ =	shalt  }
0x75: {  	_ =	shalt  }
0x76: {  	_ =	shalt  }
0x77: {  	_ =	shalt  }
0x78: {  	_ =	shalt  }
0x79: {  	_ =	shalt  }
0x7a: {  	_ =	shalt  }
0x7b: {  	_ =	shalt  }
0x7c: {  	_ =	shalt  }
0x7d: {  	_ =	shalt  }
0x7e: {  	_ =	shalt  }
0x7f: {  	_ =	shalt  }
0x80: {  	_ =	shalt  }
0x81: {  	_ =	shalt  }
0x82: {  	_ =	shalt  }
0x83: {  	_ =	shalt  }
0x84: {  	_ =	shalt  }
0x85: {  	_ =	shalt  }
0x86: {  	_ =	shalt  }
0x87: {  	_ =	shalt  }
.Lfunc_end0:
.L_simem_size_0:
called_computation.4_lowered:
.L_overlay_start_0:
0x88: {  	s2 =	sld [smem:$0x3FD9]  }
0x89: {  	s3 =	sld [smem:$0x3FFE];
	_ =	sdelay $0x1  }
0x8a: {  	s1 =	srdreg.scid  }
0x8b: {  	s0 =	sand.u32 $0x1, s1  }
0x8c: {  	s17 =	sshll.u32 s0, $0xA;
	s2 =	sadd.s32 s3, s2  }
0x8d: {  	s2 =	sadd.s32 s2, s17  }
0x8e: {  	[smem:$0x3FB7] =	sst s2  }
0x8f: {  	_ = 	snop  }
0x90: {  	(tm) =	ssettm $0x1  }
0x91: {  	s18 =	sld [smem:$0x3FFB];
	_ =	sdelay $0x3  }
0x92: {  	_ =	strace s18  }
0x93: {  	s2 =	sld [smem:$0x3FFC];
	_ =	sdelay $0x3  }
0x94: {  	_ =	strace s2  }
0x95: {  	s2 =	sld [smem:$0x3FFD];
	_ =	sdelay $0x3  }
0x96: {  	_ =	strace s2  }
0x97: {  	_ =	strace $0x8FFFFFFF  }
0x98: {  	s19 =	sld [smem:$0x3FDB];
	_ =	sdelay $0x1  }
0x99: {  	s20 =	simm.s32 $_scs_section_size  }
0x9a: {  	s4 =	simm.s32 $_size__tile_overlayer_lowered;
	s5 =	simm.s32 $_tile_overlayer_lowered  }
0x9b: {  	s6 =	simm.s32 $0x1BFF;
	s21 =	sshll.u32 s5, $0x1;
	s3 =	sadd.s32 s20, s19  }
0x9c: {  	s22 =	simm.s32 $0x0;
	s4 =	sshll.u32 s4, $0x1;
	s5 =	sadd.s32 s21, s3  }
0x9d: {  	[timem:s22], [sflag:s6] =	dma.local [hbm:s5], s4  }
0x9e: {  	_ =	swait.ge [sflag:s6], s4  }
0x9f: {  	s4 =	ssub.s32 $0x0, s4;
	[sflag:s6] =	ssyncset.done $0x0  }
0xa0: {  	[sflag:s6] =	ssyncadd.s32 s4;
	_ =	sdelay $0x1  }
0xa1: {  	s23 =	simm.s32 $0x1B8B  }
0xa2: {  	_ =	swait.ge [sflag:s23], $0x1  }
0xa3: {  	[sflag:s23] =	ssyncset.done $0x0  }
0xa4: {  	[sflag:s23] =	ssyncadd.s32 $0xFFFFFFFF  }
0xa5: {  	s4 =	sld [smem:$0x0]  }
0xa6: {  	s5 =	sand.u32 $0xFFFFFFFE, s1  }
0xa7: {  	p0 =	sne.s32 s1, s5  }
0xa8: {  	s5 =	sshll.u32 @p0 s5, $0xE  }
0xa9: {  	s5 =	sadd.s32 @p0 $0x11B8D, s5;
	s6 =	sshll.u32 @p0 s4, $0x11  }
0xaa: {  	s5 =	sor.u32 @p0 s6, s5  }
0xab: {  	[sflag:s5] =	ssyncadd.remote.s32 @p0 $0x1;
	_ =	sdelay $0x1  }
0xac: {  	s5 =	simm.s32 @p0 $0x1B8D  }
0xad: {  	_ =	swait.eq @p0 [sflag:s5], $0x1  }
0xae: {  	[sflag:s5] =	ssyncadd.s32 @p0 $0xFFFFFFFF  }
0xaf: {  	s6 =	sshll.u32 @!p0 s1, $0xE  }
0xb0: {  	s6 =	sor.u32 @!p0 $0x4000, s6;
	s5 =	simm.s32 @!p0 $0x1B8D  }
0xb1: {  	s4 =	sshll.u32 @!p0 s4, $0x11;
	s6 =	sadd.s32 @!p0 $0x11B8D, s6;
	_ =	swait.eq @!p0 [sflag:s5], $0x1  }
0xb2: {  	s4 =	sor.u32 @!p0 s4, s6;
	[sflag:s5] =	ssyncadd.s32 @!p0 $0xFFFFFFFF  }
0xb3: {  	s25 =	simm.s32 $0x1B8E;
	s24 =	sld [smem:$0x3FFE];
	[sflag:s4] =	ssyncadd.remote.s32 @!p0 $0x1  }
0xb4: {  	s26 =	simm.s32 $execute0_lowered;
	[smem:$0x3FD2] =	sst s25  }
0xb5: {  	s5 =	sshll.u32 s26, $0x1;
	_ =	strace $0x80000055;
	[dreg:$0x1] =	wrdreg $0xFFFFFFFF  }
0xb6: {  	s28 =	simm.s32 $_size_execute0_lowered;
	s3 =	sadd.s32 s3, s5;
	[dreg:$0x0] =	wrdreg $0x0  }
0xb7: {  	s5 =	sshll.u32 s28, $0x1;
	[dreg:$0x2] =	wrdreg s3  }
0xb8: {  	[dreg:$0x3] =	wrdreg s5  }
0xb9: {  	[dreg:$0x4] =	wrdreg $0xC0  }
0xba: {  	_ =	task [dreg:s22], $0x5FFFF  }
0xbb: {  	[dreg:$0x1] =	wrdreg $0xFFFFFFFF  }
0xbc: {  	[dreg:$0x0] =	wrdreg $0x60  }
0xbd: {  	[dreg:$0x2] =	wrdreg s24  }
0xbe: {  	[dreg:$0x3] =	wrdreg $0x9  }
0xbf: {  	_ =	task.clear_ibuf [dreg:s22], $0x4FFFF;
	_ =	strace $0x90000055  }
0xc0: {  	s29 =	simm.s32 $0x9;
	_ =	strace $0x80000057  }
0xc1: {  	_ =	swait.ge [sflag:s29], $0x1  }
0xc2: {  	[sflag:s29] =	ssyncadd.s32 $0xFFFFFFFF  }
0xc3: {  	_ =	strace $0x90000057  }
0xc4: {  	_ =	sfence  }
0xc5: {  	s30 =	sld [smem:$0x0];
	_ =	sdelay $0x2  }
0xc6: {  	s31 =	sshll.u32 s1, $0xD;
	s1 =	sshrl.u32 s1, $0x2  }
0xc7: {  	s4 =	sand.u32 $0x4000, s31;
	s1 =	sadd.s32 s1, s30  }
0xc8: {  	s0 =	sor.u32 s4, s0;
	s1 =	sshll.u32 s1, $0x11  }
0xc9: {  	s0 =	sor.u32 s1, s0  }
0xca: {  	s0 =	sadd.s32 $0x8F2B, s0  }
0xcb: {  	[sflag:s0] =	ssyncadd.remote.s32 $0x1  }
0xcc: {  	_ =	sfence.sel $0xFFFF  }
0xcd: {  	[dreg:$0x0] =	wrdreg $0xFFFFFFFF;
	(pc) =	sbr.abs _section_cstart, $3  }
0xce: {  	[dreg:$0x1] =	wrdreg $0xFFFFFFFF  }
0xcf: {  	_ =	task.clear_ibuf [dreg:s22], $0x2FFFF;
	_ =	strace $0x9FFFFFFF  }
0xd0: {  	(tm) =	ssettm $0x7FFFFFFF  }
0xd1: {  	_ =	shalt  }
tec
execute0_lowered:
.L_overlay_start_1:
0x0: {  	(tag) =	ssettag $0x1  }
0x1: {  	s1 =	srdreg.scid  }
0x2: {  	s0 =	stileid.u32;
	s4 =	rddreg [dreg:$0x0];
	s2 =	simm.s32 $0x0  }
0x3: {  	s14 =	simm.s32 $0x1;
	s15 =	simm.s32 $0x2;
	s12 =	smul.u32 $0x28000, s0  }
0x4: {  	s16 =	simm.s32 $0x0;
	s7 =	sand.u32 $0x1, s1;
	s29 =	smul.u32 $0x5000, s0  }
0x5: {  	s3 =	sshll.u32 s0, $0x1;
	s1 =	rddreg [dreg:$0x1];
	s26 =	smul.u32 $0x14000, s7  }
0x6: {  	[smem:$0x7FF] =	sst s2;
	s5 =	sor.u32 s7, s3;
	s13 =	smul.u32 $0x2800, s7  }
0x7: {  	s11 =	sadd.s32 $0x8B000, s4;
	s9 =	ssub.s32 $0x2, s7;
	s6 =	smul.u32 $0x140, s5  }
0x8: {  	_ =	strace $0x80000056;
	s8 =	smul.u32 $0x14000, s5;
	s24 =	sshrl.u32 s9, $0x1  }
0x9: {  	s3 =	sadd.s32 $0x2C200, s4;
	s10 =	smul.u32 $0x2800, s5;
	s25 =	ssub.s32 s9, s24  }
0xa: {  	s9 =	sadd.s32 s26, s12;
	s12 =	simm.s32 $0xA00;
	s6 =	sadd.s32 s6, s4  }
0xb: {  	s8 =	sshrl.u32 s8, $0x3;
	s5 =	smax.u32 s25, $0x1;
	s30 =	sadd.s32 s10, s11  }
0xc: {  	s9 =	sshrl.u32 s9, $0x3;
	s10 =	simm.s32 $0x3;
	s4 =	sadd.s32 $0x88800, s6  }
0xd: {  	s28 =	sadd.s32 s11, s8;
	s8 =	sadd.s32 s29, s11;
	s7 =	sadd.s32 $0x2600, s30  }
0xe: {  	s6 =	sadd.s32 $0x2400, s28;
	s31 =	sadd.s32 s13, s8;
	s8 =	sadd.s32 s9, s11  }
0xf: {  	s11 =	simm.s32 $0x80;
	s13 =	simm.s32 $0x1A00;
	s9 =	sadd.s32 $0x200, s31  }
.LBB2_1:
0x10: {  	[tilespmem:s2], [sflag:$0x3] =	stream.linear.gather [hbm4b:s4+s2], $0xA00, $0x38;
	[tilespmem:$0x2A00] =	vst v63  }
0x11: {  	_ =	swait.ge [sflag:s10], $0xA00  }
0x12: {  	[sflag:s10] =	ssyncset.done $0x0  }
0x13: {  	[sflag:s10] =	ssyncadd.s32 $0xFFFFF600  }
0x14: {  	[tilespmem:s12], [sflag:$0x1] =	stream.indirect.gather [hbm4b:s3+s11], $0x20, s2, s11, $0xb8;
	[tilespmem:$0x2A00] =	vst v63  }
0x15: {  	_ = 	snop  }
0x16: {  	[tilespmem:s13], [sflag:$0x2] =	stream.indirect.gather [hbm4b:s3+s11], $0x20, s11, s11, $0xb8;
	[tilespmem:$0x2A00] =	vst v63  }
0x17: {  	_ =	swait.ge [sflag:s14], $0x1000  }
0x18: {  	[sflag:s14] =	ssyncset.done $0x0  }
0x19: {  	s17 =	sadd.s32 $0x0, s8;
	[sflag:s14] =	ssyncadd.s32 $0xFFFFF000  }
0x1a: {  	[hbm4b:s17+s2] =	stream.linear.scatter [tilespmem:s12], [sflag:$0x3], $0x1000, $0x38;
	[tilespmem:$0x2A00] =	vst v63  }
0x1b: {  	_ =	swait.ge [sflag:s10], $0x1000  }
0x1c: {  	[sflag:s10] =	ssyncset.done $0x0  }
0x1d: {  	s30 =	simm.s32 $0x100;
	[sflag:s10] =	ssyncadd.s32 $0xFFFFF000  }
0x1e: {  	[tilespmem:s12], [sflag:$0x1] =	stream.indirect.gather [hbm4b:s3+s11], $0x20, s30, s11, $0xb8;
	[tilespmem:$0x2A00] =	vst v63  }
0x1f: {  	_ =	swait.ge [sflag:s15], $0x1000  }
0x20: {  	[sflag:s15] =	ssyncset.done $0x0  }
0x21: {  	s31 =	sadd.s32 $0x0, s9;
	[sflag:s15] =	ssyncadd.s32 $0xFFFFF000  }
0x22: {  	[hbm4b:s31+s2] =	stream.linear.scatter [tilespmem:s13], [sflag:$0x3], $0x1000, $0x38;
	[tilespmem:$0x2A00] =	vst v63  }
0x23: {  	_ =	swait.ge [sflag:s10], $0x1000  }
0x24: {  	[sflag:s10] =	ssyncset.done $0x0  }
0x25: {  	s18 =	simm.s32 $0x180;
	s17 =	simm.s32 $0x400;
	[sflag:s10] =	ssyncadd.s32 $0xFFFFF000  }
.LBB2_2:
0x26: {  	[tilespmem:s13], [sflag:$0x2] =	stream.indirect.gather [hbm4b:s3+s11], $0x20, s18, s11, $0xb8;
	[tilespmem:$0x2A00] =	vst v63  }
0x27: {  	s18 =	smov.u32 s17  }
0x28: {  	p0 =	sne.s32 s17, $0x2000;
	s17 =	sadd.s32 $0x400, s17;
	_ =	swait.ge [sflag:s14], $0x1000  }
0x29: {  	[sflag:s14] =	ssyncset.done $0x0  }
0x2a: {  	s19 =	sadd.s32 s18, s8;
	[sflag:s14] =	ssyncadd.s32 $0xFFFFF000  }
0x2b: {  	[hbm4b:s19+s2] =	stream.linear.scatter [tilespmem:s12], [sflag:$0x3], $0x1000, $0x38;
	[tilespmem:$0x2A00] =	vst v63  }
0x2c: {  	_ =	swait.ge [sflag:s10], $0x1000  }
0x2d: {  	s19 =	sshra.s32 s18, $0x2;
	[sflag:s10] =	ssyncset.done $0x0  }
0x2e: {  	s20 =	sadd.s32 $0x100, s19;
	[sflag:s10] =	ssyncadd.s32 $0xFFFFF000  }
0x2f: {  	[tilespmem:s12], [sflag:$0x1] =	stream.indirect.gather [hbm4b:s3+s11], $0x20, s20, s11, $0xb8;
	[tilespmem:$0x2A00] =	vst v63  }
0x30: {  	_ =	swait.ge [sflag:s15], $0x1000  }
0x31: {  	[sflag:s15] =	ssyncset.done $0x0  }
.Ltmp0:
0x32: {  	s18 =	sadd.s32 s18, s9;
	[sflag:s15] =	ssyncadd.s32 $0xFFFFF000;
	(pc) =	sbr.rel @p0 .LBB2_2-.Ltmp0, $4  }
0x33: {  	[hbm4b:s18+s2] =	stream.linear.scatter [tilespmem:s13], [sflag:$0x3], $0x1000, $0x38;
	[tilespmem:$0x2A00] =	vst v63  }
0x34: {  	_ =	swait.ge [sflag:s10], $0x1000  }
0x35: {  	[sflag:s10] =	ssyncset.done $0x0  }
0x36: {  	s18 =	sadd.s32 $0x180, s19;
	[sflag:s10] =	ssyncadd.s32 $0xFFFFF000  }
0x37: {  	[tilespmem:s13], [sflag:$0x2] =	stream.indirect.gather [hbm4b:s3+s11], $0x20, s18, s11, $0xb8;
	[tilespmem:$0x2A00] =	vst v63  }
0x38: {  	_ =	swait.ge [sflag:s14], $0x1000  }
0x39: {  	[sflag:s14] =	ssyncset.done $0x0  }
0x3a: {  	[sflag:s14] =	ssyncadd.s32 $0xFFFFF000  }
0x3b: {  	[hbm4b:s6+s2] =	stream.linear.scatter [tilespmem:s12], [sflag:$0x3], $0x1000, $0x38;
	[tilespmem:$0x2A00] =	vst v63  }
0x3c: {  	_ =	swait.ge [sflag:s10], $0x1000  }
0x3d: {  	[sflag:s10] =	ssyncset.done $0x0  }
0x3e: {  	[sflag:s10] =	ssyncadd.s32 $0xFFFFF000  }
0x3f: {  	s16 =	sadd.s32 $0x1, s16;
	_ =	swait.ge [sflag:s15], $0x1000  }
0x40: {  	p0 =	sne.s32 s16, s5;
	[sflag:s15] =	ssyncset.done $0x0  }
.Ltmp1:
0x41: {  	[sflag:s15] =	ssyncadd.s32 $0xFFFFF000;
	(pc) =	sbr.rel @p0 .LBB2_1-.Ltmp1, $4  }
0x42: {  	[hbm4b:s7+s2] =	stream.linear.scatter [tilespmem:s13], [sflag:$0x3], $0x1000, $0x38;
	[tilespmem:$0x2A00] =	vst v63  }
0x43: {  	_ =	swait.ge [sflag:s10], $0x1000  }
0x44: {  	[sflag:s10] =	ssyncset.done $0x0  }
0x45: {  	[sflag:s10] =	ssyncadd.s32 $0xFFFFF000  }
0x46: {  	_ =	sfence.sel $0x180000  }
0x47: {  	[bflag:$0x0] =	sbarrier.arrive $0xFFFF  }
0x48: {  	p0 =	sne.s32 s0, $0x0;
	_ =	strace $0x90000056  }
0x49: {  	s0 =	sadd.s32 @!p0 $0x100000, s1;
	[bflag:$0x2] =	sbarrier.arrive $0xFFFF  }
0x4a: {  	[sflag:s0] =	ssyncadd.tile.s32 @!p0 $0x1;
	_ =	shalt  }
.Lfunc_end2:
_tile_overlayer_lowered:
.L_overlay_start_2:
0x4b: {  	(tag) =	ssettag $0x2  }
0x4c: {  	s0 =	rddreg [dreg:$0x0];
	s2 =	stileid.u32  }
0x4d: {  	s1 =	rddreg [dreg:$0x1];
	p0 =	sne.s32 s2, $0x0  }
0x4e: {  	s3 =	rddreg [dreg:$0x2];
	[bflag:$0x3] =	sbarrier.arrive $0xFFFF;
	s2 =	simm.s32 @!p0 $0x1C03  }
0x4f: {  	[timem:s3], [sflag:s2] =	dma.local @!p0 [hbm:s0], s1  }
0x50: {  	s0 =	simm.s32 @!p0 $0x3  }
0x51: {  	_ =	swait.ge @!p0 [sflag:s0], s1  }
0x52: {  	s1 =	ssub.s32 @!p0 $0x0, s1;
	[sflag:s0] =	ssyncset.done @!p0 $0x0  }
0x53: {  	[sflag:s0] =	ssyncadd.s32 @!p0 s1  }
0x54: {  	[bflag:$0x3] =	sbarrier.arrive $0xFFFF  }
0x55: {  	_ =	shalt  }

// kernel: kernel.31.cloned.1.call-start
scs
__scs_entry_jumppad:
0x0: {  	(pc) =	sbr.rel $0x88, $3  }
0x1: {  	(tag) =	ssettag $0x0;
	lr =	simm.s32 $0x1  }
0x2: {  	[smem:$0x3F90] =	sst lr;
	_ =	strace $0xD0000000  }
0x3: {  	_ = 	snop  }
0x4: {  	_ = 	snop  }
0x5: {  	_ = 	snop  }
0x6: {  	_ = 	snop  }
0x7: {  	_ = 	snop  }
__scs_overlays_trampoline_lowered:
0x8: {  	[smem:$0x3F9F] =	sst s0  }
0x9: {  	[smem:$0x3FA0] =	sst s1  }
0xa: {  	[smem:$0x3FA1] =	sst s2  }
0xb: {  	[smem:$0x3FA2] =	sst s3  }
0xc: {  	[smem:$0x3FA3] =	sst s4  }
0xd: {  	[smem:$0x3FA4] =	sst s5  }
0xe: {  	[smem:$0x3FA5] =	sst s6  }
0xf: {  	[smem:$0x3FA6] =	sst s7  }
0x10: {  	[smem:$0x3FA7] =	sst s8  }
0x11: {  	[smem:$0x3FA8] =	sst s9;
	s0 =	simm.s32 @!p0 $0x0  }
0x12: {  	s1 =	sld [smem:$0x3F8E];
	s0 =	simm.s32 @p0 $0x1  }
0x13: {  	[smem:$0x3FA9] =	sst s0;
	s0 =	simm.s32 @!p1 $0x0  }
0x14: {  	s2 =	sld [smem:$0x3F8D];
	s0 =	simm.s32 @p1 $0x1  }
0x15: {  	[smem:$0x3FAA] =	sst s0;
	s0 =	simm.s32 @!p2 $0x0  }
0x16: {  	s3 =	sld [smem:$0x3FDB];
	s0 =	simm.s32 @p2 $0x1  }
0x17: {  	s4 =	simm.s32 $0x1BF5;
	[smem:$0x3FAC] =	sst s0  }
0x18: {  	s0 =	sld [smem:$0x3F8F];
	_ =	swait.ge [sflag:s4], $0x0  }
0x19: {  	s7 =	sld [smem:$0x3F90]  }
0x1a: {  	s8 =	sadd.s32 $0xFFFFE003, lr  }
0x1b: {  	s9 =	sadd.s32 $0xFFFFFEF7, lr;
	s5 =	simm.s32 $0xFFFFFFFF;
	p2 =	slt.u32 s8, $0xFFFFF086  }
0x1c: {  	p1 =	slt.u32 s9, $0xF7A;
	s5 =	simm.s32 @!p2 $0x0  }
0x1d: {  	s5 =	simm.s32 @p1 $0x1;
	p0 =	seq.s32 s7, s2  }
0x1e: {  	s7 =	smul.u32 @!p0 $0xF7A, s2;
	p2 =	seq.s32 @!p0 s5, $0x0  }
0x1f: {  	s9 =	smul.u32 $0xF7A, s1;
	s8 =	simm.s32 @!p0 $0x1BF5;
	p2 =	por !p2, p0  }
0x20: {  	[sflag:s8] =	ssyncset.s32 @!p0 $0xFFFFF086;
	s6 =	sadd.s32 @!p0 s3, s7;
	s7 =	simm.s32 @!p0 $0x108  }
0x21: {  	s3 =	sadd.s32 s3, s9;
	s6 =	sadd.s32 @!p0 $0x88, s6;
	s7 =	simm.s32 @p2 $0x1082  }
0x22: {  	[simem:s7], [sflag:s8] =	dma.local @!p0 [hbm:s6], $0xF7A  }
0x23: {  	s9 =	sor.u32 $0xD0000000, s2;
	s6 =	simm.s32 $0x108;
	_ =	swait.ge @!p0 [sflag:s8], $0x0  }
0x24: {  	s3 =	sadd.s32 $0x88, s3;
	s6 =	simm.s32 @!p1 $0x1082;
	[sflag:s4] =	ssyncset.s32 $0xFFFFF086  }
0x25: {  	[simem:s6], [sflag:s4] =	dma.local [hbm:s3], $0xF7A  }
0x26: {  	[smem:$0x3F90] =	sst s1;
	(tag) =	ssettag s2;
	_ =	strace s9  }
0x27: {  	s1 =	sld [smem:$0x3FA0]  }
0x28: {  	s2 =	sld [smem:$0x3FA1]  }
0x29: {  	s4 =	sld [smem:$0x3FA3]  }
0x2a: {  	p0 =	seq.s32 s5, $0x0;
	s5 =	sld [smem:$0x3FA4]  }
0x2b: {  	s6 =	sld [smem:$0x3FA5]  }
0x2c: {  	s7 =	sld [smem:$0x3FA6]  }
0x2d: {  	s3 =	simm.s32 $0x108;
	s8 =	sld [smem:$0x3FA7]  }
0x2e: {  	s3 =	simm.s32 @!p0 $0x1082;
	s9 =	sld [smem:$0x3FA8]  }
0x2f: {  	lr =	sadd.s32 s0, s3;
	s0 =	sld [smem:$0x3F9F]  }
0x30: {  	s3 =	sld [smem:$0x3FA2]  }
0x31: {  	[smem:$0x3FAB] =	sst s10  }
0x32: {  	s10 =	sld [smem:$0x3FA9];
	_ =	sdelay $0x3  }
0x33: {  	p0 =	seq.s32 s10, $0x1;
	s10 =	sld [smem:$0x3FAB];
	_ =	sdelay $0x3  }
0x34: {  	[smem:$0x3FAB] =	sst s10  }
0x35: {  	s10 =	sld [smem:$0x3FAA];
	_ =	sdelay $0x3  }
0x36: {  	p1 =	seq.s32 s10, $0x1;
	s10 =	sld [smem:$0x3FAB];
	_ =	sdelay $0x3  }
0x37: {  	[smem:$0x3FAB] =	sst s10  }
0x38: {  	s10 =	sld [smem:$0x3FAC]  }
0x39: {  	_ = 	snop;
	(pc) =	sbr.ind lr, $3  }
0x3a: {  	_ = 	snop  }
0x3b: {  	_ = 	snop  }
0x3c: {  	p2 =	seq.s32 s10, $0x1;
	s10 =	sld [smem:$0x3FAB]  }
0x3d: {  	_ =	shalt  }
0x3e: {  	_ =	shalt  }
0x3f: {  	_ =	shalt  }
0x40: {  	_ =	shalt  }
0x41: {  	_ =	shalt  }
0x42: {  	_ =	shalt  }
0x43: {  	_ =	shalt  }
0x44: {  	_ =	shalt  }
0x45: {  	_ =	shalt  }
0x46: {  	_ =	shalt  }
0x47: {  	_ =	shalt  }
0x48: {  	_ =	shalt  }
0x49: {  	_ =	shalt  }
0x4a: {  	_ =	shalt  }
0x4b: {  	_ =	shalt  }
0x4c: {  	_ =	shalt  }
0x4d: {  	_ =	shalt  }
0x4e: {  	_ =	shalt  }
0x4f: {  	_ =	shalt  }
0x50: {  	_ =	shalt  }
0x51: {  	_ =	shalt  }
0x52: {  	_ =	shalt  }
0x53: {  	_ =	shalt  }
0x54: {  	_ =	shalt  }
0x55: {  	_ =	shalt  }
0x56: {  	_ =	shalt  }
0x57: {  	_ =	shalt  }
0x58: {  	_ =	shalt  }
0x59: {  	_ =	shalt  }
0x5a: {  	_ =	shalt  }
0x5b: {  	_ =	shalt  }
0x5c: {  	_ =	shalt  }
0x5d: {  	_ =	shalt  }
0x5e: {  	_ =	shalt  }
0x5f: {  	_ =	shalt  }
0x60: {  	_ =	shalt  }
0x61: {  	_ =	shalt  }
0x62: {  	_ =	shalt  }
0x63: {  	_ =	shalt  }
0x64: {  	_ =	shalt  }
0x65: {  	_ =	shalt  }
0x66: {  	_ =	shalt  }
0x67: {  	_ =	shalt  }
0x68: {  	_ =	shalt  }
0x69: {  	_ =	shalt  }
0x6a: {  	_ =	shalt  }
0x6b: {  	_ =	shalt  }
0x6c: {  	_ =	shalt  }
0x6d: {  	_ =	shalt  }
0x6e: {  	_ =	shalt  }
0x6f: {  	_ =	shalt  }
0x70: {  	_ =	shalt  }
0x71: {  	_ =	shalt  }
0x72: {  	_ =	shalt  }
0x73: {  	_ =	shalt  }
0x74: {  	_ =	shalt  }
0x75: {  	_ =	shalt  }
0x76: {  	_ =	shalt  }
0x77: {  	_ =	shalt  }
0x78: {  	_ =	shalt  }
0x79: {  	_ =	shalt  }
0x7a: {  	_ =	shalt  }
0x7b: {  	_ =	shalt  }
0x7c: {  	_ =	shalt  }
0x7d: {  	_ =	shalt  }
0x7e: {  	_ =	shalt  }
0x7f: {  	_ =	shalt  }
0x80: {  	_ =	shalt  }
0x81: {  	_ =	shalt  }
0x82: {  	_ =	shalt  }
0x83: {  	_ =	shalt  }
0x84: {  	_ =	shalt  }
0x85: {  	_ =	shalt  }
0x86: {  	_ =	shalt  }
0x87: {  	_ =	shalt  }
.Lfunc_end0:
.L_simem_size_0:
called_computation.5_lowered:
.L_overlay_start_0:
0x88: {  	s2 =	sld [smem:$0x3FD9]  }
0x89: {  	s3 =	sld [smem:$0x3FFE];
	_ =	sdelay $0x1  }
0x8a: {  	s1 =	srdreg.scid  }
0x8b: {  	s0 =	sand.u32 $0x1, s1  }
0x8c: {  	s16 =	sshll.u32 s0, $0xA;
	s2 =	sadd.s32 s3, s2  }
0x8d: {  	s2 =	sadd.s32 s2, s16  }
0x8e: {  	[smem:$0x3FB7] =	sst s2  }
0x8f: {  	_ = 	snop  }
0x90: {  	(tm) =	ssettm $0x1  }
0x91: {  	s17 =	sld [smem:$0x3FFB];
	_ =	sdelay $0x3  }
0x92: {  	_ =	strace s17  }
0x93: {  	s2 =	sld [smem:$0x3FFC];
	_ =	sdelay $0x3  }
0x94: {  	_ =	strace s2  }
0x95: {  	s2 =	sld [smem:$0x3FFD];
	_ =	sdelay $0x3  }
0x96: {  	_ =	strace s2  }
0x97: {  	_ =	strace $0x8FFFFFFF  }
0x98: {  	s18 =	sld [smem:$0x3FDB];
	_ =	sdelay $0x1  }
0x99: {  	s19 =	simm.s32 $_scs_section_size  }
0x9a: {  	s4 =	simm.s32 $_size__tile_overlayer_lowered;
	s5 =	simm.s32 $_tile_overlayer_lowered  }
0x9b: {  	s22 =	simm.s32 $0x1BFF;
	s21 =	sshll.u32 s5, $0x1;
	s2 =	sadd.s32 s19, s18  }
0x9c: {  	s6 =	simm.s32 $0x0;
	s20 =	sshll.u32 s4, $0x1;
	s4 =	sadd.s32 s21, s2  }
0x9d: {  	[timem:s6], [sflag:s22] =	dma.local [hbm:s4], s20  }
0x9e: {  	_ =	swait.ge [sflag:s22], s20  }
0x9f: {  	s3 =	ssub.s32 $0x0, s20;
	[sflag:s22] =	ssyncset.done $0x0  }
0xa0: {  	[sflag:s22] =	ssyncadd.s32 s3;
	_ =	sdelay $0x1  }
0xa1: {  	s23 =	simm.s32 $0x1B8B  }
0xa2: {  	_ =	swait.ge [sflag:s23], $0x1  }
0xa3: {  	[sflag:s23] =	ssyncset.done $0x0  }
0xa4: {  	s25 =	simm.s32 $0x1B8E;
	s24 =	sld [smem:$0x3FFE];
	[sflag:s23] =	ssyncadd.s32 $0xFFFFFFFF  }
0xa5: {  	s26 =	simm.s32 $execute0_lowered;
	[smem:$0x3FD2] =	sst s25  }
0xa6: {  	s4 =	sshll.u32 s26, $0x1;
	_ =	strace $0x80000052;
	[dreg:$0x1] =	wrdreg $0xFFFFFFFF  }
0xa7: {  	s28 =	simm.s32 $_size_execute0_lowered;
	s2 =	sadd.s32 s2, s4;
	[dreg:$0x0] =	wrdreg $0x0  }
0xa8: {  	s4 =	sshll.u32 s28, $0x1;
	[dreg:$0x2] =	wrdreg s2  }
0xa9: {  	[dreg:$0x3] =	wrdreg s4  }
0xaa: {  	[dreg:$0x4] =	wrdreg $0xC0  }
0xab: {  	_ =	task [dreg:s6], $0x5FFFF  }
0xac: {  	[dreg:$0x1] =	wrdreg $0xFFFFFFFF  }
0xad: {  	[dreg:$0x0] =	wrdreg $0x60  }
0xae: {  	[dreg:$0x2] =	wrdreg s24  }
0xaf: {  	[dreg:$0x3] =	wrdreg $0xA  }
0xb0: {  	_ =	task.clear_ibuf [dreg:s6], $0x4FFFF;
	_ =	strace $0x90000052  }
0xb1: {  	s29 =	simm.s32 $0xA;
	_ =	strace $0x80000054  }
0xb2: {  	_ =	swait.ge [sflag:s29], $0x1  }
0xb3: {  	[sflag:s29] =	ssyncadd.s32 $0xFFFFFFFF  }
0xb4: {  	_ =	strace $0x90000054  }
0xb5: {  	_ =	sfence  }
0xb6: {  	s30 =	sld [smem:$0x0];
	_ =	sdelay $0x2  }
0xb7: {  	s31 =	sshll.u32 s1, $0xD;
	s1 =	sshrl.u32 s1, $0x2  }
0xb8: {  	s3 =	sand.u32 $0x4000, s31;
	s1 =	sadd.s32 s1, s30  }
0xb9: {  	s0 =	sor.u32 s3, s0;
	s1 =	sshll.u32 s1, $0x11  }
0xba: {  	s0 =	sor.u32 s1, s0  }
0xbb: {  	s0 =	sadd.s32 $0x8F2B, s0  }
0xbc: {  	[sflag:s0] =	ssyncadd.remote.s32 $0x1  }
0xbd: {  	_ =	sfence.sel $0xFFFF  }
0xbe: {  	[dreg:$0x0] =	wrdreg $0xFFFFFFFF;
	(pc) =	sbr.abs _section_cstart, $3  }
0xbf: {  	[dreg:$0x1] =	wrdreg $0xFFFFFFFF  }
0xc0: {  	_ =	task.clear_ibuf [dreg:s6], $0x2FFFF;
	_ =	strace $0x9FFFFFFF  }
0xc1: {  	(tm) =	ssettm $0x7FFFFFFF  }
tec
execute0_lowered:
.L_overlay_start_1:
0x0: {  	(tag) =	ssettag $0x1  }
0x1: {  	s1 =	srdreg.scid  }
0x2: {  	s0 =	stileid.u32;
	s4 =	rddreg [dreg:$0x0];
	s2 =	simm.s32 $0x0  }
0x3: {  	s14 =	simm.s32 $0x1;
	s15 =	simm.s32 $0x2;
	s12 =	smul.u32 $0x28000, s0  }
0x4: {  	s16 =	simm.s32 $0x0;
	s7 =	sand.u32 $0x1, s1;
	s29 =	smul.u32 $0x5000, s0  }
0x5: {  	s3 =	sshll.u32 s0, $0x1;
	s1 =	rddreg [dreg:$0x1];
	s26 =	smul.u32 $0x14000, s7  }
0x6: {  	[smem:$0x7FF] =	sst s2;
	s5 =	sor.u32 s7, s3;
	s13 =	smul.u32 $0x2800, s7  }
0x7: {  	s11 =	sadd.s32 $0x38800, s4;
	s9 =	ssub.s32 $0x2, s7;
	s6 =	smul.u32 $0x140, s5  }
0x8: {  	_ =	strace $0x80000053;
	s8 =	smul.u32 $0x14000, s5;
	s24 =	sshrl.u32 s9, $0x1  }
0x9: {  	s3 =	sadd.s32 $0x2C200, s4;
	s10 =	smul.u32 $0x2800, s5;
	s25 =	ssub.s32 s9, s24  }
0xa: {  	s9 =	sadd.s32 s26, s12;
	s12 =	simm.s32 $0xA00;
	s6 =	sadd.s32 s6, s4  }
0xb: {  	s8 =	sshrl.u32 s8, $0x3;
	s5 =	smax.u32 s25, $0x1;
	s30 =	sadd.s32 s10, s11  }
0xc: {  	s9 =	sshrl.u32 s9, $0x3;
	s10 =	simm.s32 $0x3;
	s4 =	sadd.s32 $0x36000, s6  }
0xd: {  	s28 =	sadd.s32 s11, s8;
	s8 =	sadd.s32 s29, s11;
	s7 =	sadd.s32 $0x2600, s30  }
0xe: {  	s6 =	sadd.s32 $0x2400, s28;
	s31 =	sadd.s32 s13, s8;
	s8 =	sadd.s32 s9, s11  }
0xf: {  	s11 =	simm.s32 $0x80;
	s13 =	simm.s32 $0x1A00;
	s9 =	sadd.s32 $0x200, s31  }
.LBB2_1:
0x10: {  	[tilespmem:s2], [sflag:$0x3] =	stream.linear.gather [hbm4b:s4+s2], $0xA00, $0x38;
	[tilespmem:$0x2A00] =	vst v63  }
0x11: {  	_ =	swait.ge [sflag:s10], $0xA00  }
0x12: {  	[sflag:s10] =	ssyncset.done $0x0  }
0x13: {  	[sflag:s10] =	ssyncadd.s32 $0xFFFFF600  }
0x14: {  	[tilespmem:s12], [sflag:$0x1] =	stream.indirect.gather [hbm4b:s3+s11], $0x20, s2, s11, $0xb8;
	[tilespmem:$0x2A00] =	vst v63  }
0x15: {  	_ = 	snop  }
0x16: {  	[tilespmem:s13], [sflag:$0x2] =	stream.indirect.gather [hbm4b:s3+s11], $0x20, s11, s11, $0xb8;
	[tilespmem:$0x2A00] =	vst v63  }
0x17: {  	_ =	swait.ge [sflag:s14], $0x1000  }
0x18: {  	[sflag:s14] =	ssyncset.done $0x0  }
0x19: {  	s17 =	sadd.s32 $0x0, s8;
	[sflag:s14] =	ssyncadd.s32 $0xFFFFF000  }
0x1a: {  	[hbm4b:s17+s2] =	stream.linear.scatter [tilespmem:s12], [sflag:$0x3], $0x1000, $0x38;
	[tilespmem:$0x2A00] =	vst v63  }
0x1b: {  	_ =	swait.ge [sflag:s10], $0x1000  }
0x1c: {  	[sflag:s10] =	ssyncset.done $0x0  }
0x1d: {  	s30 =	simm.s32 $0x100;
	[sflag:s10] =	ssyncadd.s32 $0xFFFFF000  }
0x1e: {  	[tilespmem:s12], [sflag:$0x1] =	stream.indirect.gather [hbm4b:s3+s11], $0x20, s30, s11, $0xb8;
	[tilespmem:$0x2A00] =	vst v63  }
0x1f: {  	_ =	swait.ge [sflag:s15], $0x1000  }
0x20: {  	[sflag:s15] =	ssyncset.done $0x0  }
0x21: {  	s31 =	sadd.s32 $0x0, s9;
	[sflag:s15] =	ssyncadd.s32 $0xFFFFF000  }
0x22: {  	[hbm4b:s31+s2] =	stream.linear.scatter [tilespmem:s13], [sflag:$0x3], $0x1000, $0x38;
	[tilespmem:$0x2A00] =	vst v63  }
0x23: {  	_ =	swait.ge [sflag:s10], $0x1000  }
0x24: {  	[sflag:s10] =	ssyncset.done $0x0  }
0x25: {  	s18 =	simm.s32 $0x180;
	s17 =	simm.s32 $0x400;
	[sflag:s10] =	ssyncadd.s32 $0xFFFFF000  }
.LBB2_2:
0x26: {  	[tilespmem:s13], [sflag:$0x2] =	stream.indirect.gather [hbm4b:s3+s11], $0x20, s18, s11, $0xb8;
	[tilespmem:$0x2A00] =	vst v63  }
0x27: {  	s18 =	smov.u32 s17  }
0x28: {  	p0 =	sne.s32 s17, $0x2000;
	s17 =	sadd.s32 $0x400, s17;
	_ =	swait.ge [sflag:s14], $0x1000  }
0x29: {  	[sflag:s14] =	ssyncset.done $0x0  }
0x2a: {  	s19 =	sadd.s32 s18, s8;
	[sflag:s14] =	ssyncadd.s32 $0xFFFFF000  }
0x2b: {  	[hbm4b:s19+s2] =	stream.linear.scatter [tilespmem:s12], [sflag:$0x3], $0x1000, $0x38;
	[tilespmem:$0x2A00] =	vst v63  }
0x2c: {  	_ =	swait.ge [sflag:s10], $0x1000  }
0x2d: {  	s19 =	sshra.s32 s18, $0x2;
	[sflag:s10] =	ssyncset.done $0x0  }
0x2e: {  	s20 =	sadd.s32 $0x100, s19;
	[sflag:s10] =	ssyncadd.s32 $0xFFFFF000  }
0x2f: {  	[tilespmem:s12], [sflag:$0x1] =	stream.indirect.gather [hbm4b:s3+s11], $0x20, s20, s11, $0xb8;
	[tilespmem:$0x2A00] =	vst v63  }
0x30: {  	_ =	swait.ge [sflag:s15], $0x1000  }
0x31: {  	[sflag:s15] =	ssyncset.done $0x0  }
.Ltmp0:
0x32: {  	s18 =	sadd.s32 s18, s9;
	[sflag:s15] =	ssyncadd.s32 $0xFFFFF000;
	(pc) =	sbr.rel @p0 .LBB2_2-.Ltmp0, $4  }
0x33: {  	[hbm4b:s18+s2] =	stream.linear.scatter [tilespmem:s13], [sflag:$0x3], $0x1000, $0x38;
	[tilespmem:$0x2A00] =	vst v63  }
0x34: {  	_ =	swait.ge [sflag:s10], $0x1000  }
0x35: {  	[sflag:s10] =	ssyncset.done $0x0  }
0x36: {  	s18 =	sadd.s32 $0x180, s19;
	[sflag:s10] =	ssyncadd.s32 $0xFFFFF000  }
0x37: {  	[tilespmem:s13], [sflag:$0x2] =	stream.indirect.gather [hbm4b:s3+s11], $0x20, s18, s11, $0xb8;
	[tilespmem:$0x2A00] =	vst v63  }
0x38: {  	_ =	swait.ge [sflag:s14], $0x1000  }
0x39: {  	[sflag:s14] =	ssyncset.done $0x0  }
0x3a: {  	[sflag:s14] =	ssyncadd.s32 $0xFFFFF000  }
0x3b: {  	[hbm4b:s6+s2] =	stream.linear.scatter [tilespmem:s12], [sflag:$0x3], $0x1000, $0x38;
	[tilespmem:$0x2A00] =	vst v63  }
0x3c: {  	_ =	swait.ge [sflag:s10], $0x1000  }
0x3d: {  	[sflag:s10] =	ssyncset.done $0x0  }
0x3e: {  	[sflag:s10] =	ssyncadd.s32 $0xFFFFF000  }
0x3f: {  	s16 =	sadd.s32 $0x1, s16;
	_ =	swait.ge [sflag:s15], $0x1000  }
0x40: {  	p0 =	sne.s32 s16, s5;
	[sflag:s15] =	ssyncset.done $0x0  }
.Ltmp1:
0x41: {  	[sflag:s15] =	ssyncadd.s32 $0xFFFFF000;
	(pc) =	sbr.rel @p0 .LBB2_1-.Ltmp1, $4  }
0x42: {  	[hbm4b:s7+s2] =	stream.linear.scatter [tilespmem:s13], [sflag:$0x3], $0x1000, $0x38;
	[tilespmem:$0x2A00] =	vst v63  }
0x43: {  	_ =	swait.ge [sflag:s10], $0x1000  }
0x44: {  	[sflag:s10] =	ssyncset.done $0x0  }
0x45: {  	[sflag:s10] =	ssyncadd.s32 $0xFFFFF000  }
0x46: {  	_ =	sfence.sel $0x180000  }
0x47: {  	[bflag:$0x0] =	sbarrier.arrive $0xFFFF  }
0x48: {  	p0 =	sne.s32 s0, $0x0;
	_ =	strace $0x90000053  }
0x49: {  	s0 =	sadd.s32 @!p0 $0x100000, s1;
	[bflag:$0x2] =	sbarrier.arrive $0xFFFF  }
0x4a: {  	[sflag:s0] =	ssyncadd.tile.s32 @!p0 $0x1;
	_ =	shalt  }
.Lfunc_end2:
_tile_overlayer_lowered:
.L_overlay_start_2:
0x4b: {  	(tag) =	ssettag $0x2  }
0x4c: {  	s0 =	rddreg [dreg:$0x0];
	s2 =	stileid.u32  }
0x4d: {  	s1 =	rddreg [dreg:$0x1];
	p0 =	sne.s32 s2, $0x0  }
0x4e: {  	s3 =	rddreg [dreg:$0x2];
	[bflag:$0x3] =	sbarrier.arrive $0xFFFF;
	s2 =	simm.s32 @!p0 $0x1C03  }
0x4f: {  	[timem:s3], [sflag:s2] =	dma.local @!p0 [hbm:s0], s1  }
0x50: {  	s0 =	simm.s32 @!p0 $0x3  }
0x51: {  	_ =	swait.ge @!p0 [sflag:s0], s1  }
0x52: {  	s1 =	ssub.s32 @!p0 $0x0, s1;
	[sflag:s0] =	ssyncset.done @!p0 $0x0  }
0x53: {  	[sflag:s0] =	ssyncadd.s32 @!p0 s1  }
0x54: {  	[bflag:$0x3] =	sbarrier.arrive $0xFFFF  }
0x55: {  	_ =	shalt  }

// kernel: kernel.34.cloned.1.call-start
scs
__scs_entry_jumppad:
0x0: {  	(pc) =	sbr.rel $0x88, $3  }
0x1: {  	(tag) =	ssettag $0x0;
	lr =	simm.s32 $0x1  }
0x2: {  	[smem:$0x3F90] =	sst lr;
	_ =	strace $0xD0000000  }
0x3: {  	_ = 	snop  }
0x4: {  	_ = 	snop  }
0x5: {  	_ = 	snop  }
0x6: {  	_ = 	snop  }
0x7: {  	_ = 	snop  }
__scs_overlays_trampoline_lowered:
0x8: {  	[smem:$0x3F9F] =	sst s0  }
0x9: {  	[smem:$0x3FA0] =	sst s1  }
0xa: {  	[smem:$0x3FA1] =	sst s2  }
0xb: {  	[smem:$0x3FA2] =	sst s3  }
0xc: {  	[smem:$0x3FA3] =	sst s4  }
0xd: {  	[smem:$0x3FA4] =	sst s5  }
0xe: {  	[smem:$0x3FA5] =	sst s6  }
0xf: {  	[smem:$0x3FA6] =	sst s7  }
0x10: {  	[smem:$0x3FA7] =	sst s8  }
0x11: {  	[smem:$0x3FA8] =	sst s9;
	s0 =	simm.s32 @!p0 $0x0  }
0x12: {  	s1 =	sld [smem:$0x3F8E];
	s0 =	simm.s32 @p0 $0x1  }
0x13: {  	[smem:$0x3FA9] =	sst s0;
	s0 =	simm.s32 @!p1 $0x0  }
0x14: {  	s2 =	sld [smem:$0x3F8D];
	s0 =	simm.s32 @p1 $0x1  }
0x15: {  	[smem:$0x3FAA] =	sst s0;
	s0 =	simm.s32 @!p2 $0x0  }
0x16: {  	s3 =	sld [smem:$0x3FDB];
	s0 =	simm.s32 @p2 $0x1  }
0x17: {  	s4 =	simm.s32 $0x1BF5;
	[smem:$0x3FAC] =	sst s0  }
0x18: {  	s0 =	sld [smem:$0x3F8F];
	_ =	swait.ge [sflag:s4], $0x0  }
0x19: {  	s7 =	sld [smem:$0x3F90]  }
0x1a: {  	s8 =	sadd.s32 $0xFFFFE003, lr  }
0x1b: {  	s9 =	sadd.s32 $0xFFFFFEF7, lr;
	s5 =	simm.s32 $0xFFFFFFFF;
	p2 =	slt.u32 s8, $0xFFFFF086  }
0x1c: {  	p1 =	slt.u32 s9, $0xF7A;
	s5 =	simm.s32 @!p2 $0x0  }
0x1d: {  	s5 =	simm.s32 @p1 $0x1;
	p0 =	seq.s32 s7, s2  }
0x1e: {  	s7 =	smul.u32 @!p0 $0xF7A, s2;
	p2 =	seq.s32 @!p0 s5, $0x0  }
0x1f: {  	s9 =	smul.u32 $0xF7A, s1;
	s8 =	simm.s32 @!p0 $0x1BF5;
	p2 =	por !p2, p0  }
0x20: {  	[sflag:s8] =	ssyncset.s32 @!p0 $0xFFFFF086;
	s6 =	sadd.s32 @!p0 s3, s7;
	s7 =	simm.s32 @!p0 $0x108  }
0x21: {  	s3 =	sadd.s32 s3, s9;
	s6 =	sadd.s32 @!p0 $0x88, s6;
	s7 =	simm.s32 @p2 $0x1082  }
0x22: {  	[simem:s7], [sflag:s8] =	dma.local @!p0 [hbm:s6], $0xF7A  }
0x23: {  	s9 =	sor.u32 $0xD0000000, s2;
	s6 =	simm.s32 $0x108;
	_ =	swait.ge @!p0 [sflag:s8], $0x0  }
0x24: {  	s3 =	sadd.s32 $0x88, s3;
	s6 =	simm.s32 @!p1 $0x1082;
	[sflag:s4] =	ssyncset.s32 $0xFFFFF086  }
0x25: {  	[simem:s6], [sflag:s4] =	dma.local [hbm:s3], $0xF7A  }
0x26: {  	[smem:$0x3F90] =	sst s1;
	(tag) =	ssettag s2;
	_ =	strace s9  }
0x27: {  	s1 =	sld [smem:$0x3FA0]  }
0x28: {  	s2 =	sld [smem:$0x3FA1]  }
0x29: {  	s4 =	sld [smem:$0x3FA3]  }
0x2a: {  	p0 =	seq.s32 s5, $0x0;
	s5 =	sld [smem:$0x3FA4]  }
0x2b: {  	s6 =	sld [smem:$0x3FA5]  }
0x2c: {  	s7 =	sld [smem:$0x3FA6]  }
0x2d: {  	s3 =	simm.s32 $0x108;
	s8 =	sld [smem:$0x3FA7]  }
0x2e: {  	s3 =	simm.s32 @!p0 $0x1082;
	s9 =	sld [smem:$0x3FA8]  }
0x2f: {  	lr =	sadd.s32 s0, s3;
	s0 =	sld [smem:$0x3F9F]  }
0x30: {  	s3 =	sld [smem:$0x3FA2]  }
0x31: {  	[smem:$0x3FAB] =	sst s10  }
0x32: {  	s10 =	sld [smem:$0x3FA9];
	_ =	sdelay $0x3  }
0x33: {  	p0 =	seq.s32 s10, $0x1;
	s10 =	sld [smem:$0x3FAB];
	_ =	sdelay $0x3  }
0x34: {  	[smem:$0x3FAB] =	sst s10  }
0x35: {  	s10 =	sld [smem:$0x3FAA];
	_ =	sdelay $0x3  }
0x36: {  	p1 =	seq.s32 s10, $0x1;
	s10 =	sld [smem:$0x3FAB];
	_ =	sdelay $0x3  }
0x37: {  	[smem:$0x3FAB] =	sst s10  }
0x38: {  	s10 =	sld [smem:$0x3FAC]  }
0x39: {  	_ = 	snop;
	(pc) =	sbr.ind lr, $3  }
0x3a: {  	_ = 	snop  }
0x3b: {  	_ = 	snop  }
0x3c: {  	p2 =	seq.s32 s10, $0x1;
	s10 =	sld [smem:$0x3FAB]  }
0x3d: {  	_ =	shalt  }
0x3e: {  	_ =	shalt  }
0x3f: {  	_ =	shalt  }
0x40: {  	_ =	shalt  }
0x41: {  	_ =	shalt  }
0x42: {  	_ =	shalt  }
0x43: {  	_ =	shalt  }
0x44: {  	_ =	shalt  }
0x45: {  	_ =	shalt  }
0x46: {  	_ =	shalt  }
0x47: {  	_ =	shalt  }
0x48: {  	_ =	shalt  }
0x49: {  	_ =	shalt  }
0x4a: {  	_ =	shalt  }
0x4b: {  	_ =	shalt  }
0x4c: {  	_ =	shalt  }
0x4d: {  	_ =	shalt  }
0x4e: {  	_ =	shalt  }
0x4f: {  	_ =	shalt  }
0x50: {  	_ =	shalt  }
0x51: {  	_ =	shalt  }
0x52: {  	_ =	shalt  }
0x53: {  	_ =	shalt  }
0x54: {  	_ =	shalt  }
0x55: {  	_ =	shalt  }
0x56: {  	_ =	shalt  }
0x57: {  	_ =	shalt  }
0x58: {  	_ =	shalt  }
0x59: {  	_ =	shalt  }
0x5a: {  	_ =	shalt  }
0x5b: {  	_ =	shalt  }
0x5c: {  	_ =	shalt  }
0x5d: {  	_ =	shalt  }
0x5e: {  	_ =	shalt  }
0x5f: {  	_ =	shalt  }
0x60: {  	_ =	shalt  }
0x61: {  	_ =	shalt  }
0x62: {  	_ =	shalt  }
0x63: {  	_ =	shalt  }
0x64: {  	_ =	shalt  }
0x65: {  	_ =	shalt  }
0x66: {  	_ =	shalt  }
0x67: {  	_ =	shalt  }
0x68: {  	_ =	shalt  }
0x69: {  	_ =	shalt  }
0x6a: {  	_ =	shalt  }
0x6b: {  	_ =	shalt  }
0x6c: {  	_ =	shalt  }
0x6d: {  	_ =	shalt  }
0x6e: {  	_ =	shalt  }
0x6f: {  	_ =	shalt  }
0x70: {  	_ =	shalt  }
0x71: {  	_ =	shalt  }
0x72: {  	_ =	shalt  }
0x73: {  	_ =	shalt  }
0x74: {  	_ =	shalt  }
0x75: {  	_ =	shalt  }
0x76: {  	_ =	shalt  }
0x77: {  	_ =	shalt  }
0x78: {  	_ =	shalt  }
0x79: {  	_ =	shalt  }
0x7a: {  	_ =	shalt  }
0x7b: {  	_ =	shalt  }
0x7c: {  	_ =	shalt  }
0x7d: {  	_ =	shalt  }
0x7e: {  	_ =	shalt  }
0x7f: {  	_ =	shalt  }
0x80: {  	_ =	shalt  }
0x81: {  	_ =	shalt  }
0x82: {  	_ =	shalt  }
0x83: {  	_ =	shalt  }
0x84: {  	_ =	shalt  }
0x85: {  	_ =	shalt  }
0x86: {  	_ =	shalt  }
0x87: {  	_ =	shalt  }
.Lfunc_end0:
.L_simem_size_0:
called_computation.6_lowered:
.L_overlay_start_0:
0x88: {  	s2 =	sld [smem:$0x3FD9]  }
0x89: {  	s3 =	sld [smem:$0x3FFE];
	_ =	sdelay $0x1  }
0x8a: {  	s1 =	srdreg.scid  }
0x8b: {  	s0 =	sand.u32 $0x1, s1  }
0x8c: {  	s17 =	sshll.u32 s0, $0xA;
	s2 =	sadd.s32 s3, s2  }
0x8d: {  	s2 =	sadd.s32 s2, s17  }
0x8e: {  	[smem:$0x3FB7] =	sst s2  }
0x8f: {  	_ = 	snop  }
0x90: {  	(tm) =	ssettm $0x1  }
0x91: {  	s18 =	sld [smem:$0x3FFB];
	_ =	sdelay $0x3  }
0x92: {  	_ =	strace s18  }
0x93: {  	s2 =	sld [smem:$0x3FFC];
	_ =	sdelay $0x3  }
0x94: {  	_ =	strace s2  }
0x95: {  	s2 =	sld [smem:$0x3FFD];
	_ =	sdelay $0x3  }
0x96: {  	_ =	strace s2  }
0x97: {  	_ =	strace $0x8FFFFFFF  }
0x98: {  	s19 =	sld [smem:$0x3FDB];
	_ =	sdelay $0x1  }
0x99: {  	s20 =	simm.s32 $_scs_section_size  }
0x9a: {  	s4 =	simm.s32 $_size__tile_overlayer_lowered;
	s5 =	simm.s32 $_tile_overlayer_lowered  }
0x9b: {  	s6 =	simm.s32 $0x1BFF;
	s21 =	sshll.u32 s5, $0x1;
	s3 =	sadd.s32 s20, s19  }
0x9c: {  	s22 =	simm.s32 $0x0;
	s4 =	sshll.u32 s4, $0x1;
	s5 =	sadd.s32 s21, s3  }
0x9d: {  	[timem:s22], [sflag:s6] =	dma.local [hbm:s5], s4  }
0x9e: {  	_ =	swait.ge [sflag:s6], s4  }
0x9f: {  	s4 =	ssub.s32 $0x0, s4;
	[sflag:s6] =	ssyncset.done $0x0  }
0xa0: {  	[sflag:s6] =	ssyncadd.s32 s4;
	_ =	sdelay $0x1  }
0xa1: {  	s23 =	simm.s32 $0x1B8B  }
0xa2: {  	_ =	swait.ge [sflag:s23], $0x1  }
0xa3: {  	[sflag:s23] =	ssyncset.done $0x0  }
0xa4: {  	[sflag:s23] =	ssyncadd.s32 $0xFFFFFFFF  }
0xa5: {  	s4 =	sld [smem:$0x0]  }
0xa6: {  	s5 =	sand.u32 $0xFFFFFFFE, s1  }
0xa7: {  	p0 =	sne.s32 s1, s5  }
0xa8: {  	s5 =	sshll.u32 @p0 s5, $0xE  }
0xa9: {  	s5 =	sadd.s32 @p0 $0x11B8D, s5;
	s6 =	sshll.u32 @p0 s4, $0x11  }
0xaa: {  	s5 =	sor.u32 @p0 s6, s5  }
0xab: {  	[sflag:s5] =	ssyncadd.remote.s32 @p0 $0x1;
	_ =	sdelay $0x1  }
0xac: {  	s5 =	simm.s32 @p0 $0x1B8D  }
0xad: {  	_ =	swait.eq @p0 [sflag:s5], $0x1  }
0xae: {  	[sflag:s5] =	ssyncadd.s32 @p0 $0xFFFFFFFF  }
0xaf: {  	s6 =	sshll.u32 @!p0 s1, $0xE  }
0xb0: {  	s6 =	sor.u32 @!p0 $0x4000, s6;
	s5 =	simm.s32 @!p0 $0x1B8D  }
0xb1: {  	s4 =	sshll.u32 @!p0 s4, $0x11;
	s6 =	sadd.s32 @!p0 $0x11B8D, s6;
	_ =	swait.eq @!p0 [sflag:s5], $0x1  }
0xb2: {  	s4 =	sor.u32 @!p0 s4, s6;
	[sflag:s5] =	ssyncadd.s32 @!p0 $0xFFFFFFFF  }
0xb3: {  	s25 =	simm.s32 $0x1B8E;
	s24 =	sld [smem:$0x3FFE];
	[sflag:s4] =	ssyncadd.remote.s32 @!p0 $0x1  }
0xb4: {  	s26 =	simm.s32 $execute0_lowered;
	[smem:$0x3FD2] =	sst s25  }
0xb5: {  	s5 =	sshll.u32 s26, $0x1;
	_ =	strace $0x8000005B;
	[dreg:$0x1] =	wrdreg $0xFFFFFFFF  }
0xb6: {  	s28 =	simm.s32 $_size_execute0_lowered;
	s3 =	sadd.s32 s3, s5;
	[dreg:$0x0] =	wrdreg $0x0  }
0xb7: {  	s5 =	sshll.u32 s28, $0x1;
	[dreg:$0x2] =	wrdreg s3  }
0xb8: {  	[dreg:$0x3] =	wrdreg s5  }
0xb9: {  	[dreg:$0x4] =	wrdreg $0xC0  }
0xba: {  	_ =	task [dreg:s22], $0x5FFFF  }
0xbb: {  	[dreg:$0x1] =	wrdreg $0xFFFFFFFF  }
0xbc: {  	[dreg:$0x0] =	wrdreg $0x60  }
0xbd: {  	[dreg:$0x2] =	wrdreg s24  }
0xbe: {  	[dreg:$0x3] =	wrdreg $0x2A000  }
0xbf: {  	[dreg:$0x4] =	wrdreg $0x9  }
0xc0: {  	_ =	task.clear_ibuf [dreg:s22], $0x5FFFF;
	_ =	strace $0x9000005B  }
0xc1: {  	s29 =	simm.s32 $0x9;
	_ =	strace $0x8000005D  }
0xc2: {  	_ =	swait.ge [sflag:s29], $0x1  }
0xc3: {  	[sflag:s29] =	ssyncadd.s32 $0xFFFFFFFF  }
0xc4: {  	_ =	strace $0x9000005D  }
0xc5: {  	_ =	sfence  }
0xc6: {  	s30 =	sld [smem:$0x0];
	_ =	sdelay $0x2  }
0xc7: {  	s31 =	sshll.u32 s1, $0xD;
	s1 =	sshrl.u32 s1, $0x2  }
0xc8: {  	s4 =	sand.u32 $0x4000, s31;
	s1 =	sadd.s32 s1, s30  }
0xc9: {  	s0 =	sor.u32 s4, s0;
	s1 =	sshll.u32 s1, $0x11  }
0xca: {  	s0 =	sor.u32 s1, s0  }
0xcb: {  	s0 =	sadd.s32 $0x8F2B, s0  }
0xcc: {  	[sflag:s0] =	ssyncadd.remote.s32 $0x1  }
0xcd: {  	_ =	sfence.sel $0xFFFF  }
0xce: {  	[dreg:$0x0] =	wrdreg $0xFFFFFFFF;
	(pc) =	sbr.abs _section_cstart, $3  }
0xcf: {  	[dreg:$0x1] =	wrdreg $0xFFFFFFFF  }
0xd0: {  	_ =	task.clear_ibuf [dreg:s22], $0x2FFFF;
	_ =	strace $0x9FFFFFFF  }
0xd1: {  	(tm) =	ssettm $0x7FFFFFFF  }
tec
execute0_lowered:
.L_overlay_start_1:
0x0: {  	(tag) =	ssettag $0x1  }
0x1: {  	s1 =	srdreg.scid  }
0x2: {  	s0 =	stileid.u32;
	s6 =	rddreg [dreg:$0x0]  }
0x3: {  	s2 =	rddreg [dreg:$0x1];
	s3 =	simm.s32 $0x0;
	s16 =	simm.s32 $0x1A00  }
0x4: {  	s17 =	simm.s32 $0x1;
	s18 =	simm.s32 $0x80;
	s19 =	simm.s32 $0x2  }
0x5: {  	s20 =	simm.s32 $0x900;
	s21 =	simm.s32 $0x980;
	s22 =	simm.s32 $0x0  }
0x6: {  	s5 =	sand.u32 $0x1, s1;
	s1 =	rddreg [dreg:$0x2];
	s8 =	smul.u32 $0x5000, s0  }
0x7: {  	s25 =	sshll.u32 s0, $0x1;
	[smem:$0x7FF] =	sst s3;
	s13 =	smul.u32 $0x28000, s0  }
0x8: {  	s12 =	sadd.s32 $0x86000, s6;
	s28 =	sshll.u32 s0, $0x6;
	s9 =	smul.u32 $0x50000, s5  }
0x9: {  	s7 =	sor.u32 s5, s25;
	_ =	strace $0x8000005C;
	s14 =	smul.u32 $0x14000, s5  }
0xa: {  	s11 =	ssub.s32 $0x2, s5;
	s5 =	sor.u32 $0x1C03, s28;
	s4 =	smul.u32 $0x140, s7  }
0xb: {  	s7 =	smul.u32 $0x2800, s7;
	s26 =	sshrl.u32 s11, $0x1;
	s15 =	sadd.s32 s8, s2  }
0xc: {  	s9 =	sadd.s32 s8, s9;
	s11 =	ssub.s32 s11, s26;
	s29 =	sadd.s32 s14, s13  }
0xd: {  	s10 =	sadd.s32 s4, s6;
	s4 =	sadd.s32 $0xDD800, s6;
	s9 =	sshrl.u32 s9, $0x3  }
0xe: {  	s13 =	sor.u32 $0x3000, s29;
	s14 =	sor.u32 $0x2000, s29;
	s9 =	sadd.s32 s9, s6  }
0xf: {  	s6 =	sadd.s32 s12, s7;
	s7 =	sadd.s32 $0xF2200, s10;
	s10 =	smax.u32 s11, $0x1  }
0x10: {  	s30 =	sshrl.u32 s13, $0x3;
	s31 =	sshrl.u32 s14, $0x3;
	s13 =	sshrl.u32 s15, $0x3  }
0x11: {  	s14 =	simm.s32 $0x3;
	s15 =	simm.s32 $0xA00;
	s8 =	sadd.s32 $0x200, s6  }
0x12: {  	s9 =	sadd.s32 $0xF4A00, s9;
	s11 =	sadd.s32 s30, s12;
	s12 =	sadd.s32 s31, s12  }
.LBB2_1:
0x13: {  	[spmem:s13], [sflag:s5] =	dma.local [hbm:s4], $0xA00  }
0x14: {  	_ =	swait.ge [sflag:s14], $0xA00  }
0x15: {  	[sflag:s14] =	ssyncset.done $0x0  }
0x16: {  	[sflag:s14] =	ssyncadd.s32 $0xFFFFF600  }
0x17: {  	[bflag:$0x0] =	sbarrier.arrive $0xFFFF  }
0x18: {  	[tilespmem:s3], [sflag:$0x3] =	stream.linear.gather [hbm4b:s7+s3], $0xA00, $0x38;
	[tilespmem:$0x7A00] =	vst v63  }
0x19: {  	_ =	swait.ge [sflag:s14], $0xA00  }
0x1a: {  	[sflag:s14] =	ssyncset.done $0x0  }
0x1b: {  	[sflag:s14] =	ssyncadd.s32 $0xFFFFF600  }
0x1c: {  	[tilespmem:s15], [sflag:$0x1] =	stream.linear.gather [hbm4b:s6+s3], $0x1000, $0x38;
	[tilespmem:$0x7A00] =	vst v63  }
0x1d: {  	_ = 	snop  }
0x1e: {  	[tilespmem:s16], [sflag:$0x2] =	stream.linear.gather [hbm4b:s8+s3], $0x1000, $0x38;
	[tilespmem:$0x7A00] =	vst v63  }
0x1f: {  	_ =	swait.ge [sflag:s17], $0x1000  }
0x20: {  	[sflag:s17] =	ssyncset.done $0x0  }
0x21: {  	s23 =	simm.s32 $0x0;
	[sflag:s17] =	ssyncadd.s32 $0xFFFFF000  }
0x22: {  	[spmem:s2] =	stream.indirect.scatter.add.f32 [tilespmem:s15], [sflag:$0x3], $0x20, s23, s18, $0xb8;
	[tilespmem:$0x7A00] =	vst v63  }
0x23: {  	_ =	swait.ge [sflag:s14], $0x1000  }
0x24: {  	[sflag:s14] =	ssyncset.done $0x0  }
0x25: {  	s30 =	sadd.s32 $0x0, s12;
	[sflag:s14] =	ssyncadd.s32 $0xFFFFF000  }
0x26: {  	[tilespmem:s15], [sflag:$0x1] =	stream.linear.gather [hbm4b:s30+s3], $0x1000, $0x38;
	[tilespmem:$0x7A00] =	vst v63  }
0x27: {  	_ =	swait.ge [sflag:s19], $0x1000  }
0x28: {  	[sflag:s19] =	ssyncset.done $0x0  }
0x29: {  	s31 =	simm.s32 $0x80;
	[sflag:s19] =	ssyncadd.s32 $0xFFFFF000  }
0x2a: {  	[spmem:s2] =	stream.indirect.scatter.add.f32 [tilespmem:s16], [sflag:$0x3], $0x20, s31, s18, $0xb8;
	[tilespmem:$0x7A00] =	vst v63  }
0x2b: {  	_ =	swait.ge [sflag:s14], $0x1000  }
0x2c: {  	[sflag:s14] =	ssyncset.done $0x0  }
0x2d: {  	s24 =	sadd.s32 $0x0, s11;
	s23 =	simm.s32 $0x400;
	[sflag:s14] =	ssyncadd.s32 $0xFFFFF000  }
.LBB2_2:
0x2e: {  	[tilespmem:s16], [sflag:$0x2] =	stream.linear.gather [hbm4b:s24+s3], $0x1000, $0x38;
	[tilespmem:$0x7A00] =	vst v63  }
0x2f: {  	s24 =	smov.u32 s23  }
0x30: {  	p0 =	sne.s32 s23, $0x2000;
	s23 =	sadd.s32 $0x400, s23;
	_ =	swait.ge [sflag:s17], $0x1000  }
0x31: {  	[sflag:s17] =	ssyncset.done $0x0  }
0x32: {  	s25 =	sshra.s32 s24, $0x2;
	[sflag:s17] =	ssyncadd.s32 $0xFFFFF000  }
0x33: {  	[spmem:s2] =	stream.indirect.scatter.add.f32 [tilespmem:s15], [sflag:$0x3], $0x20, s25, s18, $0xb8;
	[tilespmem:$0x7A00] =	vst v63  }
0x34: {  	_ =	swait.ge [sflag:s14], $0x1000  }
0x35: {  	[sflag:s14] =	ssyncset.done $0x0  }
0x36: {  	s26 =	sadd.s32 s24, s12;
	[sflag:s14] =	ssyncadd.s32 $0xFFFFF000  }
0x37: {  	[tilespmem:s15], [sflag:$0x1] =	stream.linear.gather [hbm4b:s26+s3], $0x1000, $0x38;
	[tilespmem:$0x7A00] =	vst v63  }
0x38: {  	_ =	swait.ge [sflag:s19], $0x1000  }
0x39: {  	[sflag:s19] =	ssyncset.done $0x0  }
.Ltmp0:
0x3a: {  	s25 =	sadd.s32 $0x80, s25;
	[sflag:s19] =	ssyncadd.s32 $0xFFFFF000;
	(pc) =	sbr.rel @p0 .LBB2_2-.Ltmp0, $4  }
0x3b: {  	[spmem:s2] =	stream.indirect.scatter.add.f32 [tilespmem:s16], [sflag:$0x3], $0x20, s25, s18, $0xb8;
	[tilespmem:$0x7A00] =	vst v63  }
0x3c: {  	_ =	swait.ge [sflag:s14], $0x1000  }
0x3d: {  	[sflag:s14] =	ssyncset.done $0x0  }
0x3e: {  	s24 =	sadd.s32 s24, s11;
	[sflag:s14] =	ssyncadd.s32 $0xFFFFF000  }
0x3f: {  	[tilespmem:s16], [sflag:$0x2] =	stream.linear.gather [hbm4b:s24+s3], $0x1000, $0x38;
	[tilespmem:$0x7A00] =	vst v63  }
0x40: {  	_ =	swait.ge [sflag:s17], $0x1000  }
0x41: {  	[sflag:s17] =	ssyncset.done $0x0  }
0x42: {  	[sflag:s17] =	ssyncadd.s32 $0xFFFFF000  }
0x43: {  	[spmem:s2] =	stream.indirect.scatter.add.f32 [tilespmem:s15], [sflag:$0x3], $0x20, s20, s18, $0xb8;
	[tilespmem:$0x7A00] =	vst v63  }
0x44: {  	_ =	swait.ge [sflag:s14], $0x1000  }
0x45: {  	[sflag:s14] =	ssyncset.done $0x0  }
0x46: {  	[sflag:s14] =	ssyncadd.s32 $0xFFFFF000  }
0x47: {  	_ =	swait.ge [sflag:s19], $0x1000  }
0x48: {  	[sflag:s19] =	ssyncset.done $0x0  }
0x49: {  	[sflag:s19] =	ssyncadd.s32 $0xFFFFF000  }
0x4a: {  	[spmem:s2] =	stream.indirect.scatter.add.f32 [tilespmem:s16], [sflag:$0x3], $0x20, s21, s18, $0xb8;
	[tilespmem:$0x7A00] =	vst v63  }
0x4b: {  	_ =	swait.ge [sflag:s14], $0x1000  }
0x4c: {  	s22 =	sadd.s32 $0x1, s22;
	[sflag:s14] =	ssyncset.done $0x0  }
0x4d: {  	p0 =	sne.s32 s22, s10;
	[sflag:s14] =	ssyncadd.s32 $0xFFFFF000  }
.Ltmp1:
0x4e: {  	[bflag:$0x0] =	sbarrier.arrive $0xFFFF;
	(pc) =	sbr.rel @p0 .LBB2_1-.Ltmp1, $4  }
0x4f: {  	[hbm:s9], [sflag:s5] =	dma.local [spmem:s13], $0xA00  }
0x50: {  	_ =	swait.ge [sflag:s14], $0xA00  }
0x51: {  	[sflag:s14] =	ssyncset.done $0x0  }
0x52: {  	[sflag:s14] =	ssyncadd.s32 $0xFFFFF600  }
0x53: {  	_ =	sfence.sel $0x180000  }
0x54: {  	[bflag:$0x0] =	sbarrier.arrive $0xFFFF  }
0x55: {  	p0 =	sne.s32 s0, $0x0;
	_ =	strace $0x9000005C  }
0x56: {  	s0 =	sadd.s32 @!p0 $0x100000, s1;
	[bflag:$0x2] =	sbarrier.arrive $0xFFFF  }
0x57: {  	[sflag:s0] =	ssyncadd.tile.s32 @!p0 $0x1;
	_ =	shalt  }
.Lfunc_end2:
_tile_overlayer_lowered:
.L_overlay_start_2:
0x58: {  	(tag) =	ssettag $0x2  }
0x59: {  	s0 =	rddreg [dreg:$0x0];
	s2 =	stileid.u32  }
0x5a: {  	s1 =	rddreg [dreg:$0x1];
	p0 =	sne.s32 s2, $0x0  }
0x5b: {  	s3 =	rddreg [dreg:$0x2];
	[bflag:$0x3] =	sbarrier.arrive $0xFFFF;
	s2 =	simm.s32 @!p0 $0x1C03  }
0x5c: {  	[timem:s3], [sflag:s2] =	dma.local @!p0 [hbm:s0], s1  }
0x5d: {  	s0 =	simm.s32 @!p0 $0x3  }
0x5e: {  	_ =	swait.ge @!p0 [sflag:s0], s1  }
0x5f: {  	s1 =	ssub.s32 @!p0 $0x0, s1;
	[sflag:s0] =	ssyncset.done @!p0 $0x0  }
0x60: {  	[sflag:s0] =	ssyncadd.s32 @!p0 s1  }
0x61: {  	[bflag:$0x3] =	sbarrier.arrive $0xFFFF  }
0x62: {  	_ =	shalt  }

// kernel: kernel.37.cloned.1.call-start
scs
__scs_entry_jumppad:
0x0: {  	(pc) =	sbr.rel $0x88, $3  }
0x1: {  	(tag) =	ssettag $0x0;
	lr =	simm.s32 $0x1  }
0x2: {  	[smem:$0x3F90] =	sst lr;
	_ =	strace $0xD0000000  }
0x3: {  	_ = 	snop  }
0x4: {  	_ = 	snop  }
0x5: {  	_ = 	snop  }
0x6: {  	_ = 	snop  }
0x7: {  	_ = 	snop  }
__scs_overlays_trampoline_lowered:
0x8: {  	[smem:$0x3F9F] =	sst s0  }
0x9: {  	[smem:$0x3FA0] =	sst s1  }
0xa: {  	[smem:$0x3FA1] =	sst s2  }
0xb: {  	[smem:$0x3FA2] =	sst s3  }
0xc: {  	[smem:$0x3FA3] =	sst s4  }
0xd: {  	[smem:$0x3FA4] =	sst s5  }
0xe: {  	[smem:$0x3FA5] =	sst s6  }
0xf: {  	[smem:$0x3FA6] =	sst s7  }
0x10: {  	[smem:$0x3FA7] =	sst s8  }
0x11: {  	[smem:$0x3FA8] =	sst s9;
	s0 =	simm.s32 @!p0 $0x0  }
0x12: {  	s1 =	sld [smem:$0x3F8E];
	s0 =	simm.s32 @p0 $0x1  }
0x13: {  	[smem:$0x3FA9] =	sst s0;
	s0 =	simm.s32 @!p1 $0x0  }
0x14: {  	s2 =	sld [smem:$0x3F8D];
	s0 =	simm.s32 @p1 $0x1  }
0x15: {  	[smem:$0x3FAA] =	sst s0;
	s0 =	simm.s32 @!p2 $0x0  }
0x16: {  	s3 =	sld [smem:$0x3FDB];
	s0 =	simm.s32 @p2 $0x1  }
0x17: {  	s4 =	simm.s32 $0x1BF5;
	[smem:$0x3FAC] =	sst s0  }
0x18: {  	s0 =	sld [smem:$0x3F8F];
	_ =	swait.ge [sflag:s4], $0x0  }
0x19: {  	s7 =	sld [smem:$0x3F90]  }
0x1a: {  	s8 =	sadd.s32 $0xFFFFE003, lr  }
0x1b: {  	s9 =	sadd.s32 $0xFFFFFEF7, lr;
	s5 =	simm.s32 $0xFFFFFFFF;
	p2 =	slt.u32 s8, $0xFFFFF086  }
0x1c: {  	p1 =	slt.u32 s9, $0xF7A;
	s5 =	simm.s32 @!p2 $0x0  }
0x1d: {  	s5 =	simm.s32 @p1 $0x1;
	p0 =	seq.s32 s7, s2  }
0x1e: {  	s7 =	smul.u32 @!p0 $0xF7A, s2;
	p2 =	seq.s32 @!p0 s5, $0x0  }
0x1f: {  	s9 =	smul.u32 $0xF7A, s1;
	s8 =	simm.s32 @!p0 $0x1BF5;
	p2 =	por !p2, p0  }
0x20: {  	[sflag:s8] =	ssyncset.s32 @!p0 $0xFFFFF086;
	s6 =	sadd.s32 @!p0 s3, s7;
	s7 =	simm.s32 @!p0 $0x108  }
0x21: {  	s3 =	sadd.s32 s3, s9;
	s6 =	sadd.s32 @!p0 $0x88, s6;
	s7 =	simm.s32 @p2 $0x1082  }
0x22: {  	[simem:s7], [sflag:s8] =	dma.local @!p0 [hbm:s6], $0xF7A  }
0x23: {  	s9 =	sor.u32 $0xD0000000, s2;
	s6 =	simm.s32 $0x108;
	_ =	swait.ge @!p0 [sflag:s8], $0x0  }
0x24: {  	s3 =	sadd.s32 $0x88, s3;
	s6 =	simm.s32 @!p1 $0x1082;
	[sflag:s4] =	ssyncset.s32 $0xFFFFF086  }
0x25: {  	[simem:s6], [sflag:s4] =	dma.local [hbm:s3], $0xF7A  }
0x26: {  	[smem:$0x3F90] =	sst s1;
	(tag) =	ssettag s2;
	_ =	strace s9  }
0x27: {  	s1 =	sld [smem:$0x3FA0]  }
0x28: {  	s2 =	sld [smem:$0x3FA1]  }
0x29: {  	s4 =	sld [smem:$0x3FA3]  }
0x2a: {  	p0 =	seq.s32 s5, $0x0;
	s5 =	sld [smem:$0x3FA4]  }
0x2b: {  	s6 =	sld [smem:$0x3FA5]  }
0x2c: {  	s7 =	sld [smem:$0x3FA6]  }
0x2d: {  	s3 =	simm.s32 $0x108;
	s8 =	sld [smem:$0x3FA7]  }
0x2e: {  	s3 =	simm.s32 @!p0 $0x1082;
	s9 =	sld [smem:$0x3FA8]  }
0x2f: {  	lr =	sadd.s32 s0, s3;
	s0 =	sld [smem:$0x3F9F]  }
0x30: {  	s3 =	sld [smem:$0x3FA2]  }
0x31: {  	[smem:$0x3FAB] =	sst s10  }
0x32: {  	s10 =	sld [smem:$0x3FA9];
	_ =	sdelay $0x3  }
0x33: {  	p0 =	seq.s32 s10, $0x1;
	s10 =	sld [smem:$0x3FAB];
	_ =	sdelay $0x3  }
0x34: {  	[smem:$0x3FAB] =	sst s10  }
0x35: {  	s10 =	sld [smem:$0x3FAA];
	_ =	sdelay $0x3  }
0x36: {  	p1 =	seq.s32 s10, $0x1;
	s10 =	sld [smem:$0x3FAB];
	_ =	sdelay $0x3  }
0x37: {  	[smem:$0x3FAB] =	sst s10  }
0x38: {  	s10 =	sld [smem:$0x3FAC]  }
0x39: {  	_ = 	snop;
	(pc) =	sbr.ind lr, $3  }
0x3a: {  	_ = 	snop  }
0x3b: {  	_ = 	snop  }
0x3c: {  	p2 =	seq.s32 s10, $0x1;
	s10 =	sld [smem:$0x3FAB]  }
0x3d: {  	_ =	shalt  }
0x3e: {  	_ =	shalt  }
0x3f: {  	_ =	shalt  }
0x40: {  	_ =	shalt  }
0x41: {  	_ =	shalt  }
0x42: {  	_ =	shalt  }
0x43: {  	_ =	shalt  }
0x44: {  	_ =	shalt  }
0x45: {  	_ =	shalt  }
0x46: {  	_ =	shalt  }
0x47: {  	_ =	shalt  }
0x48: {  	_ =	shalt  }
0x49: {  	_ =	shalt  }
0x4a: {  	_ =	shalt  }
0x4b: {  	_ =	shalt  }
0x4c: {  	_ =	shalt  }
0x4d: {  	_ =	shalt  }
0x4e: {  	_ =	shalt  }
0x4f: {  	_ =	shalt  }
0x50: {  	_ =	shalt  }
0x51: {  	_ =	shalt  }
0x52: {  	_ =	shalt  }
0x53: {  	_ =	shalt  }
0x54: {  	_ =	shalt  }
0x55: {  	_ =	shalt  }
0x56: {  	_ =	shalt  }
0x57: {  	_ =	shalt  }
0x58: {  	_ =	shalt  }
0x59: {  	_ =	shalt  }
0x5a: {  	_ =	shalt  }
0x5b: {  	_ =	shalt  }
0x5c: {  	_ =	shalt  }
0x5d: {  	_ =	shalt  }
0x5e: {  	_ =	shalt  }
0x5f: {  	_ =	shalt  }
0x60: {  	_ =	shalt  }
0x61: {  	_ =	shalt  }
0x62: {  	_ =	shalt  }
0x63: {  	_ =	shalt  }
0x64: {  	_ =	shalt  }
0x65: {  	_ =	shalt  }
0x66: {  	_ =	shalt  }
0x67: {  	_ =	shalt  }
0x68: {  	_ =	shalt  }
0x69: {  	_ =	shalt  }
0x6a: {  	_ =	shalt  }
0x6b: {  	_ =	shalt  }
0x6c: {  	_ =	shalt  }
0x6d: {  	_ =	shalt  }
0x6e: {  	_ =	shalt  }
0x6f: {  	_ =	shalt  }
0x70: {  	_ =	shalt  }
0x71: {  	_ =	shalt  }
0x72: {  	_ =	shalt  }
0x73: {  	_ =	shalt  }
0x74: {  	_ =	shalt  }
0x75: {  	_ =	shalt  }
0x76: {  	_ =	shalt  }
0x77: {  	_ =	shalt  }
0x78: {  	_ =	shalt  }
0x79: {  	_ =	shalt  }
0x7a: {  	_ =	shalt  }
0x7b: {  	_ =	shalt  }
0x7c: {  	_ =	shalt  }
0x7d: {  	_ =	shalt  }
0x7e: {  	_ =	shalt  }
0x7f: {  	_ =	shalt  }
0x80: {  	_ =	shalt  }
0x81: {  	_ =	shalt  }
0x82: {  	_ =	shalt  }
0x83: {  	_ =	shalt  }
0x84: {  	_ =	shalt  }
0x85: {  	_ =	shalt  }
0x86: {  	_ =	shalt  }
0x87: {  	_ =	shalt  }
.Lfunc_end0:
.L_simem_size_0:
called_computation.7_lowered:
.L_overlay_start_0:
0x88: {  	s2 =	sld [smem:$0x3FD9]  }
0x89: {  	s3 =	sld [smem:$0x3FFE];
	_ =	sdelay $0x1  }
0x8a: {  	s1 =	srdreg.scid  }
0x8b: {  	s0 =	sand.u32 $0x1, s1  }
0x8c: {  	s17 =	sshll.u32 s0, $0xA;
	s2 =	sadd.s32 s3, s2  }
0x8d: {  	s2 =	sadd.s32 s2, s17  }
0x8e: {  	[smem:$0x3FB7] =	sst s2  }
0x8f: {  	_ = 	snop  }
0x90: {  	(tm) =	ssettm $0x1  }
0x91: {  	s18 =	sld [smem:$0x3FFB];
	_ =	sdelay $0x3  }
0x92: {  	_ =	strace s18  }
0x93: {  	s2 =	sld [smem:$0x3FFC];
	_ =	sdelay $0x3  }
0x94: {  	_ =	strace s2  }
0x95: {  	s2 =	sld [smem:$0x3FFD];
	_ =	sdelay $0x3  }
0x96: {  	_ =	strace s2  }
0x97: {  	_ =	strace $0x8FFFFFFF  }
0x98: {  	s19 =	sld [smem:$0x3FDB];
	_ =	sdelay $0x1  }
0x99: {  	s20 =	simm.s32 $_scs_section_size  }
0x9a: {  	s4 =	simm.s32 $_size__tile_overlayer_lowered;
	s5 =	simm.s32 $_tile_overlayer_lowered  }
0x9b: {  	s6 =	simm.s32 $0x1BFF;
	s21 =	sshll.u32 s5, $0x1;
	s3 =	sadd.s32 s20, s19  }
0x9c: {  	s22 =	simm.s32 $0x0;
	s4 =	sshll.u32 s4, $0x1;
	s5 =	sadd.s32 s21, s3  }
0x9d: {  	[timem:s22], [sflag:s6] =	dma.local [hbm:s5], s4  }
0x9e: {  	_ =	swait.ge [sflag:s6], s4  }
0x9f: {  	s4 =	ssub.s32 $0x0, s4;
	[sflag:s6] =	ssyncset.done $0x0  }
0xa0: {  	[sflag:s6] =	ssyncadd.s32 s4;
	_ =	sdelay $0x1  }
0xa1: {  	s23 =	simm.s32 $0x1B8B  }
0xa2: {  	_ =	swait.ge [sflag:s23], $0x1  }
0xa3: {  	[sflag:s23] =	ssyncset.done $0x0  }
0xa4: {  	[sflag:s23] =	ssyncadd.s32 $0xFFFFFFFF  }
0xa5: {  	s4 =	sld [smem:$0x0]  }
0xa6: {  	s5 =	sand.u32 $0xFFFFFFFE, s1  }
0xa7: {  	p0 =	sne.s32 s1, s5  }
0xa8: {  	s5 =	sshll.u32 @p0 s5, $0xE  }
0xa9: {  	s5 =	sadd.s32 @p0 $0x11B8D, s5;
	s6 =	sshll.u32 @p0 s4, $0x11  }
0xaa: {  	s5 =	sor.u32 @p0 s6, s5  }
0xab: {  	[sflag:s5] =	ssyncadd.remote.s32 @p0 $0x1;
	_ =	sdelay $0x1  }
0xac: {  	s5 =	simm.s32 @p0 $0x1B8D  }
0xad: {  	_ =	swait.eq @p0 [sflag:s5], $0x1  }
0xae: {  	[sflag:s5] =	ssyncadd.s32 @p0 $0xFFFFFFFF  }
0xaf: {  	s6 =	sshll.u32 @!p0 s1, $0xE  }
0xb0: {  	s6 =	sor.u32 @!p0 $0x4000, s6;
	s5 =	simm.s32 @!p0 $0x1B8D  }
0xb1: {  	s4 =	sshll.u32 @!p0 s4, $0x11;
	s6 =	sadd.s32 @!p0 $0x11B8D, s6;
	_ =	swait.eq @!p0 [sflag:s5], $0x1  }
0xb2: {  	s4 =	sor.u32 @!p0 s4, s6;
	[sflag:s5] =	ssyncadd.s32 @!p0 $0xFFFFFFFF  }
0xb3: {  	s25 =	simm.s32 $0x1B8E;
	s24 =	sld [smem:$0x3FFE];
	[sflag:s4] =	ssyncadd.remote.s32 @!p0 $0x1  }
0xb4: {  	s26 =	simm.s32 $execute0_lowered;
	[smem:$0x3FD2] =	sst s25  }
0xb5: {  	s5 =	sshll.u32 s26, $0x1;
	_ =	strace $0x80000058;
	[dreg:$0x1] =	wrdreg $0xFFFFFFFF  }
0xb6: {  	s28 =	simm.s32 $_size_execute0_lowered;
	s3 =	sadd.s32 s3, s5;
	[dreg:$0x0] =	wrdreg $0x0  }
0xb7: {  	s5 =	sshll.u32 s28, $0x1;
	[dreg:$0x2] =	wrdreg s3  }
0xb8: {  	[dreg:$0x3] =	wrdreg s5  }
0xb9: {  	[dreg:$0x4] =	wrdreg $0xC0  }
0xba: {  	_ =	task [dreg:s22], $0x5FFFF  }
0xbb: {  	[dreg:$0x1] =	wrdreg $0xFFFFFFFF  }
0xbc: {  	[dreg:$0x0] =	wrdreg $0x60  }
0xbd: {  	[dreg:$0x2] =	wrdreg s24  }
0xbe: {  	[dreg:$0x3] =	wrdreg $0x2A000  }
0xbf: {  	[dreg:$0x4] =	wrdreg $0xA  }
0xc0: {  	_ =	task.clear_ibuf [dreg:s22], $0x5FFFF;
	_ =	strace $0x90000058  }
0xc1: {  	s29 =	simm.s32 $0xA;
	_ =	strace $0x8000005A  }
0xc2: {  	_ =	swait.ge [sflag:s29], $0x1  }
0xc3: {  	[sflag:s29] =	ssyncadd.s32 $0xFFFFFFFF  }
0xc4: {  	_ =	strace $0x9000005A  }
0xc5: {  	_ =	sfence  }
0xc6: {  	s30 =	sld [smem:$0x0];
	_ =	sdelay $0x2  }
0xc7: {  	s31 =	sshll.u32 s1, $0xD;
	s1 =	sshrl.u32 s1, $0x2  }
0xc8: {  	s4 =	sand.u32 $0x4000, s31;
	s1 =	sadd.s32 s1, s30  }
0xc9: {  	s0 =	sor.u32 s4, s0;
	s1 =	sshll.u32 s1, $0x11  }
0xca: {  	s0 =	sor.u32 s1, s0  }
0xcb: {  	s0 =	sadd.s32 $0x8F2B, s0  }
0xcc: {  	[sflag:s0] =	ssyncadd.remote.s32 $0x1  }
0xcd: {  	_ =	sfence.sel $0xFFFF  }
0xce: {  	[dreg:$0x0] =	wrdreg $0xFFFFFFFF;
	(pc) =	sbr.abs _section_cstart, $3  }
0xcf: {  	[dreg:$0x1] =	wrdreg $0xFFFFFFFF  }
0xd0: {  	_ =	task.clear_ibuf [dreg:s22], $0x2FFFF;
	_ =	strace $0x9FFFFFFF  }
0xd1: {  	(tm) =	ssettm $0x7FFFFFFF  }
tec
execute0_lowered:
.L_overlay_start_1:
0x0: {  	(tag) =	ssettag $0x1  }
0x1: {  	s1 =	srdreg.scid  }
0x2: {  	s0 =	stileid.u32;
	s6 =	rddreg [dreg:$0x0]  }
0x3: {  	s2 =	rddreg [dreg:$0x1];
	s3 =	simm.s32 $0x0;
	s16 =	simm.s32 $0x1A00  }
0x4: {  	s17 =	simm.s32 $0x1;
	s18 =	simm.s32 $0x80;
	s19 =	simm.s32 $0x2  }
0x5: {  	s20 =	simm.s32 $0x900;
	s21 =	simm.s32 $0x980;
	s22 =	simm.s32 $0x0  }
0x6: {  	s5 =	sand.u32 $0x1, s1;
	s1 =	rddreg [dreg:$0x2];
	s8 =	smul.u32 $0x5000, s0  }
0x7: {  	s25 =	sshll.u32 s0, $0x1;
	[smem:$0x7FF] =	sst s3;
	s13 =	smul.u32 $0x28000, s0  }
0x8: {  	s12 =	sadd.s32 $0x36000, s6;
	s28 =	sshll.u32 s0, $0x6;
	s9 =	smul.u32 $0x50000, s5  }
0x9: {  	s7 =	sor.u32 s5, s25;
	_ =	strace $0x80000059;
	s14 =	smul.u32 $0x14000, s5  }
0xa: {  	s11 =	ssub.s32 $0x2, s5;
	s5 =	sor.u32 $0x1C03, s28;
	s4 =	smul.u32 $0x140, s7  }
0xb: {  	s7 =	smul.u32 $0x2800, s7;
	s26 =	sshrl.u32 s11, $0x1;
	s15 =	sadd.s32 s8, s2  }
0xc: {  	s9 =	sadd.s32 s8, s9;
	s11 =	ssub.s32 s11, s26;
	s29 =	sadd.s32 s14, s13  }
0xd: {  	s10 =	sadd.s32 s4, s6;
	s4 =	sadd.s32 $0xDD800, s6;
	s9 =	sshrl.u32 s9, $0x3  }
0xe: {  	s13 =	sor.u32 $0x3000, s29;
	s14 =	sor.u32 $0x2000, s29;
	s9 =	sadd.s32 s9, s6  }
0xf: {  	s6 =	sadd.s32 s12, s7;
	s7 =	sadd.s32 $0xDB000, s10;
	s10 =	smax.u32 s11, $0x1  }
0x10: {  	s30 =	sshrl.u32 s13, $0x3;
	s31 =	sshrl.u32 s14, $0x3;
	s13 =	sshrl.u32 s15, $0x3  }
0x11: {  	s14 =	simm.s32 $0x3;
	s15 =	simm.s32 $0xA00;
	s8 =	sadd.s32 $0x200, s6  }
0x12: {  	s9 =	sadd.s32 $0xDE200, s9;
	s11 =	sadd.s32 s30, s12;
	s12 =	sadd.s32 s31, s12  }
.LBB2_1:
0x13: {  	[spmem:s13], [sflag:s5] =	dma.local [hbm:s4], $0xA00  }
0x14: {  	_ =	swait.ge [sflag:s14], $0xA00  }
0x15: {  	[sflag:s14] =	ssyncset.done $0x0  }
0x16: {  	[sflag:s14] =	ssyncadd.s32 $0xFFFFF600  }
0x17: {  	[bflag:$0x0] =	sbarrier.arrive $0xFFFF  }
0x18: {  	[tilespmem:s3], [sflag:$0x3] =	stream.linear.gather [hbm4b:s7+s3], $0xA00, $0x38;
	[tilespmem:$0x7A00] =	vst v63  }
0x19: {  	_ =	swait.ge [sflag:s14], $0xA00  }
0x1a: {  	[sflag:s14] =	ssyncset.done $0x0  }
0x1b: {  	[sflag:s14] =	ssyncadd.s32 $0xFFFFF600  }
0x1c: {  	[tilespmem:s15], [sflag:$0x1] =	stream.linear.gather [hbm4b:s6+s3], $0x1000, $0x38;
	[tilespmem:$0x7A00] =	vst v63  }
0x1d: {  	_ = 	snop  }
0x1e: {  	[tilespmem:s16], [sflag:$0x2] =	stream.linear.gather [hbm4b:s8+s3], $0x1000, $0x38;
	[tilespmem:$0x7A00] =	vst v63  }
0x1f: {  	_ =	swait.ge [sflag:s17], $0x1000  }
0x20: {  	[sflag:s17] =	ssyncset.done $0x0  }
0x21: {  	s23 =	simm.s32 $0x0;
	[sflag:s17] =	ssyncadd.s32 $0xFFFFF000  }
0x22: {  	[spmem:s2] =	stream.indirect.scatter.add.f32 [tilespmem:s15], [sflag:$0x3], $0x20, s23, s18, $0xb8;
	[tilespmem:$0x7A00] =	vst v63  }
0x23: {  	_ =	swait.ge [sflag:s14], $0x1000  }
0x24: {  	[sflag:s14] =	ssyncset.done $0x0  }
0x25: {  	s30 =	sadd.s32 $0x0, s12;
	[sflag:s14] =	ssyncadd.s32 $0xFFFFF000  }
0x26: {  	[tilespmem:s15], [sflag:$0x1] =	stream.linear.gather [hbm4b:s30+s3], $0x1000, $0x38;
	[tilespmem:$0x7A00] =	vst v63  }
0x27: {  	_ =	swait.ge [sflag:s19], $0x1000  }
0x28: {  	[sflag:s19] =	ssyncset.done $0x0  }
0x29: {  	s31 =	simm.s32 $0x80;
	[sflag:s19] =	ssyncadd.s32 $0xFFFFF000  }
0x2a: {  	[spmem:s2] =	stream.indirect.scatter.add.f32 [tilespmem:s16], [sflag:$0x3], $0x20, s31, s18, $0xb8;
	[tilespmem:$0x7A00] =	vst v63  }
0x2b: {  	_ =	swait.ge [sflag:s14], $0x1000  }
0x2c: {  	[sflag:s14] =	ssyncset.done $0x0  }
0x2d: {  	s24 =	sadd.s32 $0x0, s11;
	s23 =	simm.s32 $0x400;
	[sflag:s14] =	ssyncadd.s32 $0xFFFFF000  }
.LBB2_2:
0x2e: {  	[tilespmem:s16], [sflag:$0x2] =	stream.linear.gather [hbm4b:s24+s3], $0x1000, $0x38;
	[tilespmem:$0x7A00] =	vst v63  }
0x2f: {  	s24 =	smov.u32 s23  }
0x30: {  	p0 =	sne.s32 s23, $0x2000;
	s23 =	sadd.s32 $0x400, s23;
	_ =	swait.ge [sflag:s17], $0x1000  }
0x31: {  	[sflag:s17] =	ssyncset.done $0x0  }
0x32: {  	s25 =	sshra.s32 s24, $0x2;
	[sflag:s17] =	ssyncadd.s32 $0xFFFFF000  }
0x33: {  	[spmem:s2] =	stream.indirect.scatter.add.f32 [tilespmem:s15], [sflag:$0x3], $0x20, s25, s18, $0xb8;
	[tilespmem:$0x7A00] =	vst v63  }
0x34: {  	_ =	swait.ge [sflag:s14], $0x1000  }
0x35: {  	[sflag:s14] =	ssyncset.done $0x0  }
0x36: {  	s26 =	sadd.s32 s24, s12;
	[sflag:s14] =	ssyncadd.s32 $0xFFFFF000  }
0x37: {  	[tilespmem:s15], [sflag:$0x1] =	stream.linear.gather [hbm4b:s26+s3], $0x1000, $0x38;
	[tilespmem:$0x7A00] =	vst v63  }
0x38: {  	_ =	swait.ge [sflag:s19], $0x1000  }
0x39: {  	[sflag:s19] =	ssyncset.done $0x0  }
.Ltmp0:
0x3a: {  	s25 =	sadd.s32 $0x80, s25;
	[sflag:s19] =	ssyncadd.s32 $0xFFFFF000;
	(pc) =	sbr.rel @p0 .LBB2_2-.Ltmp0, $4  }
0x3b: {  	[spmem:s2] =	stream.indirect.scatter.add.f32 [tilespmem:s16], [sflag:$0x3], $0x20, s25, s18, $0xb8;
	[tilespmem:$0x7A00] =	vst v63  }
0x3c: {  	_ =	swait.ge [sflag:s14], $0x1000  }
0x3d: {  	[sflag:s14] =	ssyncset.done $0x0  }
0x3e: {  	s24 =	sadd.s32 s24, s11;
	[sflag:s14] =	ssyncadd.s32 $0xFFFFF000  }
0x3f: {  	[tilespmem:s16], [sflag:$0x2] =	stream.linear.gather [hbm4b:s24+s3], $0x1000, $0x38;
	[tilespmem:$0x7A00] =	vst v63  }
0x40: {  	_ =	swait.ge [sflag:s17], $0x1000  }
0x41: {  	[sflag:s17] =	ssyncset.done $0x0  }
0x42: {  	[sflag:s17] =	ssyncadd.s32 $0xFFFFF000  }
0x43: {  	[spmem:s2] =	stream.indirect.scatter.add.f32 [tilespmem:s15], [sflag:$0x3], $0x20, s20, s18, $0xb8;
	[tilespmem:$0x7A00] =	vst v63  }
0x44: {  	_ =	swait.ge [sflag:s14], $0x1000  }
0x45: {  	[sflag:s14] =	ssyncset.done $0x0  }
0x46: {  	[sflag:s14] =	ssyncadd.s32 $0xFFFFF000  }
0x47: {  	_ =	swait.ge [sflag:s19], $0x1000  }
0x48: {  	[sflag:s19] =	ssyncset.done $0x0  }
0x49: {  	[sflag:s19] =	ssyncadd.s32 $0xFFFFF000  }
0x4a: {  	[spmem:s2] =	stream.indirect.scatter.add.f32 [tilespmem:s16], [sflag:$0x3], $0x20, s21, s18, $0xb8;
	[tilespmem:$0x7A00] =	vst v63  }
0x4b: {  	_ =	swait.ge [sflag:s14], $0x1000  }
0x4c: {  	s22 =	sadd.s32 $0x1, s22;
	[sflag:s14] =	ssyncset.done $0x0  }
0x4d: {  	p0 =	sne.s32 s22, s10;
	[sflag:s14] =	ssyncadd.s32 $0xFFFFF000  }
.Ltmp1:
0x4e: {  	[bflag:$0x0] =	sbarrier.arrive $0xFFFF;
	(pc) =	sbr.rel @p0 .LBB2_1-.Ltmp1, $4  }
0x4f: {  	[hbm:s9], [sflag:s5] =	dma.local [spmem:s13], $0xA00  }
0x50: {  	_ =	swait.ge [sflag:s14], $0xA00  }
0x51: {  	[sflag:s14] =	ssyncset.done $0x0  }
0x52: {  	[sflag:s14] =	ssyncadd.s32 $0xFFFFF600  }
0x53: {  	_ =	sfence.sel $0x180000  }
0x54: {  	[bflag:$0x0] =	sbarrier.arrive $0xFFFF  }
0x55: {  	p0 =	sne.s32 s0, $0x0;
	_ =	strace $0x90000059  }
0x56: {  	s0 =	sadd.s32 @!p0 $0x100000, s1;
	[bflag:$0x2] =	sbarrier.arrive $0xFFFF  }
0x57: {  	[sflag:s0] =	ssyncadd.tile.s32 @!p0 $0x1;
	_ =	shalt  }
.Lfunc_end2:
_tile_overlayer_lowered:
.L_overlay_start_2:
0x58: {  	(tag) =	ssettag $0x2  }
0x59: {  	s0 =	rddreg [dreg:$0x0];
	s2 =	stileid.u32  }
0x5a: {  	s1 =	rddreg [dreg:$0x1];
	p0 =	sne.s32 s2, $0x0  }
0x5b: {  	s3 =	rddreg [dreg:$0x2];
	[bflag:$0x3] =	sbarrier.arrive $0xFFFF;
	s2 =	simm.s32 @!p0 $0x1C03  }
0x5c: {  	[timem:s3], [sflag:s2] =	dma.local @!p0 [hbm:s0], s1  }
0x5d: {  	s0 =	simm.s32 @!p0 $0x3  }
0x5e: {  	_ =	swait.ge @!p0 [sflag:s0], s1  }
0x5f: {  	s1 =	ssub.s32 @!p0 $0x0, s1;
	[sflag:s0] =	ssyncset.done @!p0 $0x0  }
0x60: {  	[sflag:s0] =	ssyncadd.s32 @!p0 s1  }
0x61: {  	[bflag:$0x3] =	sbarrier.arrive $0xFFFF  }
0x62: {  	_ =	shalt  }

</sc_bundles>
